<compile_context>
chip_gen: v7x
topology: tpu7x:2x2x1
jax: 0.10.2.dev20260603
libtpu: 0.0.44.dev20260713+nightly
codegen_flags: <defaults>
</compile_context>

<pallas_src>
import jax
import jax.numpy as jnp
import numpy as np
from jax import lax
from jax.experimental import pallas as pl
from jax.experimental.pallas import tpu as pltpu
from jax.experimental.pallas import tpu_sc as plsc

N = 10000
E = 320000
D_NODE = 128
D_EDGE = 16
HID = 128
OUT = 128

NC = 2
NS = 16
NW = NC * NS
GL = 128
NG = E // GL
HALF_G = NG // NC
STAGE_G = 125
NUM_STAGES = HALF_G // STAGE_G
CG = NG // NW
CG_EXTRA = NG - NW * CG
NPAD = 10240


def _sc_body(ef_hbm, ti_hbm,
             sums_out, counts_out,
             vals_v, idx_v, cidx_v, cx_v, acc_v, cacc_v,
             sem_v, sem_i, sem_c):
    c = lax.axis_index("c")
    s = lax.axis_index("s")
    wid = s * NC + c
    rb = s // 8
    r = s % 8

    def _start(t, b):
        gbase = c * HALF_G + t * STAGE_G
        cp_v = pltpu.async_copy(
            ef_hbm.at[pl.ds(rb, 1), pl.ds(gbase, STAGE_G), pl.ds(r, 1), :],
            vals_v.at[b], sem_v)
        cp_i = pltpu.async_copy(
            ti_hbm.at[pl.ds(gbase, STAGE_G), pl.ds(1, 1), :],
            idx_v.at[b], sem_i)
        return cp_v, cp_i

    pending = _start(0, 0)
    cp_c = pltpu.async_copy(ti_hbm.at[pl.ds(wid * CG, CG), pl.ds(1, 1), :],
                            cidx_v, sem_c)

    zvec = jnp.zeros((16,), jnp.float32)

    @plsc.parallel_loop(0, NPAD // 16, unroll=8)
    def _zero(i):
        acc_v[pl.ds(i * 16, 16)] = zvec
        cacc_v[pl.ds(i * 16, 16)] = zvec

    for t in range(NUM_STAGES):
        b = t & 1
        pending[0].wait()
        pending[1].wait()
        if t + 1 < NUM_STAGES:
            pending = _start(t + 1, 1 - b)

        @plsc.parallel_loop(0, STAGE_G, unroll=4)
        def _group(g):
            for k in range(GL // 16):
                tvec = idx_v[b, g, 0, pl.ds(k * 16, 16)]
                vvec = vals_v[b, 0, g, 0, pl.ds(k * 16, 16)]
                plsc.addupdate_scatter(acc_v, [tvec], vvec)

    ones16 = jnp.ones((16,), jnp.float32)
    cp_c.wait()

    @plsc.parallel_loop(0, CG, unroll=2)
    def _cgroup(g):
        for k in range(GL // 16):
            tvec = cidx_v[g, 0, pl.ds(k * 16, 16)]
            plsc.addupdate_scatter(cacc_v, [tvec], ones16)

    @pl.when(wid < CG_EXTRA)
    def _():
        pltpu.sync_copy(ti_hbm.at[pl.ds(NW * CG + wid, 1), pl.ds(1, 1), :],
                        cx_v)
        for k in range(GL // 16):
            tvec = cx_v[0, 0, pl.ds(k * 16, 16)]
            plsc.addupdate_scatter(cacc_v, [tvec], ones16)

    pltpu.sync_copy(acc_v, sums_out.at[c, pl.ds(s * NPAD, NPAD)])
    pltpu.sync_copy(cacc_v, counts_out.at[c, pl.ds(s * NPAD, NPAD)])


def _sc_scatter(ef_n, ti_n):
    mesh = plsc.VectorSubcoreMesh(core_axis_name="c", subcore_axis_name="s")
    return pl.kernel(
        _sc_body,
        mesh=mesh,
        out_type=(
            jax.ShapeDtypeStruct((NC, NS * NPAD), jnp.float32),
            jax.ShapeDtypeStruct((NC, NS * NPAD), jnp.float32),
        ),
        scratch_types=[
            pltpu.VMEM((2, 1, STAGE_G, 1, GL), jnp.float32),
            pltpu.VMEM((2, STAGE_G, 1, GL), jnp.int32),
            pltpu.VMEM((CG, 1, GL), jnp.int32),
            pltpu.VMEM((1, 1, GL), jnp.int32),
            pltpu.VMEM((NPAD,), jnp.float32),
            pltpu.VMEM((NPAD,), jnp.float32),
            pltpu.SemaphoreType.DMA,
            pltpu.SemaphoreType.DMA,
            pltpu.SemaphoreType.DMA,
        ],
        compiler_params=pltpu.CompilerParams(use_tc_tiling_on_sc=False,
                                             needs_layout_passes=False),
    )(ef_n, ti_n)


def _hn_body(node_ref, w1b_ref, b1_ref, hn_ref):
    hn_ref[...] = jnp.dot(node_ref[...], w1b_ref[...],
                          preferred_element_type=jnp.float32) + b1_ref[...]


def _hn(node_features, w1b, b1):
    BN = 2048
    return pl.pallas_call(
        _hn_body,
        grid=(NPAD // BN,),
        in_specs=[
            pl.BlockSpec((BN, D_NODE), lambda i: (i, 0)),
            pl.BlockSpec((D_NODE, HID), lambda i: (0, 0)),
            pl.BlockSpec((1, HID), lambda i: (0, 0)),
        ],
        out_specs=pl.BlockSpec((BN, HID), lambda i: (i, 0)),
        out_shape=jax.ShapeDtypeStruct((N, HID), jnp.float32),
    )(node_features, w1b, b1)


def _mlp_body(sums_ref, counts_ref, hn_ref, w1a_ref, w2_ref, b2_ref, out_ref):
    sums = sums_ref[0] + sums_ref[1]
    counts = jnp.sum(counts_ref[...], axis=0)
    agg_t = sums * (1.0 / jnp.maximum(counts, 1.0))[None, :]
    h = lax.dot_general(agg_t, w1a_ref[...], (((0,), (0,)), ((), ())),
                        preferred_element_type=jnp.float32)
    h = jnp.maximum(h + hn_ref[...], 0.0)
    o = jnp.dot(h, w2_ref[...], preferred_element_type=jnp.float32)
    out_ref[...] = o + b2_ref[...]


def _mlp(sums, counts, hn, w1a, w2t, b2):
    BN = 2048
    grid = (NPAD // BN,)
    return pl.pallas_call(
        _mlp_body,
        grid=grid,
        in_specs=[
            pl.BlockSpec((NC, D_EDGE, BN), lambda i: (0, 0, i)),
            pl.BlockSpec((NW, BN), lambda i: (0, i)),
            pl.BlockSpec((BN, HID), lambda i: (i, 0)),
            pl.BlockSpec((D_EDGE, HID), lambda i: (0, 0)),
            pl.BlockSpec((HID, OUT), lambda i: (0, 0)),
            pl.BlockSpec((1, OUT), lambda i: (0, 0)),
        ],
        out_specs=pl.BlockSpec((BN, OUT), lambda i: (i, 0)),
        out_shape=jax.ShapeDtypeStruct((N, OUT), jnp.float32),
    )(sums, counts, hn, w1a, w2t, b2)


def kernel(node_features, edge_index, edge_features, W1, b1, W2, b2):
    ef_n = edge_features.reshape(NG, GL, NC, 8).transpose(2, 0, 3, 1)
    ti_n = edge_index.reshape(2, NG, GL).transpose(1, 0, 2)
    sums_flat, counts_flat = _sc_scatter(ef_n, ti_n)
    sums = sums_flat.reshape(NC, NS, NPAD)
    counts32 = counts_flat.reshape(NW, NPAD)
    w1a = W1[:, :D_EDGE].T
    w1b = W1[:, D_EDGE:].T
    w2t = W2.T
    hn = _hn(node_features, w1b, b1.reshape(1, HID))
    return _mlp(sums, counts32, hn, w1a, w2t, b2.reshape(1, OUT))

# --- scband reference (transcript-rebuilt; emitter-appended) ---
"""Pipeline reference for scband-edge-to-node-layer-82162724372841 (READ-ONLY COPY).

The authoritative reference and input builder live on the scoring server;
editing this copy changes nothing except your own understanding.
"""

import jax, jax.numpy as jnp
import numpy as np

N = 10000
E = 320000
D_NODE = 128
D_EDGE = 16
HID = 128
OUT = 128


def setup_inputs(seed: int = 0) -> dict:
    key = jax.random.key(seed)
    k1, k2, k3, k4, k5 = jax.random.split(key, 5)
    node_features = jax.random.normal(k1, (N, D_NODE), dtype=jnp.float32)
    edge_index = jax.random.randint(k2, (2, E), 0, N, dtype=jnp.int32)
    edge_features = jax.random.normal(k3, (E, D_EDGE), dtype=jnp.float32)
    W1 = jax.random.normal(k4, (HID, D_EDGE + D_NODE), dtype=jnp.float32) * 0.05
    b1 = jnp.zeros((HID,), dtype=jnp.float32)
    W2 = jax.random.normal(k5, (OUT, HID), dtype=jnp.float32) * 0.05
    b2 = jnp.zeros((OUT,), dtype=jnp.float32)
    return {
        "node_features": node_features,
        "edge_index": edge_index,
        "edge_features": edge_features,
        "W1": W1,
        "b1": b1,
        "W2": W2,
        "b2": b2,
    }


def reference(node_features, edge_index, edge_features, W1, b1, W2, b2):
    # edge_direction='in': aggregate edge features onto target nodes
    tgt = edge_index[1]
    agg = jax.ops.segment_sum(edge_features, tgt, num_segments=N)
    counts = jax.ops.segment_sum(jnp.ones((E,), dtype=jnp.float32), tgt, num_segments=N)
    counts = jnp.maximum(counts, 1.0)  # clamp(min=1) for 'mean'
    agg = agg / counts[:, None]
    # use_node_features=True: concat aggregated edge feats with node feats
    combined = jnp.concatenate([agg, node_features], axis=1)
    # fc1 -> ReLU -> (dropout=0 identity) -> fc2
    x = combined @ W1.T + b1
    x = jnp.maximum(x, 0.0)
    x = x @ W2.T + b2
    return x

if __name__ == "__main__":
    import jax
    _d = setup_inputs()
    print(jax.jit(kernel)(*tuple(_d.values())))

</pallas_src>

<mosaic_0001>
#map = affine_map<(d0, d1) -> (0, 0, 0, 0)>
#map1 = affine_map<(d0, d1) -> (0, 0, 0)>
#map2 = affine_map<(d0, d1) -> (0, 0)>
module attributes {stable_mosaic.version = 14 : i64} {
  func.func @_sc_body(%arg0: i32, %arg1: i32, %arg2: memref<2x2500x8x128xf32, #tpu.memory_space<hbm>>, %arg3: memref<2500x2x128xi32, #tpu.memory_space<hbm>>, %arg4: memref<2x163840xf32, #tpu.memory_space<hbm>>, %arg5: memref<2x163840xf32, #tpu.memory_space<hbm>>, %arg6: memref<2x1x125x1x128xf32, #tpu.memory_space<vmem>>, %arg7: memref<2x125x1x128xi32, #tpu.memory_space<vmem>>, %arg8: memref<78x1x128xi32, #tpu.memory_space<vmem>>, %arg9: memref<1x1x128xi32, #tpu.memory_space<vmem>>, %arg10: memref<10240xf32, #tpu.memory_space<vmem>>, %arg11: memref<10240xf32, #tpu.memory_space<vmem>>, %arg12: memref<!tpu.dma_semaphore, #tpu.memory_space<semaphore_mem>>, %arg13: memref<!tpu.dma_semaphore, #tpu.memory_space<semaphore_mem>>, %arg14: memref<!tpu.dma_semaphore, #tpu.memory_space<semaphore_mem>>) attributes {dimension_semantics = [#tpu.dimension_semantics<core_parallel>, #tpu.dimension_semantics<subcore_parallel>], iteration_bounds = array<i64: 2, 16>, scalar_prefetch = 0 : i64, scratch_operands = 9 : i64, tpu.core_type = #tpu.core_type<sc_vector_subcore>, window_params = [{transform_indices = #map}, {transform_indices = #map1}, {transform_indices = #map2}, {transform_indices = #map2}]} {
    %mul3A = arith.constant 2 : i32
    %mul3A_0 = arith.muli %arg1, %mul3A : i32
    %add3A = arith.addi %mul3A_0, %arg0 : i32
    %jit3A = arith.constant 8 : i32
    %div3A = arith.divsi %arg1, %jit3A : i32
    %sign3A = arith.constant 0 : i32
    %sign3A_1 = arith.cmpi sgt, %arg1, %sign3A : i32
    %sign3A_2 = arith.extui %sign3A_1 : i1 to i32
    %sign3A_3 = arith.constant 0 : i32
    %sign3A_4 = arith.cmpi slt, %arg1, %sign3A_3 : i32
    %sign3A_5 = arith.extui %sign3A_4 : i1 to i32
    %sign3A_6 = arith.subi %sign3A_2, %sign3A_5 : i32
    %sign3A_7 = arith.constant 0 : i32
    %sign3A_8 = arith.cmpi sgt, %jit3A, %sign3A_7 : i32
    %sign3A_9 = arith.extui %sign3A_8 : i1 to i32
    %sign3A_10 = arith.constant 0 : i32
    %sign3A_11 = arith.cmpi slt, %jit3A, %sign3A_10 : i32
    %sign3A_12 = arith.extui %sign3A_11 : i1 to i32
    %sign3A_13 = arith.subi %sign3A_9, %sign3A_12 : i32
    %ne3A = arith.cmpi ne, %sign3A_6, %sign3A_13 : i32
    %rem3A = arith.remsi %arg1, %jit3A : i32
    %ne3A_14 = arith.constant 0 : i32
    %ne3A_15 = arith.cmpi ne, %rem3A, %ne3A_14 : i32
    %and3A = arith.andi %ne3A, %ne3A_15 : i1
    %sub3A = arith.constant 1 : i32
    %sub3A_16 = arith.subi %div3A, %sub3A : i32
    %select_n3A = arith.select %and3A, %sub3A_16, %div3A : i32
    %jit3A_17 = arith.constant 8 : i32
    %eq3A = arith.constant 0 : i32
    %eq3A_18 = arith.cmpi eq, %jit3A_17, %eq3A : i32
    %jit3A_19 = arith.constant 1 : i32
    %select_n3A_20 = arith.select %eq3A_18, %jit3A_19, %jit3A_17 : i32
    %rem3A_21 = arith.remsi %arg1, %select_n3A_20 : i32
    %ne3A_22 = arith.constant 0 : i32
    %ne3A_23 = arith.cmpi ne, %rem3A_21, %ne3A_22 : i32
    %lt3A = arith.constant 0 : i32
    %lt3A_24 = arith.cmpi slt, %rem3A_21, %lt3A : i32
    %lt3A_25 = arith.constant 0 : i32
    %lt3A_26 = arith.cmpi slt, %select_n3A_20, %lt3A_25 : i32
    %ne3A_27 = arith.xori %lt3A_24, %lt3A_26 : i1
    %and3A_28 = arith.andi %ne3A_27, %ne3A_23 : i1
    %add3A_29 = arith.addi %rem3A_21, %select_n3A_20 : i32
    %select_n3A_30 = arith.select %and3A_28, %add3A_29, %rem3A_21 : i32
    %mul3A_31 = arith.constant 1250 : i32
    %mul3A_32 = arith.muli %arg0, %mul3A_31 : i32
    %add3A_33 = arith.constant 0 : i32
    %add3A_34 = arith.addi %mul3A_32, %add3A_33 : i32
    %dma_start3A = arith.constant 0 : i32
    %dma_start3A_35 = arith.constant 0 : i32
    %dma_start3A_36 = arith.constant 0 : i32
    %dma_start3A_37 = arith.constant 0 : i32
    %dma_start3A_38 = arith.constant 0 : i32
    %dma_start3A_39 = tpu.memref_slice %arg6[%dma_start3A, %dma_start3A_35, %dma_start3A_36, %dma_start3A_37, %dma_start3A_38] : memref<2x1x125x1x128xf32, #tpu.memory_space<vmem>> -> memref<1x1x125x1x128xf32, #tpu.memory_space<vmem>>
    %dma_start3A_40 = tpu.memref_squeeze %dma_start3A_39 : memref<1x1x125x1x128xf32, #tpu.memory_space<vmem>> -> memref<1x125x1x128xf32, #tpu.memory_space<vmem>>
    %dma_start3A_41 = arith.constant 0 : i32
    %dma_start3A_42 = tpu.memref_slice %arg2[%select_n3A, %add3A_34, %select_n3A_30, %dma_start3A_41] : memref<2x2500x8x128xf32, #tpu.memory_space<hbm>> -> memref<1x125x1x128xf32, #tpu.memory_space<hbm>>
    %dma_start3A_43 = arith.constant 0 : i32
    %dma_start3A_44 = arith.constant 0 : i32
    %dma_start3A_45 = arith.constant 0 : i32
    %dma_start3A_46 = arith.constant 0 : i32
    %dma_start3A_47 = tpu.memref_slice %arg6[%dma_start3A, %dma_start3A_43, %dma_start3A_44, %dma_start3A_45, %dma_start3A_46] : memref<2x1x125x1x128xf32, #tpu.memory_space<vmem>> -> memref<1x1x125x1x128xf32, #tpu.memory_space<vmem>>
    %dma_start3A_48 = tpu.memref_squeeze %dma_start3A_47 : memref<1x1x125x1x128xf32, #tpu.memory_space<vmem>> -> memref<1x125x1x128xf32, #tpu.memory_space<vmem>>
    %dma_start3A_49 = arith.constant 0 : i32
    %dma_start3A_50 = tpu.memref_slice %arg2[%select_n3A, %add3A_34, %select_n3A_30, %dma_start3A_49] : memref<2x2500x8x128xf32, #tpu.memory_space<hbm>> -> memref<1x125x1x128xf32, #tpu.memory_space<hbm>>
    tpu.enqueue_dma source(%dma_start3A_50 : memref<1x125x1x128xf32, #tpu.memory_space<hbm>>) target(%dma_start3A_48 : memref<1x125x1x128xf32, #tpu.memory_space<vmem>>) target_semaphore(%arg12 : memref<!tpu.dma_semaphore, #tpu.memory_space<semaphore_mem>>)
    %dma_start3A_51 = arith.constant 0 : i32
    %dma_start3A_52 = arith.constant 0 : i32
    %dma_start3A_53 = arith.constant 0 : i32
    %dma_start3A_54 = arith.constant 0 : i32
    %dma_start3A_55 = tpu.memref_slice %arg7[%dma_start3A_51, %dma_start3A_52, %dma_start3A_53, %dma_start3A_54] : memref<2x125x1x128xi32, #tpu.memory_space<vmem>> -> memref<1x125x1x128xi32, #tpu.memory_space<vmem>>
    %dma_start3A_56 = tpu.memref_squeeze %dma_start3A_55 : memref<1x125x1x128xi32, #tpu.memory_space<vmem>> -> memref<125x1x128xi32, #tpu.memory_space<vmem>>
    %dma_start3A_57 = arith.constant 1 : i32
    %dma_start3A_58 = arith.constant 0 : i32
    %dma_start3A_59 = tpu.memref_slice %arg3[%add3A_34, %dma_start3A_57, %dma_start3A_58] : memref<2500x2x128xi32, #tpu.memory_space<hbm>> -> memref<125x1x128xi32, #tpu.memory_space<hbm>>
    %dma_start3A_60 = arith.constant 0 : i32
    %dma_start3A_61 = arith.constant 0 : i32
    %dma_start3A_62 = arith.constant 0 : i32
    %dma_start3A_63 = tpu.memref_slice %arg7[%dma_start3A_51, %dma_start3A_60, %dma_start3A_61, %dma_start3A_62] : memref<2x125x1x128xi32, #tpu.memory_space<vmem>> -> memref<1x125x1x128xi32, #tpu.memory_space<vmem>>
    %dma_start3A_64 = tpu.memref_squeeze %dma_start3A_63 : memref<1x125x1x128xi32, #tpu.memory_space<vmem>> -> memref<125x1x128xi32, #tpu.memory_space<vmem>>
    %dma_start3A_65 = arith.constant 1 : i32
    %dma_start3A_66 = arith.constant 0 : i32
    %dma_start3A_67 = tpu.memref_slice %arg3[%add3A_34, %dma_start3A_65, %dma_start3A_66] : memref<2500x2x128xi32, #tpu.memory_space<hbm>> -> memref<125x1x128xi32, #tpu.memory_space<hbm>>
    tpu.enqueue_dma source(%dma_start3A_67 : memref<125x1x128xi32, #tpu.memory_space<hbm>>) target(%dma_start3A_64 : memref<125x1x128xi32, #tpu.memory_space<vmem>>) target_semaphore(%arg13 : memref<!tpu.dma_semaphore, #tpu.memory_space<semaphore_mem>>)
    %mul3A_68 = arith.constant 78 : i32
    %mul3A_69 = arith.muli %add3A, %mul3A_68 : i32
    %dma_start3A_70 = arith.constant 1 : i32
    %dma_start3A_71 = arith.constant 0 : i32
    %dma_start3A_72 = tpu.memref_slice %arg3[%mul3A_69, %dma_start3A_70, %dma_start3A_71] : memref<2500x2x128xi32, #tpu.memory_space<hbm>> -> memref<78x1x128xi32, #tpu.memory_space<hbm>>
    %dma_start3A_73 = arith.constant 1 : i32
    %dma_start3A_74 = arith.constant 0 : i32
    %dma_start3A_75 = tpu.memref_slice %arg3[%mul3A_69, %dma_start3A_73, %dma_start3A_74] : memref<2500x2x128xi32, #tpu.memory_space<hbm>> -> memref<78x1x128xi32, #tpu.memory_space<hbm>>
    tpu.enqueue_dma source(%dma_start3A_75 : memref<78x1x128xi32, #tpu.memory_space<hbm>>) target(%arg8 : memref<78x1x128xi32, #tpu.memory_space<vmem>>) target_semaphore(%arg14 : memref<!tpu.dma_semaphore, #tpu.memory_space<semaphore_mem>>)
    %broadcast_in_dim3A = arith.constant 0.000000e+00 : f32
    %broadcast_in_dim3A_76 = vector.broadcast %broadcast_in_dim3A : f32 to vector<16xf32>
    %parallel_loop3A = arith.constant 0 : i32
    %parallel_loop3A_77 = arith.constant 640 : i32
    %parallel_loop3A_78 = arith.constant 1 : i32
    scf.for %parallel_loop3A_808 = %parallel_loop3A to %parallel_loop3A_77 step %parallel_loop3A_78  : i32 {
      %parallel_loop3A_809 = arith.constant 16 : i32
      %parallel_loop3A_810 = arith.muli %parallel_loop3A_808, %parallel_loop3A_809 : i32
      %parallel_loop3A_811 = arith.index_cast %parallel_loop3A_810 : i32 to index
      %parallel_loop3A_812 = tpu.vector_load %arg10[%parallel_loop3A_811] {strides = array<i32>} : memref<10240xf32, #tpu.memory_space<vmem>>, vector<16xf32>,
      tpu.vector_store %arg10[%parallel_loop3A_811], %broadcast_in_dim3A_76 {strides = array<i32>} : memref<10240xf32, #tpu.memory_space<vmem>>, vector<16xf32>,
      %parallel_loop3A_813 = arith.constant 16 : i32
      %parallel_loop3A_814 = arith.muli %parallel_loop3A_808, %parallel_loop3A_813 : i32
      %parallel_loop3A_815 = arith.index_cast %parallel_loop3A_814 : i32 to index
      %parallel_loop3A_816 = tpu.vector_load %arg11[%parallel_loop3A_815] {strides = array<i32>} : memref<10240xf32, #tpu.memory_space<vmem>>, vector<16xf32>,
      tpu.vector_store %arg11[%parallel_loop3A_815], %broadcast_in_dim3A_76 {strides = array<i32>} : memref<10240xf32, #tpu.memory_space<vmem>>, vector<16xf32>,
    } {sc.loop_unroll_factor = 8 : i64, sc.parallel_access}
    %dma_wait3A = arith.constant 0 : i32
    %dma_wait3A_79 = arith.constant 0 : i32
    %dma_wait3A_80 = arith.constant 0 : i32
    %dma_wait3A_81 = arith.constant 0 : i32
    %dma_wait3A_82 = arith.constant 0 : i32
    %dma_wait3A_83 = tpu.memref_slice %arg6[%dma_wait3A, %dma_wait3A_79, %dma_wait3A_80, %dma_wait3A_81, %dma_wait3A_82] : memref<2x1x125x1x128xf32, #tpu.memory_space<vmem>> -> memref<1x1x125x1x128xf32, #tpu.memory_space<vmem>>
    %dma_wait3A_84 = tpu.memref_squeeze %dma_wait3A_83 : memref<1x1x125x1x128xf32, #tpu.memory_space<vmem>> -> memref<1x125x1x128xf32, #tpu.memory_space<vmem>>
    %dma_wait3A_85 = arith.constant 0 : i32
    %dma_wait3A_86 = tpu.memref_slice %arg2[%select_n3A, %add3A_34, %select_n3A_30, %dma_wait3A_85] : memref<2x2500x8x128xf32, #tpu.memory_space<hbm>> -> memref<1x125x1x128xf32, #tpu.memory_space<hbm>>
    %dma_wait3A_87 = arith.constant 0 : i32
    %dma_wait3A_88 = arith.constant 0 : i32
    %dma_wait3A_89 = arith.constant 0 : i32
    %dma_wait3A_90 = arith.constant 0 : i32
    %dma_wait3A_91 = tpu.memref_slice %arg6[%dma_wait3A, %dma_wait3A_87, %dma_wait3A_88, %dma_wait3A_89, %dma_wait3A_90] : memref<2x1x125x1x128xf32, #tpu.memory_space<vmem>> -> memref<1x1x125x1x128xf32, #tpu.memory_space<vmem>>
    %dma_wait3A_92 = tpu.memref_squeeze %dma_wait3A_91 : memref<1x1x125x1x128xf32, #tpu.memory_space<vmem>> -> memref<1x125x1x128xf32, #tpu.memory_space<vmem>>
    %dma_wait3A_93 = arith.constant 0 : i32
    %dma_wait3A_94 = tpu.memref_slice %arg2[%select_n3A, %add3A_34, %select_n3A_30, %dma_wait3A_93] : memref<2x2500x8x128xf32, #tpu.memory_space<hbm>> -> memref<1x125x1x128xf32, #tpu.memory_space<hbm>>
    tpu.wait_dma2 semaphore(%arg12 : memref<!tpu.dma_semaphore, #tpu.memory_space<semaphore_mem>>) src(%dma_wait3A_94 : memref<1x125x1x128xf32, #tpu.memory_space<hbm>>) dst(%dma_wait3A_92 : memref<1x125x1x128xf32, #tpu.memory_space<vmem>>)
    %dma_wait3A_95 = arith.constant 0 : i32
    %dma_wait3A_96 = arith.constant 0 : i32
    %dma_wait3A_97 = arith.constant 0 : i32
    %dma_wait3A_98 = arith.constant 0 : i32
    %dma_wait3A_99 = tpu.memref_slice %arg7[%dma_wait3A_95, %dma_wait3A_96, %dma_wait3A_97, %dma_wait3A_98] : memref<2x125x1x128xi32, #tpu.memory_space<vmem>> -> memref<1x125x1x128xi32, #tpu.memory_space<vmem>>
    %dma_wait3A_100 = tpu.memref_squeeze %dma_wait3A_99 : memref<1x125x1x128xi32, #tpu.memory_space<vmem>> -> memref<125x1x128xi32, #tpu.memory_space<vmem>>
    %dma_wait3A_101 = arith.constant 1 : i32
    %dma_wait3A_102 = arith.constant 0 : i32
    %dma_wait3A_103 = tpu.memref_slice %arg3[%add3A_34, %dma_wait3A_101, %dma_wait3A_102] : memref<2500x2x128xi32, #tpu.memory_space<hbm>> -> memref<125x1x128xi32, #tpu.memory_space<hbm>>
    %dma_wait3A_104 = arith.constant 0 : i32
    %dma_wait3A_105 = arith.constant 0 : i32
    %dma_wait3A_106 = arith.constant 0 : i32
    %dma_wait3A_107 = tpu.memref_slice %arg7[%dma_wait3A_95, %dma_wait3A_104, %dma_wait3A_105, %dma_wait3A_106] : memref<2x125x1x128xi32, #tpu.memory_space<vmem>> -> memref<1x125x1x128xi32, #tpu.memory_space<vmem>>
    %dma_wait3A_108 = tpu.memref_squeeze %dma_wait3A_107 : memref<1x125x1x128xi32, #tpu.memory_space<vmem>> -> memref<125x1x128xi32, #tpu.memory_space<vmem>>
    %dma_wait3A_109 = arith.constant 1 : i32
    %dma_wait3A_110 = arith.constant 0 : i32
    %dma_wait3A_111 = tpu.memref_slice %arg3[%add3A_34, %dma_wait3A_109, %dma_wait3A_110] : memref<2500x2x128xi32, #tpu.memory_space<hbm>> -> memref<125x1x128xi32, #tpu.memory_space<hbm>>
    tpu.wait_dma2 semaphore(%arg13 : memref<!tpu.dma_semaphore, #tpu.memory_space<semaphore_mem>>) src(%dma_wait3A_111 : memref<125x1x128xi32, #tpu.memory_space<hbm>>) dst(%dma_wait3A_108 : memref<125x1x128xi32, #tpu.memory_space<vmem>>)
    %mul3A_112 = arith.constant 1250 : i32
    %mul3A_113 = arith.muli %arg0, %mul3A_112 : i32
    %add3A_114 = arith.constant 125 : i32
    %add3A_115 = arith.addi %mul3A_113, %add3A_114 : i32
    %dma_start3A_116 = arith.constant 1 : i32
    %dma_start3A_117 = arith.constant 0 : i32
    %dma_start3A_118 = arith.constant 0 : i32
    %dma_start3A_119 = arith.constant 0 : i32
    %dma_start3A_120 = arith.constant 0 : i32
    %dma_start3A_121 = tpu.memref_slice %arg6[%dma_start3A_116, %dma_start3A_117, %dma_start3A_118, %dma_start3A_119, %dma_start3A_120] : memref<2x1x125x1x128xf32, #tpu.memory_space<vmem>> -> memref<1x1x125x1x128xf32, #tpu.memory_space<vmem>>
    %dma_start3A_122 = tpu.memref_squeeze %dma_start3A_121 : memref<1x1x125x1x128xf32, #tpu.memory_space<vmem>> -> memref<1x125x1x128xf32, #tpu.memory_space<vmem>>
    %dma_start3A_123 = arith.constant 0 : i32
    %dma_start3A_124 = tpu.memref_slice %arg2[%select_n3A, %add3A_115, %select_n3A_30, %dma_start3A_123] : memref<2x2500x8x128xf32, #tpu.memory_space<hbm>> -> memref<1x125x1x128xf32, #tpu.memory_space<hbm>>
    %dma_start3A_125 = arith.constant 0 : i32
    %dma_start3A_126 = arith.constant 0 : i32
    %dma_start3A_127 = arith.constant 0 : i32
    %dma_start3A_128 = arith.constant 0 : i32
    %dma_start3A_129 = tpu.memref_slice %arg6[%dma_start3A_116, %dma_start3A_125, %dma_start3A_126, %dma_start3A_127, %dma_start3A_128] : memref<2x1x125x1x128xf32, #tpu.memory_space<vmem>> -> memref<1x1x125x1x128xf32, #tpu.memory_space<vmem>>
    %dma_start3A_130 = tpu.memref_squeeze %dma_start3A_129 : memref<1x1x125x1x128xf32, #tpu.memory_space<vmem>> -> memref<1x125x1x128xf32, #tpu.memory_space<vmem>>
    %dma_start3A_131 = arith.constant 0 : i32
    %dma_start3A_132 = tpu.memref_slice %arg2[%select_n3A, %add3A_115, %select_n3A_30, %dma_start3A_131] : memref<2x2500x8x128xf32, #tpu.memory_space<hbm>> -> memref<1x125x1x128xf32, #tpu.memory_space<hbm>>
    tpu.enqueue_dma source(%dma_start3A_132 : memref<1x125x1x128xf32, #tpu.memory_space<hbm>>) target(%dma_start3A_130 : memref<1x125x1x128xf32, #tpu.memory_space<vmem>>) target_semaphore(%arg12 : memref<!tpu.dma_semaphore, #tpu.memory_space<semaphore_mem>>)
    %dma_start3A_133 = arith.constant 1 : i32
    %dma_start3A_134 = arith.constant 0 : i32
    %dma_start3A_135 = arith.constant 0 : i32
    %dma_start3A_136 = arith.constant 0 : i32
    %dma_start3A_137 = tpu.memref_slice %arg7[%dma_start3A_133, %dma_start3A_134, %dma_start3A_135, %dma_start3A_136] : memref<2x125x1x128xi32, #tpu.memory_space<vmem>> -> memref<1x125x1x128xi32, #tpu.memory_space<vmem>>
    %dma_start3A_138 = tpu.memref_squeeze %dma_start3A_137 : memref<1x125x1x128xi32, #tpu.memory_space<vmem>> -> memref<125x1x128xi32, #tpu.memory_space<vmem>>
    %dma_start3A_139 = arith.constant 1 : i32
    %dma_start3A_140 = arith.constant 0 : i32
    %dma_start3A_141 = tpu.memref_slice %arg3[%add3A_115, %dma_start3A_139, %dma_start3A_140] : memref<2500x2x128xi32, #tpu.memory_space<hbm>> -> memref<125x1x128xi32, #tpu.memory_space<hbm>>
    %dma_start3A_142 = arith.constant 0 : i32
    %dma_start3A_143 = arith.constant 0 : i32
    %dma_start3A_144 = arith.constant 0 : i32
    %dma_start3A_145 = tpu.memref_slice %arg7[%dma_start3A_133, %dma_start3A_142, %dma_start3A_143, %dma_start3A_144] : memref<2x125x1x128xi32, #tpu.memory_space<vmem>> -> memref<1x125x1x128xi32, #tpu.memory_space<vmem>>
    %dma_start3A_146 = tpu.memref_squeeze %dma_start3A_145 : memref<1x125x1x128xi32, #tpu.memory_space<vmem>> -> memref<125x1x128xi32, #tpu.memory_space<vmem>>
    %dma_start3A_147 = arith.constant 1 : i32
    %dma_start3A_148 = arith.constant 0 : i32
    %dma_start3A_149 = tpu.memref_slice %arg3[%add3A_115, %dma_start3A_147, %dma_start3A_148] : memref<2500x2x128xi32, #tpu.memory_space<hbm>> -> memref<125x1x128xi32, #tpu.memory_space<hbm>>
    tpu.enqueue_dma source(%dma_start3A_149 : memref<125x1x128xi32, #tpu.memory_space<hbm>>) target(%dma_start3A_146 : memref<125x1x128xi32, #tpu.memory_space<vmem>>) target_semaphore(%arg13 : memref<!tpu.dma_semaphore, #tpu.memory_space<semaphore_mem>>)
    %parallel_loop3A_150 = arith.constant 0 : i32
    %parallel_loop3A_151 = arith.constant 125 : i32
    %parallel_loop3A_152 = arith.constant 1 : i32
    scf.for %parallel_loop3A_808 = %parallel_loop3A_150 to %parallel_loop3A_151 step %parallel_loop3A_152  : i32 {
      %parallel_loop3A_809 = arith.constant 0 : i32
      %parallel_loop3A_810 = arith.constant 0 : i32
      %parallel_loop3A_811 = arith.index_cast %parallel_loop3A_809 : i32 to index
      %parallel_loop3A_812 = arith.index_cast %parallel_loop3A_808 : i32 to index
      %parallel_loop3A_813 = arith.index_cast %parallel_loop3A_810 : i32 to index
      %parallel_loop3A_814 = arith.constant 0 : index
      %parallel_loop3A_815 = tpu.vector_load %arg7[%parallel_loop3A_811, %parallel_loop3A_812, %parallel_loop3A_813, %parallel_loop3A_814] {strides = array<i32>} : memref<2x125x1x128xi32, #tpu.memory_space<vmem>>, vector<16xi32>,
      %parallel_loop3A_816 = arith.constant 0 : i32
      %parallel_loop3A_817 = arith.constant 0 : i32
      %parallel_loop3A_818 = arith.constant 0 : i32
      %parallel_loop3A_819 = arith.index_cast %parallel_loop3A_816 : i32 to index
      %parallel_loop3A_820 = arith.index_cast %parallel_loop3A_817 : i32 to index
      %parallel_loop3A_821 = arith.index_cast %parallel_loop3A_808 : i32 to index
      %parallel_loop3A_822 = arith.index_cast %parallel_loop3A_818 : i32 to index
      %parallel_loop3A_823 = arith.constant 0 : index
      %parallel_loop3A_824 = tpu.vector_load %arg6[%parallel_loop3A_819, %parallel_loop3A_820, %parallel_loop3A_821, %parallel_loop3A_822, %parallel_loop3A_823] {strides = array<i32>} : memref<2x1x125x1x128xf32, #tpu.memory_space<vmem>>, vector<16xf32>,
      tpu.vector_store_idx %arg10[%parallel_loop3A_815], %parallel_loop3A_824 {add = true} : memref<10240xf32, #tpu.memory_space<vmem>>[vector<16xi32>], vector<16xf32>,
      %parallel_loop3A_825 = arith.constant 0 : i32
      %parallel_loop3A_826 = arith.constant 0 : i32
      %parallel_loop3A_827 = arith.index_cast %parallel_loop3A_825 : i32 to index
      %parallel_loop3A_828 = arith.index_cast %parallel_loop3A_808 : i32 to index
      %parallel_loop3A_829 = arith.index_cast %parallel_loop3A_826 : i32 to index
      %parallel_loop3A_830 = arith.constant 16 : index
      %parallel_loop3A_831 = tpu.vector_load %arg7[%parallel_loop3A_827, %parallel_loop3A_828, %parallel_loop3A_829, %parallel_loop3A_830] {strides = array<i32>} : memref<2x125x1x128xi32, #tpu.memory_space<vmem>>, vector<16xi32>,
      %parallel_loop3A_832 = arith.constant 0 : i32
      %parallel_loop3A_833 = arith.constant 0 : i32
      %parallel_loop3A_834 = arith.constant 0 : i32
      %parallel_loop3A_835 = arith.index_cast %parallel_loop3A_832 : i32 to index
      %parallel_loop3A_836 = arith.index_cast %parallel_loop3A_833 : i32 to index
      %parallel_loop3A_837 = arith.index_cast %parallel_loop3A_808 : i32 to index
      %parallel_loop3A_838 = arith.index_cast %parallel_loop3A_834 : i32 to index
      %parallel_loop3A_839 = arith.constant 16 : index
      %parallel_loop3A_840 = tpu.vector_load %arg6[%parallel_loop3A_835, %parallel_loop3A_836, %parallel_loop3A_837, %parallel_loop3A_838, %parallel_loop3A_839] {strides = array<i32>} : memref<2x1x125x1x128xf32, #tpu.memory_space<vmem>>, vector<16xf32>,
      tpu.vector_store_idx %arg10[%parallel_loop3A_831], %parallel_loop3A_840 {add = true} : memref<10240xf32, #tpu.memory_space<vmem>>[vector<16xi32>], vector<16xf32>,
      %parallel_loop3A_841 = arith.constant 0 : i32
      %parallel_loop3A_842 = arith.constant 0 : i32
      %parallel_loop3A_843 = arith.index_cast %parallel_loop3A_841 : i32 to index
      %parallel_loop3A_844 = arith.index_cast %parallel_loop3A_808 : i32 to index
      %parallel_loop3A_845 = arith.index_cast %parallel_loop3A_842 : i32 to index
      %parallel_loop3A_846 = arith.constant 32 : index
      %parallel_loop3A_847 = tpu.vector_load %arg7[%parallel_loop3A_843, %parallel_loop3A_844, %parallel_loop3A_845, %parallel_loop3A_846] {strides = array<i32>} : memref<2x125x1x128xi32, #tpu.memory_space<vmem>>, vector<16xi32>,
      %parallel_loop3A_848 = arith.constant 0 : i32
      %parallel_loop3A_849 = arith.constant 0 : i32
      %parallel_loop3A_850 = arith.constant 0 : i32
      %parallel_loop3A_851 = arith.index_cast %parallel_loop3A_848 : i32 to index
      %parallel_loop3A_852 = arith.index_cast %parallel_loop3A_849 : i32 to index
      %parallel_loop3A_853 = arith.index_cast %parallel_loop3A_808 : i32 to index
      %parallel_loop3A_854 = arith.index_cast %parallel_loop3A_850 : i32 to index
      %parallel_loop3A_855 = arith.constant 32 : index
      %parallel_loop3A_856 = tpu.vector_load %arg6[%parallel_loop3A_851, %parallel_loop3A_852, %parallel_loop3A_853, %parallel_loop3A_854, %parallel_loop3A_855] {strides = array<i32>} : memref<2x1x125x1x128xf32, #tpu.memory_space<vmem>>, vector<16xf32>,
      tpu.vector_store_idx %arg10[%parallel_loop3A_847], %parallel_loop3A_856 {add = true} : memref<10240xf32, #tpu.memory_space<vmem>>[vector<16xi32>], vector<16xf32>,
      %parallel_loop3A_857 = arith.constant 0 : i32
      %parallel_loop3A_858 = arith.constant 0 : i32
      %parallel_loop3A_859 = arith.index_cast %parallel_loop3A_857 : i32 to index
      %parallel_loop3A_860 = arith.index_cast %parallel_loop3A_808 : i32 to index
      %parallel_loop3A_861 = arith.index_cast %parallel_loop3A_858 : i32 to index
      %parallel_loop3A_862 = arith.constant 48 : index
      %parallel_loop3A_863 = tpu.vector_load %arg7[%parallel_loop3A_859, %parallel_loop3A_860, %parallel_loop3A_861, %parallel_loop3A_862] {strides = array<i32>} : memref<2x125x1x128xi32, #tpu.memory_space<vmem>>, vector<16xi32>,
      %parallel_loop3A_864 = arith.constant 0 : i32
      %parallel_loop3A_865 = arith.constant 0 : i32
      %parallel_loop3A_866 = arith.constant 0 : i32
      %parallel_loop3A_867 = arith.index_cast %parallel_loop3A_864 : i32 to index
      %parallel_loop3A_868 = arith.index_cast %parallel_loop3A_865 : i32 to index
      %parallel_loop3A_869 = arith.index_cast %parallel_loop3A_808 : i32 to index
      %parallel_loop3A_870 = arith.index_cast %parallel_loop3A_866 : i32 to index
      %parallel_loop3A_871 = arith.constant 48 : index
      %parallel_loop3A_872 = tpu.vector_load %arg6[%parallel_loop3A_867, %parallel_loop3A_868, %parallel_loop3A_869, %parallel_loop3A_870, %parallel_loop3A_871] {strides = array<i32>} : memref<2x1x125x1x128xf32, #tpu.memory_space<vmem>>, vector<16xf32>,
      tpu.vector_store_idx %arg10[%parallel_loop3A_863], %parallel_loop3A_872 {add = true} : memref<10240xf32, #tpu.memory_space<vmem>>[vector<16xi32>], vector<16xf32>,
      %parallel_loop3A_873 = arith.constant 0 : i32
      %parallel_loop3A_874 = arith.constant 0 : i32
      %parallel_loop3A_875 = arith.index_cast %parallel_loop3A_873 : i32 to index
      %parallel_loop3A_876 = arith.index_cast %parallel_loop3A_808 : i32 to index
      %parallel_loop3A_877 = arith.index_cast %parallel_loop3A_874 : i32 to index
      %parallel_loop3A_878 = arith.constant 64 : index
      %parallel_loop3A_879 = tpu.vector_load %arg7[%parallel_loop3A_875, %parallel_loop3A_876, %parallel_loop3A_877, %parallel_loop3A_878] {strides = array<i32>} : memref<2x125x1x128xi32, #tpu.memory_space<vmem>>, vector<16xi32>,
      %parallel_loop3A_880 = arith.constant 0 : i32
      %parallel_loop3A_881 = arith.constant 0 : i32
      %parallel_loop3A_882 = arith.constant 0 : i32
      %parallel_loop3A_883 = arith.index_cast %parallel_loop3A_880 : i32 to index
      %parallel_loop3A_884 = arith.index_cast %parallel_loop3A_881 : i32 to index
      %parallel_loop3A_885 = arith.index_cast %parallel_loop3A_808 : i32 to index
      %parallel_loop3A_886 = arith.index_cast %parallel_loop3A_882 : i32 to index
      %parallel_loop3A_887 = arith.constant 64 : index
      %parallel_loop3A_888 = tpu.vector_load %arg6[%parallel_loop3A_883, %parallel_loop3A_884, %parallel_loop3A_885, %parallel_loop3A_886, %parallel_loop3A_887] {strides = array<i32>} : memref<2x1x125x1x128xf32, #tpu.memory_space<vmem>>, vector<16xf32>,
      tpu.vector_store_idx %arg10[%parallel_loop3A_879], %parallel_loop3A_888 {add = true} : memref<10240xf32, #tpu.memory_space<vmem>>[vector<16xi32>], vector<16xf32>,
      %parallel_loop3A_889 = arith.constant 0 : i32
      %parallel_loop3A_890 = arith.constant 0 : i32
      %parallel_loop3A_891 = arith.index_cast %parallel_loop3A_889 : i32 to index
      %parallel_loop3A_892 = arith.index_cast %parallel_loop3A_808 : i32 to index
      %parallel_loop3A_893 = arith.index_cast %parallel_loop3A_890 : i32 to index
      %parallel_loop3A_894 = arith.constant 80 : index
      %parallel_loop3A_895 = tpu.vector_load %arg7[%parallel_loop3A_891, %parallel_loop3A_892, %parallel_loop3A_893, %parallel_loop3A_894] {strides = array<i32>} : memref<2x125x1x128xi32, #tpu.memory_space<vmem>>, vector<16xi32>,
      %parallel_loop3A_896 = arith.constant 0 : i32
      %parallel_loop3A_897 = arith.constant 0 : i32
      %parallel_loop3A_898 = arith.constant 0 : i32
      %parallel_loop3A_899 = arith.index_cast %parallel_loop3A_896 : i32 to index
      %parallel_loop3A_900 = arith.index_cast %parallel_loop3A_897 : i32 to index
      %parallel_loop3A_901 = arith.index_cast %parallel_loop3A_808 : i32 to index
      %parallel_loop3A_902 = arith.index_cast %parallel_loop3A_898 : i32 to index
      %parallel_loop3A_903 = arith.constant 80 : index
      %parallel_loop3A_904 = tpu.vector_load %arg6[%parallel_loop3A_899, %parallel_loop3A_900, %parallel_loop3A_901, %parallel_loop3A_902, %parallel_loop3A_903] {strides = array<i32>} : memref<2x1x125x1x128xf32, #tpu.memory_space<vmem>>, vector<16xf32>,
      tpu.vector_store_idx %arg10[%parallel_loop3A_895], %parallel_loop3A_904 {add = true} : memref<10240xf32, #tpu.memory_space<vmem>>[vector<16xi32>], vector<16xf32>,
      %parallel_loop3A_905 = arith.constant 0 : i32
      %parallel_loop3A_906 = arith.constant 0 : i32
      %parallel_loop3A_907 = arith.index_cast %parallel_loop3A_905 : i32 to index
      %parallel_loop3A_908 = arith.index_cast %parallel_loop3A_808 : i32 to index
      %parallel_loop3A_909 = arith.index_cast %parallel_loop3A_906 : i32 to index
      %parallel_loop3A_910 = arith.constant 96 : index
      %parallel_loop3A_911 = tpu.vector_load %arg7[%parallel_loop3A_907, %parallel_loop3A_908, %parallel_loop3A_909, %parallel_loop3A_910] {strides = array<i32>} : memref<2x125x1x128xi32, #tpu.memory_space<vmem>>, vector<16xi32>,
      %parallel_loop3A_912 = arith.constant 0 : i32
      %parallel_loop3A_913 = arith.constant 0 : i32
      %parallel_loop3A_914 = arith.constant 0 : i32
      %parallel_loop3A_915 = arith.index_cast %parallel_loop3A_912 : i32 to index
      %parallel_loop3A_916 = arith.index_cast %parallel_loop3A_913 : i32 to index
      %parallel_loop3A_917 = arith.index_cast %parallel_loop3A_808 : i32 to index
      %parallel_loop3A_918 = arith.index_cast %parallel_loop3A_914 : i32 to index
      %parallel_loop3A_919 = arith.constant 96 : index
      %parallel_loop3A_920 = tpu.vector_load %arg6[%parallel_loop3A_915, %parallel_loop3A_916, %parallel_loop3A_917, %parallel_loop3A_918, %parallel_loop3A_919] {strides = array<i32>} : memref<2x1x125x1x128xf32, #tpu.memory_space<vmem>>, vector<16xf32>,
      tpu.vector_store_idx %arg10[%parallel_loop3A_911], %parallel_loop3A_920 {add = true} : memref<10240xf32, #tpu.memory_space<vmem>>[vector<16xi32>], vector<16xf32>,
      %parallel_loop3A_921 = arith.constant 0 : i32
      %parallel_loop3A_922 = arith.constant 0 : i32
      %parallel_loop3A_923 = arith.index_cast %parallel_loop3A_921 : i32 to index
      %parallel_loop3A_924 = arith.index_cast %parallel_loop3A_808 : i32 to index
      %parallel_loop3A_925 = arith.index_cast %parallel_loop3A_922 : i32 to index
      %parallel_loop3A_926 = arith.constant 112 : index
      %parallel_loop3A_927 = tpu.vector_load %arg7[%parallel_loop3A_923, %parallel_loop3A_924, %parallel_loop3A_925, %parallel_loop3A_926] {strides = array<i32>} : memref<2x125x1x128xi32, #tpu.memory_space<vmem>>, vector<16xi32>,
      %parallel_loop3A_928 = arith.constant 0 : i32
      %parallel_loop3A_929 = arith.constant 0 : i32
      %parallel_loop3A_930 = arith.constant 0 : i32
      %parallel_loop3A_931 = arith.index_cast %parallel_loop3A_928 : i32 to index
      %parallel_loop3A_932 = arith.index_cast %parallel_loop3A_929 : i32 to index
      %parallel_loop3A_933 = arith.index_cast %parallel_loop3A_808 : i32 to index
      %parallel_loop3A_934 = arith.index_cast %parallel_loop3A_930 : i32 to index
      %parallel_loop3A_935 = arith.constant 112 : index
      %parallel_loop3A_936 = tpu.vector_load %arg6[%parallel_loop3A_931, %parallel_loop3A_932, %parallel_loop3A_933, %parallel_loop3A_934, %parallel_loop3A_935] {strides = array<i32>} : memref<2x1x125x1x128xf32, #tpu.memory_space<vmem>>, vector<16xf32>,
      tpu.vector_store_idx %arg10[%parallel_loop3A_927], %parallel_loop3A_936 {add = true} : memref<10240xf32, #tpu.memory_space<vmem>>[vector<16xi32>], vector<16xf32>,
    } {sc.loop_unroll_factor = 4 : i64, sc.parallel_access}
    %dma_wait3A_153 = arith.constant 1 : i32
    %dma_wait3A_154 = arith.constant 0 : i32
    %dma_wait3A_155 = arith.constant 0 : i32
    %dma_wait3A_156 = arith.constant 0 : i32
    %dma_wait3A_157 = arith.constant 0 : i32
    %dma_wait3A_158 = tpu.memref_slice %arg6[%dma_wait3A_153, %dma_wait3A_154, %dma_wait3A_155, %dma_wait3A_156, %dma_wait3A_157] : memref<2x1x125x1x128xf32, #tpu.memory_space<vmem>> -> memref<1x1x125x1x128xf32, #tpu.memory_space<vmem>>
    %dma_wait3A_159 = tpu.memref_squeeze %dma_wait3A_158 : memref<1x1x125x1x128xf32, #tpu.memory_space<vmem>> -> memref<1x125x1x128xf32, #tpu.memory_space<vmem>>
    %dma_wait3A_160 = arith.constant 0 : i32
    %dma_wait3A_161 = tpu.memref_slice %arg2[%select_n3A, %add3A_115, %select_n3A_30, %dma_wait3A_160] : memref<2x2500x8x128xf32, #tpu.memory_space<hbm>> -> memref<1x125x1x128xf32, #tpu.memory_space<hbm>>
    %dma_wait3A_162 = arith.constant 0 : i32
    %dma_wait3A_163 = arith.constant 0 : i32
    %dma_wait3A_164 = arith.constant 0 : i32
    %dma_wait3A_165 = arith.constant 0 : i32
    %dma_wait3A_166 = tpu.memref_slice %arg6[%dma_wait3A_153, %dma_wait3A_162, %dma_wait3A_163, %dma_wait3A_164, %dma_wait3A_165] : memref<2x1x125x1x128xf32, #tpu.memory_space<vmem>> -> memref<1x1x125x1x128xf32, #tpu.memory_space<vmem>>
    %dma_wait3A_167 = tpu.memref_squeeze %dma_wait3A_166 : memref<1x1x125x1x128xf32, #tpu.memory_space<vmem>> -> memref<1x125x1x128xf32, #tpu.memory_space<vmem>>
    %dma_wait3A_168 = arith.constant 0 : i32
    %dma_wait3A_169 = tpu.memref_slice %arg2[%select_n3A, %add3A_115, %select_n3A_30, %dma_wait3A_168] : memref<2x2500x8x128xf32, #tpu.memory_space<hbm>> -> memref<1x125x1x128xf32, #tpu.memory_space<hbm>>
    tpu.wait_dma2 semaphore(%arg12 : memref<!tpu.dma_semaphore, #tpu.memory_space<semaphore_mem>>) src(%dma_wait3A_169 : memref<1x125x1x128xf32, #tpu.memory_space<hbm>>) dst(%dma_wait3A_167 : memref<1x125x1x128xf32, #tpu.memory_space<vmem>>)
    %dma_wait3A_170 = arith.constant 1 : i32
    %dma_wait3A_171 = arith.constant 0 : i32
    %dma_wait3A_172 = arith.constant 0 : i32
    %dma_wait3A_173 = arith.constant 0 : i32
    %dma_wait3A_174 = tpu.memref_slice %arg7[%dma_wait3A_170, %dma_wait3A_171, %dma_wait3A_172, %dma_wait3A_173] : memref<2x125x1x128xi32, #tpu.memory_space<vmem>> -> memref<1x125x1x128xi32, #tpu.memory_space<vmem>>
    %dma_wait3A_175 = tpu.memref_squeeze %dma_wait3A_174 : memref<1x125x1x128xi32, #tpu.memory_space<vmem>> -> memref<125x1x128xi32, #tpu.memory_space<vmem>>
    %dma_wait3A_176 = arith.constant 1 : i32
    %dma_wait3A_177 = arith.constant 0 : i32
    %dma_wait3A_178 = tpu.memref_slice %arg3[%add3A_115, %dma_wait3A_176, %dma_wait3A_177] : memref<2500x2x128xi32, #tpu.memory_space<hbm>> -> memref<125x1x128xi32, #tpu.memory_space<hbm>>
    %dma_wait3A_179 = arith.constant 0 : i32
    %dma_wait3A_180 = arith.constant 0 : i32
    %dma_wait3A_181 = arith.constant 0 : i32
    %dma_wait3A_182 = tpu.memref_slice %arg7[%dma_wait3A_170, %dma_wait3A_179, %dma_wait3A_180, %dma_wait3A_181] : memref<2x125x1x128xi32, #tpu.memory_space<vmem>> -> memref<1x125x1x128xi32, #tpu.memory_space<vmem>>
    %dma_wait3A_183 = tpu.memref_squeeze %dma_wait3A_182 : memref<1x125x1x128xi32, #tpu.memory_space<vmem>> -> memref<125x1x128xi32, #tpu.memory_space<vmem>>
    %dma_wait3A_184 = arith.constant 1 : i32
    %dma_wait3A_185 = arith.constant 0 : i32
    %dma_wait3A_186 = tpu.memref_slice %arg3[%add3A_115, %dma_wait3A_184, %dma_wait3A_185] : memref<2500x2x128xi32, #tpu.memory_space<hbm>> -> memref<125x1x128xi32, #tpu.memory_space<hbm>>
    tpu.wait_dma2 semaphore(%arg13 : memref<!tpu.dma_semaphore, #tpu.memory_space<semaphore_mem>>) src(%dma_wait3A_186 : memref<125x1x128xi32, #tpu.memory_space<hbm>>) dst(%dma_wait3A_183 : memref<125x1x128xi32, #tpu.memory_space<vmem>>)
    %mul3A_187 = arith.constant 1250 : i32
    %mul3A_188 = arith.muli %arg0, %mul3A_187 : i32
    %add3A_189 = arith.constant 250 : i32
    %add3A_190 = arith.addi %mul3A_188, %add3A_189 : i32
    %dma_start3A_191 = arith.constant 0 : i32
    %dma_start3A_192 = arith.constant 0 : i32
    %dma_start3A_193 = arith.constant 0 : i32
    %dma_start3A_194 = arith.constant 0 : i32
    %dma_start3A_195 = arith.constant 0 : i32
    %dma_start3A_196 = tpu.memref_slice %arg6[%dma_start3A_191, %dma_start3A_192, %dma_start3A_193, %dma_start3A_194, %dma_start3A_195] : memref<2x1x125x1x128xf32, #tpu.memory_space<vmem>> -> memref<1x1x125x1x128xf32, #tpu.memory_space<vmem>>
    %dma_start3A_197 = tpu.memref_squeeze %dma_start3A_196 : memref<1x1x125x1x128xf32, #tpu.memory_space<vmem>> -> memref<1x125x1x128xf32, #tpu.memory_space<vmem>>
    %dma_start3A_198 = arith.constant 0 : i32
    %dma_start3A_199 = tpu.memref_slice %arg2[%select_n3A, %add3A_190, %select_n3A_30, %dma_start3A_198] : memref<2x2500x8x128xf32, #tpu.memory_space<hbm>> -> memref<1x125x1x128xf32, #tpu.memory_space<hbm>>
    %dma_start3A_200 = arith.constant 0 : i32
    %dma_start3A_201 = arith.constant 0 : i32
    %dma_start3A_202 = arith.constant 0 : i32
    %dma_start3A_203 = arith.constant 0 : i32
    %dma_start3A_204 = tpu.memref_slice %arg6[%dma_start3A_191, %dma_start3A_200, %dma_start3A_201, %dma_start3A_202, %dma_start3A_203] : memref<2x1x125x1x128xf32, #tpu.memory_space<vmem>> -> memref<1x1x125x1x128xf32, #tpu.memory_space<vmem>>
    %dma_start3A_205 = tpu.memref_squeeze %dma_start3A_204 : memref<1x1x125x1x128xf32, #tpu.memory_space<vmem>> -> memref<1x125x1x128xf32, #tpu.memory_space<vmem>>
    %dma_start3A_206 = arith.constant 0 : i32
    %dma_start3A_207 = tpu.memref_slice %arg2[%select_n3A, %add3A_190, %select_n3A_30, %dma_start3A_206] : memref<2x2500x8x128xf32, #tpu.memory_space<hbm>> -> memref<1x125x1x128xf32, #tpu.memory_space<hbm>>
    tpu.enqueue_dma source(%dma_start3A_207 : memref<1x125x1x128xf32, #tpu.memory_space<hbm>>) target(%dma_start3A_205 : memref<1x125x1x128xf32, #tpu.memory_space<vmem>>) target_semaphore(%arg12 : memref<!tpu.dma_semaphore, #tpu.memory_space<semaphore_mem>>)
    %dma_start3A_208 = arith.constant 0 : i32
    %dma_start3A_209 = arith.constant 0 : i32
    %dma_start3A_210 = arith.constant 0 : i32
    %dma_start3A_211 = arith.constant 0 : i32
    %dma_start3A_212 = tpu.memref_slice %arg7[%dma_start3A_208, %dma_start3A_209, %dma_start3A_210, %dma_start3A_211] : memref<2x125x1x128xi32, #tpu.memory_space<vmem>> -> memref<1x125x1x128xi32, #tpu.memory_space<vmem>>
    %dma_start3A_213 = tpu.memref_squeeze %dma_start3A_212 : memref<1x125x1x128xi32, #tpu.memory_space<vmem>> -> memref<125x1x128xi32, #tpu.memory_space<vmem>>
    %dma_start3A_214 = arith.constant 1 : i32
    %dma_start3A_215 = arith.constant 0 : i32
    %dma_start3A_216 = tpu.memref_slice %arg3[%add3A_190, %dma_start3A_214, %dma_start3A_215] : memref<2500x2x128xi32, #tpu.memory_space<hbm>> -> memref<125x1x128xi32, #tpu.memory_space<hbm>>
    %dma_start3A_217 = arith.constant 0 : i32
    %dma_start3A_218 = arith.constant 0 : i32
    %dma_start3A_219 = arith.constant 0 : i32
    %dma_start3A_220 = tpu.memref_slice %arg7[%dma_start3A_208, %dma_start3A_217, %dma_start3A_218, %dma_start3A_219] : memref<2x125x1x128xi32, #tpu.memory_space<vmem>> -> memref<1x125x1x128xi32, #tpu.memory_space<vmem>>
    %dma_start3A_221 = tpu.memref_squeeze %dma_start3A_220 : memref<1x125x1x128xi32, #tpu.memory_space<vmem>> -> memref<125x1x128xi32, #tpu.memory_space<vmem>>
    %dma_start3A_222 = arith.constant 1 : i32
    %dma_start3A_223 = arith.constant 0 : i32
    %dma_start3A_224 = tpu.memref_slice %arg3[%add3A_190, %dma_start3A_222, %dma_start3A_223] : memref<2500x2x128xi32, #tpu.memory_space<hbm>> -> memref<125x1x128xi32, #tpu.memory_space<hbm>>
    tpu.enqueue_dma source(%dma_start3A_224 : memref<125x1x128xi32, #tpu.memory_space<hbm>>) target(%dma_start3A_221 : memref<125x1x128xi32, #tpu.memory_space<vmem>>) target_semaphore(%arg13 : memref<!tpu.dma_semaphore, #tpu.memory_space<semaphore_mem>>)
    %parallel_loop3A_225 = arith.constant 0 : i32
    %parallel_loop3A_226 = arith.constant 125 : i32
    %parallel_loop3A_227 = arith.constant 1 : i32
    scf.for %parallel_loop3A_808 = %parallel_loop3A_225 to %parallel_loop3A_226 step %parallel_loop3A_227  : i32 {
      %parallel_loop3A_809 = arith.constant 1 : i32
      %parallel_loop3A_810 = arith.constant 0 : i32
      %parallel_loop3A_811 = arith.index_cast %parallel_loop3A_809 : i32 to index
      %parallel_loop3A_812 = arith.index_cast %parallel_loop3A_808 : i32 to index
      %parallel_loop3A_813 = arith.index_cast %parallel_loop3A_810 : i32 to index
      %parallel_loop3A_814 = arith.constant 0 : index
      %parallel_loop3A_815 = tpu.vector_load %arg7[%parallel_loop3A_811, %parallel_loop3A_812, %parallel_loop3A_813, %parallel_loop3A_814] {strides = array<i32>} : memref<2x125x1x128xi32, #tpu.memory_space<vmem>>, vector<16xi32>,
      %parallel_loop3A_816 = arith.constant 1 : i32
      %parallel_loop3A_817 = arith.constant 0 : i32
      %parallel_loop3A_818 = arith.constant 0 : i32
      %parallel_loop3A_819 = arith.index_cast %parallel_loop3A_816 : i32 to index
      %parallel_loop3A_820 = arith.index_cast %parallel_loop3A_817 : i32 to index
      %parallel_loop3A_821 = arith.index_cast %parallel_loop3A_808 : i32 to index
      %parallel_loop3A_822 = arith.index_cast %parallel_loop3A_818 : i32 to index
      %parallel_loop3A_823 = arith.constant 0 : index
      %parallel_loop3A_824 = tpu.vector_load %arg6[%parallel_loop3A_819, %parallel_loop3A_820, %parallel_loop3A_821, %parallel_loop3A_822, %parallel_loop3A_823] {strides = array<i32>} : memref<2x1x125x1x128xf32, #tpu.memory_space<vmem>>, vector<16xf32>,
      tpu.vector_store_idx %arg10[%parallel_loop3A_815], %parallel_loop3A_824 {add = true} : memref<10240xf32, #tpu.memory_space<vmem>>[vector<16xi32>], vector<16xf32>,
      %parallel_loop3A_825 = arith.constant 1 : i32
      %parallel_loop3A_826 = arith.constant 0 : i32
      %parallel_loop3A_827 = arith.index_cast %parallel_loop3A_825 : i32 to index
      %parallel_loop3A_828 = arith.index_cast %parallel_loop3A_808 : i32 to index
      %parallel_loop3A_829 = arith.index_cast %parallel_loop3A_826 : i32 to index
      %parallel_loop3A_830 = arith.constant 16 : index
      %parallel_loop3A_831 = tpu.vector_load %arg7[%parallel_loop3A_827, %parallel_loop3A_828, %parallel_loop3A_829, %parallel_loop3A_830] {strides = array<i32>} : memref<2x125x1x128xi32, #tpu.memory_space<vmem>>, vector<16xi32>,
      %parallel_loop3A_832 = arith.constant 1 : i32
      %parallel_loop3A_833 = arith.constant 0 : i32
      %parallel_loop3A_834 = arith.constant 0 : i32
      %parallel_loop3A_835 = arith.index_cast %parallel_loop3A_832 : i32 to index
      %parallel_loop3A_836 = arith.index_cast %parallel_loop3A_833 : i32 to index
      %parallel_loop3A_837 = arith.index_cast %parallel_loop3A_808 : i32 to index
      %parallel_loop3A_838 = arith.index_cast %parallel_loop3A_834 : i32 to index
      %parallel_loop3A_839 = arith.constant 16 : index
      %parallel_loop3A_840 = tpu.vector_load %arg6[%parallel_loop3A_835, %parallel_loop3A_836, %parallel_loop3A_837, %parallel_loop3A_838, %parallel_loop3A_839] {strides = array<i32>} : memref<2x1x125x1x128xf32, #tpu.memory_space<vmem>>, vector<16xf32>,
      tpu.vector_store_idx %arg10[%parallel_loop3A_831], %parallel_loop3A_840 {add = true} : memref<10240xf32, #tpu.memory_space<vmem>>[vector<16xi32>], vector<16xf32>,
      %parallel_loop3A_841 = arith.constant 1 : i32
      %parallel_loop3A_842 = arith.constant 0 : i32
      %parallel_loop3A_843 = arith.index_cast %parallel_loop3A_841 : i32 to index
      %parallel_loop3A_844 = arith.index_cast %parallel_loop3A_808 : i32 to index
      %parallel_loop3A_845 = arith.index_cast %parallel_loop3A_842 : i32 to index
      %parallel_loop3A_846 = arith.constant 32 : index
      %parallel_loop3A_847 = tpu.vector_load %arg7[%parallel_loop3A_843, %parallel_loop3A_844, %parallel_loop3A_845, %parallel_loop3A_846] {strides = array<i32>} : memref<2x125x1x128xi32, #tpu.memory_space<vmem>>, vector<16xi32>,
      %parallel_loop3A_848 = arith.constant 1 : i32
      %parallel_loop3A_849 = arith.constant 0 : i32
      %parallel_loop3A_850 = arith.constant 0 : i32
      %parallel_loop3A_851 = arith.index_cast %parallel_loop3A_848 : i32 to index
      %parallel_loop3A_852 = arith.index_cast %parallel_loop3A_849 : i32 to index
      %parallel_loop3A_853 = arith.index_cast %parallel_loop3A_808 : i32 to index
      %parallel_loop3A_854 = arith.index_cast %parallel_loop3A_850 : i32 to index
      %parallel_loop3A_855 = arith.constant 32 : index
      %parallel_loop3A_856 = tpu.vector_load %arg6[%parallel_loop3A_851, %parallel_loop3A_852, %parallel_loop3A_853, %parallel_loop3A_854, %parallel_loop3A_855] {strides = array<i32>} : memref<2x1x125x1x128xf32, #tpu.memory_space<vmem>>, vector<16xf32>,
      tpu.vector_store_idx %arg10[%parallel_loop3A_847], %parallel_loop3A_856 {add = true} : memref<10240xf32, #tpu.memory_space<vmem>>[vector<16xi32>], vector<16xf32>,
      %parallel_loop3A_857 = arith.constant 1 : i32
      %parallel_loop3A_858 = arith.constant 0 : i32
      %parallel_loop3A_859 = arith.index_cast %parallel_loop3A_857 : i32 to index
      %parallel_loop3A_860 = arith.index_cast %parallel_loop3A_808 : i32 to index
      %parallel_loop3A_861 = arith.index_cast %parallel_loop3A_858 : i32 to index
      %parallel_loop3A_862 = arith.constant 48 : index
      %parallel_loop3A_863 = tpu.vector_load %arg7[%parallel_loop3A_859, %parallel_loop3A_860, %parallel_loop3A_861, %parallel_loop3A_862] {strides = array<i32>} : memref<2x125x1x128xi32, #tpu.memory_space<vmem>>, vector<16xi32>,
      %parallel_loop3A_864 = arith.constant 1 : i32
      %parallel_loop3A_865 = arith.constant 0 : i32
      %parallel_loop3A_866 = arith.constant 0 : i32
      %parallel_loop3A_867 = arith.index_cast %parallel_loop3A_864 : i32 to index
      %parallel_loop3A_868 = arith.index_cast %parallel_loop3A_865 : i32 to index
      %parallel_loop3A_869 = arith.index_cast %parallel_loop3A_808 : i32 to index
      %parallel_loop3A_870 = arith.index_cast %parallel_loop3A_866 : i32 to index
      %parallel_loop3A_871 = arith.constant 48 : index
      %parallel_loop3A_872 = tpu.vector_load %arg6[%parallel_loop3A_867, %parallel_loop3A_868, %parallel_loop3A_869, %parallel_loop3A_870, %parallel_loop3A_871] {strides = array<i32>} : memref<2x1x125x1x128xf32, #tpu.memory_space<vmem>>, vector<16xf32>,
      tpu.vector_store_idx %arg10[%parallel_loop3A_863], %parallel_loop3A_872 {add = true} : memref<10240xf32, #tpu.memory_space<vmem>>[vector<16xi32>], vector<16xf32>,
      %parallel_loop3A_873 = arith.constant 1 : i32
      %parallel_loop3A_874 = arith.constant 0 : i32
      %parallel_loop3A_875 = arith.index_cast %parallel_loop3A_873 : i32 to index
      %parallel_loop3A_876 = arith.index_cast %parallel_loop3A_808 : i32 to index
      %parallel_loop3A_877 = arith.index_cast %parallel_loop3A_874 : i32 to index
      %parallel_loop3A_878 = arith.constant 64 : index
      %parallel_loop3A_879 = tpu.vector_load %arg7[%parallel_loop3A_875, %parallel_loop3A_876, %parallel_loop3A_877, %parallel_loop3A_878] {strides = array<i32>} : memref<2x125x1x128xi32, #tpu.memory_space<vmem>>, vector<16xi32>,
      %parallel_loop3A_880 = arith.constant 1 : i32
      %parallel_loop3A_881 = arith.constant 0 : i32
      %parallel_loop3A_882 = arith.constant 0 : i32
      %parallel_loop3A_883 = arith.index_cast %parallel_loop3A_880 : i32 to index
      %parallel_loop3A_884 = arith.index_cast %parallel_loop3A_881 : i32 to index
      %parallel_loop3A_885 = arith.index_cast %parallel_loop3A_808 : i32 to index
      %parallel_loop3A_886 = arith.index_cast %parallel_loop3A_882 : i32 to index
      %parallel_loop3A_887 = arith.constant 64 : index
      %parallel_loop3A_888 = tpu.vector_load %arg6[%parallel_loop3A_883, %parallel_loop3A_884, %parallel_loop3A_885, %parallel_loop3A_886, %parallel_loop3A_887] {strides = array<i32>} : memref<2x1x125x1x128xf32, #tpu.memory_space<vmem>>, vector<16xf32>,
      tpu.vector_store_idx %arg10[%parallel_loop3A_879], %parallel_loop3A_888 {add = true} : memref<10240xf32, #tpu.memory_space<vmem>>[vector<16xi32>], vector<16xf32>,
      %parallel_loop3A_889 = arith.constant 1 : i32
      %parallel_loop3A_890 = arith.constant 0 : i32
      %parallel_loop3A_891 = arith.index_cast %parallel_loop3A_889 : i32 to index
      %parallel_loop3A_892 = arith.index_cast %parallel_loop3A_808 : i32 to index
      %parallel_loop3A_893 = arith.index_cast %parallel_loop3A_890 : i32 to index
      %parallel_loop3A_894 = arith.constant 80 : index
      %parallel_loop3A_895 = tpu.vector_load %arg7[%parallel_loop3A_891, %parallel_loop3A_892, %parallel_loop3A_893, %parallel_loop3A_894] {strides = array<i32>} : memref<2x125x1x128xi32, #tpu.memory_space<vmem>>, vector<16xi32>,
      %parallel_loop3A_896 = arith.constant 1 : i32
      %parallel_loop3A_897 = arith.constant 0 : i32
      %parallel_loop3A_898 = arith.constant 0 : i32
      %parallel_loop3A_899 = arith.index_cast %parallel_loop3A_896 : i32 to index
      %parallel_loop3A_900 = arith.index_cast %parallel_loop3A_897 : i32 to index
      %parallel_loop3A_901 = arith.index_cast %parallel_loop3A_808 : i32 to index
      %parallel_loop3A_902 = arith.index_cast %parallel_loop3A_898 : i32 to index
      %parallel_loop3A_903 = arith.constant 80 : index
      %parallel_loop3A_904 = tpu.vector_load %arg6[%parallel_loop3A_899, %parallel_loop3A_900, %parallel_loop3A_901, %parallel_loop3A_902, %parallel_loop3A_903] {strides = array<i32>} : memref<2x1x125x1x128xf32, #tpu.memory_space<vmem>>, vector<16xf32>,
      tpu.vector_store_idx %arg10[%parallel_loop3A_895], %parallel_loop3A_904 {add = true} : memref<10240xf32, #tpu.memory_space<vmem>>[vector<16xi32>], vector<16xf32>,
      %parallel_loop3A_905 = arith.constant 1 : i32
      %parallel_loop3A_906 = arith.constant 0 : i32
      %parallel_loop3A_907 = arith.index_cast %parallel_loop3A_905 : i32 to index
      %parallel_loop3A_908 = arith.index_cast %parallel_loop3A_808 : i32 to index
      %parallel_loop3A_909 = arith.index_cast %parallel_loop3A_906 : i32 to index
      %parallel_loop3A_910 = arith.constant 96 : index
      %parallel_loop3A_911 = tpu.vector_load %arg7[%parallel_loop3A_907, %parallel_loop3A_908, %parallel_loop3A_909, %parallel_loop3A_910] {strides = array<i32>} : memref<2x125x1x128xi32, #tpu.memory_space<vmem>>, vector<16xi32>,
      %parallel_loop3A_912 = arith.constant 1 : i32
      %parallel_loop3A_913 = arith.constant 0 : i32
      %parallel_loop3A_914 = arith.constant 0 : i32
      %parallel_loop3A_915 = arith.index_cast %parallel_loop3A_912 : i32 to index
      %parallel_loop3A_916 = arith.index_cast %parallel_loop3A_913 : i32 to index
      %parallel_loop3A_917 = arith.index_cast %parallel_loop3A_808 : i32 to index
      %parallel_loop3A_918 = arith.index_cast %parallel_loop3A_914 : i32 to index
      %parallel_loop3A_919 = arith.constant 96 : index
      %parallel_loop3A_920 = tpu.vector_load %arg6[%parallel_loop3A_915, %parallel_loop3A_916, %parallel_loop3A_917, %parallel_loop3A_918, %parallel_loop3A_919] {strides = array<i32>} : memref<2x1x125x1x128xf32, #tpu.memory_space<vmem>>, vector<16xf32>,
      tpu.vector_store_idx %arg10[%parallel_loop3A_911], %parallel_loop3A_920 {add = true} : memref<10240xf32, #tpu.memory_space<vmem>>[vector<16xi32>], vector<16xf32>,
      %parallel_loop3A_921 = arith.constant 1 : i32
      %parallel_loop3A_922 = arith.constant 0 : i32
      %parallel_loop3A_923 = arith.index_cast %parallel_loop3A_921 : i32 to index
      %parallel_loop3A_924 = arith.index_cast %parallel_loop3A_808 : i32 to index
      %parallel_loop3A_925 = arith.index_cast %parallel_loop3A_922 : i32 to index
      %parallel_loop3A_926 = arith.constant 112 : index
      %parallel_loop3A_927 = tpu.vector_load %arg7[%parallel_loop3A_923, %parallel_loop3A_924, %parallel_loop3A_925, %parallel_loop3A_926] {strides = array<i32>} : memref<2x125x1x128xi32, #tpu.memory_space<vmem>>, vector<16xi32>,
      %parallel_loop3A_928 = arith.constant 1 : i32
      %parallel_loop3A_929 = arith.constant 0 : i32
      %parallel_loop3A_930 = arith.constant 0 : i32
      %parallel_loop3A_931 = arith.index_cast %parallel_loop3A_928 : i32 to index
      %parallel_loop3A_932 = arith.index_cast %parallel_loop3A_929 : i32 to index
      %parallel_loop3A_933 = arith.index_cast %parallel_loop3A_808 : i32 to index
      %parallel_loop3A_934 = arith.index_cast %parallel_loop3A_930 : i32 to index
      %parallel_loop3A_935 = arith.constant 112 : index
      %parallel_loop3A_936 = tpu.vector_load %arg6[%parallel_loop3A_931, %parallel_loop3A_932, %parallel_loop3A_933, %parallel_loop3A_934, %parallel_loop3A_935] {strides = array<i32>} : memref<2x1x125x1x128xf32, #tpu.memory_space<vmem>>, vector<16xf32>,
      tpu.vector_store_idx %arg10[%parallel_loop3A_927], %parallel_loop3A_936 {add = true} : memref<10240xf32, #tpu.memory_space<vmem>>[vector<16xi32>], vector<16xf32>,
    } {sc.loop_unroll_factor = 4 : i64, sc.parallel_access}
    %dma_wait3A_228 = arith.constant 0 : i32
    %dma_wait3A_229 = arith.constant 0 : i32
    %dma_wait3A_230 = arith.constant 0 : i32
    %dma_wait3A_231 = arith.constant 0 : i32
    %dma_wait3A_232 = arith.constant 0 : i32
    %dma_wait3A_233 = tpu.memref_slice %arg6[%dma_wait3A_228, %dma_wait3A_229, %dma_wait3A_230, %dma_wait3A_231, %dma_wait3A_232] : memref<2x1x125x1x128xf32, #tpu.memory_space<vmem>> -> memref<1x1x125x1x128xf32, #tpu.memory_space<vmem>>
    %dma_wait3A_234 = tpu.memref_squeeze %dma_wait3A_233 : memref<1x1x125x1x128xf32, #tpu.memory_space<vmem>> -> memref<1x125x1x128xf32, #tpu.memory_space<vmem>>
    %dma_wait3A_235 = arith.constant 0 : i32
    %dma_wait3A_236 = tpu.memref_slice %arg2[%select_n3A, %add3A_190, %select_n3A_30, %dma_wait3A_235] : memref<2x2500x8x128xf32, #tpu.memory_space<hbm>> -> memref<1x125x1x128xf32, #tpu.memory_space<hbm>>
    %dma_wait3A_237 = arith.constant 0 : i32
    %dma_wait3A_238 = arith.constant 0 : i32
    %dma_wait3A_239 = arith.constant 0 : i32
    %dma_wait3A_240 = arith.constant 0 : i32
    %dma_wait3A_241 = tpu.memref_slice %arg6[%dma_wait3A_228, %dma_wait3A_237, %dma_wait3A_238, %dma_wait3A_239, %dma_wait3A_240] : memref<2x1x125x1x128xf32, #tpu.memory_space<vmem>> -> memref<1x1x125x1x128xf32, #tpu.memory_space<vmem>>
    %dma_wait3A_242 = tpu.memref_squeeze %dma_wait3A_241 : memref<1x1x125x1x128xf32, #tpu.memory_space<vmem>> -> memref<1x125x1x128xf32, #tpu.memory_space<vmem>>
    %dma_wait3A_243 = arith.constant 0 : i32
    %dma_wait3A_244 = tpu.memref_slice %arg2[%select_n3A, %add3A_190, %select_n3A_30, %dma_wait3A_243] : memref<2x2500x8x128xf32, #tpu.memory_space<hbm>> -> memref<1x125x1x128xf32, #tpu.memory_space<hbm>>
    tpu.wait_dma2 semaphore(%arg12 : memref<!tpu.dma_semaphore, #tpu.memory_space<semaphore_mem>>) src(%dma_wait3A_244 : memref<1x125x1x128xf32, #tpu.memory_space<hbm>>) dst(%dma_wait3A_242 : memref<1x125x1x128xf32, #tpu.memory_space<vmem>>)
    %dma_wait3A_245 = arith.constant 0 : i32
    %dma_wait3A_246 = arith.constant 0 : i32
    %dma_wait3A_247 = arith.constant 0 : i32
    %dma_wait3A_248 = arith.constant 0 : i32
    %dma_wait3A_249 = tpu.memref_slice %arg7[%dma_wait3A_245, %dma_wait3A_246, %dma_wait3A_247, %dma_wait3A_248] : memref<2x125x1x128xi32, #tpu.memory_space<vmem>> -> memref<1x125x1x128xi32, #tpu.memory_space<vmem>>
    %dma_wait3A_250 = tpu.memref_squeeze %dma_wait3A_249 : memref<1x125x1x128xi32, #tpu.memory_space<vmem>> -> memref<125x1x128xi32, #tpu.memory_space<vmem>>
    %dma_wait3A_251 = arith.constant 1 : i32
    %dma_wait3A_252 = arith.constant 0 : i32
    %dma_wait3A_253 = tpu.memref_slice %arg3[%add3A_190, %dma_wait3A_251, %dma_wait3A_252] : memref<2500x2x128xi32, #tpu.memory_space<hbm>> -> memref<125x1x128xi32, #tpu.memory_space<hbm>>
    %dma_wait3A_254 = arith.constant 0 : i32
    %dma_wait3A_255 = arith.constant 0 : i32
    %dma_wait3A_256 = arith.constant 0 : i32
    %dma_wait3A_257 = tpu.memref_slice %arg7[%dma_wait3A_245, %dma_wait3A_254, %dma_wait3A_255, %dma_wait3A_256] : memref<2x125x1x128xi32, #tpu.memory_space<vmem>> -> memref<1x125x1x128xi32, #tpu.memory_space<vmem>>
    %dma_wait3A_258 = tpu.memref_squeeze %dma_wait3A_257 : memref<1x125x1x128xi32, #tpu.memory_space<vmem>> -> memref<125x1x128xi32, #tpu.memory_space<vmem>>
    %dma_wait3A_259 = arith.constant 1 : i32
    %dma_wait3A_260 = arith.constant 0 : i32
    %dma_wait3A_261 = tpu.memref_slice %arg3[%add3A_190, %dma_wait3A_259, %dma_wait3A_260] : memref<2500x2x128xi32, #tpu.memory_space<hbm>> -> memref<125x1x128xi32, #tpu.memory_space<hbm>>
    tpu.wait_dma2 semaphore(%arg13 : memref<!tpu.dma_semaphore, #tpu.memory_space<semaphore_mem>>) src(%dma_wait3A_261 : memref<125x1x128xi32, #tpu.memory_space<hbm>>) dst(%dma_wait3A_258 : memref<125x1x128xi32, #tpu.memory_space<vmem>>)
    %mul3A_262 = arith.constant 1250 : i32
    %mul3A_263 = arith.muli %arg0, %mul3A_262 : i32
    %add3A_264 = arith.constant 375 : i32
    %add3A_265 = arith.addi %mul3A_263, %add3A_264 : i32
    %dma_start3A_266 = arith.constant 1 : i32
    %dma_start3A_267 = arith.constant 0 : i32
    %dma_start3A_268 = arith.constant 0 : i32
    %dma_start3A_269 = arith.constant 0 : i32
    %dma_start3A_270 = arith.constant 0 : i32
    %dma_start3A_271 = tpu.memref_slice %arg6[%dma_start3A_266, %dma_start3A_267, %dma_start3A_268, %dma_start3A_269, %dma_start3A_270] : memref<2x1x125x1x128xf32, #tpu.memory_space<vmem>> -> memref<1x1x125x1x128xf32, #tpu.memory_space<vmem>>
    %dma_start3A_272 = tpu.memref_squeeze %dma_start3A_271 : memref<1x1x125x1x128xf32, #tpu.memory_space<vmem>> -> memref<1x125x1x128xf32, #tpu.memory_space<vmem>>
    %dma_start3A_273 = arith.constant 0 : i32
    %dma_start3A_274 = tpu.memref_slice %arg2[%select_n3A, %add3A_265, %select_n3A_30, %dma_start3A_273] : memref<2x2500x8x128xf32, #tpu.memory_space<hbm>> -> memref<1x125x1x128xf32, #tpu.memory_space<hbm>>
    %dma_start3A_275 = arith.constant 0 : i32
    %dma_start3A_276 = arith.constant 0 : i32
    %dma_start3A_277 = arith.constant 0 : i32
    %dma_start3A_278 = arith.constant 0 : i32
    %dma_start3A_279 = tpu.memref_slice %arg6[%dma_start3A_266, %dma_start3A_275, %dma_start3A_276, %dma_start3A_277, %dma_start3A_278] : memref<2x1x125x1x128xf32, #tpu.memory_space<vmem>> -> memref<1x1x125x1x128xf32, #tpu.memory_space<vmem>>
    %dma_start3A_280 = tpu.memref_squeeze %dma_start3A_279 : memref<1x1x125x1x128xf32, #tpu.memory_space<vmem>> -> memref<1x125x1x128xf32, #tpu.memory_space<vmem>>
    %dma_start3A_281 = arith.constant 0 : i32
    %dma_start3A_282 = tpu.memref_slice %arg2[%select_n3A, %add3A_265, %select_n3A_30, %dma_start3A_281] : memref<2x2500x8x128xf32, #tpu.memory_space<hbm>> -> memref<1x125x1x128xf32, #tpu.memory_space<hbm>>
    tpu.enqueue_dma source(%dma_start3A_282 : memref<1x125x1x128xf32, #tpu.memory_space<hbm>>) target(%dma_start3A_280 : memref<1x125x1x128xf32, #tpu.memory_space<vmem>>) target_semaphore(%arg12 : memref<!tpu.dma_semaphore, #tpu.memory_space<semaphore_mem>>)
    %dma_start3A_283 = arith.constant 1 : i32
    %dma_start3A_284 = arith.constant 0 : i32
    %dma_start3A_285 = arith.constant 0 : i32
    %dma_start3A_286 = arith.constant 0 : i32
    %dma_start3A_287 = tpu.memref_slice %arg7[%dma_start3A_283, %dma_start3A_284, %dma_start3A_285, %dma_start3A_286] : memref<2x125x1x128xi32, #tpu.memory_space<vmem>> -> memref<1x125x1x128xi32, #tpu.memory_space<vmem>>
    %dma_start3A_288 = tpu.memref_squeeze %dma_start3A_287 : memref<1x125x1x128xi32, #tpu.memory_space<vmem>> -> memref<125x1x128xi32, #tpu.memory_space<vmem>>
    %dma_start3A_289 = arith.constant 1 : i32
    %dma_start3A_290 = arith.constant 0 : i32
    %dma_start3A_291 = tpu.memref_slice %arg3[%add3A_265, %dma_start3A_289, %dma_start3A_290] : memref<2500x2x128xi32, #tpu.memory_space<hbm>> -> memref<125x1x128xi32, #tpu.memory_space<hbm>>
    %dma_start3A_292 = arith.constant 0 : i32
    %dma_start3A_293 = arith.constant 0 : i32
    %dma_start3A_294 = arith.constant 0 : i32
    %dma_start3A_295 = tpu.memref_slice %arg7[%dma_start3A_283, %dma_start3A_292, %dma_start3A_293, %dma_start3A_294] : memref<2x125x1x128xi32, #tpu.memory_space<vmem>> -> memref<1x125x1x128xi32, #tpu.memory_space<vmem>>
    %dma_start3A_296 = tpu.memref_squeeze %dma_start3A_295 : memref<1x125x1x128xi32, #tpu.memory_space<vmem>> -> memref<125x1x128xi32, #tpu.memory_space<vmem>>
    %dma_start3A_297 = arith.constant 1 : i32
    %dma_start3A_298 = arith.constant 0 : i32
    %dma_start3A_299 = tpu.memref_slice %arg3[%add3A_265, %dma_start3A_297, %dma_start3A_298] : memref<2500x2x128xi32, #tpu.memory_space<hbm>> -> memref<125x1x128xi32, #tpu.memory_space<hbm>>
    tpu.enqueue_dma source(%dma_start3A_299 : memref<125x1x128xi32, #tpu.memory_space<hbm>>) target(%dma_start3A_296 : memref<125x1x128xi32, #tpu.memory_space<vmem>>) target_semaphore(%arg13 : memref<!tpu.dma_semaphore, #tpu.memory_space<semaphore_mem>>)
    %parallel_loop3A_300 = arith.constant 0 : i32
    %parallel_loop3A_301 = arith.constant 125 : i32
    %parallel_loop3A_302 = arith.constant 1 : i32
    scf.for %parallel_loop3A_808 = %parallel_loop3A_300 to %parallel_loop3A_301 step %parallel_loop3A_302  : i32 {
      %parallel_loop3A_809 = arith.constant 0 : i32
      %parallel_loop3A_810 = arith.constant 0 : i32
      %parallel_loop3A_811 = arith.index_cast %parallel_loop3A_809 : i32 to index
      %parallel_loop3A_812 = arith.index_cast %parallel_loop3A_808 : i32 to index
      %parallel_loop3A_813 = arith.index_cast %parallel_loop3A_810 : i32 to index
      %parallel_loop3A_814 = arith.constant 0 : index
      %parallel_loop3A_815 = tpu.vector_load %arg7[%parallel_loop3A_811, %parallel_loop3A_812, %parallel_loop3A_813, %parallel_loop3A_814] {strides = array<i32>} : memref<2x125x1x128xi32, #tpu.memory_space<vmem>>, vector<16xi32>,
      %parallel_loop3A_816 = arith.constant 0 : i32
      %parallel_loop3A_817 = arith.constant 0 : i32
      %parallel_loop3A_818 = arith.constant 0 : i32
      %parallel_loop3A_819 = arith.index_cast %parallel_loop3A_816 : i32 to index
      %parallel_loop3A_820 = arith.index_cast %parallel_loop3A_817 : i32 to index
      %parallel_loop3A_821 = arith.index_cast %parallel_loop3A_808 : i32 to index
      %parallel_loop3A_822 = arith.index_cast %parallel_loop3A_818 : i32 to index
      %parallel_loop3A_823 = arith.constant 0 : index
      %parallel_loop3A_824 = tpu.vector_load %arg6[%parallel_loop3A_819, %parallel_loop3A_820, %parallel_loop3A_821, %parallel_loop3A_822, %parallel_loop3A_823] {strides = array<i32>} : memref<2x1x125x1x128xf32, #tpu.memory_space<vmem>>, vector<16xf32>,
      tpu.vector_store_idx %arg10[%parallel_loop3A_815], %parallel_loop3A_824 {add = true} : memref<10240xf32, #tpu.memory_space<vmem>>[vector<16xi32>], vector<16xf32>,
      %parallel_loop3A_825 = arith.constant 0 : i32
      %parallel_loop3A_826 = arith.constant 0 : i32
      %parallel_loop3A_827 = arith.index_cast %parallel_loop3A_825 : i32 to index
      %parallel_loop3A_828 = arith.index_cast %parallel_loop3A_808 : i32 to index
      %parallel_loop3A_829 = arith.index_cast %parallel_loop3A_826 : i32 to index
      %parallel_loop3A_830 = arith.constant 16 : index
      %parallel_loop3A_831 = tpu.vector_load %arg7[%parallel_loop3A_827, %parallel_loop3A_828, %parallel_loop3A_829, %parallel_loop3A_830] {strides = array<i32>} : memref<2x125x1x128xi32, #tpu.memory_space<vmem>>, vector<16xi32>,
      %parallel_loop3A_832 = arith.constant 0 : i32
      %parallel_loop3A_833 = arith.constant 0 : i32
      %parallel_loop3A_834 = arith.constant 0 : i32
      %parallel_loop3A_835 = arith.index_cast %parallel_loop3A_832 : i32 to index
      %parallel_loop3A_836 = arith.index_cast %parallel_loop3A_833 : i32 to index
      %parallel_loop3A_837 = arith.index_cast %parallel_loop3A_808 : i32 to index
      %parallel_loop3A_838 = arith.index_cast %parallel_loop3A_834 : i32 to index
      %parallel_loop3A_839 = arith.constant 16 : index
      %parallel_loop3A_840 = tpu.vector_load %arg6[%parallel_loop3A_835, %parallel_loop3A_836, %parallel_loop3A_837, %parallel_loop3A_838, %parallel_loop3A_839] {strides = array<i32>} : memref<2x1x125x1x128xf32, #tpu.memory_space<vmem>>, vector<16xf32>,
      tpu.vector_store_idx %arg10[%parallel_loop3A_831], %parallel_loop3A_840 {add = true} : memref<10240xf32, #tpu.memory_space<vmem>>[vector<16xi32>], vector<16xf32>,
      %parallel_loop3A_841 = arith.constant 0 : i32
      %parallel_loop3A_842 = arith.constant 0 : i32
      %parallel_loop3A_843 = arith.index_cast %parallel_loop3A_841 : i32 to index
      %parallel_loop3A_844 = arith.index_cast %parallel_loop3A_808 : i32 to index
      %parallel_loop3A_845 = arith.index_cast %parallel_loop3A_842 : i32 to index
      %parallel_loop3A_846 = arith.constant 32 : index
      %parallel_loop3A_847 = tpu.vector_load %arg7[%parallel_loop3A_843, %parallel_loop3A_844, %parallel_loop3A_845, %parallel_loop3A_846] {strides = array<i32>} : memref<2x125x1x128xi32, #tpu.memory_space<vmem>>, vector<16xi32>,
      %parallel_loop3A_848 = arith.constant 0 : i32
      %parallel_loop3A_849 = arith.constant 0 : i32
      %parallel_loop3A_850 = arith.constant 0 : i32
      %parallel_loop3A_851 = arith.index_cast %parallel_loop3A_848 : i32 to index
      %parallel_loop3A_852 = arith.index_cast %parallel_loop3A_849 : i32 to index
      %parallel_loop3A_853 = arith.index_cast %parallel_loop3A_808 : i32 to index
      %parallel_loop3A_854 = arith.index_cast %parallel_loop3A_850 : i32 to index
      %parallel_loop3A_855 = arith.constant 32 : index
      %parallel_loop3A_856 = tpu.vector_load %arg6[%parallel_loop3A_851, %parallel_loop3A_852, %parallel_loop3A_853, %parallel_loop3A_854, %parallel_loop3A_855] {strides = array<i32>} : memref<2x1x125x1x128xf32, #tpu.memory_space<vmem>>, vector<16xf32>,
      tpu.vector_store_idx %arg10[%parallel_loop3A_847], %parallel_loop3A_856 {add = true} : memref<10240xf32, #tpu.memory_space<vmem>>[vector<16xi32>], vector<16xf32>,
      %parallel_loop3A_857 = arith.constant 0 : i32
      %parallel_loop3A_858 = arith.constant 0 : i32
      %parallel_loop3A_859 = arith.index_cast %parallel_loop3A_857 : i32 to index
      %parallel_loop3A_860 = arith.index_cast %parallel_loop3A_808 : i32 to index
      %parallel_loop3A_861 = arith.index_cast %parallel_loop3A_858 : i32 to index
      %parallel_loop3A_862 = arith.constant 48 : index
      %parallel_loop3A_863 = tpu.vector_load %arg7[%parallel_loop3A_859, %parallel_loop3A_860, %parallel_loop3A_861, %parallel_loop3A_862] {strides = array<i32>} : memref<2x125x1x128xi32, #tpu.memory_space<vmem>>, vector<16xi32>,
      %parallel_loop3A_864 = arith.constant 0 : i32
      %parallel_loop3A_865 = arith.constant 0 : i32
      %parallel_loop3A_866 = arith.constant 0 : i32
      %parallel_loop3A_867 = arith.index_cast %parallel_loop3A_864 : i32 to index
      %parallel_loop3A_868 = arith.index_cast %parallel_loop3A_865 : i32 to index
      %parallel_loop3A_869 = arith.index_cast %parallel_loop3A_808 : i32 to index
      %parallel_loop3A_870 = arith.index_cast %parallel_loop3A_866 : i32 to index
      %parallel_loop3A_871 = arith.constant 48 : index
      %parallel_loop3A_872 = tpu.vector_load %arg6[%parallel_loop3A_867, %parallel_loop3A_868, %parallel_loop3A_869, %parallel_loop3A_870, %parallel_loop3A_871] {strides = array<i32>} : memref<2x1x125x1x128xf32, #tpu.memory_space<vmem>>, vector<16xf32>,
      tpu.vector_store_idx %arg10[%parallel_loop3A_863], %parallel_loop3A_872 {add = true} : memref<10240xf32, #tpu.memory_space<vmem>>[vector<16xi32>], vector<16xf32>,
      %parallel_loop3A_873 = arith.constant 0 : i32
      %parallel_loop3A_874 = arith.constant 0 : i32
      %parallel_loop3A_875 = arith.index_cast %parallel_loop3A_873 : i32 to index
      %parallel_loop3A_876 = arith.index_cast %parallel_loop3A_808 : i32 to index
      %parallel_loop3A_877 = arith.index_cast %parallel_loop3A_874 : i32 to index
      %parallel_loop3A_878 = arith.constant 64 : index
      %parallel_loop3A_879 = tpu.vector_load %arg7[%parallel_loop3A_875, %parallel_loop3A_876, %parallel_loop3A_877, %parallel_loop3A_878] {strides = array<i32>} : memref<2x125x1x128xi32, #tpu.memory_space<vmem>>, vector<16xi32>,
      %parallel_loop3A_880 = arith.constant 0 : i32
      %parallel_loop3A_881 = arith.constant 0 : i32
      %parallel_loop3A_882 = arith.constant 0 : i32
      %parallel_loop3A_883 = arith.index_cast %parallel_loop3A_880 : i32 to index
      %parallel_loop3A_884 = arith.index_cast %parallel_loop3A_881 : i32 to index
      %parallel_loop3A_885 = arith.index_cast %parallel_loop3A_808 : i32 to index
      %parallel_loop3A_886 = arith.index_cast %parallel_loop3A_882 : i32 to index
      %parallel_loop3A_887 = arith.constant 64 : index
      %parallel_loop3A_888 = tpu.vector_load %arg6[%parallel_loop3A_883, %parallel_loop3A_884, %parallel_loop3A_885, %parallel_loop3A_886, %parallel_loop3A_887] {strides = array<i32>} : memref<2x1x125x1x128xf32, #tpu.memory_space<vmem>>, vector<16xf32>,
      tpu.vector_store_idx %arg10[%parallel_loop3A_879], %parallel_loop3A_888 {add = true} : memref<10240xf32, #tpu.memory_space<vmem>>[vector<16xi32>], vector<16xf32>,
      %parallel_loop3A_889 = arith.constant 0 : i32
      %parallel_loop3A_890 = arith.constant 0 : i32
      %parallel_loop3A_891 = arith.index_cast %parallel_loop3A_889 : i32 to index
      %parallel_loop3A_892 = arith.index_cast %parallel_loop3A_808 : i32 to index
      %parallel_loop3A_893 = arith.index_cast %parallel_loop3A_890 : i32 to index
      %parallel_loop3A_894 = arith.constant 80 : index
      %parallel_loop3A_895 = tpu.vector_load %arg7[%parallel_loop3A_891, %parallel_loop3A_892, %parallel_loop3A_893, %parallel_loop3A_894] {strides = array<i32>} : memref<2x125x1x128xi32, #tpu.memory_space<vmem>>, vector<16xi32>,
      %parallel_loop3A_896 = arith.constant 0 : i32
      %parallel_loop3A_897 = arith.constant 0 : i32
      %parallel_loop3A_898 = arith.constant 0 : i32
      %parallel_loop3A_899 = arith.index_cast %parallel_loop3A_896 : i32 to index
      %parallel_loop3A_900 = arith.index_cast %parallel_loop3A_897 : i32 to index
      %parallel_loop3A_901 = arith.index_cast %parallel_loop3A_808 : i32 to index
      %parallel_loop3A_902 = arith.index_cast %parallel_loop3A_898 : i32 to index
      %parallel_loop3A_903 = arith.constant 80 : index
      %parallel_loop3A_904 = tpu.vector_load %arg6[%parallel_loop3A_899, %parallel_loop3A_900, %parallel_loop3A_901, %parallel_loop3A_902, %parallel_loop3A_903] {strides = array<i32>} : memref<2x1x125x1x128xf32, #tpu.memory_space<vmem>>, vector<16xf32>,
      tpu.vector_store_idx %arg10[%parallel_loop3A_895], %parallel_loop3A_904 {add = true} : memref<10240xf32, #tpu.memory_space<vmem>>[vector<16xi32>], vector<16xf32>,
      %parallel_loop3A_905 = arith.constant 0 : i32
      %parallel_loop3A_906 = arith.constant 0 : i32
      %parallel_loop3A_907 = arith.index_cast %parallel_loop3A_905 : i32 to index
      %parallel_loop3A_908 = arith.index_cast %parallel_loop3A_808 : i32 to index
      %parallel_loop3A_909 = arith.index_cast %parallel_loop3A_906 : i32 to index
      %parallel_loop3A_910 = arith.constant 96 : index
      %parallel_loop3A_911 = tpu.vector_load %arg7[%parallel_loop3A_907, %parallel_loop3A_908, %parallel_loop3A_909, %parallel_loop3A_910] {strides = array<i32>} : memref<2x125x1x128xi32, #tpu.memory_space<vmem>>, vector<16xi32>,
      %parallel_loop3A_912 = arith.constant 0 : i32
      %parallel_loop3A_913 = arith.constant 0 : i32
      %parallel_loop3A_914 = arith.constant 0 : i32
      %parallel_loop3A_915 = arith.index_cast %parallel_loop3A_912 : i32 to index
      %parallel_loop3A_916 = arith.index_cast %parallel_loop3A_913 : i32 to index
      %parallel_loop3A_917 = arith.index_cast %parallel_loop3A_808 : i32 to index
      %parallel_loop3A_918 = arith.index_cast %parallel_loop3A_914 : i32 to index
      %parallel_loop3A_919 = arith.constant 96 : index
      %parallel_loop3A_920 = tpu.vector_load %arg6[%parallel_loop3A_915, %parallel_loop3A_916, %parallel_loop3A_917, %parallel_loop3A_918, %parallel_loop3A_919] {strides = array<i32>} : memref<2x1x125x1x128xf32, #tpu.memory_space<vmem>>, vector<16xf32>,
      tpu.vector_store_idx %arg10[%parallel_loop3A_911], %parallel_loop3A_920 {add = true} : memref<10240xf32, #tpu.memory_space<vmem>>[vector<16xi32>], vector<16xf32>,
      %parallel_loop3A_921 = arith.constant 0 : i32
      %parallel_loop3A_922 = arith.constant 0 : i32
      %parallel_loop3A_923 = arith.index_cast %parallel_loop3A_921 : i32 to index
      %parallel_loop3A_924 = arith.index_cast %parallel_loop3A_808 : i32 to index
      %parallel_loop3A_925 = arith.index_cast %parallel_loop3A_922 : i32 to index
      %parallel_loop3A_926 = arith.constant 112 : index
      %parallel_loop3A_927 = tpu.vector_load %arg7[%parallel_loop3A_923, %parallel_loop3A_924, %parallel_loop3A_925, %parallel_loop3A_926] {strides = array<i32>} : memref<2x125x1x128xi32, #tpu.memory_space<vmem>>, vector<16xi32>,
      %parallel_loop3A_928 = arith.constant 0 : i32
      %parallel_loop3A_929 = arith.constant 0 : i32
      %parallel_loop3A_930 = arith.constant 0 : i32
      %parallel_loop3A_931 = arith.index_cast %parallel_loop3A_928 : i32 to index
      %parallel_loop3A_932 = arith.index_cast %parallel_loop3A_929 : i32 to index
      %parallel_loop3A_933 = arith.index_cast %parallel_loop3A_808 : i32 to index
      %parallel_loop3A_934 = arith.index_cast %parallel_loop3A_930 : i32 to index
      %parallel_loop3A_935 = arith.constant 112 : index
      %parallel_loop3A_936 = tpu.vector_load %arg6[%parallel_loop3A_931, %parallel_loop3A_932, %parallel_loop3A_933, %parallel_loop3A_934, %parallel_loop3A_935] {strides = array<i32>} : memref<2x1x125x1x128xf32, #tpu.memory_space<vmem>>, vector<16xf32>,
      tpu.vector_store_idx %arg10[%parallel_loop3A_927], %parallel_loop3A_936 {add = true} : memref<10240xf32, #tpu.memory_space<vmem>>[vector<16xi32>], vector<16xf32>,
    } {sc.loop_unroll_factor = 4 : i64, sc.parallel_access}
    %dma_wait3A_303 = arith.constant 1 : i32
    %dma_wait3A_304 = arith.constant 0 : i32
    %dma_wait3A_305 = arith.constant 0 : i32
    %dma_wait3A_306 = arith.constant 0 : i32
    %dma_wait3A_307 = arith.constant 0 : i32
    %dma_wait3A_308 = tpu.memref_slice %arg6[%dma_wait3A_303, %dma_wait3A_304, %dma_wait3A_305, %dma_wait3A_306, %dma_wait3A_307] : memref<2x1x125x1x128xf32, #tpu.memory_space<vmem>> -> memref<1x1x125x1x128xf32, #tpu.memory_space<vmem>>
    %dma_wait3A_309 = tpu.memref_squeeze %dma_wait3A_308 : memref<1x1x125x1x128xf32, #tpu.memory_space<vmem>> -> memref<1x125x1x128xf32, #tpu.memory_space<vmem>>
    %dma_wait3A_310 = arith.constant 0 : i32
    %dma_wait3A_311 = tpu.memref_slice %arg2[%select_n3A, %add3A_265, %select_n3A_30, %dma_wait3A_310] : memref<2x2500x8x128xf32, #tpu.memory_space<hbm>> -> memref<1x125x1x128xf32, #tpu.memory_space<hbm>>
    %dma_wait3A_312 = arith.constant 0 : i32
    %dma_wait3A_313 = arith.constant 0 : i32
    %dma_wait3A_314 = arith.constant 0 : i32
    %dma_wait3A_315 = arith.constant 0 : i32
    %dma_wait3A_316 = tpu.memref_slice %arg6[%dma_wait3A_303, %dma_wait3A_312, %dma_wait3A_313, %dma_wait3A_314, %dma_wait3A_315] : memref<2x1x125x1x128xf32, #tpu.memory_space<vmem>> -> memref<1x1x125x1x128xf32, #tpu.memory_space<vmem>>
    %dma_wait3A_317 = tpu.memref_squeeze %dma_wait3A_316 : memref<1x1x125x1x128xf32, #tpu.memory_space<vmem>> -> memref<1x125x1x128xf32, #tpu.memory_space<vmem>>
    %dma_wait3A_318 = arith.constant 0 : i32
    %dma_wait3A_319 = tpu.memref_slice %arg2[%select_n3A, %add3A_265, %select_n3A_30, %dma_wait3A_318] : memref<2x2500x8x128xf32, #tpu.memory_space<hbm>> -> memref<1x125x1x128xf32, #tpu.memory_space<hbm>>
    tpu.wait_dma2 semaphore(%arg12 : memref<!tpu.dma_semaphore, #tpu.memory_space<semaphore_mem>>) src(%dma_wait3A_319 : memref<1x125x1x128xf32, #tpu.memory_space<hbm>>) dst(%dma_wait3A_317 : memref<1x125x1x128xf32, #tpu.memory_space<vmem>>)
    %dma_wait3A_320 = arith.constant 1 : i32
    %dma_wait3A_321 = arith.constant 0 : i32
    %dma_wait3A_322 = arith.constant 0 : i32
    %dma_wait3A_323 = arith.constant 0 : i32
    %dma_wait3A_324 = tpu.memref_slice %arg7[%dma_wait3A_320, %dma_wait3A_321, %dma_wait3A_322, %dma_wait3A_323] : memref<2x125x1x128xi32, #tpu.memory_space<vmem>> -> memref<1x125x1x128xi32, #tpu.memory_space<vmem>>
    %dma_wait3A_325 = tpu.memref_squeeze %dma_wait3A_324 : memref<1x125x1x128xi32, #tpu.memory_space<vmem>> -> memref<125x1x128xi32, #tpu.memory_space<vmem>>
    %dma_wait3A_326 = arith.constant 1 : i32
    %dma_wait3A_327 = arith.constant 0 : i32
    %dma_wait3A_328 = tpu.memref_slice %arg3[%add3A_265, %dma_wait3A_326, %dma_wait3A_327] : memref<2500x2x128xi32, #tpu.memory_space<hbm>> -> memref<125x1x128xi32, #tpu.memory_space<hbm>>
    %dma_wait3A_329 = arith.constant 0 : i32
    %dma_wait3A_330 = arith.constant 0 : i32
    %dma_wait3A_331 = arith.constant 0 : i32
    %dma_wait3A_332 = tpu.memref_slice %arg7[%dma_wait3A_320, %dma_wait3A_329, %dma_wait3A_330, %dma_wait3A_331] : memref<2x125x1x128xi32, #tpu.memory_space<vmem>> -> memref<1x125x1x128xi32, #tpu.memory_space<vmem>>
    %dma_wait3A_333 = tpu.memref_squeeze %dma_wait3A_332 : memref<1x125x1x128xi32, #tpu.memory_space<vmem>> -> memref<125x1x128xi32, #tpu.memory_space<vmem>>
    %dma_wait3A_334 = arith.constant 1 : i32
    %dma_wait3A_335 = arith.constant 0 : i32
    %dma_wait3A_336 = tpu.memref_slice %arg3[%add3A_265, %dma_wait3A_334, %dma_wait3A_335] : memref<2500x2x128xi32, #tpu.memory_space<hbm>> -> memref<125x1x128xi32, #tpu.memory_space<hbm>>
    tpu.wait_dma2 semaphore(%arg13 : memref<!tpu.dma_semaphore, #tpu.memory_space<semaphore_mem>>) src(%dma_wait3A_336 : memref<125x1x128xi32, #tpu.memory_space<hbm>>) dst(%dma_wait3A_333 : memref<125x1x128xi32, #tpu.memory_space<vmem>>)
    %mul3A_337 = arith.constant 1250 : i32
    %mul3A_338 = arith.muli %arg0, %mul3A_337 : i32
    %add3A_339 = arith.constant 500 : i32
    %add3A_340 = arith.addi %mul3A_338, %add3A_339 : i32
    %dma_start3A_341 = arith.constant 0 : i32
    %dma_start3A_342 = arith.constant 0 : i32
    %dma_start3A_343 = arith.constant 0 : i32
    %dma_start3A_344 = arith.constant 0 : i32
    %dma_start3A_345 = arith.constant 0 : i32
    %dma_start3A_346 = tpu.memref_slice %arg6[%dma_start3A_341, %dma_start3A_342, %dma_start3A_343, %dma_start3A_344, %dma_start3A_345] : memref<2x1x125x1x128xf32, #tpu.memory_space<vmem>> -> memref<1x1x125x1x128xf32, #tpu.memory_space<vmem>>
    %dma_start3A_347 = tpu.memref_squeeze %dma_start3A_346 : memref<1x1x125x1x128xf32, #tpu.memory_space<vmem>> -> memref<1x125x1x128xf32, #tpu.memory_space<vmem>>
    %dma_start3A_348 = arith.constant 0 : i32
    %dma_start3A_349 = tpu.memref_slice %arg2[%select_n3A, %add3A_340, %select_n3A_30, %dma_start3A_348] : memref<2x2500x8x128xf32, #tpu.memory_space<hbm>> -> memref<1x125x1x128xf32, #tpu.memory_space<hbm>>
    %dma_start3A_350 = arith.constant 0 : i32
    %dma_start3A_351 = arith.constant 0 : i32
    %dma_start3A_352 = arith.constant 0 : i32
    %dma_start3A_353 = arith.constant 0 : i32
    %dma_start3A_354 = tpu.memref_slice %arg6[%dma_start3A_341, %dma_start3A_350, %dma_start3A_351, %dma_start3A_352, %dma_start3A_353] : memref<2x1x125x1x128xf32, #tpu.memory_space<vmem>> -> memref<1x1x125x1x128xf32, #tpu.memory_space<vmem>>
    %dma_start3A_355 = tpu.memref_squeeze %dma_start3A_354 : memref<1x1x125x1x128xf32, #tpu.memory_space<vmem>> -> memref<1x125x1x128xf32, #tpu.memory_space<vmem>>
    %dma_start3A_356 = arith.constant 0 : i32
    %dma_start3A_357 = tpu.memref_slice %arg2[%select_n3A, %add3A_340, %select_n3A_30, %dma_start3A_356] : memref<2x2500x8x128xf32, #tpu.memory_space<hbm>> -> memref<1x125x1x128xf32, #tpu.memory_space<hbm>>
    tpu.enqueue_dma source(%dma_start3A_357 : memref<1x125x1x128xf32, #tpu.memory_space<hbm>>) target(%dma_start3A_355 : memref<1x125x1x128xf32, #tpu.memory_space<vmem>>) target_semaphore(%arg12 : memref<!tpu.dma_semaphore, #tpu.memory_space<semaphore_mem>>)
    %dma_start3A_358 = arith.constant 0 : i32
    %dma_start3A_359 = arith.constant 0 : i32
    %dma_start3A_360 = arith.constant 0 : i32
    %dma_start3A_361 = arith.constant 0 : i32
    %dma_start3A_362 = tpu.memref_slice %arg7[%dma_start3A_358, %dma_start3A_359, %dma_start3A_360, %dma_start3A_361] : memref<2x125x1x128xi32, #tpu.memory_space<vmem>> -> memref<1x125x1x128xi32, #tpu.memory_space<vmem>>
    %dma_start3A_363 = tpu.memref_squeeze %dma_start3A_362 : memref<1x125x1x128xi32, #tpu.memory_space<vmem>> -> memref<125x1x128xi32, #tpu.memory_space<vmem>>
    %dma_start3A_364 = arith.constant 1 : i32
    %dma_start3A_365 = arith.constant 0 : i32
    %dma_start3A_366 = tpu.memref_slice %arg3[%add3A_340, %dma_start3A_364, %dma_start3A_365] : memref<2500x2x128xi32, #tpu.memory_space<hbm>> -> memref<125x1x128xi32, #tpu.memory_space<hbm>>
    %dma_start3A_367 = arith.constant 0 : i32
    %dma_start3A_368 = arith.constant 0 : i32
    %dma_start3A_369 = arith.constant 0 : i32
    %dma_start3A_370 = tpu.memref_slice %arg7[%dma_start3A_358, %dma_start3A_367, %dma_start3A_368, %dma_start3A_369] : memref<2x125x1x128xi32, #tpu.memory_space<vmem>> -> memref<1x125x1x128xi32, #tpu.memory_space<vmem>>
    %dma_start3A_371 = tpu.memref_squeeze %dma_start3A_370 : memref<1x125x1x128xi32, #tpu.memory_space<vmem>> -> memref<125x1x128xi32, #tpu.memory_space<vmem>>
    %dma_start3A_372 = arith.constant 1 : i32
    %dma_start3A_373 = arith.constant 0 : i32
    %dma_start3A_374 = tpu.memref_slice %arg3[%add3A_340, %dma_start3A_372, %dma_start3A_373] : memref<2500x2x128xi32, #tpu.memory_space<hbm>> -> memref<125x1x128xi32, #tpu.memory_space<hbm>>
    tpu.enqueue_dma source(%dma_start3A_374 : memref<125x1x128xi32, #tpu.memory_space<hbm>>) target(%dma_start3A_371 : memref<125x1x128xi32, #tpu.memory_space<vmem>>) target_semaphore(%arg13 : memref<!tpu.dma_semaphore, #tpu.memory_space<semaphore_mem>>)
    %parallel_loop3A_375 = arith.constant 0 : i32
    %parallel_loop3A_376 = arith.constant 125 : i32
    %parallel_loop3A_377 = arith.constant 1 : i32
    scf.for %parallel_loop3A_808 = %parallel_loop3A_375 to %parallel_loop3A_376 step %parallel_loop3A_377  : i32 {
      %parallel_loop3A_809 = arith.constant 1 : i32
      %parallel_loop3A_810 = arith.constant 0 : i32
      %parallel_loop3A_811 = arith.index_cast %parallel_loop3A_809 : i32 to index
      %parallel_loop3A_812 = arith.index_cast %parallel_loop3A_808 : i32 to index
      %parallel_loop3A_813 = arith.index_cast %parallel_loop3A_810 : i32 to index
      %parallel_loop3A_814 = arith.constant 0 : index
      %parallel_loop3A_815 = tpu.vector_load %arg7[%parallel_loop3A_811, %parallel_loop3A_812, %parallel_loop3A_813, %parallel_loop3A_814] {strides = array<i32>} : memref<2x125x1x128xi32, #tpu.memory_space<vmem>>, vector<16xi32>,
      %parallel_loop3A_816 = arith.constant 1 : i32
      %parallel_loop3A_817 = arith.constant 0 : i32
      %parallel_loop3A_818 = arith.constant 0 : i32
      %parallel_loop3A_819 = arith.index_cast %parallel_loop3A_816 : i32 to index
      %parallel_loop3A_820 = arith.index_cast %parallel_loop3A_817 : i32 to index
      %parallel_loop3A_821 = arith.index_cast %parallel_loop3A_808 : i32 to index
      %parallel_loop3A_822 = arith.index_cast %parallel_loop3A_818 : i32 to index
      %parallel_loop3A_823 = arith.constant 0 : index
      %parallel_loop3A_824 = tpu.vector_load %arg6[%parallel_loop3A_819, %parallel_loop3A_820, %parallel_loop3A_821, %parallel_loop3A_822, %parallel_loop3A_823] {strides = array<i32>} : memref<2x1x125x1x128xf32, #tpu.memory_space<vmem>>, vector<16xf32>,
      tpu.vector_store_idx %arg10[%parallel_loop3A_815], %parallel_loop3A_824 {add = true} : memref<10240xf32, #tpu.memory_space<vmem>>[vector<16xi32>], vector<16xf32>,
      %parallel_loop3A_825 = arith.constant 1 : i32
      %parallel_loop3A_826 = arith.constant 0 : i32
      %parallel_loop3A_827 = arith.index_cast %parallel_loop3A_825 : i32 to index
      %parallel_loop3A_828 = arith.index_cast %parallel_loop3A_808 : i32 to index
      %parallel_loop3A_829 = arith.index_cast %parallel_loop3A_826 : i32 to index
      %parallel_loop3A_830 = arith.constant 16 : index
      %parallel_loop3A_831 = tpu.vector_load %arg7[%parallel_loop3A_827, %parallel_loop3A_828, %parallel_loop3A_829, %parallel_loop3A_830] {strides = array<i32>} : memref<2x125x1x128xi32, #tpu.memory_space<vmem>>, vector<16xi32>,
      %parallel_loop3A_832 = arith.constant 1 : i32
      %parallel_loop3A_833 = arith.constant 0 : i32
      %parallel_loop3A_834 = arith.constant 0 : i32
      %parallel_loop3A_835 = arith.index_cast %parallel_loop3A_832 : i32 to index
      %parallel_loop3A_836 = arith.index_cast %parallel_loop3A_833 : i32 to index
      %parallel_loop3A_837 = arith.index_cast %parallel_loop3A_808 : i32 to index
      %parallel_loop3A_838 = arith.index_cast %parallel_loop3A_834 : i32 to index
      %parallel_loop3A_839 = arith.constant 16 : index
      %parallel_loop3A_840 = tpu.vector_load %arg6[%parallel_loop3A_835, %parallel_loop3A_836, %parallel_loop3A_837, %parallel_loop3A_838, %parallel_loop3A_839] {strides = array<i32>} : memref<2x1x125x1x128xf32, #tpu.memory_space<vmem>>, vector<16xf32>,
      tpu.vector_store_idx %arg10[%parallel_loop3A_831], %parallel_loop3A_840 {add = true} : memref<10240xf32, #tpu.memory_space<vmem>>[vector<16xi32>], vector<16xf32>,
      %parallel_loop3A_841 = arith.constant 1 : i32
      %parallel_loop3A_842 = arith.constant 0 : i32
      %parallel_loop3A_843 = arith.index_cast %parallel_loop3A_841 : i32 to index
      %parallel_loop3A_844 = arith.index_cast %parallel_loop3A_808 : i32 to index
      %parallel_loop3A_845 = arith.index_cast %parallel_loop3A_842 : i32 to index
      %parallel_loop3A_846 = arith.constant 32 : index
      %parallel_loop3A_847 = tpu.vector_load %arg7[%parallel_loop3A_843, %parallel_loop3A_844, %parallel_loop3A_845, %parallel_loop3A_846] {strides = array<i32>} : memref<2x125x1x128xi32, #tpu.memory_space<vmem>>, vector<16xi32>,
      %parallel_loop3A_848 = arith.constant 1 : i32
      %parallel_loop3A_849 = arith.constant 0 : i32
      %parallel_loop3A_850 = arith.constant 0 : i32
      %parallel_loop3A_851 = arith.index_cast %parallel_loop3A_848 : i32 to index
      %parallel_loop3A_852 = arith.index_cast %parallel_loop3A_849 : i32 to index
      %parallel_loop3A_853 = arith.index_cast %parallel_loop3A_808 : i32 to index
      %parallel_loop3A_854 = arith.index_cast %parallel_loop3A_850 : i32 to index
      %parallel_loop3A_855 = arith.constant 32 : index
      %parallel_loop3A_856 = tpu.vector_load %arg6[%parallel_loop3A_851, %parallel_loop3A_852, %parallel_loop3A_853, %parallel_loop3A_854, %parallel_loop3A_855] {strides = array<i32>} : memref<2x1x125x1x128xf32, #tpu.memory_space<vmem>>, vector<16xf32>,
      tpu.vector_store_idx %arg10[%parallel_loop3A_847], %parallel_loop3A_856 {add = true} : memref<10240xf32, #tpu.memory_space<vmem>>[vector<16xi32>], vector<16xf32>,
      %parallel_loop3A_857 = arith.constant 1 : i32
      %parallel_loop3A_858 = arith.constant 0 : i32
      %parallel_loop3A_859 = arith.index_cast %parallel_loop3A_857 : i32 to index
      %parallel_loop3A_860 = arith.index_cast %parallel_loop3A_808 : i32 to index
      %parallel_loop3A_861 = arith.index_cast %parallel_loop3A_858 : i32 to index
      %parallel_loop3A_862 = arith.constant 48 : index
      %parallel_loop3A_863 = tpu.vector_load %arg7[%parallel_loop3A_859, %parallel_loop3A_860, %parallel_loop3A_861, %parallel_loop3A_862] {strides = array<i32>} : memref<2x125x1x128xi32, #tpu.memory_space<vmem>>, vector<16xi32>,
      %parallel_loop3A_864 = arith.constant 1 : i32
      %parallel_loop3A_865 = arith.constant 0 : i32
      %parallel_loop3A_866 = arith.constant 0 : i32
      %parallel_loop3A_867 = arith.index_cast %parallel_loop3A_864 : i32 to index
      %parallel_loop3A_868 = arith.index_cast %parallel_loop3A_865 : i32 to index
      %parallel_loop3A_869 = arith.index_cast %parallel_loop3A_808 : i32 to index
      %parallel_loop3A_870 = arith.index_cast %parallel_loop3A_866 : i32 to index
      %parallel_loop3A_871 = arith.constant 48 : index
      %parallel_loop3A_872 = tpu.vector_load %arg6[%parallel_loop3A_867, %parallel_loop3A_868, %parallel_loop3A_869, %parallel_loop3A_870, %parallel_loop3A_871] {strides = array<i32>} : memref<2x1x125x1x128xf32, #tpu.memory_space<vmem>>, vector<16xf32>,
      tpu.vector_store_idx %arg10[%parallel_loop3A_863], %parallel_loop3A_872 {add = true} : memref<10240xf32, #tpu.memory_space<vmem>>[vector<16xi32>], vector<16xf32>,
      %parallel_loop3A_873 = arith.constant 1 : i32
      %parallel_loop3A_874 = arith.constant 0 : i32
      %parallel_loop3A_875 = arith.index_cast %parallel_loop3A_873 : i32 to index
      %parallel_loop3A_876 = arith.index_cast %parallel_loop3A_808 : i32 to index
      %parallel_loop3A_877 = arith.index_cast %parallel_loop3A_874 : i32 to index
      %parallel_loop3A_878 = arith.constant 64 : index
      %parallel_loop3A_879 = tpu.vector_load %arg7[%parallel_loop3A_875, %parallel_loop3A_876, %parallel_loop3A_877, %parallel_loop3A_878] {strides = array<i32>} : memref<2x125x1x128xi32, #tpu.memory_space<vmem>>, vector<16xi32>,
      %parallel_loop3A_880 = arith.constant 1 : i32
      %parallel_loop3A_881 = arith.constant 0 : i32
      %parallel_loop3A_882 = arith.constant 0 : i32
      %parallel_loop3A_883 = arith.index_cast %parallel_loop3A_880 : i32 to index
      %parallel_loop3A_884 = arith.index_cast %parallel_loop3A_881 : i32 to index
      %parallel_loop3A_885 = arith.index_cast %parallel_loop3A_808 : i32 to index
      %parallel_loop3A_886 = arith.index_cast %parallel_loop3A_882 : i32 to index
      %parallel_loop3A_887 = arith.constant 64 : index
      %parallel_loop3A_888 = tpu.vector_load %arg6[%parallel_loop3A_883, %parallel_loop3A_884, %parallel_loop3A_885, %parallel_loop3A_886, %parallel_loop3A_887] {strides = array<i32>} : memref<2x1x125x1x128xf32, #tpu.memory_space<vmem>>, vector<16xf32>,
      tpu.vector_store_idx %arg10[%parallel_loop3A_879], %parallel_loop3A_888 {add = true} : memref<10240xf32, #tpu.memory_space<vmem>>[vector<16xi32>], vector<16xf32>,
      %parallel_loop3A_889 = arith.constant 1 : i32
      %parallel_loop3A_890 = arith.constant 0 : i32
      %parallel_loop3A_891 = arith.index_cast %parallel_loop3A_889 : i32 to index
      %parallel_loop3A_892 = arith.index_cast %parallel_loop3A_808 : i32 to index
      %parallel_loop3A_893 = arith.index_cast %parallel_loop3A_890 : i32 to index
      %parallel_loop3A_894 = arith.constant 80 : index
      %parallel_loop3A_895 = tpu.vector_load %arg7[%parallel_loop3A_891, %parallel_loop3A_892, %parallel_loop3A_893, %parallel_loop3A_894] {strides = array<i32>} : memref<2x125x1x128xi32, #tpu.memory_space<vmem>>, vector<16xi32>,
      %parallel_loop3A_896 = arith.constant 1 : i32
      %parallel_loop3A_897 = arith.constant 0 : i32
      %parallel_loop3A_898 = arith.constant 0 : i32
      %parallel_loop3A_899 = arith.index_cast %parallel_loop3A_896 : i32 to index
      %parallel_loop3A_900 = arith.index_cast %parallel_loop3A_897 : i32 to index
      %parallel_loop3A_901 = arith.index_cast %parallel_loop3A_808 : i32 to index
      %parallel_loop3A_902 = arith.index_cast %parallel_loop3A_898 : i32 to index
      %parallel_loop3A_903 = arith.constant 80 : index
      %parallel_loop3A_904 = tpu.vector_load %arg6[%parallel_loop3A_899, %parallel_loop3A_900, %parallel_loop3A_901, %parallel_loop3A_902, %parallel_loop3A_903] {strides = array<i32>} : memref<2x1x125x1x128xf32, #tpu.memory_space<vmem>>, vector<16xf32>,
      tpu.vector_store_idx %arg10[%parallel_loop3A_895], %parallel_loop3A_904 {add = true} : memref<10240xf32, #tpu.memory_space<vmem>>[vector<16xi32>], vector<16xf32>,
      %parallel_loop3A_905 = arith.constant 1 : i32
      %parallel_loop3A_906 = arith.constant 0 : i32
      %parallel_loop3A_907 = arith.index_cast %parallel_loop3A_905 : i32 to index
      %parallel_loop3A_908 = arith.index_cast %parallel_loop3A_808 : i32 to index
      %parallel_loop3A_909 = arith.index_cast %parallel_loop3A_906 : i32 to index
      %parallel_loop3A_910 = arith.constant 96 : index
      %parallel_loop3A_911 = tpu.vector_load %arg7[%parallel_loop3A_907, %parallel_loop3A_908, %parallel_loop3A_909, %parallel_loop3A_910] {strides = array<i32>} : memref<2x125x1x128xi32, #tpu.memory_space<vmem>>, vector<16xi32>,
      %parallel_loop3A_912 = arith.constant 1 : i32
      %parallel_loop3A_913 = arith.constant 0 : i32
      %parallel_loop3A_914 = arith.constant 0 : i32
      %parallel_loop3A_915 = arith.index_cast %parallel_loop3A_912 : i32 to index
      %parallel_loop3A_916 = arith.index_cast %parallel_loop3A_913 : i32 to index
      %parallel_loop3A_917 = arith.index_cast %parallel_loop3A_808 : i32 to index
      %parallel_loop3A_918 = arith.index_cast %parallel_loop3A_914 : i32 to index
      %parallel_loop3A_919 = arith.constant 96 : index
      %parallel_loop3A_920 = tpu.vector_load %arg6[%parallel_loop3A_915, %parallel_loop3A_916, %parallel_loop3A_917, %parallel_loop3A_918, %parallel_loop3A_919] {strides = array<i32>} : memref<2x1x125x1x128xf32, #tpu.memory_space<vmem>>, vector<16xf32>,
      tpu.vector_store_idx %arg10[%parallel_loop3A_911], %parallel_loop3A_920 {add = true} : memref<10240xf32, #tpu.memory_space<vmem>>[vector<16xi32>], vector<16xf32>,
      %parallel_loop3A_921 = arith.constant 1 : i32
      %parallel_loop3A_922 = arith.constant 0 : i32
      %parallel_loop3A_923 = arith.index_cast %parallel_loop3A_921 : i32 to index
      %parallel_loop3A_924 = arith.index_cast %parallel_loop3A_808 : i32 to index
      %parallel_loop3A_925 = arith.index_cast %parallel_loop3A_922 : i32 to index
      %parallel_loop3A_926 = arith.constant 112 : index
      %parallel_loop3A_927 = tpu.vector_load %arg7[%parallel_loop3A_923, %parallel_loop3A_924, %parallel_loop3A_925, %parallel_loop3A_926] {strides = array<i32>} : memref<2x125x1x128xi32, #tpu.memory_space<vmem>>, vector<16xi32>,
      %parallel_loop3A_928 = arith.constant 1 : i32
      %parallel_loop3A_929 = arith.constant 0 : i32
      %parallel_loop3A_930 = arith.constant 0 : i32
      %parallel_loop3A_931 = arith.index_cast %parallel_loop3A_928 : i32 to index
      %parallel_loop3A_932 = arith.index_cast %parallel_loop3A_929 : i32 to index
      %parallel_loop3A_933 = arith.index_cast %parallel_loop3A_808 : i32 to index
      %parallel_loop3A_934 = arith.index_cast %parallel_loop3A_930 : i32 to index
      %parallel_loop3A_935 = arith.constant 112 : index
      %parallel_loop3A_936 = tpu.vector_load %arg6[%parallel_loop3A_931, %parallel_loop3A_932, %parallel_loop3A_933, %parallel_loop3A_934, %parallel_loop3A_935] {strides = array<i32>} : memref<2x1x125x1x128xf32, #tpu.memory_space<vmem>>, vector<16xf32>,
      tpu.vector_store_idx %arg10[%parallel_loop3A_927], %parallel_loop3A_936 {add = true} : memref<10240xf32, #tpu.memory_space<vmem>>[vector<16xi32>], vector<16xf32>,
    } {sc.loop_unroll_factor = 4 : i64, sc.parallel_access}
    %dma_wait3A_378 = arith.constant 0 : i32
    %dma_wait3A_379 = arith.constant 0 : i32
    %dma_wait3A_380 = arith.constant 0 : i32
    %dma_wait3A_381 = arith.constant 0 : i32
    %dma_wait3A_382 = arith.constant 0 : i32
    %dma_wait3A_383 = tpu.memref_slice %arg6[%dma_wait3A_378, %dma_wait3A_379, %dma_wait3A_380, %dma_wait3A_381, %dma_wait3A_382] : memref<2x1x125x1x128xf32, #tpu.memory_space<vmem>> -> memref<1x1x125x1x128xf32, #tpu.memory_space<vmem>>
    %dma_wait3A_384 = tpu.memref_squeeze %dma_wait3A_383 : memref<1x1x125x1x128xf32, #tpu.memory_space<vmem>> -> memref<1x125x1x128xf32, #tpu.memory_space<vmem>>
    %dma_wait3A_385 = arith.constant 0 : i32
    %dma_wait3A_386 = tpu.memref_slice %arg2[%select_n3A, %add3A_340, %select_n3A_30, %dma_wait3A_385] : memref<2x2500x8x128xf32, #tpu.memory_space<hbm>> -> memref<1x125x1x128xf32, #tpu.memory_space<hbm>>
    %dma_wait3A_387 = arith.constant 0 : i32
    %dma_wait3A_388 = arith.constant 0 : i32
    %dma_wait3A_389 = arith.constant 0 : i32
    %dma_wait3A_390 = arith.constant 0 : i32
    %dma_wait3A_391 = tpu.memref_slice %arg6[%dma_wait3A_378, %dma_wait3A_387, %dma_wait3A_388, %dma_wait3A_389, %dma_wait3A_390] : memref<2x1x125x1x128xf32, #tpu.memory_space<vmem>> -> memref<1x1x125x1x128xf32, #tpu.memory_space<vmem>>
    %dma_wait3A_392 = tpu.memref_squeeze %dma_wait3A_391 : memref<1x1x125x1x128xf32, #tpu.memory_space<vmem>> -> memref<1x125x1x128xf32, #tpu.memory_space<vmem>>
    %dma_wait3A_393 = arith.constant 0 : i32
    %dma_wait3A_394 = tpu.memref_slice %arg2[%select_n3A, %add3A_340, %select_n3A_30, %dma_wait3A_393] : memref<2x2500x8x128xf32, #tpu.memory_space<hbm>> -> memref<1x125x1x128xf32, #tpu.memory_space<hbm>>
    tpu.wait_dma2 semaphore(%arg12 : memref<!tpu.dma_semaphore, #tpu.memory_space<semaphore_mem>>) src(%dma_wait3A_394 : memref<1x125x1x128xf32, #tpu.memory_space<hbm>>) dst(%dma_wait3A_392 : memref<1x125x1x128xf32, #tpu.memory_space<vmem>>)
    %dma_wait3A_395 = arith.constant 0 : i32
    %dma_wait3A_396 = arith.constant 0 : i32
    %dma_wait3A_397 = arith.constant 0 : i32
    %dma_wait3A_398 = arith.constant 0 : i32
    %dma_wait3A_399 = tpu.memref_slice %arg7[%dma_wait3A_395, %dma_wait3A_396, %dma_wait3A_397, %dma_wait3A_398] : memref<2x125x1x128xi32, #tpu.memory_space<vmem>> -> memref<1x125x1x128xi32, #tpu.memory_space<vmem>>
    %dma_wait3A_400 = tpu.memref_squeeze %dma_wait3A_399 : memref<1x125x1x128xi32, #tpu.memory_space<vmem>> -> memref<125x1x128xi32, #tpu.memory_space<vmem>>
    %dma_wait3A_401 = arith.constant 1 : i32
    %dma_wait3A_402 = arith.constant 0 : i32
    %dma_wait3A_403 = tpu.memref_slice %arg3[%add3A_340, %dma_wait3A_401, %dma_wait3A_402] : memref<2500x2x128xi32, #tpu.memory_space<hbm>> -> memref<125x1x128xi32, #tpu.memory_space<hbm>>
    %dma_wait3A_404 = arith.constant 0 : i32
    %dma_wait3A_405 = arith.constant 0 : i32
    %dma_wait3A_406 = arith.constant 0 : i32
    %dma_wait3A_407 = tpu.memref_slice %arg7[%dma_wait3A_395, %dma_wait3A_404, %dma_wait3A_405, %dma_wait3A_406] : memref<2x125x1x128xi32, #tpu.memory_space<vmem>> -> memref<1x125x1x128xi32, #tpu.memory_space<vmem>>
    %dma_wait3A_408 = tpu.memref_squeeze %dma_wait3A_407 : memref<1x125x1x128xi32, #tpu.memory_space<vmem>> -> memref<125x1x128xi32, #tpu.memory_space<vmem>>
    %dma_wait3A_409 = arith.constant 1 : i32
    %dma_wait3A_410 = arith.constant 0 : i32
    %dma_wait3A_411 = tpu.memref_slice %arg3[%add3A_340, %dma_wait3A_409, %dma_wait3A_410] : memref<2500x2x128xi32, #tpu.memory_space<hbm>> -> memref<125x1x128xi32, #tpu.memory_space<hbm>>
    tpu.wait_dma2 semaphore(%arg13 : memref<!tpu.dma_semaphore, #tpu.memory_space<semaphore_mem>>) src(%dma_wait3A_411 : memref<125x1x128xi32, #tpu.memory_space<hbm>>) dst(%dma_wait3A_408 : memref<125x1x128xi32, #tpu.memory_space<vmem>>)
    %mul3A_412 = arith.constant 1250 : i32
    %mul3A_413 = arith.muli %arg0, %mul3A_412 : i32
    %add3A_414 = arith.constant 625 : i32
    %add3A_415 = arith.addi %mul3A_413, %add3A_414 : i32
    %dma_start3A_416 = arith.constant 1 : i32
    %dma_start3A_417 = arith.constant 0 : i32
    %dma_start3A_418 = arith.constant 0 : i32
    %dma_start3A_419 = arith.constant 0 : i32
    %dma_start3A_420 = arith.constant 0 : i32
    %dma_start3A_421 = tpu.memref_slice %arg6[%dma_start3A_416, %dma_start3A_417, %dma_start3A_418, %dma_start3A_419, %dma_start3A_420] : memref<2x1x125x1x128xf32, #tpu.memory_space<vmem>> -> memref<1x1x125x1x128xf32, #tpu.memory_space<vmem>>
    %dma_start3A_422 = tpu.memref_squeeze %dma_start3A_421 : memref<1x1x125x1x128xf32, #tpu.memory_space<vmem>> -> memref<1x125x1x128xf32, #tpu.memory_space<vmem>>
    %dma_start3A_423 = arith.constant 0 : i32
    %dma_start3A_424 = tpu.memref_slice %arg2[%select_n3A, %add3A_415, %select_n3A_30, %dma_start3A_423] : memref<2x2500x8x128xf32, #tpu.memory_space<hbm>> -> memref<1x125x1x128xf32, #tpu.memory_space<hbm>>
    %dma_start3A_425 = arith.constant 0 : i32
    %dma_start3A_426 = arith.constant 0 : i32
    %dma_start3A_427 = arith.constant 0 : i32
    %dma_start3A_428 = arith.constant 0 : i32
    %dma_start3A_429 = tpu.memref_slice %arg6[%dma_start3A_416, %dma_start3A_425, %dma_start3A_426, %dma_start3A_427, %dma_start3A_428] : memref<2x1x125x1x128xf32, #tpu.memory_space<vmem>> -> memref<1x1x125x1x128xf32, #tpu.memory_space<vmem>>
    %dma_start3A_430 = tpu.memref_squeeze %dma_start3A_429 : memref<1x1x125x1x128xf32, #tpu.memory_space<vmem>> -> memref<1x125x1x128xf32, #tpu.memory_space<vmem>>
    %dma_start3A_431 = arith.constant 0 : i32
    %dma_start3A_432 = tpu.memref_slice %arg2[%select_n3A, %add3A_415, %select_n3A_30, %dma_start3A_431] : memref<2x2500x8x128xf32, #tpu.memory_space<hbm>> -> memref<1x125x1x128xf32, #tpu.memory_space<hbm>>
    tpu.enqueue_dma source(%dma_start3A_432 : memref<1x125x1x128xf32, #tpu.memory_space<hbm>>) target(%dma_start3A_430 : memref<1x125x1x128xf32, #tpu.memory_space<vmem>>) target_semaphore(%arg12 : memref<!tpu.dma_semaphore, #tpu.memory_space<semaphore_mem>>)
    %dma_start3A_433 = arith.constant 1 : i32
    %dma_start3A_434 = arith.constant 0 : i32
    %dma_start3A_435 = arith.constant 0 : i32
    %dma_start3A_436 = arith.constant 0 : i32
    %dma_start3A_437 = tpu.memref_slice %arg7[%dma_start3A_433, %dma_start3A_434, %dma_start3A_435, %dma_start3A_436] : memref<2x125x1x128xi32, #tpu.memory_space<vmem>> -> memref<1x125x1x128xi32, #tpu.memory_space<vmem>>
    %dma_start3A_438 = tpu.memref_squeeze %dma_start3A_437 : memref<1x125x1x128xi32, #tpu.memory_space<vmem>> -> memref<125x1x128xi32, #tpu.memory_space<vmem>>
    %dma_start3A_439 = arith.constant 1 : i32
    %dma_start3A_440 = arith.constant 0 : i32
    %dma_start3A_441 = tpu.memref_slice %arg3[%add3A_415, %dma_start3A_439, %dma_start3A_440] : memref<2500x2x128xi32, #tpu.memory_space<hbm>> -> memref<125x1x128xi32, #tpu.memory_space<hbm>>
    %dma_start3A_442 = arith.constant 0 : i32
    %dma_start3A_443 = arith.constant 0 : i32
    %dma_start3A_444 = arith.constant 0 : i32
    %dma_start3A_445 = tpu.memref_slice %arg7[%dma_start3A_433, %dma_start3A_442, %dma_start3A_443, %dma_start3A_444] : memref<2x125x1x128xi32, #tpu.memory_space<vmem>> -> memref<1x125x1x128xi32, #tpu.memory_space<vmem>>
    %dma_start3A_446 = tpu.memref_squeeze %dma_start3A_445 : memref<1x125x1x128xi32, #tpu.memory_space<vmem>> -> memref<125x1x128xi32, #tpu.memory_space<vmem>>
    %dma_start3A_447 = arith.constant 1 : i32
    %dma_start3A_448 = arith.constant 0 : i32
    %dma_start3A_449 = tpu.memref_slice %arg3[%add3A_415, %dma_start3A_447, %dma_start3A_448] : memref<2500x2x128xi32, #tpu.memory_space<hbm>> -> memref<125x1x128xi32, #tpu.memory_space<hbm>>
    tpu.enqueue_dma source(%dma_start3A_449 : memref<125x1x128xi32, #tpu.memory_space<hbm>>) target(%dma_start3A_446 : memref<125x1x128xi32, #tpu.memory_space<vmem>>) target_semaphore(%arg13 : memref<!tpu.dma_semaphore, #tpu.memory_space<semaphore_mem>>)
    %parallel_loop3A_450 = arith.constant 0 : i32
    %parallel_loop3A_451 = arith.constant 125 : i32
    %parallel_loop3A_452 = arith.constant 1 : i32
    scf.for %parallel_loop3A_808 = %parallel_loop3A_450 to %parallel_loop3A_451 step %parallel_loop3A_452  : i32 {
      %parallel_loop3A_809 = arith.constant 0 : i32
      %parallel_loop3A_810 = arith.constant 0 : i32
      %parallel_loop3A_811 = arith.index_cast %parallel_loop3A_809 : i32 to index
      %parallel_loop3A_812 = arith.index_cast %parallel_loop3A_808 : i32 to index
      %parallel_loop3A_813 = arith.index_cast %parallel_loop3A_810 : i32 to index
      %parallel_loop3A_814 = arith.constant 0 : index
      %parallel_loop3A_815 = tpu.vector_load %arg7[%parallel_loop3A_811, %parallel_loop3A_812, %parallel_loop3A_813, %parallel_loop3A_814] {strides = array<i32>} : memref<2x125x1x128xi32, #tpu.memory_space<vmem>>, vector<16xi32>,
      %parallel_loop3A_816 = arith.constant 0 : i32
      %parallel_loop3A_817 = arith.constant 0 : i32
      %parallel_loop3A_818 = arith.constant 0 : i32
      %parallel_loop3A_819 = arith.index_cast %parallel_loop3A_816 : i32 to index
      %parallel_loop3A_820 = arith.index_cast %parallel_loop3A_817 : i32 to index
      %parallel_loop3A_821 = arith.index_cast %parallel_loop3A_808 : i32 to index
      %parallel_loop3A_822 = arith.index_cast %parallel_loop3A_818 : i32 to index
      %parallel_loop3A_823 = arith.constant 0 : index
      %parallel_loop3A_824 = tpu.vector_load %arg6[%parallel_loop3A_819, %parallel_loop3A_820, %parallel_loop3A_821, %parallel_loop3A_822, %parallel_loop3A_823] {strides = array<i32>} : memref<2x1x125x1x128xf32, #tpu.memory_space<vmem>>, vector<16xf32>,
      tpu.vector_store_idx %arg10[%parallel_loop3A_815], %parallel_loop3A_824 {add = true} : memref<10240xf32, #tpu.memory_space<vmem>>[vector<16xi32>], vector<16xf32>,
      %parallel_loop3A_825 = arith.constant 0 : i32
      %parallel_loop3A_826 = arith.constant 0 : i32
      %parallel_loop3A_827 = arith.index_cast %parallel_loop3A_825 : i32 to index
      %parallel_loop3A_828 = arith.index_cast %parallel_loop3A_808 : i32 to index
      %parallel_loop3A_829 = arith.index_cast %parallel_loop3A_826 : i32 to index
      %parallel_loop3A_830 = arith.constant 16 : index
      %parallel_loop3A_831 = tpu.vector_load %arg7[%parallel_loop3A_827, %parallel_loop3A_828, %parallel_loop3A_829, %parallel_loop3A_830] {strides = array<i32>} : memref<2x125x1x128xi32, #tpu.memory_space<vmem>>, vector<16xi32>,
      %parallel_loop3A_832 = arith.constant 0 : i32
      %parallel_loop3A_833 = arith.constant 0 : i32
      %parallel_loop3A_834 = arith.constant 0 : i32
      %parallel_loop3A_835 = arith.index_cast %parallel_loop3A_832 : i32 to index
      %parallel_loop3A_836 = arith.index_cast %parallel_loop3A_833 : i32 to index
      %parallel_loop3A_837 = arith.index_cast %parallel_loop3A_808 : i32 to index
      %parallel_loop3A_838 = arith.index_cast %parallel_loop3A_834 : i32 to index
      %parallel_loop3A_839 = arith.constant 16 : index
      %parallel_loop3A_840 = tpu.vector_load %arg6[%parallel_loop3A_835, %parallel_loop3A_836, %parallel_loop3A_837, %parallel_loop3A_838, %parallel_loop3A_839] {strides = array<i32>} : memref<2x1x125x1x128xf32, #tpu.memory_space<vmem>>, vector<16xf32>,
      tpu.vector_store_idx %arg10[%parallel_loop3A_831], %parallel_loop3A_840 {add = true} : memref<10240xf32, #tpu.memory_space<vmem>>[vector<16xi32>], vector<16xf32>,
      %parallel_loop3A_841 = arith.constant 0 : i32
      %parallel_loop3A_842 = arith.constant 0 : i32
      %parallel_loop3A_843 = arith.index_cast %parallel_loop3A_841 : i32 to index
      %parallel_loop3A_844 = arith.index_cast %parallel_loop3A_808 : i32 to index
      %parallel_loop3A_845 = arith.index_cast %parallel_loop3A_842 : i32 to index
      %parallel_loop3A_846 = arith.constant 32 : index
      %parallel_loop3A_847 = tpu.vector_load %arg7[%parallel_loop3A_843, %parallel_loop3A_844, %parallel_loop3A_845, %parallel_loop3A_846] {strides = array<i32>} : memref<2x125x1x128xi32, #tpu.memory_space<vmem>>, vector<16xi32>,
      %parallel_loop3A_848 = arith.constant 0 : i32
      %parallel_loop3A_849 = arith.constant 0 : i32
      %parallel_loop3A_850 = arith.constant 0 : i32
      %parallel_loop3A_851 = arith.index_cast %parallel_loop3A_848 : i32 to index
      %parallel_loop3A_852 = arith.index_cast %parallel_loop3A_849 : i32 to index
      %parallel_loop3A_853 = arith.index_cast %parallel_loop3A_808 : i32 to index
      %parallel_loop3A_854 = arith.index_cast %parallel_loop3A_850 : i32 to index
      %parallel_loop3A_855 = arith.constant 32 : index
      %parallel_loop3A_856 = tpu.vector_load %arg6[%parallel_loop3A_851, %parallel_loop3A_852, %parallel_loop3A_853, %parallel_loop3A_854, %parallel_loop3A_855] {strides = array<i32>} : memref<2x1x125x1x128xf32, #tpu.memory_space<vmem>>, vector<16xf32>,
      tpu.vector_store_idx %arg10[%parallel_loop3A_847], %parallel_loop3A_856 {add = true} : memref<10240xf32, #tpu.memory_space<vmem>>[vector<16xi32>], vector<16xf32>,
      %parallel_loop3A_857 = arith.constant 0 : i32
      %parallel_loop3A_858 = arith.constant 0 : i32
      %parallel_loop3A_859 = arith.index_cast %parallel_loop3A_857 : i32 to index
      %parallel_loop3A_860 = arith.index_cast %parallel_loop3A_808 : i32 to index
      %parallel_loop3A_861 = arith.index_cast %parallel_loop3A_858 : i32 to index
      %parallel_loop3A_862 = arith.constant 48 : index
      %parallel_loop3A_863 = tpu.vector_load %arg7[%parallel_loop3A_859, %parallel_loop3A_860, %parallel_loop3A_861, %parallel_loop3A_862] {strides = array<i32>} : memref<2x125x1x128xi32, #tpu.memory_space<vmem>>, vector<16xi32>,
      %parallel_loop3A_864 = arith.constant 0 : i32
      %parallel_loop3A_865 = arith.constant 0 : i32
      %parallel_loop3A_866 = arith.constant 0 : i32
      %parallel_loop3A_867 = arith.index_cast %parallel_loop3A_864 : i32 to index
      %parallel_loop3A_868 = arith.index_cast %parallel_loop3A_865 : i32 to index
      %parallel_loop3A_869 = arith.index_cast %parallel_loop3A_808 : i32 to index
      %parallel_loop3A_870 = arith.index_cast %parallel_loop3A_866 : i32 to index
      %parallel_loop3A_871 = arith.constant 48 : index
      %parallel_loop3A_872 = tpu.vector_load %arg6[%parallel_loop3A_867, %parallel_loop3A_868, %parallel_loop3A_869, %parallel_loop3A_870, %parallel_loop3A_871] {strides = array<i32>} : memref<2x1x125x1x128xf32, #tpu.memory_space<vmem>>, vector<16xf32>,
      tpu.vector_store_idx %arg10[%parallel_loop3A_863], %parallel_loop3A_872 {add = true} : memref<10240xf32, #tpu.memory_space<vmem>>[vector<16xi32>], vector<16xf32>,
      %parallel_loop3A_873 = arith.constant 0 : i32
      %parallel_loop3A_874 = arith.constant 0 : i32
      %parallel_loop3A_875 = arith.index_cast %parallel_loop3A_873 : i32 to index
      %parallel_loop3A_876 = arith.index_cast %parallel_loop3A_808 : i32 to index
      %parallel_loop3A_877 = arith.index_cast %parallel_loop3A_874 : i32 to index
      %parallel_loop3A_878 = arith.constant 64 : index
      %parallel_loop3A_879 = tpu.vector_load %arg7[%parallel_loop3A_875, %parallel_loop3A_876, %parallel_loop3A_877, %parallel_loop3A_878] {strides = array<i32>} : memref<2x125x1x128xi32, #tpu.memory_space<vmem>>, vector<16xi32>,
      %parallel_loop3A_880 = arith.constant 0 : i32
      %parallel_loop3A_881 = arith.constant 0 : i32
      %parallel_loop3A_882 = arith.constant 0 : i32
      %parallel_loop3A_883 = arith.index_cast %parallel_loop3A_880 : i32 to index
      %parallel_loop3A_884 = arith.index_cast %parallel_loop3A_881 : i32 to index
      %parallel_loop3A_885 = arith.index_cast %parallel_loop3A_808 : i32 to index
      %parallel_loop3A_886 = arith.index_cast %parallel_loop3A_882 : i32 to index
      %parallel_loop3A_887 = arith.constant 64 : index
      %parallel_loop3A_888 = tpu.vector_load %arg6[%parallel_loop3A_883, %parallel_loop3A_884, %parallel_loop3A_885, %parallel_loop3A_886, %parallel_loop3A_887] {strides = array<i32>} : memref<2x1x125x1x128xf32, #tpu.memory_space<vmem>>, vector<16xf32>,
      tpu.vector_store_idx %arg10[%parallel_loop3A_879], %parallel_loop3A_888 {add = true} : memref<10240xf32, #tpu.memory_space<vmem>>[vector<16xi32>], vector<16xf32>,
      %parallel_loop3A_889 = arith.constant 0 : i32
      %parallel_loop3A_890 = arith.constant 0 : i32
      %parallel_loop3A_891 = arith.index_cast %parallel_loop3A_889 : i32 to index
      %parallel_loop3A_892 = arith.index_cast %parallel_loop3A_808 : i32 to index
      %parallel_loop3A_893 = arith.index_cast %parallel_loop3A_890 : i32 to index
      %parallel_loop3A_894 = arith.constant 80 : index
      %parallel_loop3A_895 = tpu.vector_load %arg7[%parallel_loop3A_891, %parallel_loop3A_892, %parallel_loop3A_893, %parallel_loop3A_894] {strides = array<i32>} : memref<2x125x1x128xi32, #tpu.memory_space<vmem>>, vector<16xi32>,
      %parallel_loop3A_896 = arith.constant 0 : i32
      %parallel_loop3A_897 = arith.constant 0 : i32
      %parallel_loop3A_898 = arith.constant 0 : i32
      %parallel_loop3A_899 = arith.index_cast %parallel_loop3A_896 : i32 to index
      %parallel_loop3A_900 = arith.index_cast %parallel_loop3A_897 : i32 to index
      %parallel_loop3A_901 = arith.index_cast %parallel_loop3A_808 : i32 to index
      %parallel_loop3A_902 = arith.index_cast %parallel_loop3A_898 : i32 to index
      %parallel_loop3A_903 = arith.constant 80 : index
      %parallel_loop3A_904 = tpu.vector_load %arg6[%parallel_loop3A_899, %parallel_loop3A_900, %parallel_loop3A_901, %parallel_loop3A_902, %parallel_loop3A_903] {strides = array<i32>} : memref<2x1x125x1x128xf32, #tpu.memory_space<vmem>>, vector<16xf32>,
      tpu.vector_store_idx %arg10[%parallel_loop3A_895], %parallel_loop3A_904 {add = true} : memref<10240xf32, #tpu.memory_space<vmem>>[vector<16xi32>], vector<16xf32>,
      %parallel_loop3A_905 = arith.constant 0 : i32
      %parallel_loop3A_906 = arith.constant 0 : i32
      %parallel_loop3A_907 = arith.index_cast %parallel_loop3A_905 : i32 to index
      %parallel_loop3A_908 = arith.index_cast %parallel_loop3A_808 : i32 to index
      %parallel_loop3A_909 = arith.index_cast %parallel_loop3A_906 : i32 to index
      %parallel_loop3A_910 = arith.constant 96 : index
      %parallel_loop3A_911 = tpu.vector_load %arg7[%parallel_loop3A_907, %parallel_loop3A_908, %parallel_loop3A_909, %parallel_loop3A_910] {strides = array<i32>} : memref<2x125x1x128xi32, #tpu.memory_space<vmem>>, vector<16xi32>,
      %parallel_loop3A_912 = arith.constant 0 : i32
      %parallel_loop3A_913 = arith.constant 0 : i32
      %parallel_loop3A_914 = arith.constant 0 : i32
      %parallel_loop3A_915 = arith.index_cast %parallel_loop3A_912 : i32 to index
      %parallel_loop3A_916 = arith.index_cast %parallel_loop3A_913 : i32 to index
      %parallel_loop3A_917 = arith.index_cast %parallel_loop3A_808 : i32 to index
      %parallel_loop3A_918 = arith.index_cast %parallel_loop3A_914 : i32 to index
      %parallel_loop3A_919 = arith.constant 96 : index
      %parallel_loop3A_920 = tpu.vector_load %arg6[%parallel_loop3A_915, %parallel_loop3A_916, %parallel_loop3A_917, %parallel_loop3A_918, %parallel_loop3A_919] {strides = array<i32>} : memref<2x1x125x1x128xf32, #tpu.memory_space<vmem>>, vector<16xf32>,
      tpu.vector_store_idx %arg10[%parallel_loop3A_911], %parallel_loop3A_920 {add = true} : memref<10240xf32, #tpu.memory_space<vmem>>[vector<16xi32>], vector<16xf32>,
      %parallel_loop3A_921 = arith.constant 0 : i32
      %parallel_loop3A_922 = arith.constant 0 : i32
      %parallel_loop3A_923 = arith.index_cast %parallel_loop3A_921 : i32 to index
      %parallel_loop3A_924 = arith.index_cast %parallel_loop3A_808 : i32 to index
      %parallel_loop3A_925 = arith.index_cast %parallel_loop3A_922 : i32 to index
      %parallel_loop3A_926 = arith.constant 112 : index
      %parallel_loop3A_927 = tpu.vector_load %arg7[%parallel_loop3A_923, %parallel_loop3A_924, %parallel_loop3A_925, %parallel_loop3A_926] {strides = array<i32>} : memref<2x125x1x128xi32, #tpu.memory_space<vmem>>, vector<16xi32>,
      %parallel_loop3A_928 = arith.constant 0 : i32
      %parallel_loop3A_929 = arith.constant 0 : i32
      %parallel_loop3A_930 = arith.constant 0 : i32
      %parallel_loop3A_931 = arith.index_cast %parallel_loop3A_928 : i32 to index
      %parallel_loop3A_932 = arith.index_cast %parallel_loop3A_929 : i32 to index
      %parallel_loop3A_933 = arith.index_cast %parallel_loop3A_808 : i32 to index
      %parallel_loop3A_934 = arith.index_cast %parallel_loop3A_930 : i32 to index
      %parallel_loop3A_935 = arith.constant 112 : index
      %parallel_loop3A_936 = tpu.vector_load %arg6[%parallel_loop3A_931, %parallel_loop3A_932, %parallel_loop3A_933, %parallel_loop3A_934, %parallel_loop3A_935] {strides = array<i32>} : memref<2x1x125x1x128xf32, #tpu.memory_space<vmem>>, vector<16xf32>,
      tpu.vector_store_idx %arg10[%parallel_loop3A_927], %parallel_loop3A_936 {add = true} : memref<10240xf32, #tpu.memory_space<vmem>>[vector<16xi32>], vector<16xf32>,
    } {sc.loop_unroll_factor = 4 : i64, sc.parallel_access}
    %dma_wait3A_453 = arith.constant 1 : i32
    %dma_wait3A_454 = arith.constant 0 : i32
    %dma_wait3A_455 = arith.constant 0 : i32
    %dma_wait3A_456 = arith.constant 0 : i32
    %dma_wait3A_457 = arith.constant 0 : i32
    %dma_wait3A_458 = tpu.memref_slice %arg6[%dma_wait3A_453, %dma_wait3A_454, %dma_wait3A_455, %dma_wait3A_456, %dma_wait3A_457] : memref<2x1x125x1x128xf32, #tpu.memory_space<vmem>> -> memref<1x1x125x1x128xf32, #tpu.memory_space<vmem>>
    %dma_wait3A_459 = tpu.memref_squeeze %dma_wait3A_458 : memref<1x1x125x1x128xf32, #tpu.memory_space<vmem>> -> memref<1x125x1x128xf32, #tpu.memory_space<vmem>>
    %dma_wait3A_460 = arith.constant 0 : i32
    %dma_wait3A_461 = tpu.memref_slice %arg2[%select_n3A, %add3A_415, %select_n3A_30, %dma_wait3A_460] : memref<2x2500x8x128xf32, #tpu.memory_space<hbm>> -> memref<1x125x1x128xf32, #tpu.memory_space<hbm>>
    %dma_wait3A_462 = arith.constant 0 : i32
    %dma_wait3A_463 = arith.constant 0 : i32
    %dma_wait3A_464 = arith.constant 0 : i32
    %dma_wait3A_465 = arith.constant 0 : i32
    %dma_wait3A_466 = tpu.memref_slice %arg6[%dma_wait3A_453, %dma_wait3A_462, %dma_wait3A_463, %dma_wait3A_464, %dma_wait3A_465] : memref<2x1x125x1x128xf32, #tpu.memory_space<vmem>> -> memref<1x1x125x1x128xf32, #tpu.memory_space<vmem>>
    %dma_wait3A_467 = tpu.memref_squeeze %dma_wait3A_466 : memref<1x1x125x1x128xf32, #tpu.memory_space<vmem>> -> memref<1x125x1x128xf32, #tpu.memory_space<vmem>>
    %dma_wait3A_468 = arith.constant 0 : i32
    %dma_wait3A_469 = tpu.memref_slice %arg2[%select_n3A, %add3A_415, %select_n3A_30, %dma_wait3A_468] : memref<2x2500x8x128xf32, #tpu.memory_space<hbm>> -> memref<1x125x1x128xf32, #tpu.memory_space<hbm>>
    tpu.wait_dma2 semaphore(%arg12 : memref<!tpu.dma_semaphore, #tpu.memory_space<semaphore_mem>>) src(%dma_wait3A_469 : memref<1x125x1x128xf32, #tpu.memory_space<hbm>>) dst(%dma_wait3A_467 : memref<1x125x1x128xf32, #tpu.memory_space<vmem>>)
    %dma_wait3A_470 = arith.constant 1 : i32
    %dma_wait3A_471 = arith.constant 0 : i32
    %dma_wait3A_472 = arith.constant 0 : i32
    %dma_wait3A_473 = arith.constant 0 : i32
    %dma_wait3A_474 = tpu.memref_slice %arg7[%dma_wait3A_470, %dma_wait3A_471, %dma_wait3A_472, %dma_wait3A_473] : memref<2x125x1x128xi32, #tpu.memory_space<vmem>> -> memref<1x125x1x128xi32, #tpu.memory_space<vmem>>
    %dma_wait3A_475 = tpu.memref_squeeze %dma_wait3A_474 : memref<1x125x1x128xi32, #tpu.memory_space<vmem>> -> memref<125x1x128xi32, #tpu.memory_space<vmem>>
    %dma_wait3A_476 = arith.constant 1 : i32
    %dma_wait3A_477 = arith.constant 0 : i32
    %dma_wait3A_478 = tpu.memref_slice %arg3[%add3A_415, %dma_wait3A_476, %dma_wait3A_477] : memref<2500x2x128xi32, #tpu.memory_space<hbm>> -> memref<125x1x128xi32, #tpu.memory_space<hbm>>
    %dma_wait3A_479 = arith.constant 0 : i32
    %dma_wait3A_480 = arith.constant 0 : i32
    %dma_wait3A_481 = arith.constant 0 : i32
    %dma_wait3A_482 = tpu.memref_slice %arg7[%dma_wait3A_470, %dma_wait3A_479, %dma_wait3A_480, %dma_wait3A_481] : memref<2x125x1x128xi32, #tpu.memory_space<vmem>> -> memref<1x125x1x128xi32, #tpu.memory_space<vmem>>
    %dma_wait3A_483 = tpu.memref_squeeze %dma_wait3A_482 : memref<1x125x1x128xi32, #tpu.memory_space<vmem>> -> memref<125x1x128xi32, #tpu.memory_space<vmem>>
    %dma_wait3A_484 = arith.constant 1 : i32
    %dma_wait3A_485 = arith.constant 0 : i32
    %dma_wait3A_486 = tpu.memref_slice %arg3[%add3A_415, %dma_wait3A_484, %dma_wait3A_485] : memref<2500x2x128xi32, #tpu.memory_space<hbm>> -> memref<125x1x128xi32, #tpu.memory_space<hbm>>
    tpu.wait_dma2 semaphore(%arg13 : memref<!tpu.dma_semaphore, #tpu.memory_space<semaphore_mem>>) src(%dma_wait3A_486 : memref<125x1x128xi32, #tpu.memory_space<hbm>>) dst(%dma_wait3A_483 : memref<125x1x128xi32, #tpu.memory_space<vmem>>)
    %mul3A_487 = arith.constant 1250 : i32
    %mul3A_488 = arith.muli %arg0, %mul3A_487 : i32
    %add3A_489 = arith.constant 750 : i32
    %add3A_490 = arith.addi %mul3A_488, %add3A_489 : i32
    %dma_start3A_491 = arith.constant 0 : i32
    %dma_start3A_492 = arith.constant 0 : i32
    %dma_start3A_493 = arith.constant 0 : i32
    %dma_start3A_494 = arith.constant 0 : i32
    %dma_start3A_495 = arith.constant 0 : i32
    %dma_start3A_496 = tpu.memref_slice %arg6[%dma_start3A_491, %dma_start3A_492, %dma_start3A_493, %dma_start3A_494, %dma_start3A_495] : memref<2x1x125x1x128xf32, #tpu.memory_space<vmem>> -> memref<1x1x125x1x128xf32, #tpu.memory_space<vmem>>
    %dma_start3A_497 = tpu.memref_squeeze %dma_start3A_496 : memref<1x1x125x1x128xf32, #tpu.memory_space<vmem>> -> memref<1x125x1x128xf32, #tpu.memory_space<vmem>>
    %dma_start3A_498 = arith.constant 0 : i32
    %dma_start3A_499 = tpu.memref_slice %arg2[%select_n3A, %add3A_490, %select_n3A_30, %dma_start3A_498] : memref<2x2500x8x128xf32, #tpu.memory_space<hbm>> -> memref<1x125x1x128xf32, #tpu.memory_space<hbm>>
    %dma_start3A_500 = arith.constant 0 : i32
    %dma_start3A_501 = arith.constant 0 : i32
    %dma_start3A_502 = arith.constant 0 : i32
    %dma_start3A_503 = arith.constant 0 : i32
    %dma_start3A_504 = tpu.memref_slice %arg6[%dma_start3A_491, %dma_start3A_500, %dma_start3A_501, %dma_start3A_502, %dma_start3A_503] : memref<2x1x125x1x128xf32, #tpu.memory_space<vmem>> -> memref<1x1x125x1x128xf32, #tpu.memory_space<vmem>>
    %dma_start3A_505 = tpu.memref_squeeze %dma_start3A_504 : memref<1x1x125x1x128xf32, #tpu.memory_space<vmem>> -> memref<1x125x1x128xf32, #tpu.memory_space<vmem>>
    %dma_start3A_506 = arith.constant 0 : i32
    %dma_start3A_507 = tpu.memref_slice %arg2[%select_n3A, %add3A_490, %select_n3A_30, %dma_start3A_506] : memref<2x2500x8x128xf32, #tpu.memory_space<hbm>> -> memref<1x125x1x128xf32, #tpu.memory_space<hbm>>
    tpu.enqueue_dma source(%dma_start3A_507 : memref<1x125x1x128xf32, #tpu.memory_space<hbm>>) target(%dma_start3A_505 : memref<1x125x1x128xf32, #tpu.memory_space<vmem>>) target_semaphore(%arg12 : memref<!tpu.dma_semaphore, #tpu.memory_space<semaphore_mem>>)
    %dma_start3A_508 = arith.constant 0 : i32
    %dma_start3A_509 = arith.constant 0 : i32
    %dma_start3A_510 = arith.constant 0 : i32
    %dma_start3A_511 = arith.constant 0 : i32
    %dma_start3A_512 = tpu.memref_slice %arg7[%dma_start3A_508, %dma_start3A_509, %dma_start3A_510, %dma_start3A_511] : memref<2x125x1x128xi32, #tpu.memory_space<vmem>> -> memref<1x125x1x128xi32, #tpu.memory_space<vmem>>
    %dma_start3A_513 = tpu.memref_squeeze %dma_start3A_512 : memref<1x125x1x128xi32, #tpu.memory_space<vmem>> -> memref<125x1x128xi32, #tpu.memory_space<vmem>>
    %dma_start3A_514 = arith.constant 1 : i32
    %dma_start3A_515 = arith.constant 0 : i32
    %dma_start3A_516 = tpu.memref_slice %arg3[%add3A_490, %dma_start3A_514, %dma_start3A_515] : memref<2500x2x128xi32, #tpu.memory_space<hbm>> -> memref<125x1x128xi32, #tpu.memory_space<hbm>>
    %dma_start3A_517 = arith.constant 0 : i32
    %dma_start3A_518 = arith.constant 0 : i32
    %dma_start3A_519 = arith.constant 0 : i32
    %dma_start3A_520 = tpu.memref_slice %arg7[%dma_start3A_508, %dma_start3A_517, %dma_start3A_518, %dma_start3A_519] : memref<2x125x1x128xi32, #tpu.memory_space<vmem>> -> memref<1x125x1x128xi32, #tpu.memory_space<vmem>>
    %dma_start3A_521 = tpu.memref_squeeze %dma_start3A_520 : memref<1x125x1x128xi32, #tpu.memory_space<vmem>> -> memref<125x1x128xi32, #tpu.memory_space<vmem>>
    %dma_start3A_522 = arith.constant 1 : i32
    %dma_start3A_523 = arith.constant 0 : i32
    %dma_start3A_524 = tpu.memref_slice %arg3[%add3A_490, %dma_start3A_522, %dma_start3A_523] : memref<2500x2x128xi32, #tpu.memory_space<hbm>> -> memref<125x1x128xi32, #tpu.memory_space<hbm>>
    tpu.enqueue_dma source(%dma_start3A_524 : memref<125x1x128xi32, #tpu.memory_space<hbm>>) target(%dma_start3A_521 : memref<125x1x128xi32, #tpu.memory_space<vmem>>) target_semaphore(%arg13 : memref<!tpu.dma_semaphore, #tpu.memory_space<semaphore_mem>>)
    %parallel_loop3A_525 = arith.constant 0 : i32
    %parallel_loop3A_526 = arith.constant 125 : i32
    %parallel_loop3A_527 = arith.constant 1 : i32
    scf.for %parallel_loop3A_808 = %parallel_loop3A_525 to %parallel_loop3A_526 step %parallel_loop3A_527  : i32 {
      %parallel_loop3A_809 = arith.constant 1 : i32
      %parallel_loop3A_810 = arith.constant 0 : i32
      %parallel_loop3A_811 = arith.index_cast %parallel_loop3A_809 : i32 to index
      %parallel_loop3A_812 = arith.index_cast %parallel_loop3A_808 : i32 to index
      %parallel_loop3A_813 = arith.index_cast %parallel_loop3A_810 : i32 to index
      %parallel_loop3A_814 = arith.constant 0 : index
      %parallel_loop3A_815 = tpu.vector_load %arg7[%parallel_loop3A_811, %parallel_loop3A_812, %parallel_loop3A_813, %parallel_loop3A_814] {strides = array<i32>} : memref<2x125x1x128xi32, #tpu.memory_space<vmem>>, vector<16xi32>,
      %parallel_loop3A_816 = arith.constant 1 : i32
      %parallel_loop3A_817 = arith.constant 0 : i32
      %parallel_loop3A_818 = arith.constant 0 : i32
      %parallel_loop3A_819 = arith.index_cast %parallel_loop3A_816 : i32 to index
      %parallel_loop3A_820 = arith.index_cast %parallel_loop3A_817 : i32 to index
      %parallel_loop3A_821 = arith.index_cast %parallel_loop3A_808 : i32 to index
      %parallel_loop3A_822 = arith.index_cast %parallel_loop3A_818 : i32 to index
      %parallel_loop3A_823 = arith.constant 0 : index
      %parallel_loop3A_824 = tpu.vector_load %arg6[%parallel_loop3A_819, %parallel_loop3A_820, %parallel_loop3A_821, %parallel_loop3A_822, %parallel_loop3A_823] {strides = array<i32>} : memref<2x1x125x1x128xf32, #tpu.memory_space<vmem>>, vector<16xf32>,
      tpu.vector_store_idx %arg10[%parallel_loop3A_815], %parallel_loop3A_824 {add = true} : memref<10240xf32, #tpu.memory_space<vmem>>[vector<16xi32>], vector<16xf32>,
      %parallel_loop3A_825 = arith.constant 1 : i32
      %parallel_loop3A_826 = arith.constant 0 : i32
      %parallel_loop3A_827 = arith.index_cast %parallel_loop3A_825 : i32 to index
      %parallel_loop3A_828 = arith.index_cast %parallel_loop3A_808 : i32 to index
      %parallel_loop3A_829 = arith.index_cast %parallel_loop3A_826 : i32 to index
      %parallel_loop3A_830 = arith.constant 16 : index
      %parallel_loop3A_831 = tpu.vector_load %arg7[%parallel_loop3A_827, %parallel_loop3A_828, %parallel_loop3A_829, %parallel_loop3A_830] {strides = array<i32>} : memref<2x125x1x128xi32, #tpu.memory_space<vmem>>, vector<16xi32>,
      %parallel_loop3A_832 = arith.constant 1 : i32
      %parallel_loop3A_833 = arith.constant 0 : i32
      %parallel_loop3A_834 = arith.constant 0 : i32
      %parallel_loop3A_835 = arith.index_cast %parallel_loop3A_832 : i32 to index
      %parallel_loop3A_836 = arith.index_cast %parallel_loop3A_833 : i32 to index
      %parallel_loop3A_837 = arith.index_cast %parallel_loop3A_808 : i32 to index
      %parallel_loop3A_838 = arith.index_cast %parallel_loop3A_834 : i32 to index
      %parallel_loop3A_839 = arith.constant 16 : index
      %parallel_loop3A_840 = tpu.vector_load %arg6[%parallel_loop3A_835, %parallel_loop3A_836, %parallel_loop3A_837, %parallel_loop3A_838, %parallel_loop3A_839] {strides = array<i32>} : memref<2x1x125x1x128xf32, #tpu.memory_space<vmem>>, vector<16xf32>,
      tpu.vector_store_idx %arg10[%parallel_loop3A_831], %parallel_loop3A_840 {add = true} : memref<10240xf32, #tpu.memory_space<vmem>>[vector<16xi32>], vector<16xf32>,
      %parallel_loop3A_841 = arith.constant 1 : i32
      %parallel_loop3A_842 = arith.constant 0 : i32
      %parallel_loop3A_843 = arith.index_cast %parallel_loop3A_841 : i32 to index
      %parallel_loop3A_844 = arith.index_cast %parallel_loop3A_808 : i32 to index
      %parallel_loop3A_845 = arith.index_cast %parallel_loop3A_842 : i32 to index
      %parallel_loop3A_846 = arith.constant 32 : index
      %parallel_loop3A_847 = tpu.vector_load %arg7[%parallel_loop3A_843, %parallel_loop3A_844, %parallel_loop3A_845, %parallel_loop3A_846] {strides = array<i32>} : memref<2x125x1x128xi32, #tpu.memory_space<vmem>>, vector<16xi32>,
      %parallel_loop3A_848 = arith.constant 1 : i32
      %parallel_loop3A_849 = arith.constant 0 : i32
      %parallel_loop3A_850 = arith.constant 0 : i32
      %parallel_loop3A_851 = arith.index_cast %parallel_loop3A_848 : i32 to index
      %parallel_loop3A_852 = arith.index_cast %parallel_loop3A_849 : i32 to index
      %parallel_loop3A_853 = arith.index_cast %parallel_loop3A_808 : i32 to index
      %parallel_loop3A_854 = arith.index_cast %parallel_loop3A_850 : i32 to index
      %parallel_loop3A_855 = arith.constant 32 : index
      %parallel_loop3A_856 = tpu.vector_load %arg6[%parallel_loop3A_851, %parallel_loop3A_852, %parallel_loop3A_853, %parallel_loop3A_854, %parallel_loop3A_855] {strides = array<i32>} : memref<2x1x125x1x128xf32, #tpu.memory_space<vmem>>, vector<16xf32>,
      tpu.vector_store_idx %arg10[%parallel_loop3A_847], %parallel_loop3A_856 {add = true} : memref<10240xf32, #tpu.memory_space<vmem>>[vector<16xi32>], vector<16xf32>,
      %parallel_loop3A_857 = arith.constant 1 : i32
      %parallel_loop3A_858 = arith.constant 0 : i32
      %parallel_loop3A_859 = arith.index_cast %parallel_loop3A_857 : i32 to index
      %parallel_loop3A_860 = arith.index_cast %parallel_loop3A_808 : i32 to index
      %parallel_loop3A_861 = arith.index_cast %parallel_loop3A_858 : i32 to index
      %parallel_loop3A_862 = arith.constant 48 : index
      %parallel_loop3A_863 = tpu.vector_load %arg7[%parallel_loop3A_859, %parallel_loop3A_860, %parallel_loop3A_861, %parallel_loop3A_862] {strides = array<i32>} : memref<2x125x1x128xi32, #tpu.memory_space<vmem>>, vector<16xi32>,
      %parallel_loop3A_864 = arith.constant 1 : i32
      %parallel_loop3A_865 = arith.constant 0 : i32
      %parallel_loop3A_866 = arith.constant 0 : i32
      %parallel_loop3A_867 = arith.index_cast %parallel_loop3A_864 : i32 to index
      %parallel_loop3A_868 = arith.index_cast %parallel_loop3A_865 : i32 to index
      %parallel_loop3A_869 = arith.index_cast %parallel_loop3A_808 : i32 to index
      %parallel_loop3A_870 = arith.index_cast %parallel_loop3A_866 : i32 to index
      %parallel_loop3A_871 = arith.constant 48 : index
      %parallel_loop3A_872 = tpu.vector_load %arg6[%parallel_loop3A_867, %parallel_loop3A_868, %parallel_loop3A_869, %parallel_loop3A_870, %parallel_loop3A_871] {strides = array<i32>} : memref<2x1x125x1x128xf32, #tpu.memory_space<vmem>>, vector<16xf32>,
      tpu.vector_store_idx %arg10[%parallel_loop3A_863], %parallel_loop3A_872 {add = true} : memref<10240xf32, #tpu.memory_space<vmem>>[vector<16xi32>], vector<16xf32>,
      %parallel_loop3A_873 = arith.constant 1 : i32
      %parallel_loop3A_874 = arith.constant 0 : i32
      %parallel_loop3A_875 = arith.index_cast %parallel_loop3A_873 : i32 to index
      %parallel_loop3A_876 = arith.index_cast %parallel_loop3A_808 : i32 to index
      %parallel_loop3A_877 = arith.index_cast %parallel_loop3A_874 : i32 to index
      %parallel_loop3A_878 = arith.constant 64 : index
      %parallel_loop3A_879 = tpu.vector_load %arg7[%parallel_loop3A_875, %parallel_loop3A_876, %parallel_loop3A_877, %parallel_loop3A_878] {strides = array<i32>} : memref<2x125x1x128xi32, #tpu.memory_space<vmem>>, vector<16xi32>,
      %parallel_loop3A_880 = arith.constant 1 : i32
      %parallel_loop3A_881 = arith.constant 0 : i32
      %parallel_loop3A_882 = arith.constant 0 : i32
      %parallel_loop3A_883 = arith.index_cast %parallel_loop3A_880 : i32 to index
      %parallel_loop3A_884 = arith.index_cast %parallel_loop3A_881 : i32 to index
      %parallel_loop3A_885 = arith.index_cast %parallel_loop3A_808 : i32 to index
      %parallel_loop3A_886 = arith.index_cast %parallel_loop3A_882 : i32 to index
      %parallel_loop3A_887 = arith.constant 64 : index
      %parallel_loop3A_888 = tpu.vector_load %arg6[%parallel_loop3A_883, %parallel_loop3A_884, %parallel_loop3A_885, %parallel_loop3A_886, %parallel_loop3A_887] {strides = array<i32>} : memref<2x1x125x1x128xf32, #tpu.memory_space<vmem>>, vector<16xf32>,
      tpu.vector_store_idx %arg10[%parallel_loop3A_879], %parallel_loop3A_888 {add = true} : memref<10240xf32, #tpu.memory_space<vmem>>[vector<16xi32>], vector<16xf32>,
      %parallel_loop3A_889 = arith.constant 1 : i32
      %parallel_loop3A_890 = arith.constant 0 : i32
      %parallel_loop3A_891 = arith.index_cast %parallel_loop3A_889 : i32 to index
      %parallel_loop3A_892 = arith.index_cast %parallel_loop3A_808 : i32 to index
      %parallel_loop3A_893 = arith.index_cast %parallel_loop3A_890 : i32 to index
      %parallel_loop3A_894 = arith.constant 80 : index
      %parallel_loop3A_895 = tpu.vector_load %arg7[%parallel_loop3A_891, %parallel_loop3A_892, %parallel_loop3A_893, %parallel_loop3A_894] {strides = array<i32>} : memref<2x125x1x128xi32, #tpu.memory_space<vmem>>, vector<16xi32>,
      %parallel_loop3A_896 = arith.constant 1 : i32
      %parallel_loop3A_897 = arith.constant 0 : i32
      %parallel_loop3A_898 = arith.constant 0 : i32
      %parallel_loop3A_899 = arith.index_cast %parallel_loop3A_896 : i32 to index
      %parallel_loop3A_900 = arith.index_cast %parallel_loop3A_897 : i32 to index
      %parallel_loop3A_901 = arith.index_cast %parallel_loop3A_808 : i32 to index
      %parallel_loop3A_902 = arith.index_cast %parallel_loop3A_898 : i32 to index
      %parallel_loop3A_903 = arith.constant 80 : index
      %parallel_loop3A_904 = tpu.vector_load %arg6[%parallel_loop3A_899, %parallel_loop3A_900, %parallel_loop3A_901, %parallel_loop3A_902, %parallel_loop3A_903] {strides = array<i32>} : memref<2x1x125x1x128xf32, #tpu.memory_space<vmem>>, vector<16xf32>,
      tpu.vector_store_idx %arg10[%parallel_loop3A_895], %parallel_loop3A_904 {add = true} : memref<10240xf32, #tpu.memory_space<vmem>>[vector<16xi32>], vector<16xf32>,
      %parallel_loop3A_905 = arith.constant 1 : i32
      %parallel_loop3A_906 = arith.constant 0 : i32
      %parallel_loop3A_907 = arith.index_cast %parallel_loop3A_905 : i32 to index
      %parallel_loop3A_908 = arith.index_cast %parallel_loop3A_808 : i32 to index
      %parallel_loop3A_909 = arith.index_cast %parallel_loop3A_906 : i32 to index
      %parallel_loop3A_910 = arith.constant 96 : index
      %parallel_loop3A_911 = tpu.vector_load %arg7[%parallel_loop3A_907, %parallel_loop3A_908, %parallel_loop3A_909, %parallel_loop3A_910] {strides = array<i32>} : memref<2x125x1x128xi32, #tpu.memory_space<vmem>>, vector<16xi32>,
      %parallel_loop3A_912 = arith.constant 1 : i32
      %parallel_loop3A_913 = arith.constant 0 : i32
      %parallel_loop3A_914 = arith.constant 0 : i32
      %parallel_loop3A_915 = arith.index_cast %parallel_loop3A_912 : i32 to index
      %parallel_loop3A_916 = arith.index_cast %parallel_loop3A_913 : i32 to index
      %parallel_loop3A_917 = arith.index_cast %parallel_loop3A_808 : i32 to index
      %parallel_loop3A_918 = arith.index_cast %parallel_loop3A_914 : i32 to index
      %parallel_loop3A_919 = arith.constant 96 : index
      %parallel_loop3A_920 = tpu.vector_load %arg6[%parallel_loop3A_915, %parallel_loop3A_916, %parallel_loop3A_917, %parallel_loop3A_918, %parallel_loop3A_919] {strides = array<i32>} : memref<2x1x125x1x128xf32, #tpu.memory_space<vmem>>, vector<16xf32>,
      tpu.vector_store_idx %arg10[%parallel_loop3A_911], %parallel_loop3A_920 {add = true} : memref<10240xf32, #tpu.memory_space<vmem>>[vector<16xi32>], vector<16xf32>,
      %parallel_loop3A_921 = arith.constant 1 : i32
      %parallel_loop3A_922 = arith.constant 0 : i32
      %parallel_loop3A_923 = arith.index_cast %parallel_loop3A_921 : i32 to index
      %parallel_loop3A_924 = arith.index_cast %parallel_loop3A_808 : i32 to index
      %parallel_loop3A_925 = arith.index_cast %parallel_loop3A_922 : i32 to index
      %parallel_loop3A_926 = arith.constant 112 : index
      %parallel_loop3A_927 = tpu.vector_load %arg7[%parallel_loop3A_923, %parallel_loop3A_924, %parallel_loop3A_925, %parallel_loop3A_926] {strides = array<i32>} : memref<2x125x1x128xi32, #tpu.memory_space<vmem>>, vector<16xi32>,
      %parallel_loop3A_928 = arith.constant 1 : i32
      %parallel_loop3A_929 = arith.constant 0 : i32
      %parallel_loop3A_930 = arith.constant 0 : i32
      %parallel_loop3A_931 = arith.index_cast %parallel_loop3A_928 : i32 to index
      %parallel_loop3A_932 = arith.index_cast %parallel_loop3A_929 : i32 to index
      %parallel_loop3A_933 = arith.index_cast %parallel_loop3A_808 : i32 to index
      %parallel_loop3A_934 = arith.index_cast %parallel_loop3A_930 : i32 to index
      %parallel_loop3A_935 = arith.constant 112 : index
      %parallel_loop3A_936 = tpu.vector_load %arg6[%parallel_loop3A_931, %parallel_loop3A_932, %parallel_loop3A_933, %parallel_loop3A_934, %parallel_loop3A_935] {strides = array<i32>} : memref<2x1x125x1x128xf32, #tpu.memory_space<vmem>>, vector<16xf32>,
      tpu.vector_store_idx %arg10[%parallel_loop3A_927], %parallel_loop3A_936 {add = true} : memref<10240xf32, #tpu.memory_space<vmem>>[vector<16xi32>], vector<16xf32>,
    } {sc.loop_unroll_factor = 4 : i64, sc.parallel_access}
    %dma_wait3A_528 = arith.constant 0 : i32
    %dma_wait3A_529 = arith.constant 0 : i32
    %dma_wait3A_530 = arith.constant 0 : i32
    %dma_wait3A_531 = arith.constant 0 : i32
    %dma_wait3A_532 = arith.constant 0 : i32
    %dma_wait3A_533 = tpu.memref_slice %arg6[%dma_wait3A_528, %dma_wait3A_529, %dma_wait3A_530, %dma_wait3A_531, %dma_wait3A_532] : memref<2x1x125x1x128xf32, #tpu.memory_space<vmem>> -> memref<1x1x125x1x128xf32, #tpu.memory_space<vmem>>
    %dma_wait3A_534 = tpu.memref_squeeze %dma_wait3A_533 : memref<1x1x125x1x128xf32, #tpu.memory_space<vmem>> -> memref<1x125x1x128xf32, #tpu.memory_space<vmem>>
    %dma_wait3A_535 = arith.constant 0 : i32
    %dma_wait3A_536 = tpu.memref_slice %arg2[%select_n3A, %add3A_490, %select_n3A_30, %dma_wait3A_535] : memref<2x2500x8x128xf32, #tpu.memory_space<hbm>> -> memref<1x125x1x128xf32, #tpu.memory_space<hbm>>
    %dma_wait3A_537 = arith.constant 0 : i32
    %dma_wait3A_538 = arith.constant 0 : i32
    %dma_wait3A_539 = arith.constant 0 : i32
    %dma_wait3A_540 = arith.constant 0 : i32
    %dma_wait3A_541 = tpu.memref_slice %arg6[%dma_wait3A_528, %dma_wait3A_537, %dma_wait3A_538, %dma_wait3A_539, %dma_wait3A_540] : memref<2x1x125x1x128xf32, #tpu.memory_space<vmem>> -> memref<1x1x125x1x128xf32, #tpu.memory_space<vmem>>
    %dma_wait3A_542 = tpu.memref_squeeze %dma_wait3A_541 : memref<1x1x125x1x128xf32, #tpu.memory_space<vmem>> -> memref<1x125x1x128xf32, #tpu.memory_space<vmem>>
    %dma_wait3A_543 = arith.constant 0 : i32
    %dma_wait3A_544 = tpu.memref_slice %arg2[%select_n3A, %add3A_490, %select_n3A_30, %dma_wait3A_543] : memref<2x2500x8x128xf32, #tpu.memory_space<hbm>> -> memref<1x125x1x128xf32, #tpu.memory_space<hbm>>
    tpu.wait_dma2 semaphore(%arg12 : memref<!tpu.dma_semaphore, #tpu.memory_space<semaphore_mem>>) src(%dma_wait3A_544 : memref<1x125x1x128xf32, #tpu.memory_space<hbm>>) dst(%dma_wait3A_542 : memref<1x125x1x128xf32, #tpu.memory_space<vmem>>)
    %dma_wait3A_545 = arith.constant 0 : i32
    %dma_wait3A_546 = arith.constant 0 : i32
    %dma_wait3A_547 = arith.constant 0 : i32
    %dma_wait3A_548 = arith.constant 0 : i32
    %dma_wait3A_549 = tpu.memref_slice %arg7[%dma_wait3A_545, %dma_wait3A_546, %dma_wait3A_547, %dma_wait3A_548] : memref<2x125x1x128xi32, #tpu.memory_space<vmem>> -> memref<1x125x1x128xi32, #tpu.memory_space<vmem>>
    %dma_wait3A_550 = tpu.memref_squeeze %dma_wait3A_549 : memref<1x125x1x128xi32, #tpu.memory_space<vmem>> -> memref<125x1x128xi32, #tpu.memory_space<vmem>>
    %dma_wait3A_551 = arith.constant 1 : i32
    %dma_wait3A_552 = arith.constant 0 : i32
    %dma_wait3A_553 = tpu.memref_slice %arg3[%add3A_490, %dma_wait3A_551, %dma_wait3A_552] : memref<2500x2x128xi32, #tpu.memory_space<hbm>> -> memref<125x1x128xi32, #tpu.memory_space<hbm>>
    %dma_wait3A_554 = arith.constant 0 : i32
    %dma_wait3A_555 = arith.constant 0 : i32
    %dma_wait3A_556 = arith.constant 0 : i32
    %dma_wait3A_557 = tpu.memref_slice %arg7[%dma_wait3A_545, %dma_wait3A_554, %dma_wait3A_555, %dma_wait3A_556] : memref<2x125x1x128xi32, #tpu.memory_space<vmem>> -> memref<1x125x1x128xi32, #tpu.memory_space<vmem>>
    %dma_wait3A_558 = tpu.memref_squeeze %dma_wait3A_557 : memref<1x125x1x128xi32, #tpu.memory_space<vmem>> -> memref<125x1x128xi32, #tpu.memory_space<vmem>>
    %dma_wait3A_559 = arith.constant 1 : i32
    %dma_wait3A_560 = arith.constant 0 : i32
    %dma_wait3A_561 = tpu.memref_slice %arg3[%add3A_490, %dma_wait3A_559, %dma_wait3A_560] : memref<2500x2x128xi32, #tpu.memory_space<hbm>> -> memref<125x1x128xi32, #tpu.memory_space<hbm>>
    tpu.wait_dma2 semaphore(%arg13 : memref<!tpu.dma_semaphore, #tpu.memory_space<semaphore_mem>>) src(%dma_wait3A_561 : memref<125x1x128xi32, #tpu.memory_space<hbm>>) dst(%dma_wait3A_558 : memref<125x1x128xi32, #tpu.memory_space<vmem>>)
    %mul3A_562 = arith.constant 1250 : i32
    %mul3A_563 = arith.muli %arg0, %mul3A_562 : i32
    %add3A_564 = arith.constant 875 : i32
    %add3A_565 = arith.addi %mul3A_563, %add3A_564 : i32
    %dma_start3A_566 = arith.constant 1 : i32
    %dma_start3A_567 = arith.constant 0 : i32
    %dma_start3A_568 = arith.constant 0 : i32
    %dma_start3A_569 = arith.constant 0 : i32
    %dma_start3A_570 = arith.constant 0 : i32
    %dma_start3A_571 = tpu.memref_slice %arg6[%dma_start3A_566, %dma_start3A_567, %dma_start3A_568, %dma_start3A_569, %dma_start3A_570] : memref<2x1x125x1x128xf32, #tpu.memory_space<vmem>> -> memref<1x1x125x1x128xf32, #tpu.memory_space<vmem>>
    %dma_start3A_572 = tpu.memref_squeeze %dma_start3A_571 : memref<1x1x125x1x128xf32, #tpu.memory_space<vmem>> -> memref<1x125x1x128xf32, #tpu.memory_space<vmem>>
    %dma_start3A_573 = arith.constant 0 : i32
    %dma_start3A_574 = tpu.memref_slice %arg2[%select_n3A, %add3A_565, %select_n3A_30, %dma_start3A_573] : memref<2x2500x8x128xf32, #tpu.memory_space<hbm>> -> memref<1x125x1x128xf32, #tpu.memory_space<hbm>>
    %dma_start3A_575 = arith.constant 0 : i32
    %dma_start3A_576 = arith.constant 0 : i32
    %dma_start3A_577 = arith.constant 0 : i32
    %dma_start3A_578 = arith.constant 0 : i32
    %dma_start3A_579 = tpu.memref_slice %arg6[%dma_start3A_566, %dma_start3A_575, %dma_start3A_576, %dma_start3A_577, %dma_start3A_578] : memref<2x1x125x1x128xf32, #tpu.memory_space<vmem>> -> memref<1x1x125x1x128xf32, #tpu.memory_space<vmem>>
    %dma_start3A_580 = tpu.memref_squeeze %dma_start3A_579 : memref<1x1x125x1x128xf32, #tpu.memory_space<vmem>> -> memref<1x125x1x128xf32, #tpu.memory_space<vmem>>
    %dma_start3A_581 = arith.constant 0 : i32
    %dma_start3A_582 = tpu.memref_slice %arg2[%select_n3A, %add3A_565, %select_n3A_30, %dma_start3A_581] : memref<2x2500x8x128xf32, #tpu.memory_space<hbm>> -> memref<1x125x1x128xf32, #tpu.memory_space<hbm>>
    tpu.enqueue_dma source(%dma_start3A_582 : memref<1x125x1x128xf32, #tpu.memory_space<hbm>>) target(%dma_start3A_580 : memref<1x125x1x128xf32, #tpu.memory_space<vmem>>) target_semaphore(%arg12 : memref<!tpu.dma_semaphore, #tpu.memory_space<semaphore_mem>>)
    %dma_start3A_583 = arith.constant 1 : i32
    %dma_start3A_584 = arith.constant 0 : i32
    %dma_start3A_585 = arith.constant 0 : i32
    %dma_start3A_586 = arith.constant 0 : i32
    %dma_start3A_587 = tpu.memref_slice %arg7[%dma_start3A_583, %dma_start3A_584, %dma_start3A_585, %dma_start3A_586] : memref<2x125x1x128xi32, #tpu.memory_space<vmem>> -> memref<1x125x1x128xi32, #tpu.memory_space<vmem>>
    %dma_start3A_588 = tpu.memref_squeeze %dma_start3A_587 : memref<1x125x1x128xi32, #tpu.memory_space<vmem>> -> memref<125x1x128xi32, #tpu.memory_space<vmem>>
    %dma_start3A_589 = arith.constant 1 : i32
    %dma_start3A_590 = arith.constant 0 : i32
    %dma_start3A_591 = tpu.memref_slice %arg3[%add3A_565, %dma_start3A_589, %dma_start3A_590] : memref<2500x2x128xi32, #tpu.memory_space<hbm>> -> memref<125x1x128xi32, #tpu.memory_space<hbm>>
    %dma_start3A_592 = arith.constant 0 : i32
    %dma_start3A_593 = arith.constant 0 : i32
    %dma_start3A_594 = arith.constant 0 : i32
    %dma_start3A_595 = tpu.memref_slice %arg7[%dma_start3A_583, %dma_start3A_592, %dma_start3A_593, %dma_start3A_594] : memref<2x125x1x128xi32, #tpu.memory_space<vmem>> -> memref<1x125x1x128xi32, #tpu.memory_space<vmem>>
    %dma_start3A_596 = tpu.memref_squeeze %dma_start3A_595 : memref<1x125x1x128xi32, #tpu.memory_space<vmem>> -> memref<125x1x128xi32, #tpu.memory_space<vmem>>
    %dma_start3A_597 = arith.constant 1 : i32
    %dma_start3A_598 = arith.constant 0 : i32
    %dma_start3A_599 = tpu.memref_slice %arg3[%add3A_565, %dma_start3A_597, %dma_start3A_598] : memref<2500x2x128xi32, #tpu.memory_space<hbm>> -> memref<125x1x128xi32, #tpu.memory_space<hbm>>
    tpu.enqueue_dma source(%dma_start3A_599 : memref<125x1x128xi32, #tpu.memory_space<hbm>>) target(%dma_start3A_596 : memref<125x1x128xi32, #tpu.memory_space<vmem>>) target_semaphore(%arg13 : memref<!tpu.dma_semaphore, #tpu.memory_space<semaphore_mem>>)
    %parallel_loop3A_600 = arith.constant 0 : i32
    %parallel_loop3A_601 = arith.constant 125 : i32
    %parallel_loop3A_602 = arith.constant 1 : i32
    scf.for %parallel_loop3A_808 = %parallel_loop3A_600 to %parallel_loop3A_601 step %parallel_loop3A_602  : i32 {
      %parallel_loop3A_809 = arith.constant 0 : i32
      %parallel_loop3A_810 = arith.constant 0 : i32
      %parallel_loop3A_811 = arith.index_cast %parallel_loop3A_809 : i32 to index
      %parallel_loop3A_812 = arith.index_cast %parallel_loop3A_808 : i32 to index
      %parallel_loop3A_813 = arith.index_cast %parallel_loop3A_810 : i32 to index
      %parallel_loop3A_814 = arith.constant 0 : index
      %parallel_loop3A_815 = tpu.vector_load %arg7[%parallel_loop3A_811, %parallel_loop3A_812, %parallel_loop3A_813, %parallel_loop3A_814] {strides = array<i32>} : memref<2x125x1x128xi32, #tpu.memory_space<vmem>>, vector<16xi32>,
      %parallel_loop3A_816 = arith.constant 0 : i32
      %parallel_loop3A_817 = arith.constant 0 : i32
      %parallel_loop3A_818 = arith.constant 0 : i32
      %parallel_loop3A_819 = arith.index_cast %parallel_loop3A_816 : i32 to index
      %parallel_loop3A_820 = arith.index_cast %parallel_loop3A_817 : i32 to index
      %parallel_loop3A_821 = arith.index_cast %parallel_loop3A_808 : i32 to index
      %parallel_loop3A_822 = arith.index_cast %parallel_loop3A_818 : i32 to index
      %parallel_loop3A_823 = arith.constant 0 : index
      %parallel_loop3A_824 = tpu.vector_load %arg6[%parallel_loop3A_819, %parallel_loop3A_820, %parallel_loop3A_821, %parallel_loop3A_822, %parallel_loop3A_823] {strides = array<i32>} : memref<2x1x125x1x128xf32, #tpu.memory_space<vmem>>, vector<16xf32>,
      tpu.vector_store_idx %arg10[%parallel_loop3A_815], %parallel_loop3A_824 {add = true} : memref<10240xf32, #tpu.memory_space<vmem>>[vector<16xi32>], vector<16xf32>,
      %parallel_loop3A_825 = arith.constant 0 : i32
      %parallel_loop3A_826 = arith.constant 0 : i32
      %parallel_loop3A_827 = arith.index_cast %parallel_loop3A_825 : i32 to index
      %parallel_loop3A_828 = arith.index_cast %parallel_loop3A_808 : i32 to index
      %parallel_loop3A_829 = arith.index_cast %parallel_loop3A_826 : i32 to index
      %parallel_loop3A_830 = arith.constant 16 : index
      %parallel_loop3A_831 = tpu.vector_load %arg7[%parallel_loop3A_827, %parallel_loop3A_828, %parallel_loop3A_829, %parallel_loop3A_830] {strides = array<i32>} : memref<2x125x1x128xi32, #tpu.memory_space<vmem>>, vector<16xi32>,
      %parallel_loop3A_832 = arith.constant 0 : i32
      %parallel_loop3A_833 = arith.constant 0 : i32
      %parallel_loop3A_834 = arith.constant 0 : i32
      %parallel_loop3A_835 = arith.index_cast %parallel_loop3A_832 : i32 to index
      %parallel_loop3A_836 = arith.index_cast %parallel_loop3A_833 : i32 to index
      %parallel_loop3A_837 = arith.index_cast %parallel_loop3A_808 : i32 to index
      %parallel_loop3A_838 = arith.index_cast %parallel_loop3A_834 : i32 to index
      %parallel_loop3A_839 = arith.constant 16 : index
      %parallel_loop3A_840 = tpu.vector_load %arg6[%parallel_loop3A_835, %parallel_loop3A_836, %parallel_loop3A_837, %parallel_loop3A_838, %parallel_loop3A_839] {strides = array<i32>} : memref<2x1x125x1x128xf32, #tpu.memory_space<vmem>>, vector<16xf32>,
      tpu.vector_store_idx %arg10[%parallel_loop3A_831], %parallel_loop3A_840 {add = true} : memref<10240xf32, #tpu.memory_space<vmem>>[vector<16xi32>], vector<16xf32>,
      %parallel_loop3A_841 = arith.constant 0 : i32
      %parallel_loop3A_842 = arith.constant 0 : i32
      %parallel_loop3A_843 = arith.index_cast %parallel_loop3A_841 : i32 to index
      %parallel_loop3A_844 = arith.index_cast %parallel_loop3A_808 : i32 to index
      %parallel_loop3A_845 = arith.index_cast %parallel_loop3A_842 : i32 to index
      %parallel_loop3A_846 = arith.constant 32 : index
      %parallel_loop3A_847 = tpu.vector_load %arg7[%parallel_loop3A_843, %parallel_loop3A_844, %parallel_loop3A_845, %parallel_loop3A_846] {strides = array<i32>} : memref<2x125x1x128xi32, #tpu.memory_space<vmem>>, vector<16xi32>,
      %parallel_loop3A_848 = arith.constant 0 : i32
      %parallel_loop3A_849 = arith.constant 0 : i32
      %parallel_loop3A_850 = arith.constant 0 : i32
      %parallel_loop3A_851 = arith.index_cast %parallel_loop3A_848 : i32 to index
      %parallel_loop3A_852 = arith.index_cast %parallel_loop3A_849 : i32 to index
      %parallel_loop3A_853 = arith.index_cast %parallel_loop3A_808 : i32 to index
      %parallel_loop3A_854 = arith.index_cast %parallel_loop3A_850 : i32 to index
      %parallel_loop3A_855 = arith.constant 32 : index
      %parallel_loop3A_856 = tpu.vector_load %arg6[%parallel_loop3A_851, %parallel_loop3A_852, %parallel_loop3A_853, %parallel_loop3A_854, %parallel_loop3A_855] {strides = array<i32>} : memref<2x1x125x1x128xf32, #tpu.memory_space<vmem>>, vector<16xf32>,
      tpu.vector_store_idx %arg10[%parallel_loop3A_847], %parallel_loop3A_856 {add = true} : memref<10240xf32, #tpu.memory_space<vmem>>[vector<16xi32>], vector<16xf32>,
      %parallel_loop3A_857 = arith.constant 0 : i32
      %parallel_loop3A_858 = arith.constant 0 : i32
      %parallel_loop3A_859 = arith.index_cast %parallel_loop3A_857 : i32 to index
      %parallel_loop3A_860 = arith.index_cast %parallel_loop3A_808 : i32 to index
      %parallel_loop3A_861 = arith.index_cast %parallel_loop3A_858 : i32 to index
      %parallel_loop3A_862 = arith.constant 48 : index
      %parallel_loop3A_863 = tpu.vector_load %arg7[%parallel_loop3A_859, %parallel_loop3A_860, %parallel_loop3A_861, %parallel_loop3A_862] {strides = array<i32>} : memref<2x125x1x128xi32, #tpu.memory_space<vmem>>, vector<16xi32>,
      %parallel_loop3A_864 = arith.constant 0 : i32
      %parallel_loop3A_865 = arith.constant 0 : i32
      %parallel_loop3A_866 = arith.constant 0 : i32
      %parallel_loop3A_867 = arith.index_cast %parallel_loop3A_864 : i32 to index
      %parallel_loop3A_868 = arith.index_cast %parallel_loop3A_865 : i32 to index
      %parallel_loop3A_869 = arith.index_cast %parallel_loop3A_808 : i32 to index
      %parallel_loop3A_870 = arith.index_cast %parallel_loop3A_866 : i32 to index
      %parallel_loop3A_871 = arith.constant 48 : index
      %parallel_loop3A_872 = tpu.vector_load %arg6[%parallel_loop3A_867, %parallel_loop3A_868, %parallel_loop3A_869, %parallel_loop3A_870, %parallel_loop3A_871] {strides = array<i32>} : memref<2x1x125x1x128xf32, #tpu.memory_space<vmem>>, vector<16xf32>,
      tpu.vector_store_idx %arg10[%parallel_loop3A_863], %parallel_loop3A_872 {add = true} : memref<10240xf32, #tpu.memory_space<vmem>>[vector<16xi32>], vector<16xf32>,
      %parallel_loop3A_873 = arith.constant 0 : i32
      %parallel_loop3A_874 = arith.constant 0 : i32
      %parallel_loop3A_875 = arith.index_cast %parallel_loop3A_873 : i32 to index
      %parallel_loop3A_876 = arith.index_cast %parallel_loop3A_808 : i32 to index
      %parallel_loop3A_877 = arith.index_cast %parallel_loop3A_874 : i32 to index
      %parallel_loop3A_878 = arith.constant 64 : index
      %parallel_loop3A_879 = tpu.vector_load %arg7[%parallel_loop3A_875, %parallel_loop3A_876, %parallel_loop3A_877, %parallel_loop3A_878] {strides = array<i32>} : memref<2x125x1x128xi32, #tpu.memory_space<vmem>>, vector<16xi32>,
      %parallel_loop3A_880 = arith.constant 0 : i32
      %parallel_loop3A_881 = arith.constant 0 : i32
      %parallel_loop3A_882 = arith.constant 0 : i32
      %parallel_loop3A_883 = arith.index_cast %parallel_loop3A_880 : i32 to index
      %parallel_loop3A_884 = arith.index_cast %parallel_loop3A_881 : i32 to index
      %parallel_loop3A_885 = arith.index_cast %parallel_loop3A_808 : i32 to index
      %parallel_loop3A_886 = arith.index_cast %parallel_loop3A_882 : i32 to index
      %parallel_loop3A_887 = arith.constant 64 : index
      %parallel_loop3A_888 = tpu.vector_load %arg6[%parallel_loop3A_883, %parallel_loop3A_884, %parallel_loop3A_885, %parallel_loop3A_886, %parallel_loop3A_887] {strides = array<i32>} : memref<2x1x125x1x128xf32, #tpu.memory_space<vmem>>, vector<16xf32>,
      tpu.vector_store_idx %arg10[%parallel_loop3A_879], %parallel_loop3A_888 {add = true} : memref<10240xf32, #tpu.memory_space<vmem>>[vector<16xi32>], vector<16xf32>,
      %parallel_loop3A_889 = arith.constant 0 : i32
      %parallel_loop3A_890 = arith.constant 0 : i32
      %parallel_loop3A_891 = arith.index_cast %parallel_loop3A_889 : i32 to index
      %parallel_loop3A_892 = arith.index_cast %parallel_loop3A_808 : i32 to index
      %parallel_loop3A_893 = arith.index_cast %parallel_loop3A_890 : i32 to index
      %parallel_loop3A_894 = arith.constant 80 : index
      %parallel_loop3A_895 = tpu.vector_load %arg7[%parallel_loop3A_891, %parallel_loop3A_892, %parallel_loop3A_893, %parallel_loop3A_894] {strides = array<i32>} : memref<2x125x1x128xi32, #tpu.memory_space<vmem>>, vector<16xi32>,
      %parallel_loop3A_896 = arith.constant 0 : i32
      %parallel_loop3A_897 = arith.constant 0 : i32
      %parallel_loop3A_898 = arith.constant 0 : i32
      %parallel_loop3A_899 = arith.index_cast %parallel_loop3A_896 : i32 to index
      %parallel_loop3A_900 = arith.index_cast %parallel_loop3A_897 : i32 to index
      %parallel_loop3A_901 = arith.index_cast %parallel_loop3A_808 : i32 to index
      %parallel_loop3A_902 = arith.index_cast %parallel_loop3A_898 : i32 to index
      %parallel_loop3A_903 = arith.constant 80 : index
      %parallel_loop3A_904 = tpu.vector_load %arg6[%parallel_loop3A_899, %parallel_loop3A_900, %parallel_loop3A_901, %parallel_loop3A_902, %parallel_loop3A_903] {strides = array<i32>} : memref<2x1x125x1x128xf32, #tpu.memory_space<vmem>>, vector<16xf32>,
      tpu.vector_store_idx %arg10[%parallel_loop3A_895], %parallel_loop3A_904 {add = true} : memref<10240xf32, #tpu.memory_space<vmem>>[vector<16xi32>], vector<16xf32>,
      %parallel_loop3A_905 = arith.constant 0 : i32
      %parallel_loop3A_906 = arith.constant 0 : i32
      %parallel_loop3A_907 = arith.index_cast %parallel_loop3A_905 : i32 to index
      %parallel_loop3A_908 = arith.index_cast %parallel_loop3A_808 : i32 to index
      %parallel_loop3A_909 = arith.index_cast %parallel_loop3A_906 : i32 to index
      %parallel_loop3A_910 = arith.constant 96 : index
      %parallel_loop3A_911 = tpu.vector_load %arg7[%parallel_loop3A_907, %parallel_loop3A_908, %parallel_loop3A_909, %parallel_loop3A_910] {strides = array<i32>} : memref<2x125x1x128xi32, #tpu.memory_space<vmem>>, vector<16xi32>,
      %parallel_loop3A_912 = arith.constant 0 : i32
      %parallel_loop3A_913 = arith.constant 0 : i32
      %parallel_loop3A_914 = arith.constant 0 : i32
      %parallel_loop3A_915 = arith.index_cast %parallel_loop3A_912 : i32 to index
      %parallel_loop3A_916 = arith.index_cast %parallel_loop3A_913 : i32 to index
      %parallel_loop3A_917 = arith.index_cast %parallel_loop3A_808 : i32 to index
      %parallel_loop3A_918 = arith.index_cast %parallel_loop3A_914 : i32 to index
      %parallel_loop3A_919 = arith.constant 96 : index
      %parallel_loop3A_920 = tpu.vector_load %arg6[%parallel_loop3A_915, %parallel_loop3A_916, %parallel_loop3A_917, %parallel_loop3A_918, %parallel_loop3A_919] {strides = array<i32>} : memref<2x1x125x1x128xf32, #tpu.memory_space<vmem>>, vector<16xf32>,
      tpu.vector_store_idx %arg10[%parallel_loop3A_911], %parallel_loop3A_920 {add = true} : memref<10240xf32, #tpu.memory_space<vmem>>[vector<16xi32>], vector<16xf32>,
      %parallel_loop3A_921 = arith.constant 0 : i32
      %parallel_loop3A_922 = arith.constant 0 : i32
      %parallel_loop3A_923 = arith.index_cast %parallel_loop3A_921 : i32 to index
      %parallel_loop3A_924 = arith.index_cast %parallel_loop3A_808 : i32 to index
      %parallel_loop3A_925 = arith.index_cast %parallel_loop3A_922 : i32 to index
      %parallel_loop3A_926 = arith.constant 112 : index
      %parallel_loop3A_927 = tpu.vector_load %arg7[%parallel_loop3A_923, %parallel_loop3A_924, %parallel_loop3A_925, %parallel_loop3A_926] {strides = array<i32>} : memref<2x125x1x128xi32, #tpu.memory_space<vmem>>, vector<16xi32>,
      %parallel_loop3A_928 = arith.constant 0 : i32
      %parallel_loop3A_929 = arith.constant 0 : i32
      %parallel_loop3A_930 = arith.constant 0 : i32
      %parallel_loop3A_931 = arith.index_cast %parallel_loop3A_928 : i32 to index
      %parallel_loop3A_932 = arith.index_cast %parallel_loop3A_929 : i32 to index
      %parallel_loop3A_933 = arith.index_cast %parallel_loop3A_808 : i32 to index
      %parallel_loop3A_934 = arith.index_cast %parallel_loop3A_930 : i32 to index
      %parallel_loop3A_935 = arith.constant 112 : index
      %parallel_loop3A_936 = tpu.vector_load %arg6[%parallel_loop3A_931, %parallel_loop3A_932, %parallel_loop3A_933, %parallel_loop3A_934, %parallel_loop3A_935] {strides = array<i32>} : memref<2x1x125x1x128xf32, #tpu.memory_space<vmem>>, vector<16xf32>,
      tpu.vector_store_idx %arg10[%parallel_loop3A_927], %parallel_loop3A_936 {add = true} : memref<10240xf32, #tpu.memory_space<vmem>>[vector<16xi32>], vector<16xf32>,
    } {sc.loop_unroll_factor = 4 : i64, sc.parallel_access}
    %dma_wait3A_603 = arith.constant 1 : i32
    %dma_wait3A_604 = arith.constant 0 : i32
    %dma_wait3A_605 = arith.constant 0 : i32
    %dma_wait3A_606 = arith.constant 0 : i32
    %dma_wait3A_607 = arith.constant 0 : i32
    %dma_wait3A_608 = tpu.memref_slice %arg6[%dma_wait3A_603, %dma_wait3A_604, %dma_wait3A_605, %dma_wait3A_606, %dma_wait3A_607] : memref<2x1x125x1x128xf32, #tpu.memory_space<vmem>> -> memref<1x1x125x1x128xf32, #tpu.memory_space<vmem>>
    %dma_wait3A_609 = tpu.memref_squeeze %dma_wait3A_608 : memref<1x1x125x1x128xf32, #tpu.memory_space<vmem>> -> memref<1x125x1x128xf32, #tpu.memory_space<vmem>>
    %dma_wait3A_610 = arith.constant 0 : i32
    %dma_wait3A_611 = tpu.memref_slice %arg2[%select_n3A, %add3A_565, %select_n3A_30, %dma_wait3A_610] : memref<2x2500x8x128xf32, #tpu.memory_space<hbm>> -> memref<1x125x1x128xf32, #tpu.memory_space<hbm>>
    %dma_wait3A_612 = arith.constant 0 : i32
    %dma_wait3A_613 = arith.constant 0 : i32
    %dma_wait3A_614 = arith.constant 0 : i32
    %dma_wait3A_615 = arith.constant 0 : i32
    %dma_wait3A_616 = tpu.memref_slice %arg6[%dma_wait3A_603, %dma_wait3A_612, %dma_wait3A_613, %dma_wait3A_614, %dma_wait3A_615] : memref<2x1x125x1x128xf32, #tpu.memory_space<vmem>> -> memref<1x1x125x1x128xf32, #tpu.memory_space<vmem>>
    %dma_wait3A_617 = tpu.memref_squeeze %dma_wait3A_616 : memref<1x1x125x1x128xf32, #tpu.memory_space<vmem>> -> memref<1x125x1x128xf32, #tpu.memory_space<vmem>>
    %dma_wait3A_618 = arith.constant 0 : i32
    %dma_wait3A_619 = tpu.memref_slice %arg2[%select_n3A, %add3A_565, %select_n3A_30, %dma_wait3A_618] : memref<2x2500x8x128xf32, #tpu.memory_space<hbm>> -> memref<1x125x1x128xf32, #tpu.memory_space<hbm>>
    tpu.wait_dma2 semaphore(%arg12 : memref<!tpu.dma_semaphore, #tpu.memory_space<semaphore_mem>>) src(%dma_wait3A_619 : memref<1x125x1x128xf32, #tpu.memory_space<hbm>>) dst(%dma_wait3A_617 : memref<1x125x1x128xf32, #tpu.memory_space<vmem>>)
    %dma_wait3A_620 = arith.constant 1 : i32
    %dma_wait3A_621 = arith.constant 0 : i32
    %dma_wait3A_622 = arith.constant 0 : i32
    %dma_wait3A_623 = arith.constant 0 : i32
    %dma_wait3A_624 = tpu.memref_slice %arg7[%dma_wait3A_620, %dma_wait3A_621, %dma_wait3A_622, %dma_wait3A_623] : memref<2x125x1x128xi32, #tpu.memory_space<vmem>> -> memref<1x125x1x128xi32, #tpu.memory_space<vmem>>
    %dma_wait3A_625 = tpu.memref_squeeze %dma_wait3A_624 : memref<1x125x1x128xi32, #tpu.memory_space<vmem>> -> memref<125x1x128xi32, #tpu.memory_space<vmem>>
    %dma_wait3A_626 = arith.constant 1 : i32
    %dma_wait3A_627 = arith.constant 0 : i32
    %dma_wait3A_628 = tpu.memref_slice %arg3[%add3A_565, %dma_wait3A_626, %dma_wait3A_627] : memref<2500x2x128xi32, #tpu.memory_space<hbm>> -> memref<125x1x128xi32, #tpu.memory_space<hbm>>
    %dma_wait3A_629 = arith.constant 0 : i32
    %dma_wait3A_630 = arith.constant 0 : i32
    %dma_wait3A_631 = arith.constant 0 : i32
    %dma_wait3A_632 = tpu.memref_slice %arg7[%dma_wait3A_620, %dma_wait3A_629, %dma_wait3A_630, %dma_wait3A_631] : memref<2x125x1x128xi32, #tpu.memory_space<vmem>> -> memref<1x125x1x128xi32, #tpu.memory_space<vmem>>
    %dma_wait3A_633 = tpu.memref_squeeze %dma_wait3A_632 : memref<1x125x1x128xi32, #tpu.memory_space<vmem>> -> memref<125x1x128xi32, #tpu.memory_space<vmem>>
    %dma_wait3A_634 = arith.constant 1 : i32
    %dma_wait3A_635 = arith.constant 0 : i32
    %dma_wait3A_636 = tpu.memref_slice %arg3[%add3A_565, %dma_wait3A_634, %dma_wait3A_635] : memref<2500x2x128xi32, #tpu.memory_space<hbm>> -> memref<125x1x128xi32, #tpu.memory_space<hbm>>
    tpu.wait_dma2 semaphore(%arg13 : memref<!tpu.dma_semaphore, #tpu.memory_space<semaphore_mem>>) src(%dma_wait3A_636 : memref<125x1x128xi32, #tpu.memory_space<hbm>>) dst(%dma_wait3A_633 : memref<125x1x128xi32, #tpu.memory_space<vmem>>)
    %mul3A_637 = arith.constant 1250 : i32
    %mul3A_638 = arith.muli %arg0, %mul3A_637 : i32
    %add3A_639 = arith.constant 1000 : i32
    %add3A_640 = arith.addi %mul3A_638, %add3A_639 : i32
    %dma_start3A_641 = arith.constant 0 : i32
    %dma_start3A_642 = arith.constant 0 : i32
    %dma_start3A_643 = arith.constant 0 : i32
    %dma_start3A_644 = arith.constant 0 : i32
    %dma_start3A_645 = arith.constant 0 : i32
    %dma_start3A_646 = tpu.memref_slice %arg6[%dma_start3A_641, %dma_start3A_642, %dma_start3A_643, %dma_start3A_644, %dma_start3A_645] : memref<2x1x125x1x128xf32, #tpu.memory_space<vmem>> -> memref<1x1x125x1x128xf32, #tpu.memory_space<vmem>>
    %dma_start3A_647 = tpu.memref_squeeze %dma_start3A_646 : memref<1x1x125x1x128xf32, #tpu.memory_space<vmem>> -> memref<1x125x1x128xf32, #tpu.memory_space<vmem>>
    %dma_start3A_648 = arith.constant 0 : i32
    %dma_start3A_649 = tpu.memref_slice %arg2[%select_n3A, %add3A_640, %select_n3A_30, %dma_start3A_648] : memref<2x2500x8x128xf32, #tpu.memory_space<hbm>> -> memref<1x125x1x128xf32, #tpu.memory_space<hbm>>
    %dma_start3A_650 = arith.constant 0 : i32
    %dma_start3A_651 = arith.constant 0 : i32
    %dma_start3A_652 = arith.constant 0 : i32
    %dma_start3A_653 = arith.constant 0 : i32
    %dma_start3A_654 = tpu.memref_slice %arg6[%dma_start3A_641, %dma_start3A_650, %dma_start3A_651, %dma_start3A_652, %dma_start3A_653] : memref<2x1x125x1x128xf32, #tpu.memory_space<vmem>> -> memref<1x1x125x1x128xf32, #tpu.memory_space<vmem>>
    %dma_start3A_655 = tpu.memref_squeeze %dma_start3A_654 : memref<1x1x125x1x128xf32, #tpu.memory_space<vmem>> -> memref<1x125x1x128xf32, #tpu.memory_space<vmem>>
    %dma_start3A_656 = arith.constant 0 : i32
    %dma_start3A_657 = tpu.memref_slice %arg2[%select_n3A, %add3A_640, %select_n3A_30, %dma_start3A_656] : memref<2x2500x8x128xf32, #tpu.memory_space<hbm>> -> memref<1x125x1x128xf32, #tpu.memory_space<hbm>>
    tpu.enqueue_dma source(%dma_start3A_657 : memref<1x125x1x128xf32, #tpu.memory_space<hbm>>) target(%dma_start3A_655 : memref<1x125x1x128xf32, #tpu.memory_space<vmem>>) target_semaphore(%arg12 : memref<!tpu.dma_semaphore, #tpu.memory_space<semaphore_mem>>)
    %dma_start3A_658 = arith.constant 0 : i32
    %dma_start3A_659 = arith.constant 0 : i32
    %dma_start3A_660 = arith.constant 0 : i32
    %dma_start3A_661 = arith.constant 0 : i32
    %dma_start3A_662 = tpu.memref_slice %arg7[%dma_start3A_658, %dma_start3A_659, %dma_start3A_660, %dma_start3A_661] : memref<2x125x1x128xi32, #tpu.memory_space<vmem>> -> memref<1x125x1x128xi32, #tpu.memory_space<vmem>>
    %dma_start3A_663 = tpu.memref_squeeze %dma_start3A_662 : memref<1x125x1x128xi32, #tpu.memory_space<vmem>> -> memref<125x1x128xi32, #tpu.memory_space<vmem>>
    %dma_start3A_664 = arith.constant 1 : i32
    %dma_start3A_665 = arith.constant 0 : i32
    %dma_start3A_666 = tpu.memref_slice %arg3[%add3A_640, %dma_start3A_664, %dma_start3A_665] : memref<2500x2x128xi32, #tpu.memory_space<hbm>> -> memref<125x1x128xi32, #tpu.memory_space<hbm>>
    %dma_start3A_667 = arith.constant 0 : i32
    %dma_start3A_668 = arith.constant 0 : i32
    %dma_start3A_669 = arith.constant 0 : i32
    %dma_start3A_670 = tpu.memref_slice %arg7[%dma_start3A_658, %dma_start3A_667, %dma_start3A_668, %dma_start3A_669] : memref<2x125x1x128xi32, #tpu.memory_space<vmem>> -> memref<1x125x1x128xi32, #tpu.memory_space<vmem>>
    %dma_start3A_671 = tpu.memref_squeeze %dma_start3A_670 : memref<1x125x1x128xi32, #tpu.memory_space<vmem>> -> memref<125x1x128xi32, #tpu.memory_space<vmem>>
    %dma_start3A_672 = arith.constant 1 : i32
    %dma_start3A_673 = arith.constant 0 : i32
    %dma_start3A_674 = tpu.memref_slice %arg3[%add3A_640, %dma_start3A_672, %dma_start3A_673] : memref<2500x2x128xi32, #tpu.memory_space<hbm>> -> memref<125x1x128xi32, #tpu.memory_space<hbm>>
    tpu.enqueue_dma source(%dma_start3A_674 : memref<125x1x128xi32, #tpu.memory_space<hbm>>) target(%dma_start3A_671 : memref<125x1x128xi32, #tpu.memory_space<vmem>>) target_semaphore(%arg13 : memref<!tpu.dma_semaphore, #tpu.memory_space<semaphore_mem>>)
    %parallel_loop3A_675 = arith.constant 0 : i32
    %parallel_loop3A_676 = arith.constant 125 : i32
    %parallel_loop3A_677 = arith.constant 1 : i32
    scf.for %parallel_loop3A_808 = %parallel_loop3A_675 to %parallel_loop3A_676 step %parallel_loop3A_677  : i32 {
      %parallel_loop3A_809 = arith.constant 1 : i32
      %parallel_loop3A_810 = arith.constant 0 : i32
      %parallel_loop3A_811 = arith.index_cast %parallel_loop3A_809 : i32 to index
      %parallel_loop3A_812 = arith.index_cast %parallel_loop3A_808 : i32 to index
      %parallel_loop3A_813 = arith.index_cast %parallel_loop3A_810 : i32 to index
      %parallel_loop3A_814 = arith.constant 0 : index
      %parallel_loop3A_815 = tpu.vector_load %arg7[%parallel_loop3A_811, %parallel_loop3A_812, %parallel_loop3A_813, %parallel_loop3A_814] {strides = array<i32>} : memref<2x125x1x128xi32, #tpu.memory_space<vmem>>, vector<16xi32>,
      %parallel_loop3A_816 = arith.constant 1 : i32
      %parallel_loop3A_817 = arith.constant 0 : i32
      %parallel_loop3A_818 = arith.constant 0 : i32
      %parallel_loop3A_819 = arith.index_cast %parallel_loop3A_816 : i32 to index
      %parallel_loop3A_820 = arith.index_cast %parallel_loop3A_817 : i32 to index
      %parallel_loop3A_821 = arith.index_cast %parallel_loop3A_808 : i32 to index
      %parallel_loop3A_822 = arith.index_cast %parallel_loop3A_818 : i32 to index
      %parallel_loop3A_823 = arith.constant 0 : index
      %parallel_loop3A_824 = tpu.vector_load %arg6[%parallel_loop3A_819, %parallel_loop3A_820, %parallel_loop3A_821, %parallel_loop3A_822, %parallel_loop3A_823] {strides = array<i32>} : memref<2x1x125x1x128xf32, #tpu.memory_space<vmem>>, vector<16xf32>,
      tpu.vector_store_idx %arg10[%parallel_loop3A_815], %parallel_loop3A_824 {add = true} : memref<10240xf32, #tpu.memory_space<vmem>>[vector<16xi32>], vector<16xf32>,
      %parallel_loop3A_825 = arith.constant 1 : i32
      %parallel_loop3A_826 = arith.constant 0 : i32
      %parallel_loop3A_827 = arith.index_cast %parallel_loop3A_825 : i32 to index
      %parallel_loop3A_828 = arith.index_cast %parallel_loop3A_808 : i32 to index
      %parallel_loop3A_829 = arith.index_cast %parallel_loop3A_826 : i32 to index
      %parallel_loop3A_830 = arith.constant 16 : index
      %parallel_loop3A_831 = tpu.vector_load %arg7[%parallel_loop3A_827, %parallel_loop3A_828, %parallel_loop3A_829, %parallel_loop3A_830] {strides = array<i32>} : memref<2x125x1x128xi32, #tpu.memory_space<vmem>>, vector<16xi32>,
      %parallel_loop3A_832 = arith.constant 1 : i32
      %parallel_loop3A_833 = arith.constant 0 : i32
      %parallel_loop3A_834 = arith.constant 0 : i32
      %parallel_loop3A_835 = arith.index_cast %parallel_loop3A_832 : i32 to index
      %parallel_loop3A_836 = arith.index_cast %parallel_loop3A_833 : i32 to index
      %parallel_loop3A_837 = arith.index_cast %parallel_loop3A_808 : i32 to index
      %parallel_loop3A_838 = arith.index_cast %parallel_loop3A_834 : i32 to index
      %parallel_loop3A_839 = arith.constant 16 : index
      %parallel_loop3A_840 = tpu.vector_load %arg6[%parallel_loop3A_835, %parallel_loop3A_836, %parallel_loop3A_837, %parallel_loop3A_838, %parallel_loop3A_839] {strides = array<i32>} : memref<2x1x125x1x128xf32, #tpu.memory_space<vmem>>, vector<16xf32>,
      tpu.vector_store_idx %arg10[%parallel_loop3A_831], %parallel_loop3A_840 {add = true} : memref<10240xf32, #tpu.memory_space<vmem>>[vector<16xi32>], vector<16xf32>,
      %parallel_loop3A_841 = arith.constant 1 : i32
      %parallel_loop3A_842 = arith.constant 0 : i32
      %parallel_loop3A_843 = arith.index_cast %parallel_loop3A_841 : i32 to index
      %parallel_loop3A_844 = arith.index_cast %parallel_loop3A_808 : i32 to index
      %parallel_loop3A_845 = arith.index_cast %parallel_loop3A_842 : i32 to index
      %parallel_loop3A_846 = arith.constant 32 : index
      %parallel_loop3A_847 = tpu.vector_load %arg7[%parallel_loop3A_843, %parallel_loop3A_844, %parallel_loop3A_845, %parallel_loop3A_846] {strides = array<i32>} : memref<2x125x1x128xi32, #tpu.memory_space<vmem>>, vector<16xi32>,
      %parallel_loop3A_848 = arith.constant 1 : i32
      %parallel_loop3A_849 = arith.constant 0 : i32
      %parallel_loop3A_850 = arith.constant 0 : i32
      %parallel_loop3A_851 = arith.index_cast %parallel_loop3A_848 : i32 to index
      %parallel_loop3A_852 = arith.index_cast %parallel_loop3A_849 : i32 to index
      %parallel_loop3A_853 = arith.index_cast %parallel_loop3A_808 : i32 to index
      %parallel_loop3A_854 = arith.index_cast %parallel_loop3A_850 : i32 to index
      %parallel_loop3A_855 = arith.constant 32 : index
      %parallel_loop3A_856 = tpu.vector_load %arg6[%parallel_loop3A_851, %parallel_loop3A_852, %parallel_loop3A_853, %parallel_loop3A_854, %parallel_loop3A_855] {strides = array<i32>} : memref<2x1x125x1x128xf32, #tpu.memory_space<vmem>>, vector<16xf32>,
      tpu.vector_store_idx %arg10[%parallel_loop3A_847], %parallel_loop3A_856 {add = true} : memref<10240xf32, #tpu.memory_space<vmem>>[vector<16xi32>], vector<16xf32>,
      %parallel_loop3A_857 = arith.constant 1 : i32
      %parallel_loop3A_858 = arith.constant 0 : i32
      %parallel_loop3A_859 = arith.index_cast %parallel_loop3A_857 : i32 to index
      %parallel_loop3A_860 = arith.index_cast %parallel_loop3A_808 : i32 to index
      %parallel_loop3A_861 = arith.index_cast %parallel_loop3A_858 : i32 to index
      %parallel_loop3A_862 = arith.constant 48 : index
      %parallel_loop3A_863 = tpu.vector_load %arg7[%parallel_loop3A_859, %parallel_loop3A_860, %parallel_loop3A_861, %parallel_loop3A_862] {strides = array<i32>} : memref<2x125x1x128xi32, #tpu.memory_space<vmem>>, vector<16xi32>,
      %parallel_loop3A_864 = arith.constant 1 : i32
      %parallel_loop3A_865 = arith.constant 0 : i32
      %parallel_loop3A_866 = arith.constant 0 : i32
      %parallel_loop3A_867 = arith.index_cast %parallel_loop3A_864 : i32 to index
      %parallel_loop3A_868 = arith.index_cast %parallel_loop3A_865 : i32 to index
      %parallel_loop3A_869 = arith.index_cast %parallel_loop3A_808 : i32 to index
      %parallel_loop3A_870 = arith.index_cast %parallel_loop3A_866 : i32 to index
      %parallel_loop3A_871 = arith.constant 48 : index
      %parallel_loop3A_872 = tpu.vector_load %arg6[%parallel_loop3A_867, %parallel_loop3A_868, %parallel_loop3A_869, %parallel_loop3A_870, %parallel_loop3A_871] {strides = array<i32>} : memref<2x1x125x1x128xf32, #tpu.memory_space<vmem>>, vector<16xf32>,
      tpu.vector_store_idx %arg10[%parallel_loop3A_863], %parallel_loop3A_872 {add = true} : memref<10240xf32, #tpu.memory_space<vmem>>[vector<16xi32>], vector<16xf32>,
      %parallel_loop3A_873 = arith.constant 1 : i32
      %parallel_loop3A_874 = arith.constant 0 : i32
      %parallel_loop3A_875 = arith.index_cast %parallel_loop3A_873 : i32 to index
      %parallel_loop3A_876 = arith.index_cast %parallel_loop3A_808 : i32 to index
      %parallel_loop3A_877 = arith.index_cast %parallel_loop3A_874 : i32 to index
      %parallel_loop3A_878 = arith.constant 64 : index
      %parallel_loop3A_879 = tpu.vector_load %arg7[%parallel_loop3A_875, %parallel_loop3A_876, %parallel_loop3A_877, %parallel_loop3A_878] {strides = array<i32>} : memref<2x125x1x128xi32, #tpu.memory_space<vmem>>, vector<16xi32>,
      %parallel_loop3A_880 = arith.constant 1 : i32
      %parallel_loop3A_881 = arith.constant 0 : i32
      %parallel_loop3A_882 = arith.constant 0 : i32
      %parallel_loop3A_883 = arith.index_cast %parallel_loop3A_880 : i32 to index
      %parallel_loop3A_884 = arith.index_cast %parallel_loop3A_881 : i32 to index
      %parallel_loop3A_885 = arith.index_cast %parallel_loop3A_808 : i32 to index
      %parallel_loop3A_886 = arith.index_cast %parallel_loop3A_882 : i32 to index
      %parallel_loop3A_887 = arith.constant 64 : index
      %parallel_loop3A_888 = tpu.vector_load %arg6[%parallel_loop3A_883, %parallel_loop3A_884, %parallel_loop3A_885, %parallel_loop3A_886, %parallel_loop3A_887] {strides = array<i32>} : memref<2x1x125x1x128xf32, #tpu.memory_space<vmem>>, vector<16xf32>,
      tpu.vector_store_idx %arg10[%parallel_loop3A_879], %parallel_loop3A_888 {add = true} : memref<10240xf32, #tpu.memory_space<vmem>>[vector<16xi32>], vector<16xf32>,
      %parallel_loop3A_889 = arith.constant 1 : i32
      %parallel_loop3A_890 = arith.constant 0 : i32
      %parallel_loop3A_891 = arith.index_cast %parallel_loop3A_889 : i32 to index
      %parallel_loop3A_892 = arith.index_cast %parallel_loop3A_808 : i32 to index
      %parallel_loop3A_893 = arith.index_cast %parallel_loop3A_890 : i32 to index
      %parallel_loop3A_894 = arith.constant 80 : index
      %parallel_loop3A_895 = tpu.vector_load %arg7[%parallel_loop3A_891, %parallel_loop3A_892, %parallel_loop3A_893, %parallel_loop3A_894] {strides = array<i32>} : memref<2x125x1x128xi32, #tpu.memory_space<vmem>>, vector<16xi32>,
      %parallel_loop3A_896 = arith.constant 1 : i32
      %parallel_loop3A_897 = arith.constant 0 : i32
      %parallel_loop3A_898 = arith.constant 0 : i32
      %parallel_loop3A_899 = arith.index_cast %parallel_loop3A_896 : i32 to index
      %parallel_loop3A_900 = arith.index_cast %parallel_loop3A_897 : i32 to index
      %parallel_loop3A_901 = arith.index_cast %parallel_loop3A_808 : i32 to index
      %parallel_loop3A_902 = arith.index_cast %parallel_loop3A_898 : i32 to index
      %parallel_loop3A_903 = arith.constant 80 : index
      %parallel_loop3A_904 = tpu.vector_load %arg6[%parallel_loop3A_899, %parallel_loop3A_900, %parallel_loop3A_901, %parallel_loop3A_902, %parallel_loop3A_903] {strides = array<i32>} : memref<2x1x125x1x128xf32, #tpu.memory_space<vmem>>, vector<16xf32>,
      tpu.vector_store_idx %arg10[%parallel_loop3A_895], %parallel_loop3A_904 {add = true} : memref<10240xf32, #tpu.memory_space<vmem>>[vector<16xi32>], vector<16xf32>,
      %parallel_loop3A_905 = arith.constant 1 : i32
      %parallel_loop3A_906 = arith.constant 0 : i32
      %parallel_loop3A_907 = arith.index_cast %parallel_loop3A_905 : i32 to index
      %parallel_loop3A_908 = arith.index_cast %parallel_loop3A_808 : i32 to index
      %parallel_loop3A_909 = arith.index_cast %parallel_loop3A_906 : i32 to index
      %parallel_loop3A_910 = arith.constant 96 : index
      %parallel_loop3A_911 = tpu.vector_load %arg7[%parallel_loop3A_907, %parallel_loop3A_908, %parallel_loop3A_909, %parallel_loop3A_910] {strides = array<i32>} : memref<2x125x1x128xi32, #tpu.memory_space<vmem>>, vector<16xi32>,
      %parallel_loop3A_912 = arith.constant 1 : i32
      %parallel_loop3A_913 = arith.constant 0 : i32
      %parallel_loop3A_914 = arith.constant 0 : i32
      %parallel_loop3A_915 = arith.index_cast %parallel_loop3A_912 : i32 to index
      %parallel_loop3A_916 = arith.index_cast %parallel_loop3A_913 : i32 to index
      %parallel_loop3A_917 = arith.index_cast %parallel_loop3A_808 : i32 to index
      %parallel_loop3A_918 = arith.index_cast %parallel_loop3A_914 : i32 to index
      %parallel_loop3A_919 = arith.constant 96 : index
      %parallel_loop3A_920 = tpu.vector_load %arg6[%parallel_loop3A_915, %parallel_loop3A_916, %parallel_loop3A_917, %parallel_loop3A_918, %parallel_loop3A_919] {strides = array<i32>} : memref<2x1x125x1x128xf32, #tpu.memory_space<vmem>>, vector<16xf32>,
      tpu.vector_store_idx %arg10[%parallel_loop3A_911], %parallel_loop3A_920 {add = true} : memref<10240xf32, #tpu.memory_space<vmem>>[vector<16xi32>], vector<16xf32>,
      %parallel_loop3A_921 = arith.constant 1 : i32
      %parallel_loop3A_922 = arith.constant 0 : i32
      %parallel_loop3A_923 = arith.index_cast %parallel_loop3A_921 : i32 to index
      %parallel_loop3A_924 = arith.index_cast %parallel_loop3A_808 : i32 to index
      %parallel_loop3A_925 = arith.index_cast %parallel_loop3A_922 : i32 to index
      %parallel_loop3A_926 = arith.constant 112 : index
      %parallel_loop3A_927 = tpu.vector_load %arg7[%parallel_loop3A_923, %parallel_loop3A_924, %parallel_loop3A_925, %parallel_loop3A_926] {strides = array<i32>} : memref<2x125x1x128xi32, #tpu.memory_space<vmem>>, vector<16xi32>,
      %parallel_loop3A_928 = arith.constant 1 : i32
      %parallel_loop3A_929 = arith.constant 0 : i32
      %parallel_loop3A_930 = arith.constant 0 : i32
      %parallel_loop3A_931 = arith.index_cast %parallel_loop3A_928 : i32 to index
      %parallel_loop3A_932 = arith.index_cast %parallel_loop3A_929 : i32 to index
      %parallel_loop3A_933 = arith.index_cast %parallel_loop3A_808 : i32 to index
      %parallel_loop3A_934 = arith.index_cast %parallel_loop3A_930 : i32 to index
      %parallel_loop3A_935 = arith.constant 112 : index
      %parallel_loop3A_936 = tpu.vector_load %arg6[%parallel_loop3A_931, %parallel_loop3A_932, %parallel_loop3A_933, %parallel_loop3A_934, %parallel_loop3A_935] {strides = array<i32>} : memref<2x1x125x1x128xf32, #tpu.memory_space<vmem>>, vector<16xf32>,
      tpu.vector_store_idx %arg10[%parallel_loop3A_927], %parallel_loop3A_936 {add = true} : memref<10240xf32, #tpu.memory_space<vmem>>[vector<16xi32>], vector<16xf32>,
    } {sc.loop_unroll_factor = 4 : i64, sc.parallel_access}
    %dma_wait3A_678 = arith.constant 0 : i32
    %dma_wait3A_679 = arith.constant 0 : i32
    %dma_wait3A_680 = arith.constant 0 : i32
    %dma_wait3A_681 = arith.constant 0 : i32
    %dma_wait3A_682 = arith.constant 0 : i32
    %dma_wait3A_683 = tpu.memref_slice %arg6[%dma_wait3A_678, %dma_wait3A_679, %dma_wait3A_680, %dma_wait3A_681, %dma_wait3A_682] : memref<2x1x125x1x128xf32, #tpu.memory_space<vmem>> -> memref<1x1x125x1x128xf32, #tpu.memory_space<vmem>>
    %dma_wait3A_684 = tpu.memref_squeeze %dma_wait3A_683 : memref<1x1x125x1x128xf32, #tpu.memory_space<vmem>> -> memref<1x125x1x128xf32, #tpu.memory_space<vmem>>
    %dma_wait3A_685 = arith.constant 0 : i32
    %dma_wait3A_686 = tpu.memref_slice %arg2[%select_n3A, %add3A_640, %select_n3A_30, %dma_wait3A_685] : memref<2x2500x8x128xf32, #tpu.memory_space<hbm>> -> memref<1x125x1x128xf32, #tpu.memory_space<hbm>>
    %dma_wait3A_687 = arith.constant 0 : i32
    %dma_wait3A_688 = arith.constant 0 : i32
    %dma_wait3A_689 = arith.constant 0 : i32
    %dma_wait3A_690 = arith.constant 0 : i32
    %dma_wait3A_691 = tpu.memref_slice %arg6[%dma_wait3A_678, %dma_wait3A_687, %dma_wait3A_688, %dma_wait3A_689, %dma_wait3A_690] : memref<2x1x125x1x128xf32, #tpu.memory_space<vmem>> -> memref<1x1x125x1x128xf32, #tpu.memory_space<vmem>>
    %dma_wait3A_692 = tpu.memref_squeeze %dma_wait3A_691 : memref<1x1x125x1x128xf32, #tpu.memory_space<vmem>> -> memref<1x125x1x128xf32, #tpu.memory_space<vmem>>
    %dma_wait3A_693 = arith.constant 0 : i32
    %dma_wait3A_694 = tpu.memref_slice %arg2[%select_n3A, %add3A_640, %select_n3A_30, %dma_wait3A_693] : memref<2x2500x8x128xf32, #tpu.memory_space<hbm>> -> memref<1x125x1x128xf32, #tpu.memory_space<hbm>>
    tpu.wait_dma2 semaphore(%arg12 : memref<!tpu.dma_semaphore, #tpu.memory_space<semaphore_mem>>) src(%dma_wait3A_694 : memref<1x125x1x128xf32, #tpu.memory_space<hbm>>) dst(%dma_wait3A_692 : memref<1x125x1x128xf32, #tpu.memory_space<vmem>>)
    %dma_wait3A_695 = arith.constant 0 : i32
    %dma_wait3A_696 = arith.constant 0 : i32
    %dma_wait3A_697 = arith.constant 0 : i32
    %dma_wait3A_698 = arith.constant 0 : i32
    %dma_wait3A_699 = tpu.memref_slice %arg7[%dma_wait3A_695, %dma_wait3A_696, %dma_wait3A_697, %dma_wait3A_698] : memref<2x125x1x128xi32, #tpu.memory_space<vmem>> -> memref<1x125x1x128xi32, #tpu.memory_space<vmem>>
    %dma_wait3A_700 = tpu.memref_squeeze %dma_wait3A_699 : memref<1x125x1x128xi32, #tpu.memory_space<vmem>> -> memref<125x1x128xi32, #tpu.memory_space<vmem>>
    %dma_wait3A_701 = arith.constant 1 : i32
    %dma_wait3A_702 = arith.constant 0 : i32
    %dma_wait3A_703 = tpu.memref_slice %arg3[%add3A_640, %dma_wait3A_701, %dma_wait3A_702] : memref<2500x2x128xi32, #tpu.memory_space<hbm>> -> memref<125x1x128xi32, #tpu.memory_space<hbm>>
    %dma_wait3A_704 = arith.constant 0 : i32
    %dma_wait3A_705 = arith.constant 0 : i32
    %dma_wait3A_706 = arith.constant 0 : i32
    %dma_wait3A_707 = tpu.memref_slice %arg7[%dma_wait3A_695, %dma_wait3A_704, %dma_wait3A_705, %dma_wait3A_706] : memref<2x125x1x128xi32, #tpu.memory_space<vmem>> -> memref<1x125x1x128xi32, #tpu.memory_space<vmem>>
    %dma_wait3A_708 = tpu.memref_squeeze %dma_wait3A_707 : memref<1x125x1x128xi32, #tpu.memory_space<vmem>> -> memref<125x1x128xi32, #tpu.memory_space<vmem>>
    %dma_wait3A_709 = arith.constant 1 : i32
    %dma_wait3A_710 = arith.constant 0 : i32
    %dma_wait3A_711 = tpu.memref_slice %arg3[%add3A_640, %dma_wait3A_709, %dma_wait3A_710] : memref<2500x2x128xi32, #tpu.memory_space<hbm>> -> memref<125x1x128xi32, #tpu.memory_space<hbm>>
    tpu.wait_dma2 semaphore(%arg13 : memref<!tpu.dma_semaphore, #tpu.memory_space<semaphore_mem>>) src(%dma_wait3A_711 : memref<125x1x128xi32, #tpu.memory_space<hbm>>) dst(%dma_wait3A_708 : memref<125x1x128xi32, #tpu.memory_space<vmem>>)
    %mul3A_712 = arith.constant 1250 : i32
    %mul3A_713 = arith.muli %arg0, %mul3A_712 : i32
    %add3A_714 = arith.constant 1125 : i32
    %add3A_715 = arith.addi %mul3A_713, %add3A_714 : i32
    %dma_start3A_716 = arith.constant 1 : i32
    %dma_start3A_717 = arith.constant 0 : i32
    %dma_start3A_718 = arith.constant 0 : i32
    %dma_start3A_719 = arith.constant 0 : i32
    %dma_start3A_720 = arith.constant 0 : i32
    %dma_start3A_721 = tpu.memref_slice %arg6[%dma_start3A_716, %dma_start3A_717, %dma_start3A_718, %dma_start3A_719, %dma_start3A_720] : memref<2x1x125x1x128xf32, #tpu.memory_space<vmem>> -> memref<1x1x125x1x128xf32, #tpu.memory_space<vmem>>
    %dma_start3A_722 = tpu.memref_squeeze %dma_start3A_721 : memref<1x1x125x1x128xf32, #tpu.memory_space<vmem>> -> memref<1x125x1x128xf32, #tpu.memory_space<vmem>>
    %dma_start3A_723 = arith.constant 0 : i32
    %dma_start3A_724 = tpu.memref_slice %arg2[%select_n3A, %add3A_715, %select_n3A_30, %dma_start3A_723] : memref<2x2500x8x128xf32, #tpu.memory_space<hbm>> -> memref<1x125x1x128xf32, #tpu.memory_space<hbm>>
    %dma_start3A_725 = arith.constant 0 : i32
    %dma_start3A_726 = arith.constant 0 : i32
    %dma_start3A_727 = arith.constant 0 : i32
    %dma_start3A_728 = arith.constant 0 : i32
    %dma_start3A_729 = tpu.memref_slice %arg6[%dma_start3A_716, %dma_start3A_725, %dma_start3A_726, %dma_start3A_727, %dma_start3A_728] : memref<2x1x125x1x128xf32, #tpu.memory_space<vmem>> -> memref<1x1x125x1x128xf32, #tpu.memory_space<vmem>>
    %dma_start3A_730 = tpu.memref_squeeze %dma_start3A_729 : memref<1x1x125x1x128xf32, #tpu.memory_space<vmem>> -> memref<1x125x1x128xf32, #tpu.memory_space<vmem>>
    %dma_start3A_731 = arith.constant 0 : i32
    %dma_start3A_732 = tpu.memref_slice %arg2[%select_n3A, %add3A_715, %select_n3A_30, %dma_start3A_731] : memref<2x2500x8x128xf32, #tpu.memory_space<hbm>> -> memref<1x125x1x128xf32, #tpu.memory_space<hbm>>
    tpu.enqueue_dma source(%dma_start3A_732 : memref<1x125x1x128xf32, #tpu.memory_space<hbm>>) target(%dma_start3A_730 : memref<1x125x1x128xf32, #tpu.memory_space<vmem>>) target_semaphore(%arg12 : memref<!tpu.dma_semaphore, #tpu.memory_space<semaphore_mem>>)
    %dma_start3A_733 = arith.constant 1 : i32
    %dma_start3A_734 = arith.constant 0 : i32
    %dma_start3A_735 = arith.constant 0 : i32
    %dma_start3A_736 = arith.constant 0 : i32
    %dma_start3A_737 = tpu.memref_slice %arg7[%dma_start3A_733, %dma_start3A_734, %dma_start3A_735, %dma_start3A_736] : memref<2x125x1x128xi32, #tpu.memory_space<vmem>> -> memref<1x125x1x128xi32, #tpu.memory_space<vmem>>
    %dma_start3A_738 = tpu.memref_squeeze %dma_start3A_737 : memref<1x125x1x128xi32, #tpu.memory_space<vmem>> -> memref<125x1x128xi32, #tpu.memory_space<vmem>>
    %dma_start3A_739 = arith.constant 1 : i32
    %dma_start3A_740 = arith.constant 0 : i32
    %dma_start3A_741 = tpu.memref_slice %arg3[%add3A_715, %dma_start3A_739, %dma_start3A_740] : memref<2500x2x128xi32, #tpu.memory_space<hbm>> -> memref<125x1x128xi32, #tpu.memory_space<hbm>>
    %dma_start3A_742 = arith.constant 0 : i32
    %dma_start3A_743 = arith.constant 0 : i32
    %dma_start3A_744 = arith.constant 0 : i32
    %dma_start3A_745 = tpu.memref_slice %arg7[%dma_start3A_733, %dma_start3A_742, %dma_start3A_743, %dma_start3A_744] : memref<2x125x1x128xi32, #tpu.memory_space<vmem>> -> memref<1x125x1x128xi32, #tpu.memory_space<vmem>>
    %dma_start3A_746 = tpu.memref_squeeze %dma_start3A_745 : memref<1x125x1x128xi32, #tpu.memory_space<vmem>> -> memref<125x1x128xi32, #tpu.memory_space<vmem>>
    %dma_start3A_747 = arith.constant 1 : i32
    %dma_start3A_748 = arith.constant 0 : i32
    %dma_start3A_749 = tpu.memref_slice %arg3[%add3A_715, %dma_start3A_747, %dma_start3A_748] : memref<2500x2x128xi32, #tpu.memory_space<hbm>> -> memref<125x1x128xi32, #tpu.memory_space<hbm>>
    tpu.enqueue_dma source(%dma_start3A_749 : memref<125x1x128xi32, #tpu.memory_space<hbm>>) target(%dma_start3A_746 : memref<125x1x128xi32, #tpu.memory_space<vmem>>) target_semaphore(%arg13 : memref<!tpu.dma_semaphore, #tpu.memory_space<semaphore_mem>>)
    %parallel_loop3A_750 = arith.constant 0 : i32
    %parallel_loop3A_751 = arith.constant 125 : i32
    %parallel_loop3A_752 = arith.constant 1 : i32
    scf.for %parallel_loop3A_808 = %parallel_loop3A_750 to %parallel_loop3A_751 step %parallel_loop3A_752  : i32 {
      %parallel_loop3A_809 = arith.constant 0 : i32
      %parallel_loop3A_810 = arith.constant 0 : i32
      %parallel_loop3A_811 = arith.index_cast %parallel_loop3A_809 : i32 to index
      %parallel_loop3A_812 = arith.index_cast %parallel_loop3A_808 : i32 to index
      %parallel_loop3A_813 = arith.index_cast %parallel_loop3A_810 : i32 to index
      %parallel_loop3A_814 = arith.constant 0 : index
      %parallel_loop3A_815 = tpu.vector_load %arg7[%parallel_loop3A_811, %parallel_loop3A_812, %parallel_loop3A_813, %parallel_loop3A_814] {strides = array<i32>} : memref<2x125x1x128xi32, #tpu.memory_space<vmem>>, vector<16xi32>,
      %parallel_loop3A_816 = arith.constant 0 : i32
      %parallel_loop3A_817 = arith.constant 0 : i32
      %parallel_loop3A_818 = arith.constant 0 : i32
      %parallel_loop3A_819 = arith.index_cast %parallel_loop3A_816 : i32 to index
      %parallel_loop3A_820 = arith.index_cast %parallel_loop3A_817 : i32 to index
      %parallel_loop3A_821 = arith.index_cast %parallel_loop3A_808 : i32 to index
      %parallel_loop3A_822 = arith.index_cast %parallel_loop3A_818 : i32 to index
      %parallel_loop3A_823 = arith.constant 0 : index
      %parallel_loop3A_824 = tpu.vector_load %arg6[%parallel_loop3A_819, %parallel_loop3A_820, %parallel_loop3A_821, %parallel_loop3A_822, %parallel_loop3A_823] {strides = array<i32>} : memref<2x1x125x1x128xf32, #tpu.memory_space<vmem>>, vector<16xf32>,
      tpu.vector_store_idx %arg10[%parallel_loop3A_815], %parallel_loop3A_824 {add = true} : memref<10240xf32, #tpu.memory_space<vmem>>[vector<16xi32>], vector<16xf32>,
      %parallel_loop3A_825 = arith.constant 0 : i32
      %parallel_loop3A_826 = arith.constant 0 : i32
      %parallel_loop3A_827 = arith.index_cast %parallel_loop3A_825 : i32 to index
      %parallel_loop3A_828 = arith.index_cast %parallel_loop3A_808 : i32 to index
      %parallel_loop3A_829 = arith.index_cast %parallel_loop3A_826 : i32 to index
      %parallel_loop3A_830 = arith.constant 16 : index
      %parallel_loop3A_831 = tpu.vector_load %arg7[%parallel_loop3A_827, %parallel_loop3A_828, %parallel_loop3A_829, %parallel_loop3A_830] {strides = array<i32>} : memref<2x125x1x128xi32, #tpu.memory_space<vmem>>, vector<16xi32>,
      %parallel_loop3A_832 = arith.constant 0 : i32
      %parallel_loop3A_833 = arith.constant 0 : i32
      %parallel_loop3A_834 = arith.constant 0 : i32
      %parallel_loop3A_835 = arith.index_cast %parallel_loop3A_832 : i32 to index
      %parallel_loop3A_836 = arith.index_cast %parallel_loop3A_833 : i32 to index
      %parallel_loop3A_837 = arith.index_cast %parallel_loop3A_808 : i32 to index
      %parallel_loop3A_838 = arith.index_cast %parallel_loop3A_834 : i32 to index
      %parallel_loop3A_839 = arith.constant 16 : index
      %parallel_loop3A_840 = tpu.vector_load %arg6[%parallel_loop3A_835, %parallel_loop3A_836, %parallel_loop3A_837, %parallel_loop3A_838, %parallel_loop3A_839] {strides = array<i32>} : memref<2x1x125x1x128xf32, #tpu.memory_space<vmem>>, vector<16xf32>,
      tpu.vector_store_idx %arg10[%parallel_loop3A_831], %parallel_loop3A_840 {add = true} : memref<10240xf32, #tpu.memory_space<vmem>>[vector<16xi32>], vector<16xf32>,
      %parallel_loop3A_841 = arith.constant 0 : i32
      %parallel_loop3A_842 = arith.constant 0 : i32
      %parallel_loop3A_843 = arith.index_cast %parallel_loop3A_841 : i32 to index
      %parallel_loop3A_844 = arith.index_cast %parallel_loop3A_808 : i32 to index
      %parallel_loop3A_845 = arith.index_cast %parallel_loop3A_842 : i32 to index
      %parallel_loop3A_846 = arith.constant 32 : index
      %parallel_loop3A_847 = tpu.vector_load %arg7[%parallel_loop3A_843, %parallel_loop3A_844, %parallel_loop3A_845, %parallel_loop3A_846] {strides = array<i32>} : memref<2x125x1x128xi32, #tpu.memory_space<vmem>>, vector<16xi32>,
      %parallel_loop3A_848 = arith.constant 0 : i32
      %parallel_loop3A_849 = arith.constant 0 : i32
      %parallel_loop3A_850 = arith.constant 0 : i32
      %parallel_loop3A_851 = arith.index_cast %parallel_loop3A_848 : i32 to index
      %parallel_loop3A_852 = arith.index_cast %parallel_loop3A_849 : i32 to index
      %parallel_loop3A_853 = arith.index_cast %parallel_loop3A_808 : i32 to index
      %parallel_loop3A_854 = arith.index_cast %parallel_loop3A_850 : i32 to index
      %parallel_loop3A_855 = arith.constant 32 : index
      %parallel_loop3A_856 = tpu.vector_load %arg6[%parallel_loop3A_851, %parallel_loop3A_852, %parallel_loop3A_853, %parallel_loop3A_854, %parallel_loop3A_855] {strides = array<i32>} : memref<2x1x125x1x128xf32, #tpu.memory_space<vmem>>, vector<16xf32>,
      tpu.vector_store_idx %arg10[%parallel_loop3A_847], %parallel_loop3A_856 {add = true} : memref<10240xf32, #tpu.memory_space<vmem>>[vector<16xi32>], vector<16xf32>,
      %parallel_loop3A_857 = arith.constant 0 : i32
      %parallel_loop3A_858 = arith.constant 0 : i32
      %parallel_loop3A_859 = arith.index_cast %parallel_loop3A_857 : i32 to index
      %parallel_loop3A_860 = arith.index_cast %parallel_loop3A_808 : i32 to index
      %parallel_loop3A_861 = arith.index_cast %parallel_loop3A_858 : i32 to index
      %parallel_loop3A_862 = arith.constant 48 : index
      %parallel_loop3A_863 = tpu.vector_load %arg7[%parallel_loop3A_859, %parallel_loop3A_860, %parallel_loop3A_861, %parallel_loop3A_862] {strides = array<i32>} : memref<2x125x1x128xi32, #tpu.memory_space<vmem>>, vector<16xi32>,
      %parallel_loop3A_864 = arith.constant 0 : i32
      %parallel_loop3A_865 = arith.constant 0 : i32
      %parallel_loop3A_866 = arith.constant 0 : i32
      %parallel_loop3A_867 = arith.index_cast %parallel_loop3A_864 : i32 to index
      %parallel_loop3A_868 = arith.index_cast %parallel_loop3A_865 : i32 to index
      %parallel_loop3A_869 = arith.index_cast %parallel_loop3A_808 : i32 to index
      %parallel_loop3A_870 = arith.index_cast %parallel_loop3A_866 : i32 to index
      %parallel_loop3A_871 = arith.constant 48 : index
      %parallel_loop3A_872 = tpu.vector_load %arg6[%parallel_loop3A_867, %parallel_loop3A_868, %parallel_loop3A_869, %parallel_loop3A_870, %parallel_loop3A_871] {strides = array<i32>} : memref<2x1x125x1x128xf32, #tpu.memory_space<vmem>>, vector<16xf32>,
      tpu.vector_store_idx %arg10[%parallel_loop3A_863], %parallel_loop3A_872 {add = true} : memref<10240xf32, #tpu.memory_space<vmem>>[vector<16xi32>], vector<16xf32>,
      %parallel_loop3A_873 = arith.constant 0 : i32
      %parallel_loop3A_874 = arith.constant 0 : i32
      %parallel_loop3A_875 = arith.index_cast %parallel_loop3A_873 : i32 to index
      %parallel_loop3A_876 = arith.index_cast %parallel_loop3A_808 : i32 to index
      %parallel_loop3A_877 = arith.index_cast %parallel_loop3A_874 : i32 to index
      %parallel_loop3A_878 = arith.constant 64 : index
      %parallel_loop3A_879 = tpu.vector_load %arg7[%parallel_loop3A_875, %parallel_loop3A_876, %parallel_loop3A_877, %parallel_loop3A_878] {strides = array<i32>} : memref<2x125x1x128xi32, #tpu.memory_space<vmem>>, vector<16xi32>,
      %parallel_loop3A_880 = arith.constant 0 : i32
      %parallel_loop3A_881 = arith.constant 0 : i32
      %parallel_loop3A_882 = arith.constant 0 : i32
      %parallel_loop3A_883 = arith.index_cast %parallel_loop3A_880 : i32 to index
      %parallel_loop3A_884 = arith.index_cast %parallel_loop3A_881 : i32 to index
      %parallel_loop3A_885 = arith.index_cast %parallel_loop3A_808 : i32 to index
      %parallel_loop3A_886 = arith.index_cast %parallel_loop3A_882 : i32 to index
      %parallel_loop3A_887 = arith.constant 64 : index
      %parallel_loop3A_888 = tpu.vector_load %arg6[%parallel_loop3A_883, %parallel_loop3A_884, %parallel_loop3A_885, %parallel_loop3A_886, %parallel_loop3A_887] {strides = array<i32>} : memref<2x1x125x1x128xf32, #tpu.memory_space<vmem>>, vector<16xf32>,
      tpu.vector_store_idx %arg10[%parallel_loop3A_879], %parallel_loop3A_888 {add = true} : memref<10240xf32, #tpu.memory_space<vmem>>[vector<16xi32>], vector<16xf32>,
      %parallel_loop3A_889 = arith.constant 0 : i32
      %parallel_loop3A_890 = arith.constant 0 : i32
      %parallel_loop3A_891 = arith.index_cast %parallel_loop3A_889 : i32 to index
      %parallel_loop3A_892 = arith.index_cast %parallel_loop3A_808 : i32 to index
      %parallel_loop3A_893 = arith.index_cast %parallel_loop3A_890 : i32 to index
      %parallel_loop3A_894 = arith.constant 80 : index
      %parallel_loop3A_895 = tpu.vector_load %arg7[%parallel_loop3A_891, %parallel_loop3A_892, %parallel_loop3A_893, %parallel_loop3A_894] {strides = array<i32>} : memref<2x125x1x128xi32, #tpu.memory_space<vmem>>, vector<16xi32>,
      %parallel_loop3A_896 = arith.constant 0 : i32
      %parallel_loop3A_897 = arith.constant 0 : i32
      %parallel_loop3A_898 = arith.constant 0 : i32
      %parallel_loop3A_899 = arith.index_cast %parallel_loop3A_896 : i32 to index
      %parallel_loop3A_900 = arith.index_cast %parallel_loop3A_897 : i32 to index
      %parallel_loop3A_901 = arith.index_cast %parallel_loop3A_808 : i32 to index
      %parallel_loop3A_902 = arith.index_cast %parallel_loop3A_898 : i32 to index
      %parallel_loop3A_903 = arith.constant 80 : index
      %parallel_loop3A_904 = tpu.vector_load %arg6[%parallel_loop3A_899, %parallel_loop3A_900, %parallel_loop3A_901, %parallel_loop3A_902, %parallel_loop3A_903] {strides = array<i32>} : memref<2x1x125x1x128xf32, #tpu.memory_space<vmem>>, vector<16xf32>,
      tpu.vector_store_idx %arg10[%parallel_loop3A_895], %parallel_loop3A_904 {add = true} : memref<10240xf32, #tpu.memory_space<vmem>>[vector<16xi32>], vector<16xf32>,
      %parallel_loop3A_905 = arith.constant 0 : i32
      %parallel_loop3A_906 = arith.constant 0 : i32
      %parallel_loop3A_907 = arith.index_cast %parallel_loop3A_905 : i32 to index
      %parallel_loop3A_908 = arith.index_cast %parallel_loop3A_808 : i32 to index
      %parallel_loop3A_909 = arith.index_cast %parallel_loop3A_906 : i32 to index
      %parallel_loop3A_910 = arith.constant 96 : index
      %parallel_loop3A_911 = tpu.vector_load %arg7[%parallel_loop3A_907, %parallel_loop3A_908, %parallel_loop3A_909, %parallel_loop3A_910] {strides = array<i32>} : memref<2x125x1x128xi32, #tpu.memory_space<vmem>>, vector<16xi32>,
      %parallel_loop3A_912 = arith.constant 0 : i32
      %parallel_loop3A_913 = arith.constant 0 : i32
      %parallel_loop3A_914 = arith.constant 0 : i32
      %parallel_loop3A_915 = arith.index_cast %parallel_loop3A_912 : i32 to index
      %parallel_loop3A_916 = arith.index_cast %parallel_loop3A_913 : i32 to index
      %parallel_loop3A_917 = arith.index_cast %parallel_loop3A_808 : i32 to index
      %parallel_loop3A_918 = arith.index_cast %parallel_loop3A_914 : i32 to index
      %parallel_loop3A_919 = arith.constant 96 : index
      %parallel_loop3A_920 = tpu.vector_load %arg6[%parallel_loop3A_915, %parallel_loop3A_916, %parallel_loop3A_917, %parallel_loop3A_918, %parallel_loop3A_919] {strides = array<i32>} : memref<2x1x125x1x128xf32, #tpu.memory_space<vmem>>, vector<16xf32>,
      tpu.vector_store_idx %arg10[%parallel_loop3A_911], %parallel_loop3A_920 {add = true} : memref<10240xf32, #tpu.memory_space<vmem>>[vector<16xi32>], vector<16xf32>,
      %parallel_loop3A_921 = arith.constant 0 : i32
      %parallel_loop3A_922 = arith.constant 0 : i32
      %parallel_loop3A_923 = arith.index_cast %parallel_loop3A_921 : i32 to index
      %parallel_loop3A_924 = arith.index_cast %parallel_loop3A_808 : i32 to index
      %parallel_loop3A_925 = arith.index_cast %parallel_loop3A_922 : i32 to index
      %parallel_loop3A_926 = arith.constant 112 : index
      %parallel_loop3A_927 = tpu.vector_load %arg7[%parallel_loop3A_923, %parallel_loop3A_924, %parallel_loop3A_925, %parallel_loop3A_926] {strides = array<i32>} : memref<2x125x1x128xi32, #tpu.memory_space<vmem>>, vector<16xi32>,
      %parallel_loop3A_928 = arith.constant 0 : i32
      %parallel_loop3A_929 = arith.constant 0 : i32
      %parallel_loop3A_930 = arith.constant 0 : i32
      %parallel_loop3A_931 = arith.index_cast %parallel_loop3A_928 : i32 to index
      %parallel_loop3A_932 = arith.index_cast %parallel_loop3A_929 : i32 to index
      %parallel_loop3A_933 = arith.index_cast %parallel_loop3A_808 : i32 to index
      %parallel_loop3A_934 = arith.index_cast %parallel_loop3A_930 : i32 to index
      %parallel_loop3A_935 = arith.constant 112 : index
      %parallel_loop3A_936 = tpu.vector_load %arg6[%parallel_loop3A_931, %parallel_loop3A_932, %parallel_loop3A_933, %parallel_loop3A_934, %parallel_loop3A_935] {strides = array<i32>} : memref<2x1x125x1x128xf32, #tpu.memory_space<vmem>>, vector<16xf32>,
      tpu.vector_store_idx %arg10[%parallel_loop3A_927], %parallel_loop3A_936 {add = true} : memref<10240xf32, #tpu.memory_space<vmem>>[vector<16xi32>], vector<16xf32>,
    } {sc.loop_unroll_factor = 4 : i64, sc.parallel_access}
    %dma_wait3A_753 = arith.constant 1 : i32
    %dma_wait3A_754 = arith.constant 0 : i32
    %dma_wait3A_755 = arith.constant 0 : i32
    %dma_wait3A_756 = arith.constant 0 : i32
    %dma_wait3A_757 = arith.constant 0 : i32
    %dma_wait3A_758 = tpu.memref_slice %arg6[%dma_wait3A_753, %dma_wait3A_754, %dma_wait3A_755, %dma_wait3A_756, %dma_wait3A_757] : memref<2x1x125x1x128xf32, #tpu.memory_space<vmem>> -> memref<1x1x125x1x128xf32, #tpu.memory_space<vmem>>
    %dma_wait3A_759 = tpu.memref_squeeze %dma_wait3A_758 : memref<1x1x125x1x128xf32, #tpu.memory_space<vmem>> -> memref<1x125x1x128xf32, #tpu.memory_space<vmem>>
    %dma_wait3A_760 = arith.constant 0 : i32
    %dma_wait3A_761 = tpu.memref_slice %arg2[%select_n3A, %add3A_715, %select_n3A_30, %dma_wait3A_760] : memref<2x2500x8x128xf32, #tpu.memory_space<hbm>> -> memref<1x125x1x128xf32, #tpu.memory_space<hbm>>
    %dma_wait3A_762 = arith.constant 0 : i32
    %dma_wait3A_763 = arith.constant 0 : i32
    %dma_wait3A_764 = arith.constant 0 : i32
    %dma_wait3A_765 = arith.constant 0 : i32
    %dma_wait3A_766 = tpu.memref_slice %arg6[%dma_wait3A_753, %dma_wait3A_762, %dma_wait3A_763, %dma_wait3A_764, %dma_wait3A_765] : memref<2x1x125x1x128xf32, #tpu.memory_space<vmem>> -> memref<1x1x125x1x128xf32, #tpu.memory_space<vmem>>
    %dma_wait3A_767 = tpu.memref_squeeze %dma_wait3A_766 : memref<1x1x125x1x128xf32, #tpu.memory_space<vmem>> -> memref<1x125x1x128xf32, #tpu.memory_space<vmem>>
    %dma_wait3A_768 = arith.constant 0 : i32
    %dma_wait3A_769 = tpu.memref_slice %arg2[%select_n3A, %add3A_715, %select_n3A_30, %dma_wait3A_768] : memref<2x2500x8x128xf32, #tpu.memory_space<hbm>> -> memref<1x125x1x128xf32, #tpu.memory_space<hbm>>
    tpu.wait_dma2 semaphore(%arg12 : memref<!tpu.dma_semaphore, #tpu.memory_space<semaphore_mem>>) src(%dma_wait3A_769 : memref<1x125x1x128xf32, #tpu.memory_space<hbm>>) dst(%dma_wait3A_767 : memref<1x125x1x128xf32, #tpu.memory_space<vmem>>)
    %dma_wait3A_770 = arith.constant 1 : i32
    %dma_wait3A_771 = arith.constant 0 : i32
    %dma_wait3A_772 = arith.constant 0 : i32
    %dma_wait3A_773 = arith.constant 0 : i32
    %dma_wait3A_774 = tpu.memref_slice %arg7[%dma_wait3A_770, %dma_wait3A_771, %dma_wait3A_772, %dma_wait3A_773] : memref<2x125x1x128xi32, #tpu.memory_space<vmem>> -> memref<1x125x1x128xi32, #tpu.memory_space<vmem>>
    %dma_wait3A_775 = tpu.memref_squeeze %dma_wait3A_774 : memref<1x125x1x128xi32, #tpu.memory_space<vmem>> -> memref<125x1x128xi32, #tpu.memory_space<vmem>>
    %dma_wait3A_776 = arith.constant 1 : i32
    %dma_wait3A_777 = arith.constant 0 : i32
    %dma_wait3A_778 = tpu.memref_slice %arg3[%add3A_715, %dma_wait3A_776, %dma_wait3A_777] : memref<2500x2x128xi32, #tpu.memory_space<hbm>> -> memref<125x1x128xi32, #tpu.memory_space<hbm>>
    %dma_wait3A_779 = arith.constant 0 : i32
    %dma_wait3A_780 = arith.constant 0 : i32
    %dma_wait3A_781 = arith.constant 0 : i32
    %dma_wait3A_782 = tpu.memref_slice %arg7[%dma_wait3A_770, %dma_wait3A_779, %dma_wait3A_780, %dma_wait3A_781] : memref<2x125x1x128xi32, #tpu.memory_space<vmem>> -> memref<1x125x1x128xi32, #tpu.memory_space<vmem>>
    %dma_wait3A_783 = tpu.memref_squeeze %dma_wait3A_782 : memref<1x125x1x128xi32, #tpu.memory_space<vmem>> -> memref<125x1x128xi32, #tpu.memory_space<vmem>>
    %dma_wait3A_784 = arith.constant 1 : i32
    %dma_wait3A_785 = arith.constant 0 : i32
    %dma_wait3A_786 = tpu.memref_slice %arg3[%add3A_715, %dma_wait3A_784, %dma_wait3A_785] : memref<2500x2x128xi32, #tpu.memory_space<hbm>> -> memref<125x1x128xi32, #tpu.memory_space<hbm>>
    tpu.wait_dma2 semaphore(%arg13 : memref<!tpu.dma_semaphore, #tpu.memory_space<semaphore_mem>>) src(%dma_wait3A_786 : memref<125x1x128xi32, #tpu.memory_space<hbm>>) dst(%dma_wait3A_783 : memref<125x1x128xi32, #tpu.memory_space<vmem>>)
    %parallel_loop3A_787 = arith.constant 0 : i32
    %parallel_loop3A_788 = arith.constant 125 : i32
    %parallel_loop3A_789 = arith.constant 1 : i32
    scf.for %parallel_loop3A_808 = %parallel_loop3A_787 to %parallel_loop3A_788 step %parallel_loop3A_789  : i32 {
      %parallel_loop3A_809 = arith.constant 1 : i32
      %parallel_loop3A_810 = arith.constant 0 : i32
      %parallel_loop3A_811 = arith.index_cast %parallel_loop3A_809 : i32 to index
      %parallel_loop3A_812 = arith.index_cast %parallel_loop3A_808 : i32 to index
      %parallel_loop3A_813 = arith.index_cast %parallel_loop3A_810 : i32 to index
      %parallel_loop3A_814 = arith.constant 0 : index
      %parallel_loop3A_815 = tpu.vector_load %arg7[%parallel_loop3A_811, %parallel_loop3A_812, %parallel_loop3A_813, %parallel_loop3A_814] {strides = array<i32>} : memref<2x125x1x128xi32, #tpu.memory_space<vmem>>, vector<16xi32>,
      %parallel_loop3A_816 = arith.constant 1 : i32
      %parallel_loop3A_817 = arith.constant 0 : i32
      %parallel_loop3A_818 = arith.constant 0 : i32
      %parallel_loop3A_819 = arith.index_cast %parallel_loop3A_816 : i32 to index
      %parallel_loop3A_820 = arith.index_cast %parallel_loop3A_817 : i32 to index
      %parallel_loop3A_821 = arith.index_cast %parallel_loop3A_808 : i32 to index
      %parallel_loop3A_822 = arith.index_cast %parallel_loop3A_818 : i32 to index
      %parallel_loop3A_823 = arith.constant 0 : index
      %parallel_loop3A_824 = tpu.vector_load %arg6[%parallel_loop3A_819, %parallel_loop3A_820, %parallel_loop3A_821, %parallel_loop3A_822, %parallel_loop3A_823] {strides = array<i32>} : memref<2x1x125x1x128xf32, #tpu.memory_space<vmem>>, vector<16xf32>,
      tpu.vector_store_idx %arg10[%parallel_loop3A_815], %parallel_loop3A_824 {add = true} : memref<10240xf32, #tpu.memory_space<vmem>>[vector<16xi32>], vector<16xf32>,
      %parallel_loop3A_825 = arith.constant 1 : i32
      %parallel_loop3A_826 = arith.constant 0 : i32
      %parallel_loop3A_827 = arith.index_cast %parallel_loop3A_825 : i32 to index
      %parallel_loop3A_828 = arith.index_cast %parallel_loop3A_808 : i32 to index
      %parallel_loop3A_829 = arith.index_cast %parallel_loop3A_826 : i32 to index
      %parallel_loop3A_830 = arith.constant 16 : index
      %parallel_loop3A_831 = tpu.vector_load %arg7[%parallel_loop3A_827, %parallel_loop3A_828, %parallel_loop3A_829, %parallel_loop3A_830] {strides = array<i32>} : memref<2x125x1x128xi32, #tpu.memory_space<vmem>>, vector<16xi32>,
      %parallel_loop3A_832 = arith.constant 1 : i32
      %parallel_loop3A_833 = arith.constant 0 : i32
      %parallel_loop3A_834 = arith.constant 0 : i32
      %parallel_loop3A_835 = arith.index_cast %parallel_loop3A_832 : i32 to index
      %parallel_loop3A_836 = arith.index_cast %parallel_loop3A_833 : i32 to index
      %parallel_loop3A_837 = arith.index_cast %parallel_loop3A_808 : i32 to index
      %parallel_loop3A_838 = arith.index_cast %parallel_loop3A_834 : i32 to index
      %parallel_loop3A_839 = arith.constant 16 : index
      %parallel_loop3A_840 = tpu.vector_load %arg6[%parallel_loop3A_835, %parallel_loop3A_836, %parallel_loop3A_837, %parallel_loop3A_838, %parallel_loop3A_839] {strides = array<i32>} : memref<2x1x125x1x128xf32, #tpu.memory_space<vmem>>, vector<16xf32>,
      tpu.vector_store_idx %arg10[%parallel_loop3A_831], %parallel_loop3A_840 {add = true} : memref<10240xf32, #tpu.memory_space<vmem>>[vector<16xi32>], vector<16xf32>,
      %parallel_loop3A_841 = arith.constant 1 : i32
      %parallel_loop3A_842 = arith.constant 0 : i32
      %parallel_loop3A_843 = arith.index_cast %parallel_loop3A_841 : i32 to index
      %parallel_loop3A_844 = arith.index_cast %parallel_loop3A_808 : i32 to index
      %parallel_loop3A_845 = arith.index_cast %parallel_loop3A_842 : i32 to index
      %parallel_loop3A_846 = arith.constant 32 : index
      %parallel_loop3A_847 = tpu.vector_load %arg7[%parallel_loop3A_843, %parallel_loop3A_844, %parallel_loop3A_845, %parallel_loop3A_846] {strides = array<i32>} : memref<2x125x1x128xi32, #tpu.memory_space<vmem>>, vector<16xi32>,
      %parallel_loop3A_848 = arith.constant 1 : i32
      %parallel_loop3A_849 = arith.constant 0 : i32
      %parallel_loop3A_850 = arith.constant 0 : i32
      %parallel_loop3A_851 = arith.index_cast %parallel_loop3A_848 : i32 to index
      %parallel_loop3A_852 = arith.index_cast %parallel_loop3A_849 : i32 to index
      %parallel_loop3A_853 = arith.index_cast %parallel_loop3A_808 : i32 to index
      %parallel_loop3A_854 = arith.index_cast %parallel_loop3A_850 : i32 to index
      %parallel_loop3A_855 = arith.constant 32 : index
      %parallel_loop3A_856 = tpu.vector_load %arg6[%parallel_loop3A_851, %parallel_loop3A_852, %parallel_loop3A_853, %parallel_loop3A_854, %parallel_loop3A_855] {strides = array<i32>} : memref<2x1x125x1x128xf32, #tpu.memory_space<vmem>>, vector<16xf32>,
      tpu.vector_store_idx %arg10[%parallel_loop3A_847], %parallel_loop3A_856 {add = true} : memref<10240xf32, #tpu.memory_space<vmem>>[vector<16xi32>], vector<16xf32>,
      %parallel_loop3A_857 = arith.constant 1 : i32
      %parallel_loop3A_858 = arith.constant 0 : i32
      %parallel_loop3A_859 = arith.index_cast %parallel_loop3A_857 : i32 to index
      %parallel_loop3A_860 = arith.index_cast %parallel_loop3A_808 : i32 to index
      %parallel_loop3A_861 = arith.index_cast %parallel_loop3A_858 : i32 to index
      %parallel_loop3A_862 = arith.constant 48 : index
      %parallel_loop3A_863 = tpu.vector_load %arg7[%parallel_loop3A_859, %parallel_loop3A_860, %parallel_loop3A_861, %parallel_loop3A_862] {strides = array<i32>} : memref<2x125x1x128xi32, #tpu.memory_space<vmem>>, vector<16xi32>,
      %parallel_loop3A_864 = arith.constant 1 : i32
      %parallel_loop3A_865 = arith.constant 0 : i32
      %parallel_loop3A_866 = arith.constant 0 : i32
      %parallel_loop3A_867 = arith.index_cast %parallel_loop3A_864 : i32 to index
      %parallel_loop3A_868 = arith.index_cast %parallel_loop3A_865 : i32 to index
      %parallel_loop3A_869 = arith.index_cast %parallel_loop3A_808 : i32 to index
      %parallel_loop3A_870 = arith.index_cast %parallel_loop3A_866 : i32 to index
      %parallel_loop3A_871 = arith.constant 48 : index
      %parallel_loop3A_872 = tpu.vector_load %arg6[%parallel_loop3A_867, %parallel_loop3A_868, %parallel_loop3A_869, %parallel_loop3A_870, %parallel_loop3A_871] {strides = array<i32>} : memref<2x1x125x1x128xf32, #tpu.memory_space<vmem>>, vector<16xf32>,
      tpu.vector_store_idx %arg10[%parallel_loop3A_863], %parallel_loop3A_872 {add = true} : memref<10240xf32, #tpu.memory_space<vmem>>[vector<16xi32>], vector<16xf32>,
      %parallel_loop3A_873 = arith.constant 1 : i32
      %parallel_loop3A_874 = arith.constant 0 : i32
      %parallel_loop3A_875 = arith.index_cast %parallel_loop3A_873 : i32 to index
      %parallel_loop3A_876 = arith.index_cast %parallel_loop3A_808 : i32 to index
      %parallel_loop3A_877 = arith.index_cast %parallel_loop3A_874 : i32 to index
      %parallel_loop3A_878 = arith.constant 64 : index
      %parallel_loop3A_879 = tpu.vector_load %arg7[%parallel_loop3A_875, %parallel_loop3A_876, %parallel_loop3A_877, %parallel_loop3A_878] {strides = array<i32>} : memref<2x125x1x128xi32, #tpu.memory_space<vmem>>, vector<16xi32>,
      %parallel_loop3A_880 = arith.constant 1 : i32
      %parallel_loop3A_881 = arith.constant 0 : i32
      %parallel_loop3A_882 = arith.constant 0 : i32
      %parallel_loop3A_883 = arith.index_cast %parallel_loop3A_880 : i32 to index
      %parallel_loop3A_884 = arith.index_cast %parallel_loop3A_881 : i32 to index
      %parallel_loop3A_885 = arith.index_cast %parallel_loop3A_808 : i32 to index
      %parallel_loop3A_886 = arith.index_cast %parallel_loop3A_882 : i32 to index
      %parallel_loop3A_887 = arith.constant 64 : index
      %parallel_loop3A_888 = tpu.vector_load %arg6[%parallel_loop3A_883, %parallel_loop3A_884, %parallel_loop3A_885, %parallel_loop3A_886, %parallel_loop3A_887] {strides = array<i32>} : memref<2x1x125x1x128xf32, #tpu.memory_space<vmem>>, vector<16xf32>,
      tpu.vector_store_idx %arg10[%parallel_loop3A_879], %parallel_loop3A_888 {add = true} : memref<10240xf32, #tpu.memory_space<vmem>>[vector<16xi32>], vector<16xf32>,
      %parallel_loop3A_889 = arith.constant 1 : i32
      %parallel_loop3A_890 = arith.constant 0 : i32
      %parallel_loop3A_891 = arith.index_cast %parallel_loop3A_889 : i32 to index
      %parallel_loop3A_892 = arith.index_cast %parallel_loop3A_808 : i32 to index
      %parallel_loop3A_893 = arith.index_cast %parallel_loop3A_890 : i32 to index
      %parallel_loop3A_894 = arith.constant 80 : index
      %parallel_loop3A_895 = tpu.vector_load %arg7[%parallel_loop3A_891, %parallel_loop3A_892, %parallel_loop3A_893, %parallel_loop3A_894] {strides = array<i32>} : memref<2x125x1x128xi32, #tpu.memory_space<vmem>>, vector<16xi32>,
      %parallel_loop3A_896 = arith.constant 1 : i32
      %parallel_loop3A_897 = arith.constant 0 : i32
      %parallel_loop3A_898 = arith.constant 0 : i32
      %parallel_loop3A_899 = arith.index_cast %parallel_loop3A_896 : i32 to index
      %parallel_loop3A_900 = arith.index_cast %parallel_loop3A_897 : i32 to index
      %parallel_loop3A_901 = arith.index_cast %parallel_loop3A_808 : i32 to index
      %parallel_loop3A_902 = arith.index_cast %parallel_loop3A_898 : i32 to index
      %parallel_loop3A_903 = arith.constant 80 : index
      %parallel_loop3A_904 = tpu.vector_load %arg6[%parallel_loop3A_899, %parallel_loop3A_900, %parallel_loop3A_901, %parallel_loop3A_902, %parallel_loop3A_903] {strides = array<i32>} : memref<2x1x125x1x128xf32, #tpu.memory_space<vmem>>, vector<16xf32>,
      tpu.vector_store_idx %arg10[%parallel_loop3A_895], %parallel_loop3A_904 {add = true} : memref<10240xf32, #tpu.memory_space<vmem>>[vector<16xi32>], vector<16xf32>,
      %parallel_loop3A_905 = arith.constant 1 : i32
      %parallel_loop3A_906 = arith.constant 0 : i32
      %parallel_loop3A_907 = arith.index_cast %parallel_loop3A_905 : i32 to index
      %parallel_loop3A_908 = arith.index_cast %parallel_loop3A_808 : i32 to index
      %parallel_loop3A_909 = arith.index_cast %parallel_loop3A_906 : i32 to index
      %parallel_loop3A_910 = arith.constant 96 : index
      %parallel_loop3A_911 = tpu.vector_load %arg7[%parallel_loop3A_907, %parallel_loop3A_908, %parallel_loop3A_909, %parallel_loop3A_910] {strides = array<i32>} : memref<2x125x1x128xi32, #tpu.memory_space<vmem>>, vector<16xi32>,
      %parallel_loop3A_912 = arith.constant 1 : i32
      %parallel_loop3A_913 = arith.constant 0 : i32
      %parallel_loop3A_914 = arith.constant 0 : i32
      %parallel_loop3A_915 = arith.index_cast %parallel_loop3A_912 : i32 to index
      %parallel_loop3A_916 = arith.index_cast %parallel_loop3A_913 : i32 to index
      %parallel_loop3A_917 = arith.index_cast %parallel_loop3A_808 : i32 to index
      %parallel_loop3A_918 = arith.index_cast %parallel_loop3A_914 : i32 to index
      %parallel_loop3A_919 = arith.constant 96 : index
      %parallel_loop3A_920 = tpu.vector_load %arg6[%parallel_loop3A_915, %parallel_loop3A_916, %parallel_loop3A_917, %parallel_loop3A_918, %parallel_loop3A_919] {strides = array<i32>} : memref<2x1x125x1x128xf32, #tpu.memory_space<vmem>>, vector<16xf32>,
      tpu.vector_store_idx %arg10[%parallel_loop3A_911], %parallel_loop3A_920 {add = true} : memref<10240xf32, #tpu.memory_space<vmem>>[vector<16xi32>], vector<16xf32>,
      %parallel_loop3A_921 = arith.constant 1 : i32
      %parallel_loop3A_922 = arith.constant 0 : i32
      %parallel_loop3A_923 = arith.index_cast %parallel_loop3A_921 : i32 to index
      %parallel_loop3A_924 = arith.index_cast %parallel_loop3A_808 : i32 to index
      %parallel_loop3A_925 = arith.index_cast %parallel_loop3A_922 : i32 to index
      %parallel_loop3A_926 = arith.constant 112 : index
      %parallel_loop3A_927 = tpu.vector_load %arg7[%parallel_loop3A_923, %parallel_loop3A_924, %parallel_loop3A_925, %parallel_loop3A_926] {strides = array<i32>} : memref<2x125x1x128xi32, #tpu.memory_space<vmem>>, vector<16xi32>,
      %parallel_loop3A_928 = arith.constant 1 : i32
      %parallel_loop3A_929 = arith.constant 0 : i32
      %parallel_loop3A_930 = arith.constant 0 : i32
      %parallel_loop3A_931 = arith.index_cast %parallel_loop3A_928 : i32 to index
      %parallel_loop3A_932 = arith.index_cast %parallel_loop3A_929 : i32 to index
      %parallel_loop3A_933 = arith.index_cast %parallel_loop3A_808 : i32 to index
      %parallel_loop3A_934 = arith.index_cast %parallel_loop3A_930 : i32 to index
      %parallel_loop3A_935 = arith.constant 112 : index
      %parallel_loop3A_936 = tpu.vector_load %arg6[%parallel_loop3A_931, %parallel_loop3A_932, %parallel_loop3A_933, %parallel_loop3A_934, %parallel_loop3A_935] {strides = array<i32>} : memref<2x1x125x1x128xf32, #tpu.memory_space<vmem>>, vector<16xf32>,
      tpu.vector_store_idx %arg10[%parallel_loop3A_927], %parallel_loop3A_936 {add = true} : memref<10240xf32, #tpu.memory_space<vmem>>[vector<16xi32>], vector<16xf32>,
    } {sc.loop_unroll_factor = 4 : i64, sc.parallel_access}
    %broadcast_in_dim3A_790 = arith.constant 1.000000e+00 : f32
    %broadcast_in_dim3A_791 = vector.broadcast %broadcast_in_dim3A_790 : f32 to vector<16xf32>
    %dma_wait3A_792 = arith.constant 1 : i32
    %dma_wait3A_793 = arith.constant 0 : i32
    %dma_wait3A_794 = tpu.memref_slice %arg3[%mul3A_69, %dma_wait3A_792, %dma_wait3A_793] : memref<2500x2x128xi32, #tpu.memory_space<hbm>> -> memref<78x1x128xi32, #tpu.memory_space<hbm>>
    %dma_wait3A_795 = arith.constant 1 : i32
    %dma_wait3A_796 = arith.constant 0 : i32
    %dma_wait3A_797 = tpu.memref_slice %arg3[%mul3A_69, %dma_wait3A_795, %dma_wait3A_796] : memref<2500x2x128xi32, #tpu.memory_space<hbm>> -> memref<78x1x128xi32, #tpu.memory_space<hbm>>
    tpu.wait_dma2 semaphore(%arg14 : memref<!tpu.dma_semaphore, #tpu.memory_space<semaphore_mem>>) src(%dma_wait3A_797 : memref<78x1x128xi32, #tpu.memory_space<hbm>>) dst(%arg8 : memref<78x1x128xi32, #tpu.memory_space<vmem>>)
    %parallel_loop3A_798 = arith.constant 0 : i32
    %parallel_loop3A_799 = arith.constant 78 : i32
    %parallel_loop3A_800 = arith.constant 1 : i32
    scf.for %parallel_loop3A_808 = %parallel_loop3A_798 to %parallel_loop3A_799 step %parallel_loop3A_800  : i32 {
      %parallel_loop3A_809 = arith.constant 0 : i32
      %parallel_loop3A_810 = arith.index_cast %parallel_loop3A_808 : i32 to index
      %parallel_loop3A_811 = arith.index_cast %parallel_loop3A_809 : i32 to index
      %parallel_loop3A_812 = arith.constant 0 : index
      %parallel_loop3A_813 = tpu.vector_load %arg8[%parallel_loop3A_810, %parallel_loop3A_811, %parallel_loop3A_812] {strides = array<i32>} : memref<78x1x128xi32, #tpu.memory_space<vmem>>, vector<16xi32>,
      tpu.vector_store_idx %arg11[%parallel_loop3A_813], %broadcast_in_dim3A_791 {add = true} : memref<10240xf32, #tpu.memory_space<vmem>>[vector<16xi32>], vector<16xf32>,
      %parallel_loop3A_814 = arith.constant 0 : i32
      %parallel_loop3A_815 = arith.index_cast %parallel_loop3A_808 : i32 to index
      %parallel_loop3A_816 = arith.index_cast %parallel_loop3A_814 : i32 to index
      %parallel_loop3A_817 = arith.constant 16 : index
      %parallel_loop3A_818 = tpu.vector_load %arg8[%parallel_loop3A_815, %parallel_loop3A_816, %parallel_loop3A_817] {strides = array<i32>} : memref<78x1x128xi32, #tpu.memory_space<vmem>>, vector<16xi32>,
      tpu.vector_store_idx %arg11[%parallel_loop3A_818], %broadcast_in_dim3A_791 {add = true} : memref<10240xf32, #tpu.memory_space<vmem>>[vector<16xi32>], vector<16xf32>,
      %parallel_loop3A_819 = arith.constant 0 : i32
      %parallel_loop3A_820 = arith.index_cast %parallel_loop3A_808 : i32 to index
      %parallel_loop3A_821 = arith.index_cast %parallel_loop3A_819 : i32 to index
      %parallel_loop3A_822 = arith.constant 32 : index
      %parallel_loop3A_823 = tpu.vector_load %arg8[%parallel_loop3A_820, %parallel_loop3A_821, %parallel_loop3A_822] {strides = array<i32>} : memref<78x1x128xi32, #tpu.memory_space<vmem>>, vector<16xi32>,
      tpu.vector_store_idx %arg11[%parallel_loop3A_823], %broadcast_in_dim3A_791 {add = true} : memref<10240xf32, #tpu.memory_space<vmem>>[vector<16xi32>], vector<16xf32>,
      %parallel_loop3A_824 = arith.constant 0 : i32
      %parallel_loop3A_825 = arith.index_cast %parallel_loop3A_808 : i32 to index
      %parallel_loop3A_826 = arith.index_cast %parallel_loop3A_824 : i32 to index
      %parallel_loop3A_827 = arith.constant 48 : index
      %parallel_loop3A_828 = tpu.vector_load %arg8[%parallel_loop3A_825, %parallel_loop3A_826, %parallel_loop3A_827] {strides = array<i32>} : memref<78x1x128xi32, #tpu.memory_space<vmem>>, vector<16xi32>,
      tpu.vector_store_idx %arg11[%parallel_loop3A_828], %broadcast_in_dim3A_791 {add = true} : memref<10240xf32, #tpu.memory_space<vmem>>[vector<16xi32>], vector<16xf32>,
      %parallel_loop3A_829 = arith.constant 0 : i32
      %parallel_loop3A_830 = arith.index_cast %parallel_loop3A_808 : i32 to index
      %parallel_loop3A_831 = arith.index_cast %parallel_loop3A_829 : i32 to index
      %parallel_loop3A_832 = arith.constant 64 : index
      %parallel_loop3A_833 = tpu.vector_load %arg8[%parallel_loop3A_830, %parallel_loop3A_831, %parallel_loop3A_832] {strides = array<i32>} : memref<78x1x128xi32, #tpu.memory_space<vmem>>, vector<16xi32>,
      tpu.vector_store_idx %arg11[%parallel_loop3A_833], %broadcast_in_dim3A_791 {add = true} : memref<10240xf32, #tpu.memory_space<vmem>>[vector<16xi32>], vector<16xf32>,
      %parallel_loop3A_834 = arith.constant 0 : i32
      %parallel_loop3A_835 = arith.index_cast %parallel_loop3A_808 : i32 to index
      %parallel_loop3A_836 = arith.index_cast %parallel_loop3A_834 : i32 to index
      %parallel_loop3A_837 = arith.constant 80 : index
      %parallel_loop3A_838 = tpu.vector_load %arg8[%parallel_loop3A_835, %parallel_loop3A_836, %parallel_loop3A_837] {strides = array<i32>} : memref<78x1x128xi32, #tpu.memory_space<vmem>>, vector<16xi32>,
      tpu.vector_store_idx %arg11[%parallel_loop3A_838], %broadcast_in_dim3A_791 {add = true} : memref<10240xf32, #tpu.memory_space<vmem>>[vector<16xi32>], vector<16xf32>,
      %parallel_loop3A_839 = arith.constant 0 : i32
      %parallel_loop3A_840 = arith.index_cast %parallel_loop3A_808 : i32 to index
      %parallel_loop3A_841 = arith.index_cast %parallel_loop3A_839 : i32 to index
      %parallel_loop3A_842 = arith.constant 96 : index
      %parallel_loop3A_843 = tpu.vector_load %arg8[%parallel_loop3A_840, %parallel_loop3A_841, %parallel_loop3A_842] {strides = array<i32>} : memref<78x1x128xi32, #tpu.memory_space<vmem>>, vector<16xi32>,
      tpu.vector_store_idx %arg11[%parallel_loop3A_843], %broadcast_in_dim3A_791 {add = true} : memref<10240xf32, #tpu.memory_space<vmem>>[vector<16xi32>], vector<16xf32>,
      %parallel_loop3A_844 = arith.constant 0 : i32
      %parallel_loop3A_845 = arith.index_cast %parallel_loop3A_808 : i32 to index
      %parallel_loop3A_846 = arith.index_cast %parallel_loop3A_844 : i32 to index
      %parallel_loop3A_847 = arith.constant 112 : index
      %parallel_loop3A_848 = tpu.vector_load %arg8[%parallel_loop3A_845, %parallel_loop3A_846, %parallel_loop3A_847] {strides = array<i32>} : memref<78x1x128xi32, #tpu.memory_space<vmem>>, vector<16xi32>,
      tpu.vector_store_idx %arg11[%parallel_loop3A_848], %broadcast_in_dim3A_791 {add = true} : memref<10240xf32, #tpu.memory_space<vmem>>[vector<16xi32>], vector<16xf32>,
    } {sc.loop_unroll_factor = 2 : i64, sc.parallel_access}
    %lt3A_801 = arith.constant 4 : i32
    %lt3A_802 = arith.cmpi slt, %add3A, %lt3A_801 : i32
    %convert_element_type3A = arith.extui %lt3A_802 : i1 to i32
    %cond3A = arith.constant 0 : i32
    %cond3A_803 = arith.cmpi ne, %convert_element_type3A, %cond3A : i32
    scf.if %cond3A_803 {
      %add3A_808 = arith.constant 2496 : i32
      %add3A_809 = arith.addi %add3A_808, %add3A : i32
      "tpu.region"() ({
        %run_scoped3A = tpu.sem_alloc : memref<!tpu.dma_semaphore, #tpu.memory_space<semaphore_mem>>
        %dma_start3A_857 = arith.constant 1 : i32
        %dma_start3A_858 = arith.constant 0 : i32
        %dma_start3A_859 = tpu.memref_slice %arg3[%add3A_809, %dma_start3A_857, %dma_start3A_858] : memref<2500x2x128xi32, #tpu.memory_space<hbm>> -> memref<1x1x128xi32, #tpu.memory_space<hbm>>
        %dma_start3A_860 = arith.constant 1 : i32
        %dma_start3A_861 = arith.constant 0 : i32
        %dma_start3A_862 = tpu.memref_slice %arg3[%add3A_809, %dma_start3A_860, %dma_start3A_861] : memref<2500x2x128xi32, #tpu.memory_space<hbm>> -> memref<1x1x128xi32, #tpu.memory_space<hbm>>
        tpu.enqueue_dma source(%dma_start3A_862 : memref<1x1x128xi32, #tpu.memory_space<hbm>>) target(%arg9 : memref<1x1x128xi32, #tpu.memory_space<vmem>>) target_semaphore(%run_scoped3A : memref<!tpu.dma_semaphore, #tpu.memory_space<semaphore_mem>>)
        %dma_wait3A_863 = arith.constant 1 : i32
        %dma_wait3A_864 = arith.constant 0 : i32
        %dma_wait3A_865 = tpu.memref_slice %arg3[%add3A_809, %dma_wait3A_863, %dma_wait3A_864] : memref<2500x2x128xi32, #tpu.memory_space<hbm>> -> memref<1x1x128xi32, #tpu.memory_space<hbm>>
        %dma_wait3A_866 = arith.constant 1 : i32
        %dma_wait3A_867 = arith.constant 0 : i32
        %dma_wait3A_868 = tpu.memref_slice %arg3[%add3A_809, %dma_wait3A_866, %dma_wait3A_867] : memref<2500x2x128xi32, #tpu.memory_space<hbm>> -> memref<1x1x128xi32, #tpu.memory_space<hbm>>
        tpu.wait_dma2 semaphore(%run_scoped3A : memref<!tpu.dma_semaphore, #tpu.memory_space<semaphore_mem>>) src(%dma_wait3A_868 : memref<1x1x128xi32, #tpu.memory_space<hbm>>) dst(%arg9 : memref<1x1x128xi32, #tpu.memory_space<vmem>>)
        tpu.yield
      }) : () -> ()
      %get3A = arith.constant 0 : i32
      %get3A_810 = arith.constant 0 : i32
      %get3A_811 = arith.index_cast %get3A : i32 to index
      %get3A_812 = arith.index_cast %get3A_810 : i32 to index
      %get3A_813 = arith.constant 0 : index
      %get3A_814 = tpu.vector_load %arg9[%get3A_811, %get3A_812, %get3A_813] {strides = array<i32>} : memref<1x1x128xi32, #tpu.memory_space<vmem>>, vector<16xi32>,
      tpu.vector_store_idx %arg11[%get3A_814], %broadcast_in_dim3A_791 {add = true} : memref<10240xf32, #tpu.memory_space<vmem>>[vector<16xi32>], vector<16xf32>,
      %get3A_815 = arith.constant 0 : i32
      %get3A_816 = arith.constant 0 : i32
      %get3A_817 = arith.index_cast %get3A_815 : i32 to index
      %get3A_818 = arith.index_cast %get3A_816 : i32 to index
      %get3A_819 = arith.constant 16 : index
      %get3A_820 = tpu.vector_load %arg9[%get3A_817, %get3A_818, %get3A_819] {strides = array<i32>} : memref<1x1x128xi32, #tpu.memory_space<vmem>>, vector<16xi32>,
      tpu.vector_store_idx %arg11[%get3A_820], %broadcast_in_dim3A_791 {add = true} : memref<10240xf32, #tpu.memory_space<vmem>>[vector<16xi32>], vector<16xf32>,
      %get3A_821 = arith.constant 0 : i32
      %get3A_822 = arith.constant 0 : i32
      %get3A_823 = arith.index_cast %get3A_821 : i32 to index
      %get3A_824 = arith.index_cast %get3A_822 : i32 to index
      %get3A_825 = arith.constant 32 : index
      %get3A_826 = tpu.vector_load %arg9[%get3A_823, %get3A_824, %get3A_825] {strides = array<i32>} : memref<1x1x128xi32, #tpu.memory_space<vmem>>, vector<16xi32>,
      tpu.vector_store_idx %arg11[%get3A_826], %broadcast_in_dim3A_791 {add = true} : memref<10240xf32, #tpu.memory_space<vmem>>[vector<16xi32>], vector<16xf32>,
      %get3A_827 = arith.constant 0 : i32
      %get3A_828 = arith.constant 0 : i32
      %get3A_829 = arith.index_cast %get3A_827 : i32 to index
      %get3A_830 = arith.index_cast %get3A_828 : i32 to index
      %get3A_831 = arith.constant 48 : index
      %get3A_832 = tpu.vector_load %arg9[%get3A_829, %get3A_830, %get3A_831] {strides = array<i32>} : memref<1x1x128xi32, #tpu.memory_space<vmem>>, vector<16xi32>,
      tpu.vector_store_idx %arg11[%get3A_832], %broadcast_in_dim3A_791 {add = true} : memref<10240xf32, #tpu.memory_space<vmem>>[vector<16xi32>], vector<16xf32>,
      %get3A_833 = arith.constant 0 : i32
      %get3A_834 = arith.constant 0 : i32
      %get3A_835 = arith.index_cast %get3A_833 : i32 to index
      %get3A_836 = arith.index_cast %get3A_834 : i32 to index
      %get3A_837 = arith.constant 64 : index
      %get3A_838 = tpu.vector_load %arg9[%get3A_835, %get3A_836, %get3A_837] {strides = array<i32>} : memref<1x1x128xi32, #tpu.memory_space<vmem>>, vector<16xi32>,
      tpu.vector_store_idx %arg11[%get3A_838], %broadcast_in_dim3A_791 {add = true} : memref<10240xf32, #tpu.memory_space<vmem>>[vector<16xi32>], vector<16xf32>,
      %get3A_839 = arith.constant 0 : i32
      %get3A_840 = arith.constant 0 : i32
      %get3A_841 = arith.index_cast %get3A_839 : i32 to index
      %get3A_842 = arith.index_cast %get3A_840 : i32 to index
      %get3A_843 = arith.constant 80 : index
      %get3A_844 = tpu.vector_load %arg9[%get3A_841, %get3A_842, %get3A_843] {strides = array<i32>} : memref<1x1x128xi32, #tpu.memory_space<vmem>>, vector<16xi32>,
      tpu.vector_store_idx %arg11[%get3A_844], %broadcast_in_dim3A_791 {add = true} : memref<10240xf32, #tpu.memory_space<vmem>>[vector<16xi32>], vector<16xf32>,
      %get3A_845 = arith.constant 0 : i32
      %get3A_846 = arith.constant 0 : i32
      %get3A_847 = arith.index_cast %get3A_845 : i32 to index
      %get3A_848 = arith.index_cast %get3A_846 : i32 to index
      %get3A_849 = arith.constant 96 : index
      %get3A_850 = tpu.vector_load %arg9[%get3A_847, %get3A_848, %get3A_849] {strides = array<i32>} : memref<1x1x128xi32, #tpu.memory_space<vmem>>, vector<16xi32>,
      tpu.vector_store_idx %arg11[%get3A_850], %broadcast_in_dim3A_791 {add = true} : memref<10240xf32, #tpu.memory_space<vmem>>[vector<16xi32>], vector<16xf32>,
      %get3A_851 = arith.constant 0 : i32
      %get3A_852 = arith.constant 0 : i32
      %get3A_853 = arith.index_cast %get3A_851 : i32 to index
      %get3A_854 = arith.index_cast %get3A_852 : i32 to index
      %get3A_855 = arith.constant 112 : index
      %get3A_856 = tpu.vector_load %arg9[%get3A_853, %get3A_854, %get3A_855] {strides = array<i32>} : memref<1x1x128xi32, #tpu.memory_space<vmem>>, vector<16xi32>,
      tpu.vector_store_idx %arg11[%get3A_856], %broadcast_in_dim3A_791 {add = true} : memref<10240xf32, #tpu.memory_space<vmem>>[vector<16xi32>], vector<16xf32>,
    } else {
    }
    %mul3A_804 = arith.constant 10240 : i32
    %mul3A_805 = arith.muli %arg1, %mul3A_804 : i32
    "tpu.region"() ({
      %run_scoped3A = tpu.sem_alloc : memref<!tpu.dma_semaphore, #tpu.memory_space<semaphore_mem>>
      %dma_start3A_808 = tpu.memref_slice %arg4[%arg0, %mul3A_805] : memref<2x163840xf32, #tpu.memory_space<hbm>> -> memref<1x10240xf32, #tpu.memory_space<hbm>>
      %dma_start3A_809 = tpu.memref_squeeze %dma_start3A_808 : memref<1x10240xf32, #tpu.memory_space<hbm>> -> memref<10240xf32, #tpu.memory_space<hbm>>
      %dma_start3A_810 = tpu.memref_slice %arg4[%arg0, %mul3A_805] : memref<2x163840xf32, #tpu.memory_space<hbm>> -> memref<1x10240xf32, #tpu.memory_space<hbm>>
      %dma_start3A_811 = tpu.memref_squeeze %dma_start3A_810 : memref<1x10240xf32, #tpu.memory_space<hbm>> -> memref<10240xf32, #tpu.memory_space<hbm>>
      tpu.enqueue_dma source(%arg10 : memref<10240xf32, #tpu.memory_space<vmem>>) target(%dma_start3A_811 : memref<10240xf32, #tpu.memory_space<hbm>>) target_semaphore(%run_scoped3A : memref<!tpu.dma_semaphore, #tpu.memory_space<semaphore_mem>>)
      %dma_wait3A_812 = tpu.memref_slice %arg4[%arg0, %mul3A_805] : memref<2x163840xf32, #tpu.memory_space<hbm>> -> memref<1x10240xf32, #tpu.memory_space<hbm>>
      %dma_wait3A_813 = tpu.memref_squeeze %dma_wait3A_812 : memref<1x10240xf32, #tpu.memory_space<hbm>> -> memref<10240xf32, #tpu.memory_space<hbm>>
      %dma_wait3A_814 = tpu.memref_slice %arg4[%arg0, %mul3A_805] : memref<2x163840xf32, #tpu.memory_space<hbm>> -> memref<1x10240xf32, #tpu.memory_space<hbm>>
      %dma_wait3A_815 = tpu.memref_squeeze %dma_wait3A_814 : memref<1x10240xf32, #tpu.memory_space<hbm>> -> memref<10240xf32, #tpu.memory_space<hbm>>
      tpu.wait_dma2 semaphore(%run_scoped3A : memref<!tpu.dma_semaphore, #tpu.memory_space<semaphore_mem>>) src(%arg10 : memref<10240xf32, #tpu.memory_space<vmem>>) dst(%dma_wait3A_815 : memref<10240xf32, #tpu.memory_space<hbm>>)
      tpu.yield
    }) : () -> ()
    %mul3A_806 = arith.constant 10240 : i32
    %mul3A_807 = arith.muli %arg1, %mul3A_806 : i32
    "tpu.region"() ({
      %run_scoped3A = tpu.sem_alloc : memref<!tpu.dma_semaphore, #tpu.memory_space<semaphore_mem>>
      %dma_start3A_808 = tpu.memref_slice %arg5[%arg0, %mul3A_807] : memref<2x163840xf32, #tpu.memory_space<hbm>> -> memref<1x10240xf32, #tpu.memory_space<hbm>>
      %dma_start3A_809 = tpu.memref_squeeze %dma_start3A_808 : memref<1x10240xf32, #tpu.memory_space<hbm>> -> memref<10240xf32, #tpu.memory_space<hbm>>
      %dma_start3A_810 = tpu.memref_slice %arg5[%arg0, %mul3A_807] : memref<2x163840xf32, #tpu.memory_space<hbm>> -> memref<1x10240xf32, #tpu.memory_space<hbm>>
      %dma_start3A_811 = tpu.memref_squeeze %dma_start3A_810 : memref<1x10240xf32, #tpu.memory_space<hbm>> -> memref<10240xf32, #tpu.memory_space<hbm>>
      tpu.enqueue_dma source(%arg11 : memref<10240xf32, #tpu.memory_space<vmem>>) target(%dma_start3A_811 : memref<10240xf32, #tpu.memory_space<hbm>>) target_semaphore(%run_scoped3A : memref<!tpu.dma_semaphore, #tpu.memory_space<semaphore_mem>>)
      %dma_wait3A_812 = tpu.memref_slice %arg5[%arg0, %mul3A_807] : memref<2x163840xf32, #tpu.memory_space<hbm>> -> memref<1x10240xf32, #tpu.memory_space<hbm>>
      %dma_wait3A_813 = tpu.memref_squeeze %dma_wait3A_812 : memref<1x10240xf32, #tpu.memory_space<hbm>> -> memref<10240xf32, #tpu.memory_space<hbm>>
      %dma_wait3A_814 = tpu.memref_slice %arg5[%arg0, %mul3A_807] : memref<2x163840xf32, #tpu.memory_space<hbm>> -> memref<1x10240xf32, #tpu.memory_space<hbm>>
      %dma_wait3A_815 = tpu.memref_squeeze %dma_wait3A_814 : memref<1x10240xf32, #tpu.memory_space<hbm>> -> memref<10240xf32, #tpu.memory_space<hbm>>
      tpu.wait_dma2 semaphore(%run_scoped3A : memref<!tpu.dma_semaphore, #tpu.memory_space<semaphore_mem>>) src(%arg11 : memref<10240xf32, #tpu.memory_space<vmem>>) dst(%dma_wait3A_815 : memref<10240xf32, #tpu.memory_space<hbm>>)
      tpu.yield
    }) : () -> ()
    return
  }
}

module attributes {stable_mosaic.version = 14 : i64} {
  func.func @_mlp_body(%arg0: i32, %arg1: memref<2x16x2048xf32, #tpu.memory_space<vmem>>, %arg2: memref<32x2048xf32, #tpu.memory_space<vmem>>, %arg3: memref<2048x128xf32, #tpu.memory_space<vmem>>, %arg4: memref<16x128xf32, #tpu.memory_space<vmem>>, %arg5: memref<128x128xf32, #tpu.memory_space<vmem>>, %arg6: memref<1x128xf32, #tpu.memory_space<vmem>>, %arg7: memref<2048x128xf32, #tpu.memory_space<vmem>>) attributes {dimension_semantics = [#tpu.dimension_semantics<arbitrary>], iteration_bounds = array<i64: 5>, scalar_prefetch = 0 : i64, scratch_operands = 0 : i64, tpu.core_type = #tpu.core_type<tc>, window_params = [{transform_indices = @transform_0, window_bounds = array<i64: 2, 16, 2048>}, {transform_indices = @transform_1, window_bounds = array<i64: 32, 2048>}, {transform_indices = @transform_2, window_bounds = array<i64: 2048, 128>}, {pipeline_mode = #tpu.pipeline_mode<synchronous>, transform_indices = @transform_3, window_bounds = array<i64: 16, 128>}, {pipeline_mode = #tpu.pipeline_mode<synchronous>, transform_indices = @transform_4, window_bounds = array<i64: 128, 128>}, {pipeline_mode = #tpu.pipeline_mode<synchronous>, transform_indices = @transform_5, window_bounds = array<i64: 1, 128>}, {transform_indices = @transform_6, window_bounds = array<i64: 2048, 128>}]} {
    %get3A = arith.constant 0 : index
    %get3A_0 = arith.constant 0 : index
    %get3A_1 = arith.constant 0 : index
    %get3A_2 = vector.load %arg1[%get3A, %get3A_0, %get3A_1] : memref<2x16x2048xf32, #tpu.memory_space<vmem>>, vector<1x16x2048xf32>
    %get3A_3 = vector.shape_cast %get3A_2 : vector<1x16x2048xf32> to vector<16x2048xf32>
    %get3A_4 = arith.constant 1 : index
    %get3A_5 = arith.constant 0 : index
    %get3A_6 = arith.constant 0 : index
    %get3A_7 = vector.load %arg1[%get3A_4, %get3A_5, %get3A_6] : memref<2x16x2048xf32, #tpu.memory_space<vmem>>, vector<1x16x2048xf32>
    %get3A_8 = vector.shape_cast %get3A_7 : vector<1x16x2048xf32> to vector<16x2048xf32>
    %add3A = arith.addf %get3A_3, %get3A_8 : vector<16x2048xf32>
    %get3A_9 = arith.constant 0 : index
    %get3A_10 = arith.constant 0 : index
    %get3A_11 = vector.load %arg2[%get3A_9, %get3A_10] : memref<32x2048xf32, #tpu.memory_space<vmem>>, vector<32x2048xf32>
    %reduce_sum3A = arith.constant dense<0.000000e+00> : vector<2048xf32>
    %reduce_sum3A_12 = vector.multi_reduction <add>, %get3A_11, %reduce_sum3A [0] : vector<32x2048xf32> to vector<2048xf32>
    %max3A = arith.constant 1.000000e+00 : f32
    %max3A_13 = vector.broadcast %max3A : f32 to vector<2048xf32>
    %max3A_14 = arith.maximumf %reduce_sum3A_12, %max3A_13 : vector<2048xf32>
    %div3A = arith.constant 1.000000e+00 : f32
    %div3A_15 = vector.broadcast %div3A : f32 to vector<2048xf32>
    %div3A_16 = arith.divf %div3A_15, %max3A_14 : vector<2048xf32>
    %broadcast_in_dim3A = vector.shape_cast %div3A_16 : vector<2048xf32> to vector<1x2048xf32>
    %mul3A = vector.broadcast %broadcast_in_dim3A : vector<1x2048xf32> to vector<16x2048xf32>
    %mul3A_17 = arith.mulf %add3A, %mul3A : vector<16x2048xf32>
    %get3A_18 = arith.constant 0 : index
    %get3A_19 = arith.constant 0 : index
    %get3A_20 = vector.load %arg4[%get3A_18, %get3A_19] : memref<16x128xf32, #tpu.memory_space<vmem>>, vector<16x128xf32>
    %dot_general3A = arith.constant dense<0.000000e+00> : vector<2048x128xf32>
    %dot_general3A_21 = tpu.matmul %mul3A_17, %get3A_20, %dot_general3A {dimension_numbers = #tpu.dot_dimension_numbers<[0], [0], [1], [1], [0, 1, 1, 1], [], []>, transpose_lhs_hint = false} : vector<16x2048xf32>, vector<16x128xf32>, vector<2048x128xf32> -> vector<2048x128xf32>
    %get3A_22 = arith.constant 0 : index
    %get3A_23 = arith.constant 0 : index
    %get3A_24 = vector.load %arg3[%get3A_22, %get3A_23] : memref<2048x128xf32, #tpu.memory_space<vmem>>, vector<2048x128xf32>
    %add3A_25 = arith.addf %dot_general3A_21, %get3A_24 : vector<2048x128xf32>
    %max3A_26 = arith.constant 0.000000e+00 : f32
    %max3A_27 = vector.broadcast %max3A_26 : f32 to vector<2048x128xf32>
    %max3A_28 = arith.maximumf %add3A_25, %max3A_27 : vector<2048x128xf32>
    %get3A_29 = arith.constant 0 : index
    %get3A_30 = arith.constant 0 : index
    %get3A_31 = vector.load %arg5[%get3A_29, %get3A_30] : memref<128x128xf32, #tpu.memory_space<vmem>>, vector<128x128xf32>
    %dot_general3A_32 = arith.constant dense<0.000000e+00> : vector<2048x128xf32>
    %dot_general3A_33 = tpu.matmul %max3A_28, %get3A_31, %dot_general3A_32 {dimension_numbers = #tpu.dot_dimension_numbers<[1], [0], [0], [1], [0, 0, 1, 1], [], []>, transpose_lhs_hint = false} : vector<2048x128xf32>, vector<128x128xf32>, vector<2048x128xf32> -> vector<2048x128xf32>
    %get3A_34 = arith.constant 0 : index
    %get3A_35 = arith.constant 0 : index
    %get3A_36 = vector.load %arg6[%get3A_34, %get3A_35] : memref<1x128xf32, #tpu.memory_space<vmem>>, vector<1x128xf32>
    %add3A_37 = vector.broadcast %get3A_36 : vector<1x128xf32> to vector<2048x128xf32>
    %add3A_38 = arith.addf %dot_general3A_33, %add3A_37 : vector<2048x128xf32>
    %swap3A = arith.constant 0 : index
    %swap3A_39 = arith.constant 0 : index
    %swap3A_40 = vector.load %arg7[%swap3A, %swap3A_39] : memref<2048x128xf32, #tpu.memory_space<vmem>>, vector<2048x128xf32>
    tpu.vector_store %arg7[%swap3A, %swap3A_39], %add3A_38 {strides = array<i32>} : memref<2048x128xf32, #tpu.memory_space<vmem>>, vector<2048x128xf32>,
    return
  }
  func.func @transform_0(%arg0: i32) -> (i32, i32, i32) {
    %c0_i32 = arith.constant 0 : i32
    %c0_i32_0 = arith.constant 0 : i32
    %c0_i32_1 = arith.constant 0 : i32
    return %c0_i32, %c0_i32_0, %arg0 : i32, i32, i32
  }
  func.func @transform_1(%arg0: i32) -> (i32, i32) {
    %c0_i32 = arith.constant 0 : i32
    %c0_i32_0 = arith.constant 0 : i32
    return %c0_i32, %arg0 : i32, i32
  }
  func.func @transform_2(%arg0: i32) -> (i32, i32) {
    %c0_i32 = arith.constant 0 : i32
    %c0_i32_0 = arith.constant 0 : i32
    return %arg0, %c0_i32 : i32, i32
  }
  func.func @transform_3(%arg0: i32) -> (i32, i32) {
    %c0_i32 = arith.constant 0 : i32
    %c0_i32_0 = arith.constant 0 : i32
    %c0_i32_1 = arith.constant 0 : i32
    return %c0_i32, %c0_i32_0 : i32, i32
  }
  func.func @transform_4(%arg0: i32) -> (i32, i32) {
    %c0_i32 = arith.constant 0 : i32
    %c0_i32_0 = arith.constant 0 : i32
    %c0_i32_1 = arith.constant 0 : i32
    return %c0_i32, %c0_i32_0 : i32, i32
  }
  func.func @transform_5(%arg0: i32) -> (i32, i32) {
    %c0_i32 = arith.constant 0 : i32
    %c0_i32_0 = arith.constant 0 : i32
    %c0_i32_1 = arith.constant 0 : i32
    return %c0_i32, %c0_i32_0 : i32, i32
  }
  func.func @transform_6(%arg0: i32) -> (i32, i32) {
    %c0_i32 = arith.constant 0 : i32
    %c0_i32_0 = arith.constant 0 : i32
    return %arg0, %c0_i32 : i32, i32
  }
}

module attributes {stable_mosaic.version = 14 : i64} {
  func.func @_hn_body(%arg0: i32, %arg1: memref<2048x128xf32, #tpu.memory_space<vmem>>, %arg2: memref<128x128xf32, #tpu.memory_space<vmem>>, %arg3: memref<1x128xf32, #tpu.memory_space<vmem>>, %arg4: memref<2048x128xf32, #tpu.memory_space<vmem>>) attributes {dimension_semantics = [#tpu.dimension_semantics<arbitrary>], iteration_bounds = array<i64: 5>, scalar_prefetch = 0 : i64, scratch_operands = 0 : i64, tpu.core_type = #tpu.core_type<tc>, window_params = [{transform_indices = @transform_0, window_bounds = array<i64: 2048, 128>}, {pipeline_mode = #tpu.pipeline_mode<synchronous>, transform_indices = @transform_1, window_bounds = array<i64: 128, 128>}, {pipeline_mode = #tpu.pipeline_mode<synchronous>, transform_indices = @transform_2, window_bounds = array<i64: 1, 128>}, {transform_indices = @transform_3, window_bounds = array<i64: 2048, 128>}]} {
    %get3A = arith.constant 0 : index
    %get3A_0 = arith.constant 0 : index
    %get3A_1 = vector.load %arg1[%get3A, %get3A_0] : memref<2048x128xf32, #tpu.memory_space<vmem>>, vector<2048x128xf32>
    %get3A_2 = arith.constant 0 : index
    %get3A_3 = arith.constant 0 : index
    %get3A_4 = vector.load %arg2[%get3A_2, %get3A_3] : memref<128x128xf32, #tpu.memory_space<vmem>>, vector<128x128xf32>
    %dot_general3A = arith.constant dense<0.000000e+00> : vector<2048x128xf32>
    %dot_general3A_5 = tpu.matmul %get3A_1, %get3A_4, %dot_general3A {dimension_numbers = #tpu.dot_dimension_numbers<[1], [0], [0], [1], [0, 0, 1, 1], [], []>, transpose_lhs_hint = false} : vector<2048x128xf32>, vector<128x128xf32>, vector<2048x128xf32> -> vector<2048x128xf32>
    %get3A_6 = arith.constant 0 : index
    %get3A_7 = arith.constant 0 : index
    %get3A_8 = vector.load %arg3[%get3A_6, %get3A_7] : memref<1x128xf32, #tpu.memory_space<vmem>>, vector<1x128xf32>
    %add3A = vector.broadcast %get3A_8 : vector<1x128xf32> to vector<2048x128xf32>
    %add3A_9 = arith.addf %dot_general3A_5, %add3A : vector<2048x128xf32>
    %swap3A = arith.constant 0 : index
    %swap3A_10 = arith.constant 0 : index
    %swap3A_11 = vector.load %arg4[%swap3A, %swap3A_10] : memref<2048x128xf32, #tpu.memory_space<vmem>>, vector<2048x128xf32>
    tpu.vector_store %arg4[%swap3A, %swap3A_10], %add3A_9 {strides = array<i32>} : memref<2048x128xf32, #tpu.memory_space<vmem>>, vector<2048x128xf32>,
    return
  }
  func.func @transform_0(%arg0: i32) -> (i32, i32) {
    %c0_i32 = arith.constant 0 : i32
    %c0_i32_0 = arith.constant 0 : i32
    return %arg0, %c0_i32 : i32, i32
  }
  func.func @transform_1(%arg0: i32) -> (i32, i32) {
    %c0_i32 = arith.constant 0 : i32
    %c0_i32_0 = arith.constant 0 : i32
    %c0_i32_1 = arith.constant 0 : i32
    return %c0_i32, %c0_i32_0 : i32, i32
  }
  func.func @transform_2(%arg0: i32) -> (i32, i32) {
    %c0_i32 = arith.constant 0 : i32
    %c0_i32_0 = arith.constant 0 : i32
    %c0_i32_1 = arith.constant 0 : i32
    return %c0_i32, %c0_i32_0 : i32, i32
  }
  func.func @transform_3(%arg0: i32) -> (i32, i32) {
    %c0_i32 = arith.constant 0 : i32
    %c0_i32_0 = arith.constant 0 : i32
    return %arg0, %c0_i32 : i32, i32
  }
}

</mosaic_0001>

<sc_bundles>
// kernel: kernel.5.cloned.1.call-start
scs
__scs_entry_jumppad:
0x0: {  	(pc) =	sbr.rel $0x88, $3  }
0x1: {  	(tag) =	ssettag $0x0;
	lr =	simm.s32 $0x1  }
0x2: {  	[smem:$0x3F9A] =	sst lr;
	_ =	strace $0xD0000000  }
0x3: {  	_ = 	snop  }
0x4: {  	_ = 	snop  }
0x5: {  	_ = 	snop  }
0x6: {  	_ = 	snop  }
0x7: {  	_ = 	snop  }
__scs_overlays_trampoline_lowered:
0x8: {  	[smem:$0x3FA9] =	sst s0  }
0x9: {  	[smem:$0x3FAA] =	sst s1  }
0xa: {  	[smem:$0x3FAB] =	sst s2  }
0xb: {  	[smem:$0x3FAC] =	sst s3  }
0xc: {  	[smem:$0x3FAD] =	sst s4  }
0xd: {  	[smem:$0x3FAE] =	sst s5  }
0xe: {  	[smem:$0x3FAF] =	sst s6  }
0xf: {  	[smem:$0x3FB0] =	sst s7  }
0x10: {  	[smem:$0x3FB1] =	sst s8  }
0x11: {  	[smem:$0x3FB2] =	sst s9;
	s0 =	simm.s32 @!p0 $0x0  }
0x12: {  	s1 =	sld [smem:$0x3F98];
	s0 =	simm.s32 @p0 $0x1  }
0x13: {  	[smem:$0x3FB3] =	sst s0;
	s0 =	simm.s32 @!p1 $0x0  }
0x14: {  	s2 =	sld [smem:$0x3F97];
	s0 =	simm.s32 @p1 $0x1  }
0x15: {  	[smem:$0x3FB4] =	sst s0;
	s0 =	simm.s32 @!p2 $0x0  }
0x16: {  	s3 =	sld [smem:$0x3FDB];
	s0 =	simm.s32 @p2 $0x1  }
0x17: {  	s4 =	simm.s32 $0x1BF5;
	[smem:$0x3FB6] =	sst s0  }
0x18: {  	s0 =	sld [smem:$0x3F99];
	_ =	swait.ge [sflag:s4], $0x0  }
0x19: {  	s7 =	sld [smem:$0x3F9A]  }
0x1a: {  	s8 =	sadd.s32 $0xFFFFE003, lr  }
0x1b: {  	s9 =	sadd.s32 $0xFFFFFEF7, lr;
	s5 =	simm.s32 $0xFFFFFFFF;
	p2 =	slt.u32 s8, $0xFFFFF086  }
0x1c: {  	p1 =	slt.u32 s9, $0xF7A;
	s5 =	simm.s32 @!p2 $0x0  }
0x1d: {  	s5 =	simm.s32 @p1 $0x1;
	p0 =	seq.s32 s7, s2  }
0x1e: {  	s7 =	smul.u32 @!p0 $0xF7A, s2;
	p2 =	seq.s32 @!p0 s5, $0x0  }
0x1f: {  	s9 =	smul.u32 $0xF7A, s1;
	s8 =	simm.s32 @!p0 $0x1BF5;
	p2 =	por !p2, p0  }
0x20: {  	[sflag:s8] =	ssyncset.s32 @!p0 $0xFFFFF086;
	s6 =	sadd.s32 @!p0 s3, s7;
	s7 =	simm.s32 @!p0 $0x108  }
0x21: {  	s3 =	sadd.s32 s3, s9;
	s6 =	sadd.s32 @!p0 $0x88, s6;
	s7 =	simm.s32 @p2 $0x1082  }
0x22: {  	[simem:s7], [sflag:s8] =	dma.local @!p0 [hbm:s6], $0xF7A  }
0x23: {  	s9 =	sor.u32 $0xD0000000, s2;
	s6 =	simm.s32 $0x108;
	_ =	swait.ge @!p0 [sflag:s8], $0x0  }
0x24: {  	s3 =	sadd.s32 $0x88, s3;
	s6 =	simm.s32 @!p1 $0x1082;
	[sflag:s4] =	ssyncset.s32 $0xFFFFF086  }
0x25: {  	[simem:s6], [sflag:s4] =	dma.local [hbm:s3], $0xF7A  }
0x26: {  	[smem:$0x3F9A] =	sst s1;
	(tag) =	ssettag s2;
	_ =	strace s9  }
0x27: {  	s1 =	sld [smem:$0x3FAA]  }
0x28: {  	s2 =	sld [smem:$0x3FAB]  }
0x29: {  	s4 =	sld [smem:$0x3FAD]  }
0x2a: {  	p0 =	seq.s32 s5, $0x0;
	s5 =	sld [smem:$0x3FAE]  }
0x2b: {  	s6 =	sld [smem:$0x3FAF]  }
0x2c: {  	s7 =	sld [smem:$0x3FB0]  }
0x2d: {  	s3 =	simm.s32 $0x108;
	s8 =	sld [smem:$0x3FB1]  }
0x2e: {  	s3 =	simm.s32 @!p0 $0x1082;
	s9 =	sld [smem:$0x3FB2]  }
0x2f: {  	lr =	sadd.s32 s0, s3;
	s0 =	sld [smem:$0x3FA9]  }
0x30: {  	s3 =	sld [smem:$0x3FAC]  }
0x31: {  	[smem:$0x3FB5] =	sst s10  }
0x32: {  	s10 =	sld [smem:$0x3FB3];
	_ =	sdelay $0x3  }
0x33: {  	p0 =	seq.s32 s10, $0x1;
	s10 =	sld [smem:$0x3FB5];
	_ =	sdelay $0x3  }
0x34: {  	[smem:$0x3FB5] =	sst s10  }
0x35: {  	s10 =	sld [smem:$0x3FB4];
	_ =	sdelay $0x3  }
0x36: {  	p1 =	seq.s32 s10, $0x1;
	s10 =	sld [smem:$0x3FB5];
	_ =	sdelay $0x3  }
0x37: {  	[smem:$0x3FB5] =	sst s10  }
0x38: {  	s10 =	sld [smem:$0x3FB6]  }
0x39: {  	_ = 	snop;
	(pc) =	sbr.ind lr, $3  }
0x3a: {  	_ = 	snop  }
0x3b: {  	_ = 	snop  }
0x3c: {  	p2 =	seq.s32 s10, $0x1;
	s10 =	sld [smem:$0x3FB5]  }
0x3d: {  	_ =	shalt  }
0x3e: {  	_ =	shalt  }
0x3f: {  	_ =	shalt  }
0x40: {  	_ =	shalt  }
0x41: {  	_ =	shalt  }
0x42: {  	_ =	shalt  }
0x43: {  	_ =	shalt  }
0x44: {  	_ =	shalt  }
0x45: {  	_ =	shalt  }
0x46: {  	_ =	shalt  }
0x47: {  	_ =	shalt  }
0x48: {  	_ =	shalt  }
0x49: {  	_ =	shalt  }
0x4a: {  	_ =	shalt  }
0x4b: {  	_ =	shalt  }
0x4c: {  	_ =	shalt  }
0x4d: {  	_ =	shalt  }
0x4e: {  	_ =	shalt  }
0x4f: {  	_ =	shalt  }
0x50: {  	_ =	shalt  }
0x51: {  	_ =	shalt  }
0x52: {  	_ =	shalt  }
0x53: {  	_ =	shalt  }
0x54: {  	_ =	shalt  }
0x55: {  	_ =	shalt  }
0x56: {  	_ =	shalt  }
0x57: {  	_ =	shalt  }
0x58: {  	_ =	shalt  }
0x59: {  	_ =	shalt  }
0x5a: {  	_ =	shalt  }
0x5b: {  	_ =	shalt  }
0x5c: {  	_ =	shalt  }
0x5d: {  	_ =	shalt  }
0x5e: {  	_ =	shalt  }
0x5f: {  	_ =	shalt  }
0x60: {  	_ =	shalt  }
0x61: {  	_ =	shalt  }
0x62: {  	_ =	shalt  }
0x63: {  	_ =	shalt  }
0x64: {  	_ =	shalt  }
0x65: {  	_ =	shalt  }
0x66: {  	_ =	shalt  }
0x67: {  	_ =	shalt  }
0x68: {  	_ =	shalt  }
0x69: {  	_ =	shalt  }
0x6a: {  	_ =	shalt  }
0x6b: {  	_ =	shalt  }
0x6c: {  	_ =	shalt  }
0x6d: {  	_ =	shalt  }
0x6e: {  	_ =	shalt  }
0x6f: {  	_ =	shalt  }
0x70: {  	_ =	shalt  }
0x71: {  	_ =	shalt  }
0x72: {  	_ =	shalt  }
0x73: {  	_ =	shalt  }
0x74: {  	_ =	shalt  }
0x75: {  	_ =	shalt  }
0x76: {  	_ =	shalt  }
0x77: {  	_ =	shalt  }
0x78: {  	_ =	shalt  }
0x79: {  	_ =	shalt  }
0x7a: {  	_ =	shalt  }
0x7b: {  	_ =	shalt  }
0x7c: {  	_ =	shalt  }
0x7d: {  	_ =	shalt  }
0x7e: {  	_ =	shalt  }
0x7f: {  	_ =	shalt  }
0x80: {  	_ =	shalt  }
0x81: {  	_ =	shalt  }
0x82: {  	_ =	shalt  }
0x83: {  	_ =	shalt  }
0x84: {  	_ =	shalt  }
0x85: {  	_ =	shalt  }
0x86: {  	_ =	shalt  }
0x87: {  	_ =	shalt  }
.Lfunc_end0:
.L_simem_size_0:
called_computation_lowered:
.L_overlay_start_0:
0x88: {  	s2 =	sld [smem:$0x3FD9]  }
0x89: {  	s3 =	sld [smem:$0x3FFE];
	_ =	sdelay $0x1  }
0x8a: {  	s1 =	srdreg.scid  }
0x8b: {  	s0 =	sand.u32 $0x1, s1  }
0x8c: {  	s17 =	sshll.u32 s0, $0xA;
	s2 =	sadd.s32 s3, s2  }
0x8d: {  	s2 =	sadd.s32 s2, s17  }
0x8e: {  	[smem:$0x3FC1] =	sst s2  }
0x8f: {  	_ = 	snop  }
0x90: {  	s2 =	sld [smem:$0x3FC8]  }
0x91: {  	s18 =	sld [smem:$0x3FC7]  }
0x92: {  	s4 =	sld [smem:$0x3FD0];
	(tm) =	ssettm $0x1  }
0x93: {  	s5 =	sld [smem:$0x3FFB];
	_ =	sdelay $0x3  }
0x94: {  	_ =	strace s5  }
0x95: {  	s5 =	sld [smem:$0x3FFC];
	_ =	sdelay $0x3  }
0x96: {  	_ =	strace s5  }
0x97: {  	s5 =	sld [smem:$0x3FFD];
	_ =	sdelay $0x3  }
0x98: {  	_ =	strace s5  }
0x99: {  	_ =	strace $0x8FFFFFFF  }
0x9a: {  	s19 =	sld [smem:$0x3FDB];
	_ =	sdelay $0x1  }
0x9b: {  	s6 =	simm.s32 $_scs_section_size  }
0x9c: {  	s7 =	simm.s32 $_size__tile_overlayer_lowered;
	s8 =	simm.s32 $_tile_overlayer_lowered  }
0x9d: {  	s22 =	simm.s32 $0x1BFF;
	s21 =	sshll.u32 s8, $0x1;
	s5 =	sadd.s32 s6, s19  }
0x9e: {  	s9 =	simm.s32 $0x0;
	s20 =	sshll.u32 s7, $0x1;
	s7 =	sadd.s32 s21, s5  }
0x9f: {  	[timem:s9], [sflag:s22] =	dma.local [hbm:s7], s20  }
0xa0: {  	_ =	swait.ge [sflag:s22], s20  }
0xa1: {  	s6 =	ssub.s32 $0x0, s20;
	[sflag:s22] =	ssyncset.done $0x0  }
0xa2: {  	[sflag:s22] =	ssyncadd.s32 s6;
	_ =	sdelay $0x1  }
0xa3: {  	s23 =	simm.s32 $0x1B8B  }
0xa4: {  	_ =	swait.ge [sflag:s23], $0x1  }
0xa5: {  	[sflag:s23] =	ssyncset.done $0x0  }
0xa6: {  	s25 =	simm.s32 $0x1B8E;
	s24 =	sld [smem:$0x3FFE];
	[sflag:s23] =	ssyncadd.s32 $0xFFFFFFFF  }
0xa7: {  	s26 =	simm.s32 $execute0_lowered;
	[smem:$0x3FD2] =	sst s25  }
0xa8: {  	s7 =	sshll.u32 s26, $0x1;
	_ =	strace $0x80000046;
	[dreg:$0x1] =	wrdreg $0xFFFFFFFF  }
0xa9: {  	s28 =	simm.s32 $_size_execute0_lowered;
	s5 =	sadd.s32 s5, s7;
	[dreg:$0x0] =	wrdreg $0x0  }
0xaa: {  	s7 =	sshll.u32 s28, $0x1;
	[dreg:$0x2] =	wrdreg s5  }
0xab: {  	[dreg:$0x3] =	wrdreg s7  }
0xac: {  	[dreg:$0x4] =	wrdreg $0xC0  }
0xad: {  	_ =	task [dreg:s9], $0x5FFFF  }
0xae: {  	[dreg:$0x1] =	wrdreg $0xFFFFFFFF  }
0xaf: {  	[dreg:$0x0] =	wrdreg $0x60  }
0xb0: {  	[dreg:$0x2] =	wrdreg s18  }
0xb1: {  	[dreg:$0x3] =	wrdreg s2  }
0xb2: {  	[dreg:$0x4] =	wrdreg s4  }
0xb3: {  	[dreg:$0x5] =	wrdreg s24  }
0xb4: {  	[dreg:$0x6] =	wrdreg $0x9  }
0xb5: {  	_ =	task.clear_ibuf [dreg:s9], $0x7FFFF;
	_ =	strace $0x90000046  }
0xb6: {  	s29 =	simm.s32 $0x9;
	_ =	strace $0x80000048  }
0xb7: {  	_ =	swait.ge [sflag:s29], $0x1  }
0xb8: {  	[sflag:s29] =	ssyncadd.s32 $0xFFFFFFFF  }
0xb9: {  	_ =	strace $0x90000048  }
0xba: {  	_ =	sfence  }
0xbb: {  	s30 =	sld [smem:$0x0];
	_ =	sdelay $0x2  }
0xbc: {  	s31 =	sshll.u32 s1, $0xD;
	s1 =	sshrl.u32 s1, $0x2  }
0xbd: {  	s3 =	sand.u32 $0x4000, s31;
	s1 =	sadd.s32 s1, s30  }
0xbe: {  	s0 =	sor.u32 s3, s0;
	s1 =	sshll.u32 s1, $0x11  }
0xbf: {  	s0 =	sor.u32 s1, s0  }
0xc0: {  	s0 =	sadd.s32 $0x8F2B, s0  }
0xc1: {  	[sflag:s0] =	ssyncadd.remote.s32 $0x1  }
0xc2: {  	_ =	sfence.sel $0xFFFF  }
0xc3: {  	[dreg:$0x0] =	wrdreg $0xFFFFFFFF;
	(pc) =	sbr.abs _section_cstart, $3  }
0xc4: {  	[dreg:$0x1] =	wrdreg $0xFFFFFFFF  }
0xc5: {  	_ =	task.clear_ibuf [dreg:s9], $0x2FFFF;
	_ =	strace $0x9FFFFFFF  }
0xc6: {  	(tm) =	ssettm $0x7FFFFFFF  }
0xc7: {  	_ =	shalt  }
tec
execute0_lowered:
.L_overlay_start_1:
0x0: {  	(tag) =	ssettag $0x1  }
0x1: {  	s0 =	srdreg.scid;
	s29 =	stileid.u32  }
0x2: {  	s3 =	rddreg [dreg:$0x0];
	s10 =	sand.u32 $0x1, s0;
	s1 =	smul.u32 $0x2800, s29  }
0x3: {  	s30 =	simm.s32 $0x400;
	s2 =	sshrl.u32 s29, $0x3;
	s0 =	smul.u32 $0x28000, s10  }
0x4: {  	s31 =	simm.s32 $0x100;
	s13 =	sshll.u32 s29, $0x7;
	s12 =	smul.u32 $0x271000, s2  }
0x5: {  	p0 =	sgt.u32 s29, $0x1;
	s4 =	ssub.s32 $0x2, s10;
	s5 =	smul.u32 $0x138800, s10  }
0x6: {  	s11 =	smul.u32 $0x4E2, s10;
	s13 =	sand.u32 $0x380, s13;
	s19 =	sshrl.u32 s4, $0x1  }
0x7: {  	s1 =	sadd.s32 s1, s0;
	s0 =	ssub.s32 s4, s19;
	s14 =	sadd.s32 s5, s12  }
0x8: {  	s5 =	sadd.s32 $0x7D, s11;
	s2 =	sadd.s32 $0xFA, s11;
	s4 =	sadd.s32 $0x177, s11  }
0x9: {  	s8 =	sadd.s32 $0x1F4, s11;
	s24 =	sadd.s32 $0x465, s11;
	s6 =	sshll.u32 s5, $0xA  }
0xa: {  	s7 =	sshll.u32 s2, $0xA;
	s20 =	sshll.u32 s4, $0xA;
	s9 =	sshll.u32 s8, $0xA  }
0xb: {  	s25 =	sshll.u32 s24, $0xA;
	s14 =	sor.u32 s13, s14;
	s5 =	sshll.u32 s5, $0x5  }
0xc: {  	s2 =	sshll.u32 s2, $0x5;
	s4 =	sshll.u32 s4, $0x5;
	s1 =	sshrl.u32 s1, $0x3  }
0xd: {  	s28 =	smax.u32 s0, $0x1;
	s0 =	simm.s32 $0x1;
	s15 =	sadd.s32 s12, s6  }
0xe: {  	s16 =	sadd.s32 s12, s7;
	s17 =	sadd.s32 s12, s20;
	s6 =	sadd.s32 $0x271, s11  }
0xf: {  	s7 =	sadd.s32 $0x2EE, s11;
	s19 =	sadd.s32 s12, s9;
	s9 =	sadd.s32 $0x3E8, s11  }
0x10: {  	s14 =	sshrl.u32 s14, $0x3;
	s18 =	sshll.u32 s6, $0xA;
	s21 =	sshll.u32 s7, $0xA  }
0x11: {  	s23 =	sshll.u32 s9, $0xA;
	s15 =	sor.u32 s13, s15;
	s16 =	sor.u32 s13, s16  }
0x12: {  	s17 =	sor.u32 s13, s17;
	s19 =	sor.u32 s13, s19;
	s14 =	sadd.s32 s3, s14  }
0x13: {  	s6 =	sshll.u32 s6, $0x5;
	s18 =	sadd.s32 s12, s18;
	s20 =	sadd.s32 s12, s21  }
0x14: {  	s21 =	sadd.s32 $0x36B, s11;
	s26 =	sadd.s32 s12, s23;
	[dreg:$0x5] =	wrdreg s14  }
0x15: {  	s15 =	sshrl.u32 s15, $0x3;
	s16 =	sshrl.u32 s16, $0x3;
	s17 =	sshrl.u32 s17, $0x3  }
0x16: {  	s22 =	sshll.u32 s21, $0xA;
	s18 =	sor.u32 s13, s18;
	s14 =	sadd.s32 s3, s15  }
0x17: {  	s22 =	sadd.s32 s12, s22;
	s12 =	sadd.s32 s12, s25;
	s25 =	rddreg [dreg:$0x1]  }
0x18: {  	s20 =	sor.u32 s13, s20;
	s23 =	sadd.s32 s3, s16;
	[dreg:$0x6] =	wrdreg s14  }
0x19: {  	s15 =	sshrl.u32 s19, $0x3;
	[dreg:$0x7] =	wrdreg s23;
	s16 =	sshrl.u32 s18, $0x3  }
0x1a: {  	s14 =	sadd.s32 s3, s15;
	s11 =	sor.u32 s13, s22;
	s22 =	sor.u32 s13, s26  }
0x1b: {  	s12 =	sor.u32 s13, s12;
	s26 =	sshll.u32 s29, $0x1;
	[dreg:$0x9] =	wrdreg s14  }
0x1c: {  	s18 =	sadd.s32 s3, s16;
	s14 =	sshll.u32 s24, $0x5;
	s13 =	sor.u32 s10, s26  }
0x1d: {  	s26 =	sadd.s32 s3, s17;
	s17 =	sshrl.u32 s20, $0x3;
	[dreg:$0xa] =	wrdreg s18  }
0x1e: {  	s11 =	sshrl.u32 s11, $0x3;
	[dreg:$0x8] =	wrdreg s26;
	s19 =	sadd.s32 s3, s17  }
0x1f: {  	s20 =	sshrl.u32 s22, $0x3;
	s11 =	sadd.s32 s3, s11;
	[dreg:$0xb] =	wrdreg s19  }
0x20: {  	s12 =	sshrl.u32 s12, $0x3;
	s22 =	sadd.s32 s3, s20;
	[dreg:$0xc] =	wrdreg s11  }
0x21: {  	s10 =	smul.u32 $0x9C40, s10;
	s3 =	sadd.s32 s3, s12;
	[dreg:$0xd] =	wrdreg s22  }
0x22: {  	s29 =	simm.s32 $0x80;
	s23 =	smul.u32 $0x9C0, s13;
	[dreg:$0xe] =	wrdreg s3  }
0x23: {  	s12 =	sshll.u32 s9, $0x5;
	s11 =	simm.s32 $0x0;
	s22 =	rddreg [dreg:$0x2]  }
0x24: {  	s24 =	sshll.u32 s13, $0x5;
	s3 =	sadd.s32 $0x10, s25;
	[smem:$0x7FF] =	sst s11  }
0x25: {  	s10 =	sadd.s32 s10, s3;
	s26 =	sadd.s32 s23, s3;
	s5 =	sadd.s32 s5, s3  }
0x26: {  	s15 =	sadd.s32 s2, s3;
	s16 =	sadd.s32 s4, s3;
	s18 =	sadd.s32 s6, s3  }
0x27: {  	s23 =	sadd.s32 s14, s3;
	s2 =	sadd.s32 s24, s25;
	[dreg:$0xf] =	wrdreg s10  }
0x28: {  	s24 =	sadd.s32 s22, s1;
	s22 =	simm.s32 $0x7D00;
	[dreg:$0x10] =	wrdreg s26  }
0x29: {  	s4 =	simm.s32 $0x12180;
	s6 =	simm.s32 $0x14980;
	[dreg:$0x11] =	wrdreg s5  }
0x2a: {  	s5 =	sshll.u32 s8, $0x5;
	s8 =	sshll.u32 s7, $0x5;
	s10 =	sshll.u32 s21, $0x5  }
0x2b: {  	s21 =	sadd.s32 s12, s3;
	s26 =	rddreg [dreg:$0x3];
	s25 =	sadd.s32 $0x13810, s2  }
0x2c: {  	s2 =	simm.s32 $0x3E80;
	s7 =	simm.s32 $0x4;
	s17 =	sadd.s32 s5, s3  }
0x2d: {  	s19 =	sadd.s32 s8, s3;
	s20 =	sadd.s32 s10, s3;
	s3 =	sadd.s32 s1, s26  }
0x2e: {  	_ =	strace $0x80000047;
	s1 =	simm.s32 $0x2;
	s5 =	simm.s32 $0x3  }
0x2f: {  	v0 =	vimm.f32 $0.0e+00;
	v1 =	vimm.f32 $1.000000000e+00;
	s8 =	simm.s32 $0x0;
	s26 =	sadd.s32 $0x1A00, s3;
	s3 =	simm.s32 $0xBB80  }
.LBB2_1:
0x30: {  	s9 =	rddreg [dreg:$0x5]  }
0x31: {  	[tilespmem:s11], [sflag:$0x1] =	stream.strided.gather [hbm4b:s9+s29], $0x3E80, s30, s29, $0x38;
	[tilespmem:$0x17180] =	vst v63  }
0x32: {  	s13 =	rddreg [dreg:$0xf]  }
0x33: {  	[tilespmem:s22], [sflag:$0x2] =	stream.strided.gather [hbm4b:s13+s29], $0x3E80, s31, s29, $0x38;
	[tilespmem:$0x17180] =	vst v63  }
0x34: {  	s14 =	rddreg [dreg:$0x10];
	s10 =	simm.s32 $0xFA00;
	s9 =	simm.s32 $0x121C0  }
0x35: {  	[tilespmem:s10], [sflag:$0x3] =	stream.strided.gather [hbm4b:s14+s29], $0x2700, s31, s29, $0x38;
	[tilespmem:$0x17180] =	vst v63  }
0x36: {  	[tilespmem:s9+$0x30] =	vst v0  }
0x37: {  	[tilespmem:s9+$0xFFFFFFF0] =	vst v0  }
0x38: {  	[tilespmem:s9+$0xFFFFFFC0] =	vst v0  }
0x39: {  	[tilespmem:s9+$0xFFFFFFE0] =	vst v0  }
0x3a: {  	[tilespmem:s9+$0x10] =	vst v0  }
0x3b: {  	[tilespmem:s9+$0x20] =	vst v0  }
0x3c: {  	[tilespmem:s9+$0x0] =	vst v0  }
0x3d: {  	s10 =	simm.s32 $0x149C0;
	[tilespmem:s9+$0xFFFFFFD0] =	vst v0  }
0x3e: {  	[tilespmem:s10+$0xFFFFFFC0] =	vst v0  }
0x3f: {  	[tilespmem:s10+$0x30] =	vst v0  }
0x40: {  	[tilespmem:s10+$0x20] =	vst v0  }
0x41: {  	[tilespmem:s10+$0x10] =	vst v0  }
0x42: {  	[tilespmem:s10+$0xFFFFFFE0] =	vst v0  }
0x43: {  	[tilespmem:s10+$0x0] =	vst v0  }
0x44: {  	s12 =	simm.s32 $0x0;
	[tilespmem:s10+$0xFFFFFFF0] =	vst v0  }
.LBB2_2:
0x45: {  	s12 =	sadd.s32 $0x8, s12;
	[tilespmem:s10+$0xFFFFFFD0] =	vst v0;
	s9 =	sadd.s32 $0x80, s9;
	s10 =	sadd.s32 $0x80, s10  }
0x46: {  	[tilespmem:s9+$0x30] =	vst v0;
	p1 =	slt.u32 s12, $0x278  }
0x47: {  	[tilespmem:s9+$0xFFFFFFF0] =	vst v0  }
0x48: {  	[tilespmem:s9+$0xFFFFFFC0] =	vst v0  }
0x49: {  	[tilespmem:s10+$0xFFFFFFC0] =	vst v0  }
0x4a: {  	[tilespmem:s10+$0x30] =	vst v0  }
0x4b: {  	[tilespmem:s9+$0xFFFFFFE0] =	vst v0  }
0x4c: {  	[tilespmem:s9+$0x10] =	vst v0  }
0x4d: {  	[tilespmem:s9+$0x20] =	vst v0  }
0x4e: {  	[tilespmem:s10+$0x20] =	vst v0  }
0x4f: {  	[tilespmem:s10+$0x10] =	vst v0  }
.Ltmp0:
0x50: {  	[tilespmem:s10+$0xFFFFFFE0] =	vst v0;
	(pc) =	sbr.rel @p1 .LBB2_2-.Ltmp0, $4  }
0x51: {  	[tilespmem:s9+$0x0] =	vst v0  }
0x52: {  	[tilespmem:s10+$0x0] =	vst v0  }
0x53: {  	[tilespmem:s10+$0xFFFFFFF0] =	vst v0  }
0x54: {  	[tilespmem:s9+$0xFFFFFFD0] =	vst v0  }
0x55: {  	[tilespmem:s10+$0xFFFFFFD0] =	vst v0  }
0x56: {  	_ =	swait.ge [sflag:s0], $0x3E80  }
0x57: {  	[sflag:s0] =	ssyncset.done $0x0  }
0x58: {  	[sflag:s0] =	ssyncadd.s32 $0xFFFFC180  }
0x59: {  	_ =	swait.ge [sflag:s1], $0x3E80  }
0x5a: {  	[sflag:s1] =	ssyncset.done $0x0  }
0x5b: {  	s9 =	rddreg [dreg:$0x6];
	[sflag:s1] =	ssyncadd.s32 $0xFFFFC180  }
0x5c: {  	[tilespmem:s2], [sflag:$0x1] =	stream.strided.gather [hbm4b:s9+s29], $0x3E80, s30, s29, $0x38;
	[tilespmem:$0x17180] =	vst v63  }
0x5d: {  	s10 =	simm.s32 $0x7E00;
	s14 =	rddreg [dreg:$0x11];
	s9 =	simm.s32 $0x100  }
0x5e: {  	[tilespmem:s3], [sflag:$0x2] =	stream.strided.gather [hbm4b:s14+s29], $0x3E80, s9, s29, $0x38;
	[tilespmem:$0x17180] =	vst v63  }
0x5f: {  	v2 =	vld [tilespmem:s10+$0x80];
	_ =	sdelay $0x1  }
0x60: {  	v3 =	vld [tilespmem:s9+$0x80]  }
0x61: {  	v4 =	vld [tilespmem:s10+$0xFFFFFF80]  }
0x62: {  	v5 =	vld [tilespmem:s10+$0x0]  }
0x63: {  	v6 =	vld [tilespmem:s10+$0xFFFFFF00]  }
0x64: {  	v7 =	vld [tilespmem:s9+$0xFFFFFF80]  }
0x65: {  	v8 =	vld [tilespmem:s9+$0x0]  }
0x66: {  	[tilespmem:v2+s4+$0x0] =	vst.idx.add.f32.msk $0xffff, v3  }
0x67: {  	v3 =	vld [tilespmem:s9+$0xFFFFFF00]  }
0x68: {  	v2 =	vld [tilespmem:s10+$0x90]  }
0x69: {  	[tilespmem:v4+s4+$0x0] =	vst.idx.add.f32.msk $0xffff, v7  }
0x6a: {  	[tilespmem:v5+s4+$0x0] =	vst.idx.add.f32.msk $0xffff, v8  }
0x6b: {  	v9 =	vld [tilespmem:s9+$0x90]  }
0x6c: {  	v4 =	vld [tilespmem:s10+$0xFFFFFF90]  }
0x6d: {  	v46 =	vld [tilespmem:s9+$0xFFFFFF90]  }
0x6e: {  	[tilespmem:v6+s4+$0x0] =	vst.idx.add.f32.msk $0xffff, v3  }
0x6f: {  	v3 =	vld [tilespmem:s10+$0xFFFFFF10]  }
0x70: {  	[tilespmem:v2+s4+$0x0] =	vst.idx.add.f32.msk $0xffff, v9  }
0x71: {  	v2 =	vld [tilespmem:s10+$0xA0]  }
0x72: {  	v45 =	vld [tilespmem:s9+$0xFFFFFF10]  }
0x73: {  	v44 =	vld [tilespmem:s10+$0x10]  }
0x74: {  	v43 =	vld [tilespmem:s9+$0xA0]  }
0x75: {  	v47 =	vld [tilespmem:s9+$0x10]  }
0x76: {  	[tilespmem:v4+s4+$0x0] =	vst.idx.add.f32.msk $0xffff, v46  }
0x77: {  	[tilespmem:v3+s4+$0x0] =	vst.idx.add.f32.msk $0xffff, v45  }
0x78: {  	v48 =	vld [tilespmem:s10+$0xFFFFFF20]  }
0x79: {  	[tilespmem:v2+s4+$0x0] =	vst.idx.add.f32.msk $0xffff, v43  }
0x7a: {  	v2 =	vld [tilespmem:s10+$0xB0]  }
0x7b: {  	v50 =	vld [tilespmem:s9+$0xFFFFFF20]  }
0x7c: {  	[tilespmem:v44+s4+$0x0] =	vst.idx.add.f32.msk $0xffff, v47  }
0x7d: {  	v3 =	vld [tilespmem:s9+$0xB0]  }
0x7e: {  	v49 =	vld [tilespmem:s10+$0xFFFFFFA0]  }
0x7f: {  	v51 =	vld [tilespmem:s9+$0xFFFFFFA0]  }
0x80: {  	[tilespmem:v48+s4+$0x0] =	vst.idx.add.f32.msk $0xffff, v50  }
0x81: {  	v4 =	vld [tilespmem:s10+$0xFFFFFF30]  }
0x82: {  	[tilespmem:v2+s4+$0x0] =	vst.idx.add.f32.msk $0xffff, v3  }
0x83: {  	v3 =	vld [tilespmem:s10+$0x20]  }
0x84: {  	v9 =	vld [tilespmem:s9+$0x20]  }
0x85: {  	v55 =	vld [tilespmem:s9+$0xFFFFFF30]  }
0x86: {  	v2 =	vld [tilespmem:s10+$0xC0]  }
0x87: {  	[tilespmem:v49+s4+$0x0] =	vst.idx.add.f32.msk $0xffff, v51  }
0x88: {  	v56 =	vld [tilespmem:s9+$0xFFFFFFB0]  }
0x89: {  	v52 =	vld [tilespmem:s9+$0xC0]  }
0x8a: {  	[tilespmem:v4+s4+$0x0] =	vst.idx.add.f32.msk $0xffff, v55  }
0x8b: {  	[tilespmem:v3+s4+$0x0] =	vst.idx.add.f32.msk $0xffff, v9  }
0x8c: {  	v3 =	vld [tilespmem:s10+$0xFFFFFFB0]  }
0x8d: {  	v54 =	vld [tilespmem:s10+$0x30]  }
0x8e: {  	[tilespmem:v2+s4+$0x0] =	vst.idx.add.f32.msk $0xffff, v52  }
0x8f: {  	v2 =	vld [tilespmem:s10+$0xD0]  }
0x90: {  	v9 =	vld [tilespmem:s9+$0x30]  }
0x91: {  	v4 =	vld [tilespmem:s10+$0xFFFFFF40]  }
0x92: {  	v53 =	vld [tilespmem:s9+$0xD0]  }
0x93: {  	v7 =	vld [tilespmem:s9+$0xFFFFFF40]  }
0x94: {  	[tilespmem:v3+s4+$0x0] =	vst.idx.add.f32.msk $0xffff, v56  }
0x95: {  	[tilespmem:v54+s4+$0x0] =	vst.idx.add.f32.msk $0xffff, v9  }
0x96: {  	v57 =	vld [tilespmem:s10+$0xFFFFFFC0]  }
0x97: {  	[tilespmem:v2+s4+$0x0] =	vst.idx.add.f32.msk $0xffff, v53  }
0x98: {  	v6 =	vld [tilespmem:s10+$0x40]  }
0x99: {  	v2 =	vld [tilespmem:s10+$0xE0]  }
0x9a: {  	v8 =	vld [tilespmem:s9+$0xFFFFFFC0]  }
0x9b: {  	v9 =	vld [tilespmem:s9+$0x40]  }
0x9c: {  	v3 =	vld [tilespmem:s9+$0xE0];
	_ =	sdelay $0x1  }
0x9d: {  	[tilespmem:v4+s4+$0x0] =	vst.idx.add.f32.msk $0xffff, v7  }
0x9e: {  	[tilespmem:v57+s4+$0x0] =	vst.idx.add.f32.msk $0xffff, v8  }
0x9f: {  	[tilespmem:v6+s4+$0x0] =	vst.idx.add.f32.msk $0xffff, v9  }
0xa0: {  	[tilespmem:v2+s4+$0x0] =	vst.idx.add.f32.msk $0xffff, v3  }
0xa1: {  	v2 =	vld [tilespmem:s10+$0xFFFFFF50]  }
0xa2: {  	v3 =	vld [tilespmem:s10+$0xFFFFFFD0]  }
0xa3: {  	v58 =	vld [tilespmem:s10+$0x50]  }
0xa4: {  	v59 =	vld [tilespmem:s9+$0xFFFFFF50]  }
0xa5: {  	v60 =	vld [tilespmem:s9+$0xFFFFFFD0]  }
0xa6: {  	v61 =	vld [tilespmem:s9+$0x50]  }
0xa7: {  	v62 =	vld [tilespmem:s10+$0xF0]  }
0xa8: {  	v63 =	vld [tilespmem:s9+$0xF0]  }
0xa9: {  	[tilespmem:v2+s4+$0x0] =	vst.idx.add.f32.msk $0xffff, v59  }
0xaa: {  	[tilespmem:v3+s4+$0x0] =	vst.idx.add.f32.msk $0xffff, v60  }
0xab: {  	[tilespmem:v58+s4+$0x0] =	vst.idx.add.f32.msk $0xffff, v61  }
0xac: {  	v2 =	vld [tilespmem:s10+$0xFFFFFF60]  }
0xad: {  	v3 =	vld [tilespmem:s10+$0xFFFFFFE0]  }
0xae: {  	v4 =	vld [tilespmem:s10+$0x60]  }
0xaf: {  	v5 =	vld [tilespmem:s9+$0xFFFFFF60]  }
0xb0: {  	v6 =	vld [tilespmem:s9+$0xFFFFFFE0]  }
0xb1: {  	v7 =	vld [tilespmem:s9+$0x60];
	_ =	sdelay $0x1  }
0xb2: {  	[tilespmem:v62+s4+$0x0] =	vst.idx.add.f32.msk $0xffff, v63  }
0xb3: {  	[tilespmem:v2+s4+$0x0] =	vst.idx.add.f32.msk $0xffff, v5  }
0xb4: {  	[tilespmem:v3+s4+$0x0] =	vst.idx.add.f32.msk $0xffff, v6  }
0xb5: {  	[tilespmem:v4+s4+$0x0] =	vst.idx.add.f32.msk $0xffff, v7  }
0xb6: {  	s13 =	simm.s32 $0x0;
	s12 =	simm.s32 $0x100;
	s14 =	simm.s32 $0x8000;
	v2 =	vld [tilespmem:s10+$0xFFFFFF70]  }
.LBB2_4:
0xb7: {  	v3 =	vld [tilespmem:s14+$0x80];
	s13 =	sadd.s32 $0x4, s13  }
0xb8: {  	v4 =	vld [tilespmem:s14+$0xFFFFFF80];
	p1 =	slt.u32 s13, $0x78  }
0xb9: {  	s9 =	sadd.s32 $0x200, s9;
	v5 =	vld [tilespmem:s14+$0x0]  }
0xba: {  	v6 =	vld [tilespmem:s9+$0x80]  }
0xbb: {  	v7 =	vld [tilespmem:s14+$0xFFFFFF00]  }
0xbc: {  	v8 =	vld [tilespmem:s9+$0xFFFFFF00]  }
0xbd: {  	v9 =	vld [tilespmem:s9+$0xFFFFFF80]  }
0xbe: {  	v10 =	vld [tilespmem:s9+$0x0]  }
0xbf: {  	[tilespmem:v3+s4+$0x0] =	vst.idx.add.f32.msk $0xffff, v6  }
0xc0: {  	v6 =	vld [tilespmem:s14+$0x90]  }
0xc1: {  	v3 =	vld [tilespmem:s10+$0xFFFFFFF0]  }
0xc2: {  	[tilespmem:v4+s4+$0x0] =	vst.idx.add.f32.msk $0xffff, v9  }
0xc3: {  	v4 =	vld [tilespmem:s9+$0x90]  }
0xc4: {  	[tilespmem:v7+s4+$0x0] =	vst.idx.add.f32.msk $0xffff, v8  }
0xc5: {  	[tilespmem:v5+s4+$0x0] =	vst.idx.add.f32.msk $0xffff, v10  }
0xc6: {  	v5 =	vld [tilespmem:s14+$0xFFFFFF10]  }
0xc7: {  	v7 =	vld [tilespmem:s14+$0xFFFFFF90]  }
0xc8: {  	[tilespmem:v6+s4+$0x0] =	vst.idx.add.f32.msk $0xffff, v4  }
0xc9: {  	v6 =	vld [tilespmem:s14+$0xA0]  }
0xca: {  	v8 =	vld [tilespmem:s14+$0x10]  }
0xcb: {  	v9 =	vld [tilespmem:s9+$0xFFFFFF10]  }
0xcc: {  	v10 =	vld [tilespmem:s9+$0xA0]  }
0xcd: {  	v11 =	vld [tilespmem:s9+$0xFFFFFF90]  }
0xce: {  	v12 =	vld [tilespmem:s9+$0x10]  }
0xcf: {  	v4 =	vld [tilespmem:s10+$0x70];
	s10 =	smov.u32 s14  }
0xd0: {  	[tilespmem:v5+s4+$0x0] =	vst.idx.add.f32.msk $0xffff, v9  }
0xd1: {  	[tilespmem:v6+s4+$0x0] =	vst.idx.add.f32.msk $0xffff, v10  }
0xd2: {  	v5 =	vld [tilespmem:s14+$0xB0]  }
0xd3: {  	[tilespmem:v7+s4+$0x0] =	vst.idx.add.f32.msk $0xffff, v11  }
0xd4: {  	[tilespmem:v8+s4+$0x0] =	vst.idx.add.f32.msk $0xffff, v12  }
0xd5: {  	v6 =	vld [tilespmem:s9+$0xB0]  }
0xd6: {  	v7 =	vld [tilespmem:s14+$0xFFFFFF20]  }
0xd7: {  	v8 =	vld [tilespmem:s14+$0xFFFFFFA0]  }
0xd8: {  	v9 =	vld [tilespmem:s14+$0x20]  }
0xd9: {  	v10 =	vld [tilespmem:s9+$0xFFFFFF20]  }
0xda: {  	[tilespmem:v5+s4+$0x0] =	vst.idx.add.f32.msk $0xffff, v6  }
0xdb: {  	v5 =	vld [tilespmem:s14+$0xC0]  }
0xdc: {  	v6 =	vld [tilespmem:s9+$0xFFFFFFA0]  }
0xdd: {  	v11 =	vld [tilespmem:s9+$0x20]  }
0xde: {  	v12 =	vld [tilespmem:s9+$0xC0]  }
0xdf: {  	[tilespmem:v7+s4+$0x0] =	vst.idx.add.f32.msk $0xffff, v10  }
0xe0: {  	v7 =	vld [tilespmem:s14+$0xFFFFFF30]  }
0xe1: {  	[tilespmem:v8+s4+$0x0] =	vst.idx.add.f32.msk $0xffff, v6  }
0xe2: {  	[tilespmem:v9+s4+$0x0] =	vst.idx.add.f32.msk $0xffff, v11  }
0xe3: {  	[tilespmem:v5+s4+$0x0] =	vst.idx.add.f32.msk $0xffff, v12  }
0xe4: {  	v5 =	vld [tilespmem:s14+$0xD0]  }
0xe5: {  	v6 =	vld [tilespmem:s14+$0xFFFFFFB0]  }
0xe6: {  	v8 =	vld [tilespmem:s14+$0x30]  }
0xe7: {  	v9 =	vld [tilespmem:s9+$0xD0]  }
0xe8: {  	v10 =	vld [tilespmem:s9+$0xFFFFFF30]  }
0xe9: {  	v11 =	vld [tilespmem:s9+$0xFFFFFFB0]  }
0xea: {  	v12 =	vld [tilespmem:s9+$0x30]  }
0xeb: {  	v13 =	vld [tilespmem:s12+$0xFFFFFF70]  }
0xec: {  	[tilespmem:v5+s4+$0x0] =	vst.idx.add.f32.msk $0xffff, v9  }
0xed: {  	v5 =	vld [tilespmem:s14+$0xE0]  }
0xee: {  	[tilespmem:v7+s4+$0x0] =	vst.idx.add.f32.msk $0xffff, v10  }
0xef: {  	[tilespmem:v6+s4+$0x0] =	vst.idx.add.f32.msk $0xffff, v11  }
0xf0: {  	v6 =	vld [tilespmem:s9+$0xE0]  }
0xf1: {  	[tilespmem:v8+s4+$0x0] =	vst.idx.add.f32.msk $0xffff, v12  }
0xf2: {  	v7 =	vld [tilespmem:s14+$0xFFFFFF40]  }
0xf3: {  	v8 =	vld [tilespmem:s14+$0xFFFFFFC0]  }
0xf4: {  	v9 =	vld [tilespmem:s14+$0x40]  }
0xf5: {  	[tilespmem:v5+s4+$0x0] =	vst.idx.add.f32.msk $0xffff, v6  }
0xf6: {  	v5 =	vld [tilespmem:s14+$0xF0]  }
0xf7: {  	v6 =	vld [tilespmem:s9+$0xFFFFFF40]  }
0xf8: {  	v10 =	vld [tilespmem:s9+$0xFFFFFFC0]  }
0xf9: {  	v11 =	vld [tilespmem:s9+$0xF0]  }
0xfa: {  	v12 =	vld [tilespmem:s9+$0x40]  }
0xfb: {  	v14 =	vld [tilespmem:s12+$0xFFFFFFF0]  }
0xfc: {  	[tilespmem:v7+s4+$0x0] =	vst.idx.add.f32.msk $0xffff, v6  }
0xfd: {  	[tilespmem:v8+s4+$0x0] =	vst.idx.add.f32.msk $0xffff, v10  }
0xfe: {  	[tilespmem:v5+s4+$0x0] =	vst.idx.add.f32.msk $0xffff, v11  }
0xff: {  	[tilespmem:v9+s4+$0x0] =	vst.idx.add.f32.msk $0xffff, v12  }
0x100: {  	v5 =	vld [tilespmem:s14+$0xFFFFFF50]  }
0x101: {  	v6 =	vld [tilespmem:s14+$0xFFFFFFD0]  }
0x102: {  	v7 =	vld [tilespmem:s14+$0x50]  }
0x103: {  	v8 =	vld [tilespmem:s9+$0xFFFFFF50]  }
0x104: {  	v9 =	vld [tilespmem:s9+$0xFFFFFFD0]  }
0x105: {  	v10 =	vld [tilespmem:s9+$0x50]  }
0x106: {  	v11 =	vld [tilespmem:s12+$0x70];
	s12 =	smov.u32 s9  }
0x107: {  	[tilespmem:v2+s4+$0x0] =	vst.idx.add.f32.msk $0xffff, v13  }
0x108: {  	[tilespmem:v5+s4+$0x0] =	vst.idx.add.f32.msk $0xffff, v8  }
0x109: {  	[tilespmem:v6+s4+$0x0] =	vst.idx.add.f32.msk $0xffff, v9  }
0x10a: {  	[tilespmem:v7+s4+$0x0] =	vst.idx.add.f32.msk $0xffff, v10  }
0x10b: {  	v2 =	vld [tilespmem:s14+$0xFFFFFF60]  }
0x10c: {  	v5 =	vld [tilespmem:s14+$0xFFFFFFE0]  }
0x10d: {  	v6 =	vld [tilespmem:s14+$0x60]  }
0x10e: {  	v7 =	vld [tilespmem:s9+$0xFFFFFF60]  }
0x10f: {  	v8 =	vld [tilespmem:s9+$0xFFFFFFE0]  }
0x110: {  	v9 =	vld [tilespmem:s9+$0x60]  }
0x111: {  	[tilespmem:v3+s4+$0x0] =	vst.idx.add.f32.msk $0xffff, v14  }
.Ltmp1:
0x112: {  	[tilespmem:v4+s4+$0x0] =	vst.idx.add.f32.msk $0xffff, v11;
	(pc) =	sbr.rel @p1 .LBB2_4-.Ltmp1, $4  }
0x113: {  	[tilespmem:v2+s4+$0x0] =	vst.idx.add.f32.msk $0xffff, v7  }
0x114: {  	[tilespmem:v5+s4+$0x0] =	vst.idx.add.f32.msk $0xffff, v8  }
0x115: {  	[tilespmem:v6+s4+$0x0] =	vst.idx.add.f32.msk $0xffff, v9  }
0x116: {  	s14 =	sadd.s32 $0x200, s14;
	v2 =	vld [tilespmem:s10+$0xFFFFFF70]  }
0x117: {  	_ = 	snop  }
0x118: {  	v3 =	vld [tilespmem:s10+$0xFFFFFFF0]  }
0x119: {  	v4 =	vld [tilespmem:s10+$0x70]  }
0x11a: {  	v5 =	vld [tilespmem:s12+$0xFFFFFF70]  }
0x11b: {  	v6 =	vld [tilespmem:s12+$0xFFFFFFF0]  }
0x11c: {  	v7 =	vld [tilespmem:s12+$0x70];
	_ =	sdelay $0x2  }
0x11d: {  	[tilespmem:v2+s4+$0x0] =	vst.idx.add.f32.msk $0xffff, v5  }
0x11e: {  	[tilespmem:v3+s4+$0x0] =	vst.idx.add.f32.msk $0xffff, v6  }
0x11f: {  	[tilespmem:v4+s4+$0x0] =	vst.idx.add.f32.msk $0xffff, v7  }
0x120: {  	v2 =	vld [tilespmem:$0xBB00];
	_ =	sdelay $0x2  }
0x121: {  	v3 =	vld [tilespmem:$0x3E00];
	_ =	sdelay $0x4  }
0x122: {  	[tilespmem:v2+s4+$0x0] =	vst.idx.add.f32.msk $0xffff, v3  }
0x123: {  	v2 =	vld [tilespmem:$0xBB10];
	_ =	sdelay $0x2  }
0x124: {  	v3 =	vld [tilespmem:$0x3E10];
	_ =	sdelay $0x4  }
0x125: {  	[tilespmem:v2+s4+$0x0] =	vst.idx.add.f32.msk $0xffff, v3  }
0x126: {  	v2 =	vld [tilespmem:$0xBB20];
	_ =	sdelay $0x2  }
0x127: {  	v3 =	vld [tilespmem:$0x3E20];
	_ =	sdelay $0x4  }
0x128: {  	[tilespmem:v2+s4+$0x0] =	vst.idx.add.f32.msk $0xffff, v3  }
0x129: {  	v2 =	vld [tilespmem:$0xBB30];
	_ =	sdelay $0x2  }
0x12a: {  	v3 =	vld [tilespmem:$0x3E30];
	_ =	sdelay $0x4  }
0x12b: {  	[tilespmem:v2+s4+$0x0] =	vst.idx.add.f32.msk $0xffff, v3  }
0x12c: {  	v2 =	vld [tilespmem:$0xBB40];
	_ =	sdelay $0x2  }
0x12d: {  	v3 =	vld [tilespmem:$0x3E40];
	_ =	sdelay $0x4  }
0x12e: {  	[tilespmem:v2+s4+$0x0] =	vst.idx.add.f32.msk $0xffff, v3  }
0x12f: {  	v2 =	vld [tilespmem:$0xBB50];
	_ =	sdelay $0x2  }
0x130: {  	v3 =	vld [tilespmem:$0x3E50];
	_ =	sdelay $0x4  }
0x131: {  	[tilespmem:v2+s4+$0x0] =	vst.idx.add.f32.msk $0xffff, v3  }
0x132: {  	v2 =	vld [tilespmem:$0xBB60];
	_ =	sdelay $0x2  }
0x133: {  	v3 =	vld [tilespmem:$0x3E60];
	_ =	sdelay $0x4  }
0x134: {  	[tilespmem:v2+s4+$0x0] =	vst.idx.add.f32.msk $0xffff, v3  }
0x135: {  	v2 =	vld [tilespmem:$0xBB70];
	_ =	sdelay $0x2  }
0x136: {  	v3 =	vld [tilespmem:$0x3E70];
	_ =	sdelay $0x4  }
0x137: {  	[tilespmem:v2+s4+$0x0] =	vst.idx.add.f32.msk $0xffff, v3  }
0x138: {  	_ =	swait.ge [sflag:s0], $0x3E80  }
0x139: {  	[sflag:s0] =	ssyncset.done $0x0  }
0x13a: {  	[sflag:s0] =	ssyncadd.s32 $0xFFFFC180  }
0x13b: {  	_ =	swait.ge [sflag:s1], $0x3E80  }
0x13c: {  	[sflag:s1] =	ssyncset.done $0x0  }
0x13d: {  	s9 =	simm.s32 $0x0;
	s14 =	rddreg [dreg:$0x7];
	[sflag:s1] =	ssyncadd.s32 $0xFFFFC180  }
0x13e: {  	[tilespmem:s9], [sflag:$0x1] =	stream.strided.gather [hbm4b:s14+s29], $0x3E80, s30, s29, $0x38;
	[tilespmem:$0x17180] =	vst v63  }
0x13f: {  	s9 =	simm.s32 $0x0  }
0x140: {  	[tilespmem:s22], [sflag:$0x2] =	stream.strided.gather [hbm4b:s15+s29], $0x3E80, s31, s29, $0x38;
	[tilespmem:$0x17180] =	vst v63  }
0x141: {  	v2 =	vld [tilespmem:s9+$0xBD00]  }
0x142: {  	v3 =	vld [tilespmem:s9+$0xBB80]  }
0x143: {  	v4 =	vld [tilespmem:s9+$0xBC00]  }
0x144: {  	v5 =	vld [tilespmem:s9+$0x4000]  }
0x145: {  	v6 =	vld [tilespmem:s9+$0xBC80]  }
0x146: {  	v7 =	vld [tilespmem:s9+$0x3E80];
	_ =	sdelay $0x1  }
0x147: {  	v8 =	vld [tilespmem:s9+$0x3F00]  }
0x148: {  	v9 =	vld [tilespmem:s9+$0x3F80]  }
0x149: {  	[tilespmem:v2+s4+$0x0] =	vst.idx.add.f32.msk $0xffff, v5  }
0x14a: {  	[tilespmem:v3+s4+$0x0] =	vst.idx.add.f32.msk $0xffff, v7  }
0x14b: {  	v2 =	vld [tilespmem:s9+$0xBD10]  }
0x14c: {  	[tilespmem:v4+s4+$0x0] =	vst.idx.add.f32.msk $0xffff, v8  }
0x14d: {  	[tilespmem:v6+s4+$0x0] =	vst.idx.add.f32.msk $0xffff, v9  }
0x14e: {  	v3 =	vld [tilespmem:s9+$0x4010]  }
0x14f: {  	v5 =	vld [tilespmem:s9+$0xBC10]  }
0x150: {  	v6 =	vld [tilespmem:s9+$0xBC90]  }
0x151: {  	v7 =	vld [tilespmem:s9+$0x3F10]  }
0x152: {  	v9 =	vld [tilespmem:s9+$0x3F90]  }
0x153: {  	[tilespmem:v2+s4+$0x0] =	vst.idx.add.f32.msk $0xffff, v3  }
0x154: {  	v2 =	vld [tilespmem:s9+$0xBD20]  }
0x155: {  	v4 =	vld [tilespmem:s9+$0xBB90]  }
0x156: {  	v3 =	vld [tilespmem:s9+$0x3E90]  }
0x157: {  	v60 =	vld [tilespmem:s9+$0x4020]  }
0x158: {  	[tilespmem:v5+s4+$0x0] =	vst.idx.add.f32.msk $0xffff, v7  }
0x159: {  	[tilespmem:v6+s4+$0x0] =	vst.idx.add.f32.msk $0xffff, v9  }
0x15a: {  	v5 =	vld [tilespmem:s9+$0xBC20]  }
0x15b: {  	v61 =	vld [tilespmem:s9+$0x3F20]  }
0x15c: {  	[tilespmem:v2+s4+$0x0] =	vst.idx.add.f32.msk $0xffff, v60  }
0x15d: {  	v2 =	vld [tilespmem:s9+$0xBD30]  }
0x15e: {  	[tilespmem:v4+s4+$0x0] =	vst.idx.add.f32.msk $0xffff, v3  }
0x15f: {  	v3 =	vld [tilespmem:s9+$0xBBA0]  }
0x160: {  	v4 =	vld [tilespmem:s9+$0x4030]  }
0x161: {  	v6 =	vld [tilespmem:s9+$0xBCA0]  }
0x162: {  	v7 =	vld [tilespmem:s9+$0x3EA0]  }
0x163: {  	[tilespmem:v5+s4+$0x0] =	vst.idx.add.f32.msk $0xffff, v61  }
0x164: {  	v8 =	vld [tilespmem:s9+$0x3F30]  }
0x165: {  	[tilespmem:v2+s4+$0x0] =	vst.idx.add.f32.msk $0xffff, v4  }
0x166: {  	v4 =	vld [tilespmem:s9+$0x3FA0]  }
0x167: {  	v2 =	vld [tilespmem:s9+$0xBD40]  }
0x168: {  	[tilespmem:v3+s4+$0x0] =	vst.idx.add.f32.msk $0xffff, v7  }
0x169: {  	v5 =	vld [tilespmem:s9+$0xBBB0]  }
0x16a: {  	v3 =	vld [tilespmem:s9+$0x4040]  }
0x16b: {  	[tilespmem:v6+s4+$0x0] =	vst.idx.add.f32.msk $0xffff, v4  }
0x16c: {  	v4 =	vld [tilespmem:s9+$0xBC30]  }
0x16d: {  	v6 =	vld [tilespmem:s9+$0x3EB0]  }
0x16e: {  	v9 =	vld [tilespmem:s9+$0x3FB0]  }
0x16f: {  	[tilespmem:v2+s4+$0x0] =	vst.idx.add.f32.msk $0xffff, v3  }
0x170: {  	v3 =	vld [tilespmem:s9+$0xBCB0]  }
0x171: {  	v2 =	vld [tilespmem:s9+$0xBD50]  }
0x172: {  	v7 =	vld [tilespmem:s9+$0x4050]  }
0x173: {  	[tilespmem:v5+s4+$0x0] =	vst.idx.add.f32.msk $0xffff, v6  }
0x174: {  	[tilespmem:v4+s4+$0x0] =	vst.idx.add.f32.msk $0xffff, v8  }
0x175: {  	v4 =	vld [tilespmem:s9+$0xBBC0]  }
0x176: {  	v5 =	vld [tilespmem:s9+$0xBC40]  }
0x177: {  	v8 =	vld [tilespmem:s9+$0x3F40]  }
0x178: {  	[tilespmem:v3+s4+$0x0] =	vst.idx.add.f32.msk $0xffff, v9  }
0x179: {  	[tilespmem:v2+s4+$0x0] =	vst.idx.add.f32.msk $0xffff, v7  }
0x17a: {  	v6 =	vld [tilespmem:s9+$0xBCC0]  }
0x17b: {  	v2 =	vld [tilespmem:s9+$0xBD60]  }
0x17c: {  	v7 =	vld [tilespmem:s9+$0x3EC0]  }
0x17d: {  	v9 =	vld [tilespmem:s9+$0x3FC0]  }
0x17e: {  	v3 =	vld [tilespmem:s9+$0x4060];
	_ =	sdelay $0x1  }
0x17f: {  	[tilespmem:v5+s4+$0x0] =	vst.idx.add.f32.msk $0xffff, v8  }
0x180: {  	[tilespmem:v4+s4+$0x0] =	vst.idx.add.f32.msk $0xffff, v7  }
0x181: {  	[tilespmem:v6+s4+$0x0] =	vst.idx.add.f32.msk $0xffff, v9  }
0x182: {  	[tilespmem:v2+s4+$0x0] =	vst.idx.add.f32.msk $0xffff, v3  }
0x183: {  	v2 =	vld [tilespmem:s9+$0xBBD0]  }
0x184: {  	v3 =	vld [tilespmem:s9+$0xBC50]  }
0x185: {  	v4 =	vld [tilespmem:s9+$0xBCD0]  }
0x186: {  	v5 =	vld [tilespmem:s9+$0x3ED0]  }
0x187: {  	v6 =	vld [tilespmem:s9+$0x3F50]  }
0x188: {  	v7 =	vld [tilespmem:s9+$0x3FD0]  }
0x189: {  	v62 =	vld [tilespmem:s9+$0xBD70]  }
0x18a: {  	v63 =	vld [tilespmem:s9+$0x4070]  }
0x18b: {  	[tilespmem:v2+s4+$0x0] =	vst.idx.add.f32.msk $0xffff, v5  }
0x18c: {  	[tilespmem:v3+s4+$0x0] =	vst.idx.add.f32.msk $0xffff, v6  }
0x18d: {  	[tilespmem:v4+s4+$0x0] =	vst.idx.add.f32.msk $0xffff, v7  }
0x18e: {  	v2 =	vld [tilespmem:s9+$0xBBE0]  }
0x18f: {  	v3 =	vld [tilespmem:s9+$0xBC60]  }
0x190: {  	v4 =	vld [tilespmem:s9+$0xBCE0]  }
0x191: {  	v5 =	vld [tilespmem:s9+$0x3EE0]  }
0x192: {  	v6 =	vld [tilespmem:s9+$0x3F60]  }
0x193: {  	v7 =	vld [tilespmem:s9+$0x3FE0];
	_ =	sdelay $0x1  }
0x194: {  	[tilespmem:v62+s4+$0x0] =	vst.idx.add.f32.msk $0xffff, v63  }
0x195: {  	[tilespmem:v2+s4+$0x0] =	vst.idx.add.f32.msk $0xffff, v5  }
0x196: {  	[tilespmem:v3+s4+$0x0] =	vst.idx.add.f32.msk $0xffff, v6  }
0x197: {  	[tilespmem:v4+s4+$0x0] =	vst.idx.add.f32.msk $0xffff, v7  }
0x198: {  	v4 =	vld [tilespmem:s9+$0xBBF0]  }
0x199: {  	s10 =	simm.s32 $0x0;
	s12 =	simm.s32 $0x800;
	v2 =	vld [tilespmem:s9+$0xBC70]  }
.LBB2_6:
0x19a: {  	s13 =	sshra.s32 s12, $0x2;
	s10 =	sadd.s32 $0x4, s10;
	v3 =	vld [tilespmem:s9+$0xBCF0]  }
0x19b: {  	v5 =	vld [tilespmem:s13+$0xBD00];
	p1 =	slt.u32 s10, $0x78  }
0x19c: {  	v6 =	vld [tilespmem:s13+$0xBB80]  }
0x19d: {  	v7 =	vld [tilespmem:s13+$0xBC00]  }
0x19e: {  	v8 =	vld [tilespmem:s13+$0x4000]  }
0x19f: {  	v9 =	vld [tilespmem:s13+$0xBC80]  }
0x1a0: {  	v10 =	vld [tilespmem:s13+$0x3E80]  }
0x1a1: {  	v11 =	vld [tilespmem:s13+$0x3F00]  }
0x1a2: {  	v12 =	vld [tilespmem:s13+$0x3F80]  }
0x1a3: {  	[tilespmem:v5+s4+$0x0] =	vst.idx.add.f32.msk $0xffff, v8  }
0x1a4: {  	v5 =	vld [tilespmem:s13+$0xBD10]  }
0x1a5: {  	[tilespmem:v6+s4+$0x0] =	vst.idx.add.f32.msk $0xffff, v10  }
0x1a6: {  	[tilespmem:v7+s4+$0x0] =	vst.idx.add.f32.msk $0xffff, v11  }
0x1a7: {  	v6 =	vld [tilespmem:s13+$0x4010]  }
0x1a8: {  	[tilespmem:v9+s4+$0x0] =	vst.idx.add.f32.msk $0xffff, v12  }
0x1a9: {  	v7 =	vld [tilespmem:s13+$0xBB90]  }
0x1aa: {  	v8 =	vld [tilespmem:s13+$0xBC10]  }
0x1ab: {  	v9 =	vld [tilespmem:s13+$0xBC90]  }
0x1ac: {  	[tilespmem:v5+s4+$0x0] =	vst.idx.add.f32.msk $0xffff, v6  }
0x1ad: {  	v5 =	vld [tilespmem:s13+$0xBD20]  }
0x1ae: {  	v6 =	vld [tilespmem:s13+$0x3E90]  }
0x1af: {  	v10 =	vld [tilespmem:s13+$0x3F10]  }
0x1b0: {  	v11 =	vld [tilespmem:s13+$0x4020]  }
0x1b1: {  	v12 =	vld [tilespmem:s13+$0x3F90]  }
0x1b2: {  	v13 =	vld [tilespmem:s9+$0x3EF0]  }
0x1b3: {  	[tilespmem:v7+s4+$0x0] =	vst.idx.add.f32.msk $0xffff, v6  }
0x1b4: {  	[tilespmem:v8+s4+$0x0] =	vst.idx.add.f32.msk $0xffff, v10  }
0x1b5: {  	[tilespmem:v5+s4+$0x0] =	vst.idx.add.f32.msk $0xffff, v11  }
0x1b6: {  	v5 =	vld [tilespmem:s13+$0xBD30]  }
0x1b7: {  	[tilespmem:v9+s4+$0x0] =	vst.idx.add.f32.msk $0xffff, v12  }
0x1b8: {  	v6 =	vld [tilespmem:s13+$0xBBA0]  }
0x1b9: {  	v7 =	vld [tilespmem:s13+$0x4030]  }
0x1ba: {  	v8 =	vld [tilespmem:s13+$0xBC20]  }
0x1bb: {  	v9 =	vld [tilespmem:s13+$0xBCA0]  }
0x1bc: {  	v10 =	vld [tilespmem:s13+$0x3EA0]  }
0x1bd: {  	v11 =	vld [tilespmem:s13+$0x3F20]  }
0x1be: {  	[tilespmem:v5+s4+$0x0] =	vst.idx.add.f32.msk $0xffff, v7  }
0x1bf: {  	v5 =	vld [tilespmem:s13+$0xBD40]  }
0x1c0: {  	v7 =	vld [tilespmem:s13+$0x3FA0]  }
0x1c1: {  	[tilespmem:v6+s4+$0x0] =	vst.idx.add.f32.msk $0xffff, v10  }
0x1c2: {  	v6 =	vld [tilespmem:s13+$0x4040]  }
0x1c3: {  	[tilespmem:v8+s4+$0x0] =	vst.idx.add.f32.msk $0xffff, v11  }
0x1c4: {  	v8 =	vld [tilespmem:s13+$0xBBB0]  }
0x1c5: {  	[tilespmem:v9+s4+$0x0] =	vst.idx.add.f32.msk $0xffff, v7  }
0x1c6: {  	v7 =	vld [tilespmem:s13+$0xBC30]  }
0x1c7: {  	[tilespmem:v5+s4+$0x0] =	vst.idx.add.f32.msk $0xffff, v6  }
0x1c8: {  	v5 =	vld [tilespmem:s13+$0xBD50]  }
0x1c9: {  	v6 =	vld [tilespmem:s13+$0xBCB0]  }
0x1ca: {  	v9 =	vld [tilespmem:s13+$0x3EB0]  }
0x1cb: {  	v10 =	vld [tilespmem:s13+$0x4050]  }
0x1cc: {  	v11 =	vld [tilespmem:s13+$0x3F30]  }
0x1cd: {  	v12 =	vld [tilespmem:s13+$0x3FB0]  }
0x1ce: {  	v14 =	vld [tilespmem:s9+$0x3F70]  }
0x1cf: {  	[tilespmem:v8+s4+$0x0] =	vst.idx.add.f32.msk $0xffff, v9  }
0x1d0: {  	[tilespmem:v5+s4+$0x0] =	vst.idx.add.f32.msk $0xffff, v10  }
0x1d1: {  	v5 =	vld [tilespmem:s13+$0xBD60]  }
0x1d2: {  	[tilespmem:v7+s4+$0x0] =	vst.idx.add.f32.msk $0xffff, v11  }
0x1d3: {  	[tilespmem:v6+s4+$0x0] =	vst.idx.add.f32.msk $0xffff, v12  }
0x1d4: {  	v6 =	vld [tilespmem:s13+$0x4060]  }
0x1d5: {  	v7 =	vld [tilespmem:s13+$0xBBC0]  }
0x1d6: {  	v8 =	vld [tilespmem:s13+$0xBC40]  }
0x1d7: {  	v9 =	vld [tilespmem:s13+$0xBCC0]  }
0x1d8: {  	v10 =	vld [tilespmem:s13+$0x3EC0]  }
0x1d9: {  	[tilespmem:v5+s4+$0x0] =	vst.idx.add.f32.msk $0xffff, v6  }
0x1da: {  	v5 =	vld [tilespmem:s13+$0xBD70]  }
0x1db: {  	v6 =	vld [tilespmem:s13+$0x3F40]  }
0x1dc: {  	v11 =	vld [tilespmem:s13+$0x3FC0]  }
0x1dd: {  	v12 =	vld [tilespmem:s13+$0x4070]  }
0x1de: {  	[tilespmem:v7+s4+$0x0] =	vst.idx.add.f32.msk $0xffff, v10  }
0x1df: {  	v7 =	vld [tilespmem:s13+$0xBBD0]  }
0x1e0: {  	[tilespmem:v8+s4+$0x0] =	vst.idx.add.f32.msk $0xffff, v6  }
0x1e1: {  	[tilespmem:v9+s4+$0x0] =	vst.idx.add.f32.msk $0xffff, v11  }
0x1e2: {  	[tilespmem:v5+s4+$0x0] =	vst.idx.add.f32.msk $0xffff, v12  }
0x1e3: {  	v5 =	vld [tilespmem:s13+$0xBC50]  }
0x1e4: {  	v6 =	vld [tilespmem:s13+$0xBCD0]  }
0x1e5: {  	v8 =	vld [tilespmem:s13+$0x3ED0]  }
0x1e6: {  	v9 =	vld [tilespmem:s13+$0x3F50]  }
0x1e7: {  	v10 =	vld [tilespmem:s13+$0x3FD0]  }
0x1e8: {  	v11 =	vld [tilespmem:s9+$0x3FF0];
	s9 =	smov.u32 s13  }
0x1e9: {  	[tilespmem:v4+s4+$0x0] =	vst.idx.add.f32.msk $0xffff, v13  }
0x1ea: {  	[tilespmem:v7+s4+$0x0] =	vst.idx.add.f32.msk $0xffff, v8  }
0x1eb: {  	[tilespmem:v5+s4+$0x0] =	vst.idx.add.f32.msk $0xffff, v9  }
0x1ec: {  	[tilespmem:v6+s4+$0x0] =	vst.idx.add.f32.msk $0xffff, v10  }
0x1ed: {  	v4 =	vld [tilespmem:s9+$0xBBE0]  }
0x1ee: {  	v5 =	vld [tilespmem:s9+$0xBC60]  }
0x1ef: {  	v6 =	vld [tilespmem:s9+$0xBCE0]  }
0x1f0: {  	v7 =	vld [tilespmem:s9+$0x3EE0]  }
0x1f1: {  	v8 =	vld [tilespmem:s9+$0x3F60]  }
0x1f2: {  	v9 =	vld [tilespmem:s9+$0x3FE0]  }
0x1f3: {  	[tilespmem:v2+s4+$0x0] =	vst.idx.add.f32.msk $0xffff, v14  }
0x1f4: {  	[tilespmem:v3+s4+$0x0] =	vst.idx.add.f32.msk $0xffff, v11  }
.Ltmp2:
0x1f5: {  	[tilespmem:v4+s4+$0x0] =	vst.idx.add.f32.msk $0xffff, v7;
	(pc) =	sbr.rel @p1 .LBB2_6-.Ltmp2, $4  }
0x1f6: {  	[tilespmem:v5+s4+$0x0] =	vst.idx.add.f32.msk $0xffff, v8  }
0x1f7: {  	[tilespmem:v6+s4+$0x0] =	vst.idx.add.f32.msk $0xffff, v9  }
0x1f8: {  	v4 =	vld [tilespmem:s9+$0xBBF0]  }
0x1f9: {  	s12 =	sadd.s32 $0x800, s12;
	v2 =	vld [tilespmem:s9+$0xBC70]  }
0x1fa: {  	_ = 	snop  }
0x1fb: {  	v3 =	vld [tilespmem:s9+$0xBCF0]  }
0x1fc: {  	v5 =	vld [tilespmem:s9+$0x3EF0]  }
0x1fd: {  	v6 =	vld [tilespmem:s9+$0x3F70]  }
0x1fe: {  	v7 =	vld [tilespmem:s9+$0x3FF0];
	_ =	sdelay $0x2  }
0x1ff: {  	[tilespmem:v4+s4+$0x0] =	vst.idx.add.f32.msk $0xffff, v5  }
0x200: {  	[tilespmem:v2+s4+$0x0] =	vst.idx.add.f32.msk $0xffff, v6  }
0x201: {  	[tilespmem:v3+s4+$0x0] =	vst.idx.add.f32.msk $0xffff, v7  }
0x202: {  	v2 =	vld [tilespmem:$0xF980];
	_ =	sdelay $0x2  }
0x203: {  	v3 =	vld [tilespmem:$0x7C80];
	_ =	sdelay $0x4  }
0x204: {  	[tilespmem:v2+s4+$0x0] =	vst.idx.add.f32.msk $0xffff, v3  }
0x205: {  	v2 =	vld [tilespmem:$0xF990];
	_ =	sdelay $0x2  }
0x206: {  	v3 =	vld [tilespmem:$0x7C90];
	_ =	sdelay $0x4  }
0x207: {  	[tilespmem:v2+s4+$0x0] =	vst.idx.add.f32.msk $0xffff, v3  }
0x208: {  	v2 =	vld [tilespmem:$0xF9A0];
	_ =	sdelay $0x2  }
0x209: {  	v3 =	vld [tilespmem:$0x7CA0];
	_ =	sdelay $0x4  }
0x20a: {  	[tilespmem:v2+s4+$0x0] =	vst.idx.add.f32.msk $0xffff, v3  }
0x20b: {  	v2 =	vld [tilespmem:$0xF9B0];
	_ =	sdelay $0x2  }
0x20c: {  	v3 =	vld [tilespmem:$0x7CB0];
	_ =	sdelay $0x4  }
0x20d: {  	[tilespmem:v2+s4+$0x0] =	vst.idx.add.f32.msk $0xffff, v3  }
0x20e: {  	v2 =	vld [tilespmem:$0xF9C0];
	_ =	sdelay $0x2  }
0x20f: {  	v3 =	vld [tilespmem:$0x7CC0];
	_ =	sdelay $0x4  }
0x210: {  	[tilespmem:v2+s4+$0x0] =	vst.idx.add.f32.msk $0xffff, v3  }
0x211: {  	v2 =	vld [tilespmem:$0xF9D0];
	_ =	sdelay $0x2  }
0x212: {  	v3 =	vld [tilespmem:$0x7CD0];
	_ =	sdelay $0x4  }
0x213: {  	[tilespmem:v2+s4+$0x0] =	vst.idx.add.f32.msk $0xffff, v3  }
0x214: {  	v2 =	vld [tilespmem:$0xF9E0];
	_ =	sdelay $0x2  }
0x215: {  	v3 =	vld [tilespmem:$0x7CE0];
	_ =	sdelay $0x4  }
0x216: {  	[tilespmem:v2+s4+$0x0] =	vst.idx.add.f32.msk $0xffff, v3  }
0x217: {  	v2 =	vld [tilespmem:$0xF9F0];
	_ =	sdelay $0x2  }
0x218: {  	v3 =	vld [tilespmem:$0x7CF0];
	_ =	sdelay $0x4  }
0x219: {  	[tilespmem:v2+s4+$0x0] =	vst.idx.add.f32.msk $0xffff, v3  }
0x21a: {  	_ =	swait.ge [sflag:s0], $0x3E80  }
0x21b: {  	[sflag:s0] =	ssyncset.done $0x0  }
0x21c: {  	[sflag:s0] =	ssyncadd.s32 $0xFFFFC180  }
0x21d: {  	_ =	swait.ge [sflag:s1], $0x3E80  }
0x21e: {  	[sflag:s1] =	ssyncset.done $0x0  }
0x21f: {  	s14 =	rddreg [dreg:$0x8];
	[sflag:s1] =	ssyncadd.s32 $0xFFFFC180  }
0x220: {  	[tilespmem:s2], [sflag:$0x1] =	stream.strided.gather [hbm4b:s14+s29], $0x3E80, s30, s29, $0x38;
	[tilespmem:$0x17180] =	vst v63  }
0x221: {  	s9 =	simm.s32 $0x100;
	s10 =	simm.s32 $0x7E00  }
0x222: {  	[tilespmem:s3], [sflag:$0x2] =	stream.strided.gather [hbm4b:s16+s29], $0x3E80, s9, s29, $0x38;
	[tilespmem:$0x17180] =	vst v63  }
0x223: {  	v2 =	vld [tilespmem:s10+$0x80];
	_ =	sdelay $0x1  }
0x224: {  	v3 =	vld [tilespmem:s9+$0x80]  }
0x225: {  	v39 =	vld [tilespmem:s10+$0xFFFFFF80]  }
0x226: {  	v40 =	vld [tilespmem:s10+$0x0]  }
0x227: {  	v41 =	vld [tilespmem:s10+$0xFFFFFF00]  }
0x228: {  	v42 =	vld [tilespmem:s9+$0xFFFFFF80]  }
0x229: {  	v8 =	vld [tilespmem:s9+$0x0]  }
0x22a: {  	[tilespmem:v2+s4+$0x0] =	vst.idx.add.f32.msk $0xffff, v3  }
0x22b: {  	v3 =	vld [tilespmem:s9+$0xFFFFFF00]  }
0x22c: {  	v2 =	vld [tilespmem:s10+$0x90]  }
0x22d: {  	[tilespmem:v39+s4+$0x0] =	vst.idx.add.f32.msk $0xffff, v42  }
0x22e: {  	[tilespmem:v40+s4+$0x0] =	vst.idx.add.f32.msk $0xffff, v8  }
0x22f: {  	v9 =	vld [tilespmem:s9+$0x90]  }
0x230: {  	v4 =	vld [tilespmem:s10+$0xFFFFFF90]  }
0x231: {  	v46 =	vld [tilespmem:s9+$0xFFFFFF90]  }
0x232: {  	[tilespmem:v41+s4+$0x0] =	vst.idx.add.f32.msk $0xffff, v3  }
0x233: {  	v3 =	vld [tilespmem:s10+$0xFFFFFF10]  }
0x234: {  	[tilespmem:v2+s4+$0x0] =	vst.idx.add.f32.msk $0xffff, v9  }
0x235: {  	v2 =	vld [tilespmem:s10+$0xA0]  }
0x236: {  	v45 =	vld [tilespmem:s9+$0xFFFFFF10]  }
0x237: {  	v44 =	vld [tilespmem:s10+$0x10]  }
0x238: {  	v43 =	vld [tilespmem:s9+$0xA0]  }
0x239: {  	v47 =	vld [tilespmem:s9+$0x10]  }
0x23a: {  	[tilespmem:v4+s4+$0x0] =	vst.idx.add.f32.msk $0xffff, v46  }
0x23b: {  	[tilespmem:v3+s4+$0x0] =	vst.idx.add.f32.msk $0xffff, v45  }
0x23c: {  	v48 =	vld [tilespmem:s10+$0xFFFFFF20]  }
0x23d: {  	[tilespmem:v2+s4+$0x0] =	vst.idx.add.f32.msk $0xffff, v43  }
0x23e: {  	v2 =	vld [tilespmem:s10+$0xB0]  }
0x23f: {  	v50 =	vld [tilespmem:s9+$0xFFFFFF20]  }
0x240: {  	[tilespmem:v44+s4+$0x0] =	vst.idx.add.f32.msk $0xffff, v47  }
0x241: {  	v3 =	vld [tilespmem:s9+$0xB0]  }
0x242: {  	v49 =	vld [tilespmem:s10+$0xFFFFFFA0]  }
0x243: {  	v51 =	vld [tilespmem:s9+$0xFFFFFFA0]  }
0x244: {  	[tilespmem:v48+s4+$0x0] =	vst.idx.add.f32.msk $0xffff, v50  }
0x245: {  	v4 =	vld [tilespmem:s10+$0xFFFFFF30]  }
0x246: {  	[tilespmem:v2+s4+$0x0] =	vst.idx.add.f32.msk $0xffff, v3  }
0x247: {  	v3 =	vld [tilespmem:s10+$0x20]  }
0x248: {  	v9 =	vld [tilespmem:s9+$0x20]  }
0x249: {  	v55 =	vld [tilespmem:s9+$0xFFFFFF30]  }
0x24a: {  	v2 =	vld [tilespmem:s10+$0xC0]  }
0x24b: {  	[tilespmem:v49+s4+$0x0] =	vst.idx.add.f32.msk $0xffff, v51  }
0x24c: {  	v56 =	vld [tilespmem:s9+$0xFFFFFFB0]  }
0x24d: {  	v52 =	vld [tilespmem:s9+$0xC0]  }
0x24e: {  	[tilespmem:v4+s4+$0x0] =	vst.idx.add.f32.msk $0xffff, v55  }
0x24f: {  	[tilespmem:v3+s4+$0x0] =	vst.idx.add.f32.msk $0xffff, v9  }
0x250: {  	v3 =	vld [tilespmem:s10+$0xFFFFFFB0]  }
0x251: {  	v54 =	vld [tilespmem:s10+$0x30]  }
0x252: {  	[tilespmem:v2+s4+$0x0] =	vst.idx.add.f32.msk $0xffff, v52  }
0x253: {  	v2 =	vld [tilespmem:s10+$0xD0]  }
0x254: {  	v9 =	vld [tilespmem:s9+$0x30]  }
0x255: {  	v4 =	vld [tilespmem:s10+$0xFFFFFF40]  }
0x256: {  	v53 =	vld [tilespmem:s9+$0xD0]  }
0x257: {  	v7 =	vld [tilespmem:s9+$0xFFFFFF40]  }
0x258: {  	[tilespmem:v3+s4+$0x0] =	vst.idx.add.f32.msk $0xffff, v56  }
0x259: {  	[tilespmem:v54+s4+$0x0] =	vst.idx.add.f32.msk $0xffff, v9  }
0x25a: {  	v57 =	vld [tilespmem:s10+$0xFFFFFFC0]  }
0x25b: {  	[tilespmem:v2+s4+$0x0] =	vst.idx.add.f32.msk $0xffff, v53  }
0x25c: {  	v6 =	vld [tilespmem:s10+$0x40]  }
0x25d: {  	v2 =	vld [tilespmem:s10+$0xE0]  }
0x25e: {  	v8 =	vld [tilespmem:s9+$0xFFFFFFC0]  }
0x25f: {  	v9 =	vld [tilespmem:s9+$0x40]  }
0x260: {  	v3 =	vld [tilespmem:s9+$0xE0];
	_ =	sdelay $0x1  }
0x261: {  	[tilespmem:v4+s4+$0x0] =	vst.idx.add.f32.msk $0xffff, v7  }
0x262: {  	[tilespmem:v57+s4+$0x0] =	vst.idx.add.f32.msk $0xffff, v8  }
0x263: {  	[tilespmem:v6+s4+$0x0] =	vst.idx.add.f32.msk $0xffff, v9  }
0x264: {  	[tilespmem:v2+s4+$0x0] =	vst.idx.add.f32.msk $0xffff, v3  }
0x265: {  	v2 =	vld [tilespmem:s10+$0xFFFFFF50]  }
0x266: {  	v3 =	vld [tilespmem:s10+$0xFFFFFFD0]  }
0x267: {  	v58 =	vld [tilespmem:s10+$0x50]  }
0x268: {  	v59 =	vld [tilespmem:s9+$0xFFFFFF50]  }
0x269: {  	v60 =	vld [tilespmem:s9+$0xFFFFFFD0]  }
0x26a: {  	v61 =	vld [tilespmem:s9+$0x50]  }
0x26b: {  	v62 =	vld [tilespmem:s10+$0xF0]  }
0x26c: {  	v63 =	vld [tilespmem:s9+$0xF0]  }
0x26d: {  	[tilespmem:v2+s4+$0x0] =	vst.idx.add.f32.msk $0xffff, v59  }
0x26e: {  	[tilespmem:v3+s4+$0x0] =	vst.idx.add.f32.msk $0xffff, v60  }
0x26f: {  	[tilespmem:v58+s4+$0x0] =	vst.idx.add.f32.msk $0xffff, v61  }
0x270: {  	v2 =	vld [tilespmem:s10+$0xFFFFFF60]  }
0x271: {  	v3 =	vld [tilespmem:s10+$0xFFFFFFE0]  }
0x272: {  	v4 =	vld [tilespmem:s10+$0x60]  }
0x273: {  	v5 =	vld [tilespmem:s9+$0xFFFFFF60]  }
0x274: {  	v6 =	vld [tilespmem:s9+$0xFFFFFFE0]  }
0x275: {  	v7 =	vld [tilespmem:s9+$0x60];
	_ =	sdelay $0x1  }
0x276: {  	[tilespmem:v62+s4+$0x0] =	vst.idx.add.f32.msk $0xffff, v63  }
0x277: {  	[tilespmem:v2+s4+$0x0] =	vst.idx.add.f32.msk $0xffff, v5  }
0x278: {  	[tilespmem:v3+s4+$0x0] =	vst.idx.add.f32.msk $0xffff, v6  }
0x279: {  	[tilespmem:v4+s4+$0x0] =	vst.idx.add.f32.msk $0xffff, v7  }
0x27a: {  	s13 =	simm.s32 $0x0;
	s12 =	simm.s32 $0x100;
	s14 =	simm.s32 $0x8000;
	v2 =	vld [tilespmem:s10+$0xFFFFFF70]  }
.LBB2_8:
0x27b: {  	v3 =	vld [tilespmem:s14+$0x80];
	s13 =	sadd.s32 $0x4, s13  }
0x27c: {  	v4 =	vld [tilespmem:s14+$0xFFFFFF80];
	p1 =	slt.u32 s13, $0x78  }
0x27d: {  	s9 =	sadd.s32 $0x200, s9;
	v5 =	vld [tilespmem:s14+$0x0]  }
0x27e: {  	v6 =	vld [tilespmem:s9+$0x80]  }
0x27f: {  	v7 =	vld [tilespmem:s14+$0xFFFFFF00]  }
0x280: {  	v8 =	vld [tilespmem:s9+$0xFFFFFF00]  }
0x281: {  	v9 =	vld [tilespmem:s9+$0xFFFFFF80]  }
0x282: {  	v10 =	vld [tilespmem:s9+$0x0]  }
0x283: {  	[tilespmem:v3+s4+$0x0] =	vst.idx.add.f32.msk $0xffff, v6  }
0x284: {  	v6 =	vld [tilespmem:s14+$0x90]  }
0x285: {  	v3 =	vld [tilespmem:s10+$0xFFFFFFF0]  }
0x286: {  	[tilespmem:v4+s4+$0x0] =	vst.idx.add.f32.msk $0xffff, v9  }
0x287: {  	v4 =	vld [tilespmem:s9+$0x90]  }
0x288: {  	[tilespmem:v7+s4+$0x0] =	vst.idx.add.f32.msk $0xffff, v8  }
0x289: {  	[tilespmem:v5+s4+$0x0] =	vst.idx.add.f32.msk $0xffff, v10  }
0x28a: {  	v5 =	vld [tilespmem:s14+$0xFFFFFF10]  }
0x28b: {  	v7 =	vld [tilespmem:s14+$0xFFFFFF90]  }
0x28c: {  	[tilespmem:v6+s4+$0x0] =	vst.idx.add.f32.msk $0xffff, v4  }
0x28d: {  	v6 =	vld [tilespmem:s14+$0xA0]  }
0x28e: {  	v8 =	vld [tilespmem:s14+$0x10]  }
0x28f: {  	v9 =	vld [tilespmem:s9+$0xFFFFFF10]  }
0x290: {  	v10 =	vld [tilespmem:s9+$0xA0]  }
0x291: {  	v11 =	vld [tilespmem:s9+$0xFFFFFF90]  }
0x292: {  	v12 =	vld [tilespmem:s9+$0x10]  }
0x293: {  	v4 =	vld [tilespmem:s10+$0x70];
	s10 =	smov.u32 s14  }
0x294: {  	[tilespmem:v5+s4+$0x0] =	vst.idx.add.f32.msk $0xffff, v9  }
0x295: {  	[tilespmem:v6+s4+$0x0] =	vst.idx.add.f32.msk $0xffff, v10  }
0x296: {  	v5 =	vld [tilespmem:s14+$0xB0]  }
0x297: {  	[tilespmem:v7+s4+$0x0] =	vst.idx.add.f32.msk $0xffff, v11  }
0x298: {  	[tilespmem:v8+s4+$0x0] =	vst.idx.add.f32.msk $0xffff, v12  }
0x299: {  	v6 =	vld [tilespmem:s9+$0xB0]  }
0x29a: {  	v7 =	vld [tilespmem:s14+$0xFFFFFF20]  }
0x29b: {  	v8 =	vld [tilespmem:s14+$0xFFFFFFA0]  }
0x29c: {  	v9 =	vld [tilespmem:s14+$0x20]  }
0x29d: {  	v10 =	vld [tilespmem:s9+$0xFFFFFF20]  }
0x29e: {  	[tilespmem:v5+s4+$0x0] =	vst.idx.add.f32.msk $0xffff, v6  }
0x29f: {  	v5 =	vld [tilespmem:s14+$0xC0]  }
0x2a0: {  	v6 =	vld [tilespmem:s9+$0xFFFFFFA0]  }
0x2a1: {  	v11 =	vld [tilespmem:s9+$0x20]  }
0x2a2: {  	v12 =	vld [tilespmem:s9+$0xC0]  }
0x2a3: {  	[tilespmem:v7+s4+$0x0] =	vst.idx.add.f32.msk $0xffff, v10  }
0x2a4: {  	v7 =	vld [tilespmem:s14+$0xFFFFFF30]  }
0x2a5: {  	[tilespmem:v8+s4+$0x0] =	vst.idx.add.f32.msk $0xffff, v6  }
0x2a6: {  	[tilespmem:v9+s4+$0x0] =	vst.idx.add.f32.msk $0xffff, v11  }
0x2a7: {  	[tilespmem:v5+s4+$0x0] =	vst.idx.add.f32.msk $0xffff, v12  }
0x2a8: {  	v5 =	vld [tilespmem:s14+$0xD0]  }
0x2a9: {  	v6 =	vld [tilespmem:s14+$0xFFFFFFB0]  }
0x2aa: {  	v8 =	vld [tilespmem:s14+$0x30]  }
0x2ab: {  	v9 =	vld [tilespmem:s9+$0xD0]  }
0x2ac: {  	v10 =	vld [tilespmem:s9+$0xFFFFFF30]  }
0x2ad: {  	v11 =	vld [tilespmem:s9+$0xFFFFFFB0]  }
0x2ae: {  	v12 =	vld [tilespmem:s9+$0x30]  }
0x2af: {  	v13 =	vld [tilespmem:s12+$0xFFFFFF70]  }
0x2b0: {  	[tilespmem:v5+s4+$0x0] =	vst.idx.add.f32.msk $0xffff, v9  }
0x2b1: {  	v5 =	vld [tilespmem:s14+$0xE0]  }
0x2b2: {  	[tilespmem:v7+s4+$0x0] =	vst.idx.add.f32.msk $0xffff, v10  }
0x2b3: {  	[tilespmem:v6+s4+$0x0] =	vst.idx.add.f32.msk $0xffff, v11  }
0x2b4: {  	v6 =	vld [tilespmem:s9+$0xE0]  }
0x2b5: {  	[tilespmem:v8+s4+$0x0] =	vst.idx.add.f32.msk $0xffff, v12  }
0x2b6: {  	v7 =	vld [tilespmem:s14+$0xFFFFFF40]  }
0x2b7: {  	v8 =	vld [tilespmem:s14+$0xFFFFFFC0]  }
0x2b8: {  	v9 =	vld [tilespmem:s14+$0x40]  }
0x2b9: {  	[tilespmem:v5+s4+$0x0] =	vst.idx.add.f32.msk $0xffff, v6  }
0x2ba: {  	v5 =	vld [tilespmem:s14+$0xF0]  }
0x2bb: {  	v6 =	vld [tilespmem:s9+$0xFFFFFF40]  }
0x2bc: {  	v10 =	vld [tilespmem:s9+$0xFFFFFFC0]  }
0x2bd: {  	v11 =	vld [tilespmem:s9+$0xF0]  }
0x2be: {  	v12 =	vld [tilespmem:s9+$0x40]  }
0x2bf: {  	v14 =	vld [tilespmem:s12+$0xFFFFFFF0]  }
0x2c0: {  	[tilespmem:v7+s4+$0x0] =	vst.idx.add.f32.msk $0xffff, v6  }
0x2c1: {  	[tilespmem:v8+s4+$0x0] =	vst.idx.add.f32.msk $0xffff, v10  }
0x2c2: {  	[tilespmem:v5+s4+$0x0] =	vst.idx.add.f32.msk $0xffff, v11  }
0x2c3: {  	[tilespmem:v9+s4+$0x0] =	vst.idx.add.f32.msk $0xffff, v12  }
0x2c4: {  	v5 =	vld [tilespmem:s14+$0xFFFFFF50]  }
0x2c5: {  	v6 =	vld [tilespmem:s14+$0xFFFFFFD0]  }
0x2c6: {  	v7 =	vld [tilespmem:s14+$0x50]  }
0x2c7: {  	v8 =	vld [tilespmem:s9+$0xFFFFFF50]  }
0x2c8: {  	v9 =	vld [tilespmem:s9+$0xFFFFFFD0]  }
0x2c9: {  	v10 =	vld [tilespmem:s9+$0x50]  }
0x2ca: {  	v11 =	vld [tilespmem:s12+$0x70];
	s12 =	smov.u32 s9  }
0x2cb: {  	[tilespmem:v2+s4+$0x0] =	vst.idx.add.f32.msk $0xffff, v13  }
0x2cc: {  	[tilespmem:v5+s4+$0x0] =	vst.idx.add.f32.msk $0xffff, v8  }
0x2cd: {  	[tilespmem:v6+s4+$0x0] =	vst.idx.add.f32.msk $0xffff, v9  }
0x2ce: {  	[tilespmem:v7+s4+$0x0] =	vst.idx.add.f32.msk $0xffff, v10  }
0x2cf: {  	v2 =	vld [tilespmem:s14+$0xFFFFFF60]  }
0x2d0: {  	v5 =	vld [tilespmem:s14+$0xFFFFFFE0]  }
0x2d1: {  	v6 =	vld [tilespmem:s14+$0x60]  }
0x2d2: {  	v7 =	vld [tilespmem:s9+$0xFFFFFF60]  }
0x2d3: {  	v8 =	vld [tilespmem:s9+$0xFFFFFFE0]  }
0x2d4: {  	v9 =	vld [tilespmem:s9+$0x60]  }
0x2d5: {  	[tilespmem:v3+s4+$0x0] =	vst.idx.add.f32.msk $0xffff, v14  }
.Ltmp3:
0x2d6: {  	[tilespmem:v4+s4+$0x0] =	vst.idx.add.f32.msk $0xffff, v11;
	(pc) =	sbr.rel @p1 .LBB2_8-.Ltmp3, $4  }
0x2d7: {  	[tilespmem:v2+s4+$0x0] =	vst.idx.add.f32.msk $0xffff, v7  }
0x2d8: {  	[tilespmem:v5+s4+$0x0] =	vst.idx.add.f32.msk $0xffff, v8  }
0x2d9: {  	[tilespmem:v6+s4+$0x0] =	vst.idx.add.f32.msk $0xffff, v9  }
0x2da: {  	s14 =	sadd.s32 $0x200, s14;
	v2 =	vld [tilespmem:s10+$0xFFFFFF70]  }
0x2db: {  	_ = 	snop  }
0x2dc: {  	v3 =	vld [tilespmem:s10+$0xFFFFFFF0]  }
0x2dd: {  	v4 =	vld [tilespmem:s10+$0x70]  }
0x2de: {  	v5 =	vld [tilespmem:s12+$0xFFFFFF70]  }
0x2df: {  	v6 =	vld [tilespmem:s12+$0xFFFFFFF0]  }
0x2e0: {  	v7 =	vld [tilespmem:s12+$0x70];
	_ =	sdelay $0x2  }
0x2e1: {  	[tilespmem:v2+s4+$0x0] =	vst.idx.add.f32.msk $0xffff, v5  }
0x2e2: {  	[tilespmem:v3+s4+$0x0] =	vst.idx.add.f32.msk $0xffff, v6  }
0x2e3: {  	[tilespmem:v4+s4+$0x0] =	vst.idx.add.f32.msk $0xffff, v7  }
0x2e4: {  	v2 =	vld [tilespmem:$0xBB00];
	_ =	sdelay $0x2  }
0x2e5: {  	v3 =	vld [tilespmem:$0x3E00];
	_ =	sdelay $0x4  }
0x2e6: {  	[tilespmem:v2+s4+$0x0] =	vst.idx.add.f32.msk $0xffff, v3  }
0x2e7: {  	v2 =	vld [tilespmem:$0xBB10];
	_ =	sdelay $0x2  }
0x2e8: {  	v3 =	vld [tilespmem:$0x3E10];
	_ =	sdelay $0x4  }
0x2e9: {  	[tilespmem:v2+s4+$0x0] =	vst.idx.add.f32.msk $0xffff, v3  }
0x2ea: {  	v2 =	vld [tilespmem:$0xBB20];
	_ =	sdelay $0x2  }
0x2eb: {  	v3 =	vld [tilespmem:$0x3E20];
	_ =	sdelay $0x4  }
0x2ec: {  	[tilespmem:v2+s4+$0x0] =	vst.idx.add.f32.msk $0xffff, v3  }
0x2ed: {  	v2 =	vld [tilespmem:$0xBB30];
	_ =	sdelay $0x2  }
0x2ee: {  	v3 =	vld [tilespmem:$0x3E30];
	_ =	sdelay $0x4  }
0x2ef: {  	[tilespmem:v2+s4+$0x0] =	vst.idx.add.f32.msk $0xffff, v3  }
0x2f0: {  	v2 =	vld [tilespmem:$0xBB40];
	_ =	sdelay $0x2  }
0x2f1: {  	v3 =	vld [tilespmem:$0x3E40];
	_ =	sdelay $0x4  }
0x2f2: {  	[tilespmem:v2+s4+$0x0] =	vst.idx.add.f32.msk $0xffff, v3  }
0x2f3: {  	v2 =	vld [tilespmem:$0xBB50];
	_ =	sdelay $0x2  }
0x2f4: {  	v3 =	vld [tilespmem:$0x3E50];
	_ =	sdelay $0x4  }
0x2f5: {  	[tilespmem:v2+s4+$0x0] =	vst.idx.add.f32.msk $0xffff, v3  }
0x2f6: {  	v2 =	vld [tilespmem:$0xBB60];
	_ =	sdelay $0x2  }
0x2f7: {  	v3 =	vld [tilespmem:$0x3E60];
	_ =	sdelay $0x4  }
0x2f8: {  	[tilespmem:v2+s4+$0x0] =	vst.idx.add.f32.msk $0xffff, v3  }
0x2f9: {  	v2 =	vld [tilespmem:$0xBB70];
	_ =	sdelay $0x2  }
0x2fa: {  	v3 =	vld [tilespmem:$0x3E70];
	_ =	sdelay $0x4  }
0x2fb: {  	[tilespmem:v2+s4+$0x0] =	vst.idx.add.f32.msk $0xffff, v3  }
0x2fc: {  	_ =	swait.ge [sflag:s0], $0x3E80  }
0x2fd: {  	[sflag:s0] =	ssyncset.done $0x0  }
0x2fe: {  	[sflag:s0] =	ssyncadd.s32 $0xFFFFC180  }
0x2ff: {  	_ =	swait.ge [sflag:s1], $0x3E80  }
0x300: {  	[sflag:s1] =	ssyncset.done $0x0  }
0x301: {  	s9 =	simm.s32 $0x0;
	s14 =	rddreg [dreg:$0x9];
	[sflag:s1] =	ssyncadd.s32 $0xFFFFC180  }
0x302: {  	[tilespmem:s9], [sflag:$0x1] =	stream.strided.gather [hbm4b:s14+s29], $0x3E80, s30, s29, $0x38;
	[tilespmem:$0x17180] =	vst v63  }
0x303: {  	s9 =	simm.s32 $0x0  }
0x304: {  	[tilespmem:s22], [sflag:$0x2] =	stream.strided.gather [hbm4b:s17+s29], $0x3E80, s31, s29, $0x38;
	[tilespmem:$0x17180] =	vst v63  }
0x305: {  	v2 =	vld [tilespmem:s9+$0xBD00]  }
0x306: {  	v3 =	vld [tilespmem:s9+$0xBB80]  }
0x307: {  	v4 =	vld [tilespmem:s9+$0xBC00]  }
0x308: {  	v5 =	vld [tilespmem:s9+$0x4000]  }
0x309: {  	v6 =	vld [tilespmem:s9+$0xBC80]  }
0x30a: {  	v7 =	vld [tilespmem:s9+$0x3E80];
	_ =	sdelay $0x1  }
0x30b: {  	v8 =	vld [tilespmem:s9+$0x3F00]  }
0x30c: {  	v9 =	vld [tilespmem:s9+$0x3F80]  }
0x30d: {  	[tilespmem:v2+s4+$0x0] =	vst.idx.add.f32.msk $0xffff, v5  }
0x30e: {  	[tilespmem:v3+s4+$0x0] =	vst.idx.add.f32.msk $0xffff, v7  }
0x30f: {  	v2 =	vld [tilespmem:s9+$0xBD10]  }
0x310: {  	[tilespmem:v4+s4+$0x0] =	vst.idx.add.f32.msk $0xffff, v8  }
0x311: {  	[tilespmem:v6+s4+$0x0] =	vst.idx.add.f32.msk $0xffff, v9  }
0x312: {  	v3 =	vld [tilespmem:s9+$0x4010]  }
0x313: {  	v5 =	vld [tilespmem:s9+$0xBC10]  }
0x314: {  	v6 =	vld [tilespmem:s9+$0xBC90]  }
0x315: {  	v7 =	vld [tilespmem:s9+$0x3F10]  }
0x316: {  	v9 =	vld [tilespmem:s9+$0x3F90]  }
0x317: {  	[tilespmem:v2+s4+$0x0] =	vst.idx.add.f32.msk $0xffff, v3  }
0x318: {  	v2 =	vld [tilespmem:s9+$0xBD20]  }
0x319: {  	v4 =	vld [tilespmem:s9+$0xBB90]  }
0x31a: {  	v3 =	vld [tilespmem:s9+$0x3E90]  }
0x31b: {  	v60 =	vld [tilespmem:s9+$0x4020]  }
0x31c: {  	[tilespmem:v5+s4+$0x0] =	vst.idx.add.f32.msk $0xffff, v7  }
0x31d: {  	[tilespmem:v6+s4+$0x0] =	vst.idx.add.f32.msk $0xffff, v9  }
0x31e: {  	v5 =	vld [tilespmem:s9+$0xBC20]  }
0x31f: {  	v61 =	vld [tilespmem:s9+$0x3F20]  }
0x320: {  	[tilespmem:v2+s4+$0x0] =	vst.idx.add.f32.msk $0xffff, v60  }
0x321: {  	v2 =	vld [tilespmem:s9+$0xBD30]  }
0x322: {  	[tilespmem:v4+s4+$0x0] =	vst.idx.add.f32.msk $0xffff, v3  }
0x323: {  	v3 =	vld [tilespmem:s9+$0xBBA0]  }
0x324: {  	v4 =	vld [tilespmem:s9+$0x4030]  }
0x325: {  	v6 =	vld [tilespmem:s9+$0xBCA0]  }
0x326: {  	v7 =	vld [tilespmem:s9+$0x3EA0]  }
0x327: {  	[tilespmem:v5+s4+$0x0] =	vst.idx.add.f32.msk $0xffff, v61  }
0x328: {  	v8 =	vld [tilespmem:s9+$0x3F30]  }
0x329: {  	[tilespmem:v2+s4+$0x0] =	vst.idx.add.f32.msk $0xffff, v4  }
0x32a: {  	v4 =	vld [tilespmem:s9+$0x3FA0]  }
0x32b: {  	v2 =	vld [tilespmem:s9+$0xBD40]  }
0x32c: {  	[tilespmem:v3+s4+$0x0] =	vst.idx.add.f32.msk $0xffff, v7  }
0x32d: {  	v5 =	vld [tilespmem:s9+$0xBBB0]  }
0x32e: {  	v3 =	vld [tilespmem:s9+$0x4040]  }
0x32f: {  	[tilespmem:v6+s4+$0x0] =	vst.idx.add.f32.msk $0xffff, v4  }
0x330: {  	v4 =	vld [tilespmem:s9+$0xBC30]  }
0x331: {  	v6 =	vld [tilespmem:s9+$0x3EB0]  }
0x332: {  	v9 =	vld [tilespmem:s9+$0x3FB0]  }
0x333: {  	[tilespmem:v2+s4+$0x0] =	vst.idx.add.f32.msk $0xffff, v3  }
0x334: {  	v3 =	vld [tilespmem:s9+$0xBCB0]  }
0x335: {  	v2 =	vld [tilespmem:s9+$0xBD50]  }
0x336: {  	v7 =	vld [tilespmem:s9+$0x4050]  }
0x337: {  	[tilespmem:v5+s4+$0x0] =	vst.idx.add.f32.msk $0xffff, v6  }
0x338: {  	[tilespmem:v4+s4+$0x0] =	vst.idx.add.f32.msk $0xffff, v8  }
0x339: {  	v4 =	vld [tilespmem:s9+$0xBBC0]  }
0x33a: {  	v5 =	vld [tilespmem:s9+$0xBC40]  }
0x33b: {  	v8 =	vld [tilespmem:s9+$0x3F40]  }
0x33c: {  	[tilespmem:v3+s4+$0x0] =	vst.idx.add.f32.msk $0xffff, v9  }
0x33d: {  	[tilespmem:v2+s4+$0x0] =	vst.idx.add.f32.msk $0xffff, v7  }
0x33e: {  	v6 =	vld [tilespmem:s9+$0xBCC0]  }
0x33f: {  	v2 =	vld [tilespmem:s9+$0xBD60]  }
0x340: {  	v7 =	vld [tilespmem:s9+$0x3EC0]  }
0x341: {  	v9 =	vld [tilespmem:s9+$0x3FC0]  }
0x342: {  	v3 =	vld [tilespmem:s9+$0x4060];
	_ =	sdelay $0x1  }
0x343: {  	[tilespmem:v5+s4+$0x0] =	vst.idx.add.f32.msk $0xffff, v8  }
0x344: {  	[tilespmem:v4+s4+$0x0] =	vst.idx.add.f32.msk $0xffff, v7  }
0x345: {  	[tilespmem:v6+s4+$0x0] =	vst.idx.add.f32.msk $0xffff, v9  }
0x346: {  	[tilespmem:v2+s4+$0x0] =	vst.idx.add.f32.msk $0xffff, v3  }
0x347: {  	v2 =	vld [tilespmem:s9+$0xBBD0]  }
0x348: {  	v3 =	vld [tilespmem:s9+$0xBC50]  }
0x349: {  	v4 =	vld [tilespmem:s9+$0xBCD0]  }
0x34a: {  	v5 =	vld [tilespmem:s9+$0x3ED0]  }
0x34b: {  	v6 =	vld [tilespmem:s9+$0x3F50]  }
0x34c: {  	v7 =	vld [tilespmem:s9+$0x3FD0]  }
0x34d: {  	v62 =	vld [tilespmem:s9+$0xBD70]  }
0x34e: {  	v63 =	vld [tilespmem:s9+$0x4070]  }
0x34f: {  	[tilespmem:v2+s4+$0x0] =	vst.idx.add.f32.msk $0xffff, v5  }
0x350: {  	[tilespmem:v3+s4+$0x0] =	vst.idx.add.f32.msk $0xffff, v6  }
0x351: {  	[tilespmem:v4+s4+$0x0] =	vst.idx.add.f32.msk $0xffff, v7  }
0x352: {  	v2 =	vld [tilespmem:s9+$0xBBE0]  }
0x353: {  	v3 =	vld [tilespmem:s9+$0xBC60]  }
0x354: {  	v4 =	vld [tilespmem:s9+$0xBCE0]  }
0x355: {  	v5 =	vld [tilespmem:s9+$0x3EE0]  }
0x356: {  	v6 =	vld [tilespmem:s9+$0x3F60]  }
0x357: {  	v7 =	vld [tilespmem:s9+$0x3FE0];
	_ =	sdelay $0x1  }
0x358: {  	[tilespmem:v62+s4+$0x0] =	vst.idx.add.f32.msk $0xffff, v63  }
0x359: {  	[tilespmem:v2+s4+$0x0] =	vst.idx.add.f32.msk $0xffff, v5  }
0x35a: {  	[tilespmem:v3+s4+$0x0] =	vst.idx.add.f32.msk $0xffff, v6  }
0x35b: {  	[tilespmem:v4+s4+$0x0] =	vst.idx.add.f32.msk $0xffff, v7  }
0x35c: {  	v4 =	vld [tilespmem:s9+$0xBBF0]  }
0x35d: {  	s10 =	simm.s32 $0x0;
	s12 =	simm.s32 $0x800;
	v2 =	vld [tilespmem:s9+$0xBC70]  }
.LBB2_10:
0x35e: {  	s13 =	sshra.s32 s12, $0x2;
	s10 =	sadd.s32 $0x4, s10;
	v3 =	vld [tilespmem:s9+$0xBCF0]  }
0x35f: {  	v5 =	vld [tilespmem:s13+$0xBD00];
	p1 =	slt.u32 s10, $0x78  }
0x360: {  	v6 =	vld [tilespmem:s13+$0xBB80]  }
0x361: {  	v7 =	vld [tilespmem:s13+$0xBC00]  }
0x362: {  	v8 =	vld [tilespmem:s13+$0x4000]  }
0x363: {  	v9 =	vld [tilespmem:s13+$0xBC80]  }
0x364: {  	v10 =	vld [tilespmem:s13+$0x3E80]  }
0x365: {  	v11 =	vld [tilespmem:s13+$0x3F00]  }
0x366: {  	v12 =	vld [tilespmem:s13+$0x3F80]  }
0x367: {  	[tilespmem:v5+s4+$0x0] =	vst.idx.add.f32.msk $0xffff, v8  }
0x368: {  	v5 =	vld [tilespmem:s13+$0xBD10]  }
0x369: {  	[tilespmem:v6+s4+$0x0] =	vst.idx.add.f32.msk $0xffff, v10  }
0x36a: {  	[tilespmem:v7+s4+$0x0] =	vst.idx.add.f32.msk $0xffff, v11  }
0x36b: {  	v6 =	vld [tilespmem:s13+$0x4010]  }
0x36c: {  	[tilespmem:v9+s4+$0x0] =	vst.idx.add.f32.msk $0xffff, v12  }
0x36d: {  	v7 =	vld [tilespmem:s13+$0xBB90]  }
0x36e: {  	v8 =	vld [tilespmem:s13+$0xBC10]  }
0x36f: {  	v9 =	vld [tilespmem:s13+$0xBC90]  }
0x370: {  	[tilespmem:v5+s4+$0x0] =	vst.idx.add.f32.msk $0xffff, v6  }
0x371: {  	v5 =	vld [tilespmem:s13+$0xBD20]  }
0x372: {  	v6 =	vld [tilespmem:s13+$0x3E90]  }
0x373: {  	v10 =	vld [tilespmem:s13+$0x3F10]  }
0x374: {  	v11 =	vld [tilespmem:s13+$0x4020]  }
0x375: {  	v12 =	vld [tilespmem:s13+$0x3F90]  }
0x376: {  	v13 =	vld [tilespmem:s9+$0x3EF0]  }
0x377: {  	[tilespmem:v7+s4+$0x0] =	vst.idx.add.f32.msk $0xffff, v6  }
0x378: {  	[tilespmem:v8+s4+$0x0] =	vst.idx.add.f32.msk $0xffff, v10  }
0x379: {  	[tilespmem:v5+s4+$0x0] =	vst.idx.add.f32.msk $0xffff, v11  }
0x37a: {  	v5 =	vld [tilespmem:s13+$0xBD30]  }
0x37b: {  	[tilespmem:v9+s4+$0x0] =	vst.idx.add.f32.msk $0xffff, v12  }
0x37c: {  	v6 =	vld [tilespmem:s13+$0xBBA0]  }
0x37d: {  	v7 =	vld [tilespmem:s13+$0x4030]  }
0x37e: {  	v8 =	vld [tilespmem:s13+$0xBC20]  }
0x37f: {  	v9 =	vld [tilespmem:s13+$0xBCA0]  }
0x380: {  	v10 =	vld [tilespmem:s13+$0x3EA0]  }
0x381: {  	v11 =	vld [tilespmem:s13+$0x3F20]  }
0x382: {  	[tilespmem:v5+s4+$0x0] =	vst.idx.add.f32.msk $0xffff, v7  }
0x383: {  	v5 =	vld [tilespmem:s13+$0xBD40]  }
0x384: {  	v7 =	vld [tilespmem:s13+$0x3FA0]  }
0x385: {  	[tilespmem:v6+s4+$0x0] =	vst.idx.add.f32.msk $0xffff, v10  }
0x386: {  	v6 =	vld [tilespmem:s13+$0x4040]  }
0x387: {  	[tilespmem:v8+s4+$0x0] =	vst.idx.add.f32.msk $0xffff, v11  }
0x388: {  	v8 =	vld [tilespmem:s13+$0xBBB0]  }
0x389: {  	[tilespmem:v9+s4+$0x0] =	vst.idx.add.f32.msk $0xffff, v7  }
0x38a: {  	v7 =	vld [tilespmem:s13+$0xBC30]  }
0x38b: {  	[tilespmem:v5+s4+$0x0] =	vst.idx.add.f32.msk $0xffff, v6  }
0x38c: {  	v5 =	vld [tilespmem:s13+$0xBD50]  }
0x38d: {  	v6 =	vld [tilespmem:s13+$0xBCB0]  }
0x38e: {  	v9 =	vld [tilespmem:s13+$0x3EB0]  }
0x38f: {  	v10 =	vld [tilespmem:s13+$0x4050]  }
0x390: {  	v11 =	vld [tilespmem:s13+$0x3F30]  }
0x391: {  	v12 =	vld [tilespmem:s13+$0x3FB0]  }
0x392: {  	v14 =	vld [tilespmem:s9+$0x3F70]  }
0x393: {  	[tilespmem:v8+s4+$0x0] =	vst.idx.add.f32.msk $0xffff, v9  }
0x394: {  	[tilespmem:v5+s4+$0x0] =	vst.idx.add.f32.msk $0xffff, v10  }
0x395: {  	v5 =	vld [tilespmem:s13+$0xBD60]  }
0x396: {  	[tilespmem:v7+s4+$0x0] =	vst.idx.add.f32.msk $0xffff, v11  }
0x397: {  	[tilespmem:v6+s4+$0x0] =	vst.idx.add.f32.msk $0xffff, v12  }
0x398: {  	v6 =	vld [tilespmem:s13+$0x4060]  }
0x399: {  	v7 =	vld [tilespmem:s13+$0xBBC0]  }
0x39a: {  	v8 =	vld [tilespmem:s13+$0xBC40]  }
0x39b: {  	v9 =	vld [tilespmem:s13+$0xBCC0]  }
0x39c: {  	v10 =	vld [tilespmem:s13+$0x3EC0]  }
0x39d: {  	[tilespmem:v5+s4+$0x0] =	vst.idx.add.f32.msk $0xffff, v6  }
0x39e: {  	v5 =	vld [tilespmem:s13+$0xBD70]  }
0x39f: {  	v6 =	vld [tilespmem:s13+$0x3F40]  }
0x3a0: {  	v11 =	vld [tilespmem:s13+$0x3FC0]  }
0x3a1: {  	v12 =	vld [tilespmem:s13+$0x4070]  }
0x3a2: {  	[tilespmem:v7+s4+$0x0] =	vst.idx.add.f32.msk $0xffff, v10  }
0x3a3: {  	v7 =	vld [tilespmem:s13+$0xBBD0]  }
0x3a4: {  	[tilespmem:v8+s4+$0x0] =	vst.idx.add.f32.msk $0xffff, v6  }
0x3a5: {  	[tilespmem:v9+s4+$0x0] =	vst.idx.add.f32.msk $0xffff, v11  }
0x3a6: {  	[tilespmem:v5+s4+$0x0] =	vst.idx.add.f32.msk $0xffff, v12  }
0x3a7: {  	v5 =	vld [tilespmem:s13+$0xBC50]  }
0x3a8: {  	v6 =	vld [tilespmem:s13+$0xBCD0]  }
0x3a9: {  	v8 =	vld [tilespmem:s13+$0x3ED0]  }
0x3aa: {  	v9 =	vld [tilespmem:s13+$0x3F50]  }
0x3ab: {  	v10 =	vld [tilespmem:s13+$0x3FD0]  }
0x3ac: {  	v11 =	vld [tilespmem:s9+$0x3FF0];
	s9 =	smov.u32 s13  }
0x3ad: {  	[tilespmem:v4+s4+$0x0] =	vst.idx.add.f32.msk $0xffff, v13  }
0x3ae: {  	[tilespmem:v7+s4+$0x0] =	vst.idx.add.f32.msk $0xffff, v8  }
0x3af: {  	[tilespmem:v5+s4+$0x0] =	vst.idx.add.f32.msk $0xffff, v9  }
0x3b0: {  	[tilespmem:v6+s4+$0x0] =	vst.idx.add.f32.msk $0xffff, v10  }
0x3b1: {  	v4 =	vld [tilespmem:s9+$0xBBE0]  }
0x3b2: {  	v5 =	vld [tilespmem:s9+$0xBC60]  }
0x3b3: {  	v6 =	vld [tilespmem:s9+$0xBCE0]  }
0x3b4: {  	v7 =	vld [tilespmem:s9+$0x3EE0]  }
0x3b5: {  	v8 =	vld [tilespmem:s9+$0x3F60]  }
0x3b6: {  	v9 =	vld [tilespmem:s9+$0x3FE0]  }
0x3b7: {  	[tilespmem:v2+s4+$0x0] =	vst.idx.add.f32.msk $0xffff, v14  }
0x3b8: {  	[tilespmem:v3+s4+$0x0] =	vst.idx.add.f32.msk $0xffff, v11  }
.Ltmp4:
0x3b9: {  	[tilespmem:v4+s4+$0x0] =	vst.idx.add.f32.msk $0xffff, v7;
	(pc) =	sbr.rel @p1 .LBB2_10-.Ltmp4, $4  }
0x3ba: {  	[tilespmem:v5+s4+$0x0] =	vst.idx.add.f32.msk $0xffff, v8  }
0x3bb: {  	[tilespmem:v6+s4+$0x0] =	vst.idx.add.f32.msk $0xffff, v9  }
0x3bc: {  	v4 =	vld [tilespmem:s9+$0xBBF0]  }
0x3bd: {  	s12 =	sadd.s32 $0x800, s12;
	v2 =	vld [tilespmem:s9+$0xBC70]  }
0x3be: {  	_ = 	snop  }
0x3bf: {  	v3 =	vld [tilespmem:s9+$0xBCF0]  }
0x3c0: {  	v5 =	vld [tilespmem:s9+$0x3EF0]  }
0x3c1: {  	v6 =	vld [tilespmem:s9+$0x3F70]  }
0x3c2: {  	v7 =	vld [tilespmem:s9+$0x3FF0];
	_ =	sdelay $0x2  }
0x3c3: {  	[tilespmem:v4+s4+$0x0] =	vst.idx.add.f32.msk $0xffff, v5  }
0x3c4: {  	[tilespmem:v2+s4+$0x0] =	vst.idx.add.f32.msk $0xffff, v6  }
0x3c5: {  	[tilespmem:v3+s4+$0x0] =	vst.idx.add.f32.msk $0xffff, v7  }
0x3c6: {  	v2 =	vld [tilespmem:$0xF980];
	_ =	sdelay $0x2  }
0x3c7: {  	v3 =	vld [tilespmem:$0x7C80];
	_ =	sdelay $0x4  }
0x3c8: {  	[tilespmem:v2+s4+$0x0] =	vst.idx.add.f32.msk $0xffff, v3  }
0x3c9: {  	v2 =	vld [tilespmem:$0xF990];
	_ =	sdelay $0x2  }
0x3ca: {  	v3 =	vld [tilespmem:$0x7C90];
	_ =	sdelay $0x4  }
0x3cb: {  	[tilespmem:v2+s4+$0x0] =	vst.idx.add.f32.msk $0xffff, v3  }
0x3cc: {  	v2 =	vld [tilespmem:$0xF9A0];
	_ =	sdelay $0x2  }
0x3cd: {  	v3 =	vld [tilespmem:$0x7CA0];
	_ =	sdelay $0x4  }
0x3ce: {  	[tilespmem:v2+s4+$0x0] =	vst.idx.add.f32.msk $0xffff, v3  }
0x3cf: {  	v2 =	vld [tilespmem:$0xF9B0];
	_ =	sdelay $0x2  }
0x3d0: {  	v3 =	vld [tilespmem:$0x7CB0];
	_ =	sdelay $0x4  }
0x3d1: {  	[tilespmem:v2+s4+$0x0] =	vst.idx.add.f32.msk $0xffff, v3  }
0x3d2: {  	v2 =	vld [tilespmem:$0xF9C0];
	_ =	sdelay $0x2  }
0x3d3: {  	v3 =	vld [tilespmem:$0x7CC0];
	_ =	sdelay $0x4  }
0x3d4: {  	[tilespmem:v2+s4+$0x0] =	vst.idx.add.f32.msk $0xffff, v3  }
0x3d5: {  	v2 =	vld [tilespmem:$0xF9D0];
	_ =	sdelay $0x2  }
0x3d6: {  	v3 =	vld [tilespmem:$0x7CD0];
	_ =	sdelay $0x4  }
0x3d7: {  	[tilespmem:v2+s4+$0x0] =	vst.idx.add.f32.msk $0xffff, v3  }
0x3d8: {  	v2 =	vld [tilespmem:$0xF9E0];
	_ =	sdelay $0x2  }
0x3d9: {  	v3 =	vld [tilespmem:$0x7CE0];
	_ =	sdelay $0x4  }
0x3da: {  	[tilespmem:v2+s4+$0x0] =	vst.idx.add.f32.msk $0xffff, v3  }
0x3db: {  	v2 =	vld [tilespmem:$0xF9F0];
	_ =	sdelay $0x2  }
0x3dc: {  	v3 =	vld [tilespmem:$0x7CF0];
	_ =	sdelay $0x4  }
0x3dd: {  	[tilespmem:v2+s4+$0x0] =	vst.idx.add.f32.msk $0xffff, v3  }
0x3de: {  	_ =	swait.ge [sflag:s0], $0x3E80  }
0x3df: {  	[sflag:s0] =	ssyncset.done $0x0  }
0x3e0: {  	[sflag:s0] =	ssyncadd.s32 $0xFFFFC180  }
0x3e1: {  	_ =	swait.ge [sflag:s1], $0x3E80  }
0x3e2: {  	[sflag:s1] =	ssyncset.done $0x0  }
0x3e3: {  	s14 =	rddreg [dreg:$0xa];
	[sflag:s1] =	ssyncadd.s32 $0xFFFFC180  }
0x3e4: {  	[tilespmem:s2], [sflag:$0x1] =	stream.strided.gather [hbm4b:s14+s29], $0x3E80, s30, s29, $0x38;
	[tilespmem:$0x17180] =	vst v63  }
0x3e5: {  	s9 =	simm.s32 $0x100;
	s10 =	simm.s32 $0x7E00  }
0x3e6: {  	[tilespmem:s3], [sflag:$0x2] =	stream.strided.gather [hbm4b:s18+s29], $0x3E80, s9, s29, $0x38;
	[tilespmem:$0x17180] =	vst v63  }
0x3e7: {  	v2 =	vld [tilespmem:s10+$0x80];
	_ =	sdelay $0x1  }
0x3e8: {  	v3 =	vld [tilespmem:s9+$0x80]  }
0x3e9: {  	v39 =	vld [tilespmem:s10+$0xFFFFFF80]  }
0x3ea: {  	v40 =	vld [tilespmem:s10+$0x0]  }
0x3eb: {  	v41 =	vld [tilespmem:s10+$0xFFFFFF00]  }
0x3ec: {  	v42 =	vld [tilespmem:s9+$0xFFFFFF80]  }
0x3ed: {  	v8 =	vld [tilespmem:s9+$0x0]  }
0x3ee: {  	[tilespmem:v2+s4+$0x0] =	vst.idx.add.f32.msk $0xffff, v3  }
0x3ef: {  	v3 =	vld [tilespmem:s9+$0xFFFFFF00]  }
0x3f0: {  	v2 =	vld [tilespmem:s10+$0x90]  }
0x3f1: {  	[tilespmem:v39+s4+$0x0] =	vst.idx.add.f32.msk $0xffff, v42  }
0x3f2: {  	[tilespmem:v40+s4+$0x0] =	vst.idx.add.f32.msk $0xffff, v8  }
0x3f3: {  	v9 =	vld [tilespmem:s9+$0x90]  }
0x3f4: {  	v4 =	vld [tilespmem:s10+$0xFFFFFF90]  }
0x3f5: {  	v46 =	vld [tilespmem:s9+$0xFFFFFF90]  }
0x3f6: {  	[tilespmem:v41+s4+$0x0] =	vst.idx.add.f32.msk $0xffff, v3  }
0x3f7: {  	v3 =	vld [tilespmem:s10+$0xFFFFFF10]  }
0x3f8: {  	[tilespmem:v2+s4+$0x0] =	vst.idx.add.f32.msk $0xffff, v9  }
0x3f9: {  	v2 =	vld [tilespmem:s10+$0xA0]  }
0x3fa: {  	v45 =	vld [tilespmem:s9+$0xFFFFFF10]  }
0x3fb: {  	v44 =	vld [tilespmem:s10+$0x10]  }
0x3fc: {  	v43 =	vld [tilespmem:s9+$0xA0]  }
0x3fd: {  	v47 =	vld [tilespmem:s9+$0x10]  }
0x3fe: {  	[tilespmem:v4+s4+$0x0] =	vst.idx.add.f32.msk $0xffff, v46  }
0x3ff: {  	[tilespmem:v3+s4+$0x0] =	vst.idx.add.f32.msk $0xffff, v45  }
0x400: {  	v48 =	vld [tilespmem:s10+$0xFFFFFF20]  }
0x401: {  	[tilespmem:v2+s4+$0x0] =	vst.idx.add.f32.msk $0xffff, v43  }
0x402: {  	v2 =	vld [tilespmem:s10+$0xB0]  }
0x403: {  	v50 =	vld [tilespmem:s9+$0xFFFFFF20]  }
0x404: {  	[tilespmem:v44+s4+$0x0] =	vst.idx.add.f32.msk $0xffff, v47  }
0x405: {  	v3 =	vld [tilespmem:s9+$0xB0]  }
0x406: {  	v49 =	vld [tilespmem:s10+$0xFFFFFFA0]  }
0x407: {  	v51 =	vld [tilespmem:s9+$0xFFFFFFA0]  }
0x408: {  	[tilespmem:v48+s4+$0x0] =	vst.idx.add.f32.msk $0xffff, v50  }
0x409: {  	v4 =	vld [tilespmem:s10+$0xFFFFFF30]  }
0x40a: {  	[tilespmem:v2+s4+$0x0] =	vst.idx.add.f32.msk $0xffff, v3  }
0x40b: {  	v3 =	vld [tilespmem:s10+$0x20]  }
0x40c: {  	v9 =	vld [tilespmem:s9+$0x20]  }
0x40d: {  	v55 =	vld [tilespmem:s9+$0xFFFFFF30]  }
0x40e: {  	v2 =	vld [tilespmem:s10+$0xC0]  }
0x40f: {  	[tilespmem:v49+s4+$0x0] =	vst.idx.add.f32.msk $0xffff, v51  }
0x410: {  	v56 =	vld [tilespmem:s9+$0xFFFFFFB0]  }
0x411: {  	v52 =	vld [tilespmem:s9+$0xC0]  }
0x412: {  	[tilespmem:v4+s4+$0x0] =	vst.idx.add.f32.msk $0xffff, v55  }
0x413: {  	[tilespmem:v3+s4+$0x0] =	vst.idx.add.f32.msk $0xffff, v9  }
0x414: {  	v3 =	vld [tilespmem:s10+$0xFFFFFFB0]  }
0x415: {  	v54 =	vld [tilespmem:s10+$0x30]  }
0x416: {  	[tilespmem:v2+s4+$0x0] =	vst.idx.add.f32.msk $0xffff, v52  }
0x417: {  	v2 =	vld [tilespmem:s10+$0xD0]  }
0x418: {  	v9 =	vld [tilespmem:s9+$0x30]  }
0x419: {  	v4 =	vld [tilespmem:s10+$0xFFFFFF40]  }
0x41a: {  	v53 =	vld [tilespmem:s9+$0xD0]  }
0x41b: {  	v7 =	vld [tilespmem:s9+$0xFFFFFF40]  }
0x41c: {  	[tilespmem:v3+s4+$0x0] =	vst.idx.add.f32.msk $0xffff, v56  }
0x41d: {  	[tilespmem:v54+s4+$0x0] =	vst.idx.add.f32.msk $0xffff, v9  }
0x41e: {  	v57 =	vld [tilespmem:s10+$0xFFFFFFC0]  }
0x41f: {  	[tilespmem:v2+s4+$0x0] =	vst.idx.add.f32.msk $0xffff, v53  }
0x420: {  	v6 =	vld [tilespmem:s10+$0x40]  }
0x421: {  	v2 =	vld [tilespmem:s10+$0xE0]  }
0x422: {  	v8 =	vld [tilespmem:s9+$0xFFFFFFC0]  }
0x423: {  	v9 =	vld [tilespmem:s9+$0x40]  }
0x424: {  	v3 =	vld [tilespmem:s9+$0xE0];
	_ =	sdelay $0x1  }
0x425: {  	[tilespmem:v4+s4+$0x0] =	vst.idx.add.f32.msk $0xffff, v7  }
0x426: {  	[tilespmem:v57+s4+$0x0] =	vst.idx.add.f32.msk $0xffff, v8  }
0x427: {  	[tilespmem:v6+s4+$0x0] =	vst.idx.add.f32.msk $0xffff, v9  }
0x428: {  	[tilespmem:v2+s4+$0x0] =	vst.idx.add.f32.msk $0xffff, v3  }
0x429: {  	v2 =	vld [tilespmem:s10+$0xFFFFFF50]  }
0x42a: {  	v3 =	vld [tilespmem:s10+$0xFFFFFFD0]  }
0x42b: {  	v58 =	vld [tilespmem:s10+$0x50]  }
0x42c: {  	v59 =	vld [tilespmem:s9+$0xFFFFFF50]  }
0x42d: {  	v60 =	vld [tilespmem:s9+$0xFFFFFFD0]  }
0x42e: {  	v61 =	vld [tilespmem:s9+$0x50]  }
0x42f: {  	v62 =	vld [tilespmem:s10+$0xF0]  }
0x430: {  	v63 =	vld [tilespmem:s9+$0xF0]  }
0x431: {  	[tilespmem:v2+s4+$0x0] =	vst.idx.add.f32.msk $0xffff, v59  }
0x432: {  	[tilespmem:v3+s4+$0x0] =	vst.idx.add.f32.msk $0xffff, v60  }
0x433: {  	[tilespmem:v58+s4+$0x0] =	vst.idx.add.f32.msk $0xffff, v61  }
0x434: {  	v2 =	vld [tilespmem:s10+$0xFFFFFF60]  }
0x435: {  	v3 =	vld [tilespmem:s10+$0xFFFFFFE0]  }
0x436: {  	v4 =	vld [tilespmem:s10+$0x60]  }
0x437: {  	v5 =	vld [tilespmem:s9+$0xFFFFFF60]  }
0x438: {  	v6 =	vld [tilespmem:s9+$0xFFFFFFE0]  }
0x439: {  	v7 =	vld [tilespmem:s9+$0x60];
	_ =	sdelay $0x1  }
0x43a: {  	[tilespmem:v62+s4+$0x0] =	vst.idx.add.f32.msk $0xffff, v63  }
0x43b: {  	[tilespmem:v2+s4+$0x0] =	vst.idx.add.f32.msk $0xffff, v5  }
0x43c: {  	[tilespmem:v3+s4+$0x0] =	vst.idx.add.f32.msk $0xffff, v6  }
0x43d: {  	[tilespmem:v4+s4+$0x0] =	vst.idx.add.f32.msk $0xffff, v7  }
0x43e: {  	s13 =	simm.s32 $0x0;
	s12 =	simm.s32 $0x100;
	s14 =	simm.s32 $0x8000;
	v2 =	vld [tilespmem:s10+$0xFFFFFF70]  }
.LBB2_12:
0x43f: {  	v3 =	vld [tilespmem:s14+$0x80];
	s13 =	sadd.s32 $0x4, s13  }
0x440: {  	v4 =	vld [tilespmem:s14+$0xFFFFFF80];
	p1 =	slt.u32 s13, $0x78  }
0x441: {  	s9 =	sadd.s32 $0x200, s9;
	v5 =	vld [tilespmem:s14+$0x0]  }
0x442: {  	v6 =	vld [tilespmem:s9+$0x80]  }
0x443: {  	v7 =	vld [tilespmem:s14+$0xFFFFFF00]  }
0x444: {  	v8 =	vld [tilespmem:s9+$0xFFFFFF00]  }
0x445: {  	v9 =	vld [tilespmem:s9+$0xFFFFFF80]  }
0x446: {  	v10 =	vld [tilespmem:s9+$0x0]  }
0x447: {  	[tilespmem:v3+s4+$0x0] =	vst.idx.add.f32.msk $0xffff, v6  }
0x448: {  	v6 =	vld [tilespmem:s14+$0x90]  }
0x449: {  	v3 =	vld [tilespmem:s10+$0xFFFFFFF0]  }
0x44a: {  	[tilespmem:v4+s4+$0x0] =	vst.idx.add.f32.msk $0xffff, v9  }
0x44b: {  	v4 =	vld [tilespmem:s9+$0x90]  }
0x44c: {  	[tilespmem:v7+s4+$0x0] =	vst.idx.add.f32.msk $0xffff, v8  }
0x44d: {  	[tilespmem:v5+s4+$0x0] =	vst.idx.add.f32.msk $0xffff, v10  }
0x44e: {  	v5 =	vld [tilespmem:s14+$0xFFFFFF10]  }
0x44f: {  	v7 =	vld [tilespmem:s14+$0xFFFFFF90]  }
0x450: {  	[tilespmem:v6+s4+$0x0] =	vst.idx.add.f32.msk $0xffff, v4  }
0x451: {  	v6 =	vld [tilespmem:s14+$0xA0]  }
0x452: {  	v8 =	vld [tilespmem:s14+$0x10]  }
0x453: {  	v9 =	vld [tilespmem:s9+$0xFFFFFF10]  }
0x454: {  	v10 =	vld [tilespmem:s9+$0xA0]  }
0x455: {  	v11 =	vld [tilespmem:s9+$0xFFFFFF90]  }
0x456: {  	v12 =	vld [tilespmem:s9+$0x10]  }
0x457: {  	v4 =	vld [tilespmem:s10+$0x70];
	s10 =	smov.u32 s14  }
0x458: {  	[tilespmem:v5+s4+$0x0] =	vst.idx.add.f32.msk $0xffff, v9  }
0x459: {  	[tilespmem:v6+s4+$0x0] =	vst.idx.add.f32.msk $0xffff, v10  }
0x45a: {  	v5 =	vld [tilespmem:s14+$0xB0]  }
0x45b: {  	[tilespmem:v7+s4+$0x0] =	vst.idx.add.f32.msk $0xffff, v11  }
0x45c: {  	[tilespmem:v8+s4+$0x0] =	vst.idx.add.f32.msk $0xffff, v12  }
0x45d: {  	v6 =	vld [tilespmem:s9+$0xB0]  }
0x45e: {  	v7 =	vld [tilespmem:s14+$0xFFFFFF20]  }
0x45f: {  	v8 =	vld [tilespmem:s14+$0xFFFFFFA0]  }
0x460: {  	v9 =	vld [tilespmem:s14+$0x20]  }
0x461: {  	v10 =	vld [tilespmem:s9+$0xFFFFFF20]  }
0x462: {  	[tilespmem:v5+s4+$0x0] =	vst.idx.add.f32.msk $0xffff, v6  }
0x463: {  	v5 =	vld [tilespmem:s14+$0xC0]  }
0x464: {  	v6 =	vld [tilespmem:s9+$0xFFFFFFA0]  }
0x465: {  	v11 =	vld [tilespmem:s9+$0x20]  }
0x466: {  	v12 =	vld [tilespmem:s9+$0xC0]  }
0x467: {  	[tilespmem:v7+s4+$0x0] =	vst.idx.add.f32.msk $0xffff, v10  }
0x468: {  	v7 =	vld [tilespmem:s14+$0xFFFFFF30]  }
0x469: {  	[tilespmem:v8+s4+$0x0] =	vst.idx.add.f32.msk $0xffff, v6  }
0x46a: {  	[tilespmem:v9+s4+$0x0] =	vst.idx.add.f32.msk $0xffff, v11  }
0x46b: {  	[tilespmem:v5+s4+$0x0] =	vst.idx.add.f32.msk $0xffff, v12  }
0x46c: {  	v5 =	vld [tilespmem:s14+$0xD0]  }
0x46d: {  	v6 =	vld [tilespmem:s14+$0xFFFFFFB0]  }
0x46e: {  	v8 =	vld [tilespmem:s14+$0x30]  }
0x46f: {  	v9 =	vld [tilespmem:s9+$0xD0]  }
0x470: {  	v10 =	vld [tilespmem:s9+$0xFFFFFF30]  }
0x471: {  	v11 =	vld [tilespmem:s9+$0xFFFFFFB0]  }
0x472: {  	v12 =	vld [tilespmem:s9+$0x30]  }
0x473: {  	v13 =	vld [tilespmem:s12+$0xFFFFFF70]  }
0x474: {  	[tilespmem:v5+s4+$0x0] =	vst.idx.add.f32.msk $0xffff, v9  }
0x475: {  	v5 =	vld [tilespmem:s14+$0xE0]  }
0x476: {  	[tilespmem:v7+s4+$0x0] =	vst.idx.add.f32.msk $0xffff, v10  }
0x477: {  	[tilespmem:v6+s4+$0x0] =	vst.idx.add.f32.msk $0xffff, v11  }
0x478: {  	v6 =	vld [tilespmem:s9+$0xE0]  }
0x479: {  	[tilespmem:v8+s4+$0x0] =	vst.idx.add.f32.msk $0xffff, v12  }
0x47a: {  	v7 =	vld [tilespmem:s14+$0xFFFFFF40]  }
0x47b: {  	v8 =	vld [tilespmem:s14+$0xFFFFFFC0]  }
0x47c: {  	v9 =	vld [tilespmem:s14+$0x40]  }
0x47d: {  	[tilespmem:v5+s4+$0x0] =	vst.idx.add.f32.msk $0xffff, v6  }
0x47e: {  	v5 =	vld [tilespmem:s14+$0xF0]  }
0x47f: {  	v6 =	vld [tilespmem:s9+$0xFFFFFF40]  }
0x480: {  	v10 =	vld [tilespmem:s9+$0xFFFFFFC0]  }
0x481: {  	v11 =	vld [tilespmem:s9+$0xF0]  }
0x482: {  	v12 =	vld [tilespmem:s9+$0x40]  }
0x483: {  	v14 =	vld [tilespmem:s12+$0xFFFFFFF0]  }
0x484: {  	[tilespmem:v7+s4+$0x0] =	vst.idx.add.f32.msk $0xffff, v6  }
0x485: {  	[tilespmem:v8+s4+$0x0] =	vst.idx.add.f32.msk $0xffff, v10  }
0x486: {  	[tilespmem:v5+s4+$0x0] =	vst.idx.add.f32.msk $0xffff, v11  }
0x487: {  	[tilespmem:v9+s4+$0x0] =	vst.idx.add.f32.msk $0xffff, v12  }
0x488: {  	v5 =	vld [tilespmem:s14+$0xFFFFFF50]  }
0x489: {  	v6 =	vld [tilespmem:s14+$0xFFFFFFD0]  }
0x48a: {  	v7 =	vld [tilespmem:s14+$0x50]  }
0x48b: {  	v8 =	vld [tilespmem:s9+$0xFFFFFF50]  }
0x48c: {  	v9 =	vld [tilespmem:s9+$0xFFFFFFD0]  }
0x48d: {  	v10 =	vld [tilespmem:s9+$0x50]  }
0x48e: {  	v11 =	vld [tilespmem:s12+$0x70];
	s12 =	smov.u32 s9  }
0x48f: {  	[tilespmem:v2+s4+$0x0] =	vst.idx.add.f32.msk $0xffff, v13  }
0x490: {  	[tilespmem:v5+s4+$0x0] =	vst.idx.add.f32.msk $0xffff, v8  }
0x491: {  	[tilespmem:v6+s4+$0x0] =	vst.idx.add.f32.msk $0xffff, v9  }
0x492: {  	[tilespmem:v7+s4+$0x0] =	vst.idx.add.f32.msk $0xffff, v10  }
0x493: {  	v2 =	vld [tilespmem:s14+$0xFFFFFF60]  }
0x494: {  	v5 =	vld [tilespmem:s14+$0xFFFFFFE0]  }
0x495: {  	v6 =	vld [tilespmem:s14+$0x60]  }
0x496: {  	v7 =	vld [tilespmem:s9+$0xFFFFFF60]  }
0x497: {  	v8 =	vld [tilespmem:s9+$0xFFFFFFE0]  }
0x498: {  	v9 =	vld [tilespmem:s9+$0x60]  }
0x499: {  	[tilespmem:v3+s4+$0x0] =	vst.idx.add.f32.msk $0xffff, v14  }
.Ltmp5:
0x49a: {  	[tilespmem:v4+s4+$0x0] =	vst.idx.add.f32.msk $0xffff, v11;
	(pc) =	sbr.rel @p1 .LBB2_12-.Ltmp5, $4  }
0x49b: {  	[tilespmem:v2+s4+$0x0] =	vst.idx.add.f32.msk $0xffff, v7  }
0x49c: {  	[tilespmem:v5+s4+$0x0] =	vst.idx.add.f32.msk $0xffff, v8  }
0x49d: {  	[tilespmem:v6+s4+$0x0] =	vst.idx.add.f32.msk $0xffff, v9  }
0x49e: {  	s14 =	sadd.s32 $0x200, s14;
	v2 =	vld [tilespmem:s10+$0xFFFFFF70]  }
0x49f: {  	_ = 	snop  }
0x4a0: {  	v3 =	vld [tilespmem:s10+$0xFFFFFFF0]  }
0x4a1: {  	v4 =	vld [tilespmem:s10+$0x70]  }
0x4a2: {  	v5 =	vld [tilespmem:s12+$0xFFFFFF70]  }
0x4a3: {  	v6 =	vld [tilespmem:s12+$0xFFFFFFF0]  }
0x4a4: {  	v7 =	vld [tilespmem:s12+$0x70];
	_ =	sdelay $0x2  }
0x4a5: {  	[tilespmem:v2+s4+$0x0] =	vst.idx.add.f32.msk $0xffff, v5  }
0x4a6: {  	[tilespmem:v3+s4+$0x0] =	vst.idx.add.f32.msk $0xffff, v6  }
0x4a7: {  	[tilespmem:v4+s4+$0x0] =	vst.idx.add.f32.msk $0xffff, v7  }
0x4a8: {  	v2 =	vld [tilespmem:$0xBB00];
	_ =	sdelay $0x2  }
0x4a9: {  	v3 =	vld [tilespmem:$0x3E00];
	_ =	sdelay $0x4  }
0x4aa: {  	[tilespmem:v2+s4+$0x0] =	vst.idx.add.f32.msk $0xffff, v3  }
0x4ab: {  	v2 =	vld [tilespmem:$0xBB10];
	_ =	sdelay $0x2  }
0x4ac: {  	v3 =	vld [tilespmem:$0x3E10];
	_ =	sdelay $0x4  }
0x4ad: {  	[tilespmem:v2+s4+$0x0] =	vst.idx.add.f32.msk $0xffff, v3  }
0x4ae: {  	v2 =	vld [tilespmem:$0xBB20];
	_ =	sdelay $0x2  }
0x4af: {  	v3 =	vld [tilespmem:$0x3E20];
	_ =	sdelay $0x4  }
0x4b0: {  	[tilespmem:v2+s4+$0x0] =	vst.idx.add.f32.msk $0xffff, v3  }
0x4b1: {  	v2 =	vld [tilespmem:$0xBB30];
	_ =	sdelay $0x2  }
0x4b2: {  	v3 =	vld [tilespmem:$0x3E30];
	_ =	sdelay $0x4  }
0x4b3: {  	[tilespmem:v2+s4+$0x0] =	vst.idx.add.f32.msk $0xffff, v3  }
0x4b4: {  	v2 =	vld [tilespmem:$0xBB40];
	_ =	sdelay $0x2  }
0x4b5: {  	v3 =	vld [tilespmem:$0x3E40];
	_ =	sdelay $0x4  }
0x4b6: {  	[tilespmem:v2+s4+$0x0] =	vst.idx.add.f32.msk $0xffff, v3  }
0x4b7: {  	v2 =	vld [tilespmem:$0xBB50];
	_ =	sdelay $0x2  }
0x4b8: {  	v3 =	vld [tilespmem:$0x3E50];
	_ =	sdelay $0x4  }
0x4b9: {  	[tilespmem:v2+s4+$0x0] =	vst.idx.add.f32.msk $0xffff, v3  }
0x4ba: {  	v2 =	vld [tilespmem:$0xBB60];
	_ =	sdelay $0x2  }
0x4bb: {  	v3 =	vld [tilespmem:$0x3E60];
	_ =	sdelay $0x4  }
0x4bc: {  	[tilespmem:v2+s4+$0x0] =	vst.idx.add.f32.msk $0xffff, v3  }
0x4bd: {  	v2 =	vld [tilespmem:$0xBB70];
	_ =	sdelay $0x2  }
0x4be: {  	v3 =	vld [tilespmem:$0x3E70];
	_ =	sdelay $0x4  }
0x4bf: {  	[tilespmem:v2+s4+$0x0] =	vst.idx.add.f32.msk $0xffff, v3  }
0x4c0: {  	_ =	swait.ge [sflag:s0], $0x3E80  }
0x4c1: {  	[sflag:s0] =	ssyncset.done $0x0  }
0x4c2: {  	[sflag:s0] =	ssyncadd.s32 $0xFFFFC180  }
0x4c3: {  	_ =	swait.ge [sflag:s1], $0x3E80  }
0x4c4: {  	[sflag:s1] =	ssyncset.done $0x0  }
0x4c5: {  	s9 =	simm.s32 $0x0;
	s14 =	rddreg [dreg:$0xb];
	[sflag:s1] =	ssyncadd.s32 $0xFFFFC180  }
0x4c6: {  	[tilespmem:s9], [sflag:$0x1] =	stream.strided.gather [hbm4b:s14+s29], $0x3E80, s30, s29, $0x38;
	[tilespmem:$0x17180] =	vst v63  }
0x4c7: {  	s9 =	simm.s32 $0x0  }
0x4c8: {  	[tilespmem:s22], [sflag:$0x2] =	stream.strided.gather [hbm4b:s19+s29], $0x3E80, s31, s29, $0x38;
	[tilespmem:$0x17180] =	vst v63  }
0x4c9: {  	v2 =	vld [tilespmem:s9+$0xBD00]  }
0x4ca: {  	v3 =	vld [tilespmem:s9+$0xBB80]  }
0x4cb: {  	v4 =	vld [tilespmem:s9+$0xBC00]  }
0x4cc: {  	v5 =	vld [tilespmem:s9+$0x4000]  }
0x4cd: {  	v6 =	vld [tilespmem:s9+$0xBC80]  }
0x4ce: {  	v7 =	vld [tilespmem:s9+$0x3E80];
	_ =	sdelay $0x1  }
0x4cf: {  	v8 =	vld [tilespmem:s9+$0x3F00]  }
0x4d0: {  	v9 =	vld [tilespmem:s9+$0x3F80]  }
0x4d1: {  	[tilespmem:v2+s4+$0x0] =	vst.idx.add.f32.msk $0xffff, v5  }
0x4d2: {  	[tilespmem:v3+s4+$0x0] =	vst.idx.add.f32.msk $0xffff, v7  }
0x4d3: {  	v2 =	vld [tilespmem:s9+$0xBD10]  }
0x4d4: {  	[tilespmem:v4+s4+$0x0] =	vst.idx.add.f32.msk $0xffff, v8  }
0x4d5: {  	[tilespmem:v6+s4+$0x0] =	vst.idx.add.f32.msk $0xffff, v9  }
0x4d6: {  	v3 =	vld [tilespmem:s9+$0x4010]  }
0x4d7: {  	v5 =	vld [tilespmem:s9+$0xBC10]  }
0x4d8: {  	v6 =	vld [tilespmem:s9+$0xBC90]  }
0x4d9: {  	v7 =	vld [tilespmem:s9+$0x3F10]  }
0x4da: {  	v9 =	vld [tilespmem:s9+$0x3F90]  }
0x4db: {  	[tilespmem:v2+s4+$0x0] =	vst.idx.add.f32.msk $0xffff, v3  }
0x4dc: {  	v2 =	vld [tilespmem:s9+$0xBD20]  }
0x4dd: {  	v4 =	vld [tilespmem:s9+$0xBB90]  }
0x4de: {  	v3 =	vld [tilespmem:s9+$0x3E90]  }
0x4df: {  	v60 =	vld [tilespmem:s9+$0x4020]  }
0x4e0: {  	[tilespmem:v5+s4+$0x0] =	vst.idx.add.f32.msk $0xffff, v7  }
0x4e1: {  	[tilespmem:v6+s4+$0x0] =	vst.idx.add.f32.msk $0xffff, v9  }
0x4e2: {  	v5 =	vld [tilespmem:s9+$0xBC20]  }
0x4e3: {  	v61 =	vld [tilespmem:s9+$0x3F20]  }
0x4e4: {  	[tilespmem:v2+s4+$0x0] =	vst.idx.add.f32.msk $0xffff, v60  }
0x4e5: {  	v2 =	vld [tilespmem:s9+$0xBD30]  }
0x4e6: {  	[tilespmem:v4+s4+$0x0] =	vst.idx.add.f32.msk $0xffff, v3  }
0x4e7: {  	v3 =	vld [tilespmem:s9+$0xBBA0]  }
0x4e8: {  	v4 =	vld [tilespmem:s9+$0x4030]  }
0x4e9: {  	v6 =	vld [tilespmem:s9+$0xBCA0]  }
0x4ea: {  	v7 =	vld [tilespmem:s9+$0x3EA0]  }
0x4eb: {  	[tilespmem:v5+s4+$0x0] =	vst.idx.add.f32.msk $0xffff, v61  }
0x4ec: {  	v8 =	vld [tilespmem:s9+$0x3F30]  }
0x4ed: {  	[tilespmem:v2+s4+$0x0] =	vst.idx.add.f32.msk $0xffff, v4  }
0x4ee: {  	v4 =	vld [tilespmem:s9+$0x3FA0]  }
0x4ef: {  	v2 =	vld [tilespmem:s9+$0xBD40]  }
0x4f0: {  	[tilespmem:v3+s4+$0x0] =	vst.idx.add.f32.msk $0xffff, v7  }
0x4f1: {  	v5 =	vld [tilespmem:s9+$0xBBB0]  }
0x4f2: {  	v3 =	vld [tilespmem:s9+$0x4040]  }
0x4f3: {  	[tilespmem:v6+s4+$0x0] =	vst.idx.add.f32.msk $0xffff, v4  }
0x4f4: {  	v4 =	vld [tilespmem:s9+$0xBC30]  }
0x4f5: {  	v6 =	vld [tilespmem:s9+$0x3EB0]  }
0x4f6: {  	v9 =	vld [tilespmem:s9+$0x3FB0]  }
0x4f7: {  	[tilespmem:v2+s4+$0x0] =	vst.idx.add.f32.msk $0xffff, v3  }
0x4f8: {  	v3 =	vld [tilespmem:s9+$0xBCB0]  }
0x4f9: {  	v2 =	vld [tilespmem:s9+$0xBD50]  }
0x4fa: {  	v7 =	vld [tilespmem:s9+$0x4050]  }
0x4fb: {  	[tilespmem:v5+s4+$0x0] =	vst.idx.add.f32.msk $0xffff, v6  }
0x4fc: {  	[tilespmem:v4+s4+$0x0] =	vst.idx.add.f32.msk $0xffff, v8  }
0x4fd: {  	v4 =	vld [tilespmem:s9+$0xBBC0]  }
0x4fe: {  	v5 =	vld [tilespmem:s9+$0xBC40]  }
0x4ff: {  	v8 =	vld [tilespmem:s9+$0x3F40]  }
0x500: {  	[tilespmem:v3+s4+$0x0] =	vst.idx.add.f32.msk $0xffff, v9  }
0x501: {  	[tilespmem:v2+s4+$0x0] =	vst.idx.add.f32.msk $0xffff, v7  }
0x502: {  	v6 =	vld [tilespmem:s9+$0xBCC0]  }
0x503: {  	v2 =	vld [tilespmem:s9+$0xBD60]  }
0x504: {  	v7 =	vld [tilespmem:s9+$0x3EC0]  }
0x505: {  	v9 =	vld [tilespmem:s9+$0x3FC0]  }
0x506: {  	v3 =	vld [tilespmem:s9+$0x4060];
	_ =	sdelay $0x1  }
0x507: {  	[tilespmem:v5+s4+$0x0] =	vst.idx.add.f32.msk $0xffff, v8  }
0x508: {  	[tilespmem:v4+s4+$0x0] =	vst.idx.add.f32.msk $0xffff, v7  }
0x509: {  	[tilespmem:v6+s4+$0x0] =	vst.idx.add.f32.msk $0xffff, v9  }
0x50a: {  	[tilespmem:v2+s4+$0x0] =	vst.idx.add.f32.msk $0xffff, v3  }
0x50b: {  	v2 =	vld [tilespmem:s9+$0xBBD0]  }
0x50c: {  	v3 =	vld [tilespmem:s9+$0xBC50]  }
0x50d: {  	v4 =	vld [tilespmem:s9+$0xBCD0]  }
0x50e: {  	v5 =	vld [tilespmem:s9+$0x3ED0]  }
0x50f: {  	v6 =	vld [tilespmem:s9+$0x3F50]  }
0x510: {  	v7 =	vld [tilespmem:s9+$0x3FD0]  }
0x511: {  	v62 =	vld [tilespmem:s9+$0xBD70]  }
0x512: {  	v63 =	vld [tilespmem:s9+$0x4070]  }
0x513: {  	[tilespmem:v2+s4+$0x0] =	vst.idx.add.f32.msk $0xffff, v5  }
0x514: {  	[tilespmem:v3+s4+$0x0] =	vst.idx.add.f32.msk $0xffff, v6  }
0x515: {  	[tilespmem:v4+s4+$0x0] =	vst.idx.add.f32.msk $0xffff, v7  }
0x516: {  	v2 =	vld [tilespmem:s9+$0xBBE0]  }
0x517: {  	v3 =	vld [tilespmem:s9+$0xBC60]  }
0x518: {  	v4 =	vld [tilespmem:s9+$0xBCE0]  }
0x519: {  	v5 =	vld [tilespmem:s9+$0x3EE0]  }
0x51a: {  	v6 =	vld [tilespmem:s9+$0x3F60]  }
0x51b: {  	v7 =	vld [tilespmem:s9+$0x3FE0];
	_ =	sdelay $0x1  }
0x51c: {  	[tilespmem:v62+s4+$0x0] =	vst.idx.add.f32.msk $0xffff, v63  }
0x51d: {  	[tilespmem:v2+s4+$0x0] =	vst.idx.add.f32.msk $0xffff, v5  }
0x51e: {  	[tilespmem:v3+s4+$0x0] =	vst.idx.add.f32.msk $0xffff, v6  }
0x51f: {  	[tilespmem:v4+s4+$0x0] =	vst.idx.add.f32.msk $0xffff, v7  }
0x520: {  	v4 =	vld [tilespmem:s9+$0xBBF0]  }
0x521: {  	s10 =	simm.s32 $0x0;
	s12 =	simm.s32 $0x800;
	v2 =	vld [tilespmem:s9+$0xBC70]  }
.LBB2_14:
0x522: {  	s13 =	sshra.s32 s12, $0x2;
	s10 =	sadd.s32 $0x4, s10;
	v3 =	vld [tilespmem:s9+$0xBCF0]  }
0x523: {  	v5 =	vld [tilespmem:s13+$0xBD00];
	p1 =	slt.u32 s10, $0x78  }
0x524: {  	v6 =	vld [tilespmem:s13+$0xBB80]  }
0x525: {  	v7 =	vld [tilespmem:s13+$0xBC00]  }
0x526: {  	v8 =	vld [tilespmem:s13+$0x4000]  }
0x527: {  	v9 =	vld [tilespmem:s13+$0xBC80]  }
0x528: {  	v10 =	vld [tilespmem:s13+$0x3E80]  }
0x529: {  	v11 =	vld [tilespmem:s13+$0x3F00]  }
0x52a: {  	v12 =	vld [tilespmem:s13+$0x3F80]  }
0x52b: {  	[tilespmem:v5+s4+$0x0] =	vst.idx.add.f32.msk $0xffff, v8  }
0x52c: {  	v5 =	vld [tilespmem:s13+$0xBD10]  }
0x52d: {  	[tilespmem:v6+s4+$0x0] =	vst.idx.add.f32.msk $0xffff, v10  }
0x52e: {  	[tilespmem:v7+s4+$0x0] =	vst.idx.add.f32.msk $0xffff, v11  }
0x52f: {  	v6 =	vld [tilespmem:s13+$0x4010]  }
0x530: {  	[tilespmem:v9+s4+$0x0] =	vst.idx.add.f32.msk $0xffff, v12  }
0x531: {  	v7 =	vld [tilespmem:s13+$0xBB90]  }
0x532: {  	v8 =	vld [tilespmem:s13+$0xBC10]  }
0x533: {  	v9 =	vld [tilespmem:s13+$0xBC90]  }
0x534: {  	[tilespmem:v5+s4+$0x0] =	vst.idx.add.f32.msk $0xffff, v6  }
0x535: {  	v5 =	vld [tilespmem:s13+$0xBD20]  }
0x536: {  	v6 =	vld [tilespmem:s13+$0x3E90]  }
0x537: {  	v10 =	vld [tilespmem:s13+$0x3F10]  }
0x538: {  	v11 =	vld [tilespmem:s13+$0x4020]  }
0x539: {  	v12 =	vld [tilespmem:s13+$0x3F90]  }
0x53a: {  	v13 =	vld [tilespmem:s9+$0x3EF0]  }
0x53b: {  	[tilespmem:v7+s4+$0x0] =	vst.idx.add.f32.msk $0xffff, v6  }
0x53c: {  	[tilespmem:v8+s4+$0x0] =	vst.idx.add.f32.msk $0xffff, v10  }
0x53d: {  	[tilespmem:v5+s4+$0x0] =	vst.idx.add.f32.msk $0xffff, v11  }
0x53e: {  	v5 =	vld [tilespmem:s13+$0xBD30]  }
0x53f: {  	[tilespmem:v9+s4+$0x0] =	vst.idx.add.f32.msk $0xffff, v12  }
0x540: {  	v6 =	vld [tilespmem:s13+$0xBBA0]  }
0x541: {  	v7 =	vld [tilespmem:s13+$0x4030]  }
0x542: {  	v8 =	vld [tilespmem:s13+$0xBC20]  }
0x543: {  	v9 =	vld [tilespmem:s13+$0xBCA0]  }
0x544: {  	v10 =	vld [tilespmem:s13+$0x3EA0]  }
0x545: {  	v11 =	vld [tilespmem:s13+$0x3F20]  }
0x546: {  	[tilespmem:v5+s4+$0x0] =	vst.idx.add.f32.msk $0xffff, v7  }
0x547: {  	v5 =	vld [tilespmem:s13+$0xBD40]  }
0x548: {  	v7 =	vld [tilespmem:s13+$0x3FA0]  }
0x549: {  	[tilespmem:v6+s4+$0x0] =	vst.idx.add.f32.msk $0xffff, v10  }
0x54a: {  	v6 =	vld [tilespmem:s13+$0x4040]  }
0x54b: {  	[tilespmem:v8+s4+$0x0] =	vst.idx.add.f32.msk $0xffff, v11  }
0x54c: {  	v8 =	vld [tilespmem:s13+$0xBBB0]  }
0x54d: {  	[tilespmem:v9+s4+$0x0] =	vst.idx.add.f32.msk $0xffff, v7  }
0x54e: {  	v7 =	vld [tilespmem:s13+$0xBC30]  }
0x54f: {  	[tilespmem:v5+s4+$0x0] =	vst.idx.add.f32.msk $0xffff, v6  }
0x550: {  	v5 =	vld [tilespmem:s13+$0xBD50]  }
0x551: {  	v6 =	vld [tilespmem:s13+$0xBCB0]  }
0x552: {  	v9 =	vld [tilespmem:s13+$0x3EB0]  }
0x553: {  	v10 =	vld [tilespmem:s13+$0x4050]  }
0x554: {  	v11 =	vld [tilespmem:s13+$0x3F30]  }
0x555: {  	v12 =	vld [tilespmem:s13+$0x3FB0]  }
0x556: {  	v14 =	vld [tilespmem:s9+$0x3F70]  }
0x557: {  	[tilespmem:v8+s4+$0x0] =	vst.idx.add.f32.msk $0xffff, v9  }
0x558: {  	[tilespmem:v5+s4+$0x0] =	vst.idx.add.f32.msk $0xffff, v10  }
0x559: {  	v5 =	vld [tilespmem:s13+$0xBD60]  }
0x55a: {  	[tilespmem:v7+s4+$0x0] =	vst.idx.add.f32.msk $0xffff, v11  }
0x55b: {  	[tilespmem:v6+s4+$0x0] =	vst.idx.add.f32.msk $0xffff, v12  }
0x55c: {  	v6 =	vld [tilespmem:s13+$0x4060]  }
0x55d: {  	v7 =	vld [tilespmem:s13+$0xBBC0]  }
0x55e: {  	v8 =	vld [tilespmem:s13+$0xBC40]  }
0x55f: {  	v9 =	vld [tilespmem:s13+$0xBCC0]  }
0x560: {  	v10 =	vld [tilespmem:s13+$0x3EC0]  }
0x561: {  	[tilespmem:v5+s4+$0x0] =	vst.idx.add.f32.msk $0xffff, v6  }
0x562: {  	v5 =	vld [tilespmem:s13+$0xBD70]  }
0x563: {  	v6 =	vld [tilespmem:s13+$0x3F40]  }
0x564: {  	v11 =	vld [tilespmem:s13+$0x3FC0]  }
0x565: {  	v12 =	vld [tilespmem:s13+$0x4070]  }
0x566: {  	[tilespmem:v7+s4+$0x0] =	vst.idx.add.f32.msk $0xffff, v10  }
0x567: {  	v7 =	vld [tilespmem:s13+$0xBBD0]  }
0x568: {  	[tilespmem:v8+s4+$0x0] =	vst.idx.add.f32.msk $0xffff, v6  }
0x569: {  	[tilespmem:v9+s4+$0x0] =	vst.idx.add.f32.msk $0xffff, v11  }
0x56a: {  	[tilespmem:v5+s4+$0x0] =	vst.idx.add.f32.msk $0xffff, v12  }
0x56b: {  	v5 =	vld [tilespmem:s13+$0xBC50]  }
0x56c: {  	v6 =	vld [tilespmem:s13+$0xBCD0]  }
0x56d: {  	v8 =	vld [tilespmem:s13+$0x3ED0]  }
0x56e: {  	v9 =	vld [tilespmem:s13+$0x3F50]  }
0x56f: {  	v10 =	vld [tilespmem:s13+$0x3FD0]  }
0x570: {  	v11 =	vld [tilespmem:s9+$0x3FF0];
	s9 =	smov.u32 s13  }
0x571: {  	[tilespmem:v4+s4+$0x0] =	vst.idx.add.f32.msk $0xffff, v13  }
0x572: {  	[tilespmem:v7+s4+$0x0] =	vst.idx.add.f32.msk $0xffff, v8  }
0x573: {  	[tilespmem:v5+s4+$0x0] =	vst.idx.add.f32.msk $0xffff, v9  }
0x574: {  	[tilespmem:v6+s4+$0x0] =	vst.idx.add.f32.msk $0xffff, v10  }
0x575: {  	v4 =	vld [tilespmem:s9+$0xBBE0]  }
0x576: {  	v5 =	vld [tilespmem:s9+$0xBC60]  }
0x577: {  	v6 =	vld [tilespmem:s9+$0xBCE0]  }
0x578: {  	v7 =	vld [tilespmem:s9+$0x3EE0]  }
0x579: {  	v8 =	vld [tilespmem:s9+$0x3F60]  }
0x57a: {  	v9 =	vld [tilespmem:s9+$0x3FE0]  }
0x57b: {  	[tilespmem:v2+s4+$0x0] =	vst.idx.add.f32.msk $0xffff, v14  }
0x57c: {  	[tilespmem:v3+s4+$0x0] =	vst.idx.add.f32.msk $0xffff, v11  }
.Ltmp6:
0x57d: {  	[tilespmem:v4+s4+$0x0] =	vst.idx.add.f32.msk $0xffff, v7;
	(pc) =	sbr.rel @p1 .LBB2_14-.Ltmp6, $4  }
0x57e: {  	[tilespmem:v5+s4+$0x0] =	vst.idx.add.f32.msk $0xffff, v8  }
0x57f: {  	[tilespmem:v6+s4+$0x0] =	vst.idx.add.f32.msk $0xffff, v9  }
0x580: {  	v4 =	vld [tilespmem:s9+$0xBBF0]  }
0x581: {  	s12 =	sadd.s32 $0x800, s12;
	v2 =	vld [tilespmem:s9+$0xBC70]  }
0x582: {  	_ = 	snop  }
0x583: {  	v3 =	vld [tilespmem:s9+$0xBCF0]  }
0x584: {  	v5 =	vld [tilespmem:s9+$0x3EF0]  }
0x585: {  	v6 =	vld [tilespmem:s9+$0x3F70]  }
0x586: {  	v7 =	vld [tilespmem:s9+$0x3FF0];
	_ =	sdelay $0x2  }
0x587: {  	[tilespmem:v4+s4+$0x0] =	vst.idx.add.f32.msk $0xffff, v5  }
0x588: {  	[tilespmem:v2+s4+$0x0] =	vst.idx.add.f32.msk $0xffff, v6  }
0x589: {  	[tilespmem:v3+s4+$0x0] =	vst.idx.add.f32.msk $0xffff, v7  }
0x58a: {  	v2 =	vld [tilespmem:$0xF980];
	_ =	sdelay $0x2  }
0x58b: {  	v3 =	vld [tilespmem:$0x7C80];
	_ =	sdelay $0x4  }
0x58c: {  	[tilespmem:v2+s4+$0x0] =	vst.idx.add.f32.msk $0xffff, v3  }
0x58d: {  	v2 =	vld [tilespmem:$0xF990];
	_ =	sdelay $0x2  }
0x58e: {  	v3 =	vld [tilespmem:$0x7C90];
	_ =	sdelay $0x4  }
0x58f: {  	[tilespmem:v2+s4+$0x0] =	vst.idx.add.f32.msk $0xffff, v3  }
0x590: {  	v2 =	vld [tilespmem:$0xF9A0];
	_ =	sdelay $0x2  }
0x591: {  	v3 =	vld [tilespmem:$0x7CA0];
	_ =	sdelay $0x4  }
0x592: {  	[tilespmem:v2+s4+$0x0] =	vst.idx.add.f32.msk $0xffff, v3  }
0x593: {  	v2 =	vld [tilespmem:$0xF9B0];
	_ =	sdelay $0x2  }
0x594: {  	v3 =	vld [tilespmem:$0x7CB0];
	_ =	sdelay $0x4  }
0x595: {  	[tilespmem:v2+s4+$0x0] =	vst.idx.add.f32.msk $0xffff, v3  }
0x596: {  	v2 =	vld [tilespmem:$0xF9C0];
	_ =	sdelay $0x2  }
0x597: {  	v3 =	vld [tilespmem:$0x7CC0];
	_ =	sdelay $0x4  }
0x598: {  	[tilespmem:v2+s4+$0x0] =	vst.idx.add.f32.msk $0xffff, v3  }
0x599: {  	v2 =	vld [tilespmem:$0xF9D0];
	_ =	sdelay $0x2  }
0x59a: {  	v3 =	vld [tilespmem:$0x7CD0];
	_ =	sdelay $0x4  }
0x59b: {  	[tilespmem:v2+s4+$0x0] =	vst.idx.add.f32.msk $0xffff, v3  }
0x59c: {  	v2 =	vld [tilespmem:$0xF9E0];
	_ =	sdelay $0x2  }
0x59d: {  	v3 =	vld [tilespmem:$0x7CE0];
	_ =	sdelay $0x4  }
0x59e: {  	[tilespmem:v2+s4+$0x0] =	vst.idx.add.f32.msk $0xffff, v3  }
0x59f: {  	v2 =	vld [tilespmem:$0xF9F0];
	_ =	sdelay $0x2  }
0x5a0: {  	v3 =	vld [tilespmem:$0x7CF0];
	_ =	sdelay $0x4  }
0x5a1: {  	[tilespmem:v2+s4+$0x0] =	vst.idx.add.f32.msk $0xffff, v3  }
0x5a2: {  	_ =	swait.ge [sflag:s0], $0x3E80  }
0x5a3: {  	[sflag:s0] =	ssyncset.done $0x0  }
0x5a4: {  	[sflag:s0] =	ssyncadd.s32 $0xFFFFC180  }
0x5a5: {  	_ =	swait.ge [sflag:s1], $0x3E80  }
0x5a6: {  	[sflag:s1] =	ssyncset.done $0x0  }
0x5a7: {  	s14 =	rddreg [dreg:$0xc];
	[sflag:s1] =	ssyncadd.s32 $0xFFFFC180  }
0x5a8: {  	[tilespmem:s2], [sflag:$0x1] =	stream.strided.gather [hbm4b:s14+s29], $0x3E80, s30, s29, $0x38;
	[tilespmem:$0x17180] =	vst v63  }
0x5a9: {  	s9 =	simm.s32 $0x100;
	s10 =	simm.s32 $0x7E00  }
0x5aa: {  	[tilespmem:s3], [sflag:$0x2] =	stream.strided.gather [hbm4b:s20+s29], $0x3E80, s9, s29, $0x38;
	[tilespmem:$0x17180] =	vst v63  }
0x5ab: {  	v2 =	vld [tilespmem:s10+$0x80];
	_ =	sdelay $0x1  }
0x5ac: {  	v3 =	vld [tilespmem:s9+$0x80]  }
0x5ad: {  	v39 =	vld [tilespmem:s10+$0xFFFFFF80]  }
0x5ae: {  	v40 =	vld [tilespmem:s10+$0x0]  }
0x5af: {  	v41 =	vld [tilespmem:s10+$0xFFFFFF00]  }
0x5b0: {  	v42 =	vld [tilespmem:s9+$0xFFFFFF80]  }
0x5b1: {  	v8 =	vld [tilespmem:s9+$0x0]  }
0x5b2: {  	[tilespmem:v2+s4+$0x0] =	vst.idx.add.f32.msk $0xffff, v3  }
0x5b3: {  	v3 =	vld [tilespmem:s9+$0xFFFFFF00]  }
0x5b4: {  	v2 =	vld [tilespmem:s10+$0x90]  }
0x5b5: {  	[tilespmem:v39+s4+$0x0] =	vst.idx.add.f32.msk $0xffff, v42  }
0x5b6: {  	[tilespmem:v40+s4+$0x0] =	vst.idx.add.f32.msk $0xffff, v8  }
0x5b7: {  	v9 =	vld [tilespmem:s9+$0x90]  }
0x5b8: {  	v4 =	vld [tilespmem:s10+$0xFFFFFF90]  }
0x5b9: {  	v46 =	vld [tilespmem:s9+$0xFFFFFF90]  }
0x5ba: {  	[tilespmem:v41+s4+$0x0] =	vst.idx.add.f32.msk $0xffff, v3  }
0x5bb: {  	v3 =	vld [tilespmem:s10+$0xFFFFFF10]  }
0x5bc: {  	[tilespmem:v2+s4+$0x0] =	vst.idx.add.f32.msk $0xffff, v9  }
0x5bd: {  	v2 =	vld [tilespmem:s10+$0xA0]  }
0x5be: {  	v45 =	vld [tilespmem:s9+$0xFFFFFF10]  }
0x5bf: {  	v44 =	vld [tilespmem:s10+$0x10]  }
0x5c0: {  	v43 =	vld [tilespmem:s9+$0xA0]  }
0x5c1: {  	v47 =	vld [tilespmem:s9+$0x10]  }
0x5c2: {  	[tilespmem:v4+s4+$0x0] =	vst.idx.add.f32.msk $0xffff, v46  }
0x5c3: {  	[tilespmem:v3+s4+$0x0] =	vst.idx.add.f32.msk $0xffff, v45  }
0x5c4: {  	v48 =	vld [tilespmem:s10+$0xFFFFFF20]  }
0x5c5: {  	[tilespmem:v2+s4+$0x0] =	vst.idx.add.f32.msk $0xffff, v43  }
0x5c6: {  	v2 =	vld [tilespmem:s10+$0xB0]  }
0x5c7: {  	v50 =	vld [tilespmem:s9+$0xFFFFFF20]  }
0x5c8: {  	[tilespmem:v44+s4+$0x0] =	vst.idx.add.f32.msk $0xffff, v47  }
0x5c9: {  	v3 =	vld [tilespmem:s9+$0xB0]  }
0x5ca: {  	v49 =	vld [tilespmem:s10+$0xFFFFFFA0]  }
0x5cb: {  	v51 =	vld [tilespmem:s9+$0xFFFFFFA0]  }
0x5cc: {  	[tilespmem:v48+s4+$0x0] =	vst.idx.add.f32.msk $0xffff, v50  }
0x5cd: {  	v4 =	vld [tilespmem:s10+$0xFFFFFF30]  }
0x5ce: {  	[tilespmem:v2+s4+$0x0] =	vst.idx.add.f32.msk $0xffff, v3  }
0x5cf: {  	v3 =	vld [tilespmem:s10+$0x20]  }
0x5d0: {  	v9 =	vld [tilespmem:s9+$0x20]  }
0x5d1: {  	v55 =	vld [tilespmem:s9+$0xFFFFFF30]  }
0x5d2: {  	v2 =	vld [tilespmem:s10+$0xC0]  }
0x5d3: {  	[tilespmem:v49+s4+$0x0] =	vst.idx.add.f32.msk $0xffff, v51  }
0x5d4: {  	v56 =	vld [tilespmem:s9+$0xFFFFFFB0]  }
0x5d5: {  	v52 =	vld [tilespmem:s9+$0xC0]  }
0x5d6: {  	[tilespmem:v4+s4+$0x0] =	vst.idx.add.f32.msk $0xffff, v55  }
0x5d7: {  	[tilespmem:v3+s4+$0x0] =	vst.idx.add.f32.msk $0xffff, v9  }
0x5d8: {  	v3 =	vld [tilespmem:s10+$0xFFFFFFB0]  }
0x5d9: {  	v54 =	vld [tilespmem:s10+$0x30]  }
0x5da: {  	[tilespmem:v2+s4+$0x0] =	vst.idx.add.f32.msk $0xffff, v52  }
0x5db: {  	v2 =	vld [tilespmem:s10+$0xD0]  }
0x5dc: {  	v9 =	vld [tilespmem:s9+$0x30]  }
0x5dd: {  	v4 =	vld [tilespmem:s10+$0xFFFFFF40]  }
0x5de: {  	v53 =	vld [tilespmem:s9+$0xD0]  }
0x5df: {  	v7 =	vld [tilespmem:s9+$0xFFFFFF40]  }
0x5e0: {  	[tilespmem:v3+s4+$0x0] =	vst.idx.add.f32.msk $0xffff, v56  }
0x5e1: {  	[tilespmem:v54+s4+$0x0] =	vst.idx.add.f32.msk $0xffff, v9  }
0x5e2: {  	v57 =	vld [tilespmem:s10+$0xFFFFFFC0]  }
0x5e3: {  	[tilespmem:v2+s4+$0x0] =	vst.idx.add.f32.msk $0xffff, v53  }
0x5e4: {  	v6 =	vld [tilespmem:s10+$0x40]  }
0x5e5: {  	v2 =	vld [tilespmem:s10+$0xE0]  }
0x5e6: {  	v8 =	vld [tilespmem:s9+$0xFFFFFFC0]  }
0x5e7: {  	v9 =	vld [tilespmem:s9+$0x40]  }
0x5e8: {  	v3 =	vld [tilespmem:s9+$0xE0];
	_ =	sdelay $0x1  }
0x5e9: {  	[tilespmem:v4+s4+$0x0] =	vst.idx.add.f32.msk $0xffff, v7  }
0x5ea: {  	[tilespmem:v57+s4+$0x0] =	vst.idx.add.f32.msk $0xffff, v8  }
0x5eb: {  	[tilespmem:v6+s4+$0x0] =	vst.idx.add.f32.msk $0xffff, v9  }
0x5ec: {  	[tilespmem:v2+s4+$0x0] =	vst.idx.add.f32.msk $0xffff, v3  }
0x5ed: {  	v2 =	vld [tilespmem:s10+$0xFFFFFF50]  }
0x5ee: {  	v3 =	vld [tilespmem:s10+$0xFFFFFFD0]  }
0x5ef: {  	v58 =	vld [tilespmem:s10+$0x50]  }
0x5f0: {  	v59 =	vld [tilespmem:s9+$0xFFFFFF50]  }
0x5f1: {  	v60 =	vld [tilespmem:s9+$0xFFFFFFD0]  }
0x5f2: {  	v61 =	vld [tilespmem:s9+$0x50]  }
0x5f3: {  	v62 =	vld [tilespmem:s10+$0xF0]  }
0x5f4: {  	v63 =	vld [tilespmem:s9+$0xF0]  }
0x5f5: {  	[tilespmem:v2+s4+$0x0] =	vst.idx.add.f32.msk $0xffff, v59  }
0x5f6: {  	[tilespmem:v3+s4+$0x0] =	vst.idx.add.f32.msk $0xffff, v60  }
0x5f7: {  	[tilespmem:v58+s4+$0x0] =	vst.idx.add.f32.msk $0xffff, v61  }
0x5f8: {  	v2 =	vld [tilespmem:s10+$0xFFFFFF60]  }
0x5f9: {  	v3 =	vld [tilespmem:s10+$0xFFFFFFE0]  }
0x5fa: {  	v4 =	vld [tilespmem:s10+$0x60]  }
0x5fb: {  	v5 =	vld [tilespmem:s9+$0xFFFFFF60]  }
0x5fc: {  	v6 =	vld [tilespmem:s9+$0xFFFFFFE0]  }
0x5fd: {  	v7 =	vld [tilespmem:s9+$0x60];
	_ =	sdelay $0x1  }
0x5fe: {  	[tilespmem:v62+s4+$0x0] =	vst.idx.add.f32.msk $0xffff, v63  }
0x5ff: {  	[tilespmem:v2+s4+$0x0] =	vst.idx.add.f32.msk $0xffff, v5  }
0x600: {  	[tilespmem:v3+s4+$0x0] =	vst.idx.add.f32.msk $0xffff, v6  }
0x601: {  	[tilespmem:v4+s4+$0x0] =	vst.idx.add.f32.msk $0xffff, v7  }
0x602: {  	s13 =	simm.s32 $0x0;
	s12 =	simm.s32 $0x100;
	s14 =	simm.s32 $0x8000;
	v2 =	vld [tilespmem:s10+$0xFFFFFF70]  }
.LBB2_16:
0x603: {  	v3 =	vld [tilespmem:s14+$0x80];
	s13 =	sadd.s32 $0x4, s13  }
0x604: {  	v4 =	vld [tilespmem:s14+$0xFFFFFF80];
	p1 =	slt.u32 s13, $0x78  }
0x605: {  	s9 =	sadd.s32 $0x200, s9;
	v5 =	vld [tilespmem:s14+$0x0]  }
0x606: {  	v6 =	vld [tilespmem:s9+$0x80]  }
0x607: {  	v7 =	vld [tilespmem:s14+$0xFFFFFF00]  }
0x608: {  	v8 =	vld [tilespmem:s9+$0xFFFFFF00]  }
0x609: {  	v9 =	vld [tilespmem:s9+$0xFFFFFF80]  }
0x60a: {  	v10 =	vld [tilespmem:s9+$0x0]  }
0x60b: {  	[tilespmem:v3+s4+$0x0] =	vst.idx.add.f32.msk $0xffff, v6  }
0x60c: {  	v6 =	vld [tilespmem:s14+$0x90]  }
0x60d: {  	v3 =	vld [tilespmem:s10+$0xFFFFFFF0]  }
0x60e: {  	[tilespmem:v4+s4+$0x0] =	vst.idx.add.f32.msk $0xffff, v9  }
0x60f: {  	v4 =	vld [tilespmem:s9+$0x90]  }
0x610: {  	[tilespmem:v7+s4+$0x0] =	vst.idx.add.f32.msk $0xffff, v8  }
0x611: {  	[tilespmem:v5+s4+$0x0] =	vst.idx.add.f32.msk $0xffff, v10  }
0x612: {  	v5 =	vld [tilespmem:s14+$0xFFFFFF10]  }
0x613: {  	v7 =	vld [tilespmem:s14+$0xFFFFFF90]  }
0x614: {  	[tilespmem:v6+s4+$0x0] =	vst.idx.add.f32.msk $0xffff, v4  }
0x615: {  	v6 =	vld [tilespmem:s14+$0xA0]  }
0x616: {  	v8 =	vld [tilespmem:s14+$0x10]  }
0x617: {  	v9 =	vld [tilespmem:s9+$0xFFFFFF10]  }
0x618: {  	v10 =	vld [tilespmem:s9+$0xA0]  }
0x619: {  	v11 =	vld [tilespmem:s9+$0xFFFFFF90]  }
0x61a: {  	v12 =	vld [tilespmem:s9+$0x10]  }
0x61b: {  	v4 =	vld [tilespmem:s10+$0x70];
	s10 =	smov.u32 s14  }
0x61c: {  	[tilespmem:v5+s4+$0x0] =	vst.idx.add.f32.msk $0xffff, v9  }
0x61d: {  	[tilespmem:v6+s4+$0x0] =	vst.idx.add.f32.msk $0xffff, v10  }
0x61e: {  	v5 =	vld [tilespmem:s14+$0xB0]  }
0x61f: {  	[tilespmem:v7+s4+$0x0] =	vst.idx.add.f32.msk $0xffff, v11  }
0x620: {  	[tilespmem:v8+s4+$0x0] =	vst.idx.add.f32.msk $0xffff, v12  }
0x621: {  	v6 =	vld [tilespmem:s9+$0xB0]  }
0x622: {  	v7 =	vld [tilespmem:s14+$0xFFFFFF20]  }
0x623: {  	v8 =	vld [tilespmem:s14+$0xFFFFFFA0]  }
0x624: {  	v9 =	vld [tilespmem:s14+$0x20]  }
0x625: {  	v10 =	vld [tilespmem:s9+$0xFFFFFF20]  }
0x626: {  	[tilespmem:v5+s4+$0x0] =	vst.idx.add.f32.msk $0xffff, v6  }
0x627: {  	v5 =	vld [tilespmem:s14+$0xC0]  }
0x628: {  	v6 =	vld [tilespmem:s9+$0xFFFFFFA0]  }
0x629: {  	v11 =	vld [tilespmem:s9+$0x20]  }
0x62a: {  	v12 =	vld [tilespmem:s9+$0xC0]  }
0x62b: {  	[tilespmem:v7+s4+$0x0] =	vst.idx.add.f32.msk $0xffff, v10  }
0x62c: {  	v7 =	vld [tilespmem:s14+$0xFFFFFF30]  }
0x62d: {  	[tilespmem:v8+s4+$0x0] =	vst.idx.add.f32.msk $0xffff, v6  }
0x62e: {  	[tilespmem:v9+s4+$0x0] =	vst.idx.add.f32.msk $0xffff, v11  }
0x62f: {  	[tilespmem:v5+s4+$0x0] =	vst.idx.add.f32.msk $0xffff, v12  }
0x630: {  	v5 =	vld [tilespmem:s14+$0xD0]  }
0x631: {  	v6 =	vld [tilespmem:s14+$0xFFFFFFB0]  }
0x632: {  	v8 =	vld [tilespmem:s14+$0x30]  }
0x633: {  	v9 =	vld [tilespmem:s9+$0xD0]  }
0x634: {  	v10 =	vld [tilespmem:s9+$0xFFFFFF30]  }
0x635: {  	v11 =	vld [tilespmem:s9+$0xFFFFFFB0]  }
0x636: {  	v12 =	vld [tilespmem:s9+$0x30]  }
0x637: {  	v13 =	vld [tilespmem:s12+$0xFFFFFF70]  }
0x638: {  	[tilespmem:v5+s4+$0x0] =	vst.idx.add.f32.msk $0xffff, v9  }
0x639: {  	v5 =	vld [tilespmem:s14+$0xE0]  }
0x63a: {  	[tilespmem:v7+s4+$0x0] =	vst.idx.add.f32.msk $0xffff, v10  }
0x63b: {  	[tilespmem:v6+s4+$0x0] =	vst.idx.add.f32.msk $0xffff, v11  }
0x63c: {  	v6 =	vld [tilespmem:s9+$0xE0]  }
0x63d: {  	[tilespmem:v8+s4+$0x0] =	vst.idx.add.f32.msk $0xffff, v12  }
0x63e: {  	v7 =	vld [tilespmem:s14+$0xFFFFFF40]  }
0x63f: {  	v8 =	vld [tilespmem:s14+$0xFFFFFFC0]  }
0x640: {  	v9 =	vld [tilespmem:s14+$0x40]  }
0x641: {  	[tilespmem:v5+s4+$0x0] =	vst.idx.add.f32.msk $0xffff, v6  }
0x642: {  	v5 =	vld [tilespmem:s14+$0xF0]  }
0x643: {  	v6 =	vld [tilespmem:s9+$0xFFFFFF40]  }
0x644: {  	v10 =	vld [tilespmem:s9+$0xFFFFFFC0]  }
0x645: {  	v11 =	vld [tilespmem:s9+$0xF0]  }
0x646: {  	v12 =	vld [tilespmem:s9+$0x40]  }
0x647: {  	v14 =	vld [tilespmem:s12+$0xFFFFFFF0]  }
0x648: {  	[tilespmem:v7+s4+$0x0] =	vst.idx.add.f32.msk $0xffff, v6  }
0x649: {  	[tilespmem:v8+s4+$0x0] =	vst.idx.add.f32.msk $0xffff, v10  }
0x64a: {  	[tilespmem:v5+s4+$0x0] =	vst.idx.add.f32.msk $0xffff, v11  }
0x64b: {  	[tilespmem:v9+s4+$0x0] =	vst.idx.add.f32.msk $0xffff, v12  }
0x64c: {  	v5 =	vld [tilespmem:s14+$0xFFFFFF50]  }
0x64d: {  	v6 =	vld [tilespmem:s14+$0xFFFFFFD0]  }
0x64e: {  	v7 =	vld [tilespmem:s14+$0x50]  }
0x64f: {  	v8 =	vld [tilespmem:s9+$0xFFFFFF50]  }
0x650: {  	v9 =	vld [tilespmem:s9+$0xFFFFFFD0]  }
0x651: {  	v10 =	vld [tilespmem:s9+$0x50]  }
0x652: {  	v11 =	vld [tilespmem:s12+$0x70];
	s12 =	smov.u32 s9  }
0x653: {  	[tilespmem:v2+s4+$0x0] =	vst.idx.add.f32.msk $0xffff, v13  }
0x654: {  	[tilespmem:v5+s4+$0x0] =	vst.idx.add.f32.msk $0xffff, v8  }
0x655: {  	[tilespmem:v6+s4+$0x0] =	vst.idx.add.f32.msk $0xffff, v9  }
0x656: {  	[tilespmem:v7+s4+$0x0] =	vst.idx.add.f32.msk $0xffff, v10  }
0x657: {  	v2 =	vld [tilespmem:s14+$0xFFFFFF60]  }
0x658: {  	v5 =	vld [tilespmem:s14+$0xFFFFFFE0]  }
0x659: {  	v6 =	vld [tilespmem:s14+$0x60]  }
0x65a: {  	v7 =	vld [tilespmem:s9+$0xFFFFFF60]  }
0x65b: {  	v8 =	vld [tilespmem:s9+$0xFFFFFFE0]  }
0x65c: {  	v9 =	vld [tilespmem:s9+$0x60]  }
0x65d: {  	[tilespmem:v3+s4+$0x0] =	vst.idx.add.f32.msk $0xffff, v14  }
.Ltmp7:
0x65e: {  	[tilespmem:v4+s4+$0x0] =	vst.idx.add.f32.msk $0xffff, v11;
	(pc) =	sbr.rel @p1 .LBB2_16-.Ltmp7, $4  }
0x65f: {  	[tilespmem:v2+s4+$0x0] =	vst.idx.add.f32.msk $0xffff, v7  }
0x660: {  	[tilespmem:v5+s4+$0x0] =	vst.idx.add.f32.msk $0xffff, v8  }
0x661: {  	[tilespmem:v6+s4+$0x0] =	vst.idx.add.f32.msk $0xffff, v9  }
0x662: {  	s14 =	sadd.s32 $0x200, s14;
	v2 =	vld [tilespmem:s10+$0xFFFFFF70]  }
0x663: {  	_ = 	snop  }
0x664: {  	v3 =	vld [tilespmem:s10+$0xFFFFFFF0]  }
0x665: {  	v4 =	vld [tilespmem:s10+$0x70]  }
0x666: {  	v5 =	vld [tilespmem:s12+$0xFFFFFF70]  }
0x667: {  	v6 =	vld [tilespmem:s12+$0xFFFFFFF0]  }
0x668: {  	v7 =	vld [tilespmem:s12+$0x70];
	_ =	sdelay $0x2  }
0x669: {  	[tilespmem:v2+s4+$0x0] =	vst.idx.add.f32.msk $0xffff, v5  }
0x66a: {  	[tilespmem:v3+s4+$0x0] =	vst.idx.add.f32.msk $0xffff, v6  }
0x66b: {  	[tilespmem:v4+s4+$0x0] =	vst.idx.add.f32.msk $0xffff, v7  }
0x66c: {  	v2 =	vld [tilespmem:$0xBB00];
	_ =	sdelay $0x2  }
0x66d: {  	v3 =	vld [tilespmem:$0x3E00];
	_ =	sdelay $0x4  }
0x66e: {  	[tilespmem:v2+s4+$0x0] =	vst.idx.add.f32.msk $0xffff, v3  }
0x66f: {  	v2 =	vld [tilespmem:$0xBB10];
	_ =	sdelay $0x2  }
0x670: {  	v3 =	vld [tilespmem:$0x3E10];
	_ =	sdelay $0x4  }
0x671: {  	[tilespmem:v2+s4+$0x0] =	vst.idx.add.f32.msk $0xffff, v3  }
0x672: {  	v2 =	vld [tilespmem:$0xBB20];
	_ =	sdelay $0x2  }
0x673: {  	v3 =	vld [tilespmem:$0x3E20];
	_ =	sdelay $0x4  }
0x674: {  	[tilespmem:v2+s4+$0x0] =	vst.idx.add.f32.msk $0xffff, v3  }
0x675: {  	v2 =	vld [tilespmem:$0xBB30];
	_ =	sdelay $0x2  }
0x676: {  	v3 =	vld [tilespmem:$0x3E30];
	_ =	sdelay $0x4  }
0x677: {  	[tilespmem:v2+s4+$0x0] =	vst.idx.add.f32.msk $0xffff, v3  }
0x678: {  	v2 =	vld [tilespmem:$0xBB40];
	_ =	sdelay $0x2  }
0x679: {  	v3 =	vld [tilespmem:$0x3E40];
	_ =	sdelay $0x4  }
0x67a: {  	[tilespmem:v2+s4+$0x0] =	vst.idx.add.f32.msk $0xffff, v3  }
0x67b: {  	v2 =	vld [tilespmem:$0xBB50];
	_ =	sdelay $0x2  }
0x67c: {  	v3 =	vld [tilespmem:$0x3E50];
	_ =	sdelay $0x4  }
0x67d: {  	[tilespmem:v2+s4+$0x0] =	vst.idx.add.f32.msk $0xffff, v3  }
0x67e: {  	v2 =	vld [tilespmem:$0xBB60];
	_ =	sdelay $0x2  }
0x67f: {  	v3 =	vld [tilespmem:$0x3E60];
	_ =	sdelay $0x4  }
0x680: {  	[tilespmem:v2+s4+$0x0] =	vst.idx.add.f32.msk $0xffff, v3  }
0x681: {  	v2 =	vld [tilespmem:$0xBB70];
	_ =	sdelay $0x2  }
0x682: {  	v3 =	vld [tilespmem:$0x3E70];
	_ =	sdelay $0x4  }
0x683: {  	[tilespmem:v2+s4+$0x0] =	vst.idx.add.f32.msk $0xffff, v3  }
0x684: {  	_ =	swait.ge [sflag:s0], $0x3E80  }
0x685: {  	[sflag:s0] =	ssyncset.done $0x0  }
0x686: {  	[sflag:s0] =	ssyncadd.s32 $0xFFFFC180  }
0x687: {  	_ =	swait.ge [sflag:s1], $0x3E80  }
0x688: {  	[sflag:s1] =	ssyncset.done $0x0  }
0x689: {  	s9 =	simm.s32 $0x0;
	s14 =	rddreg [dreg:$0xd];
	[sflag:s1] =	ssyncadd.s32 $0xFFFFC180  }
0x68a: {  	[tilespmem:s9], [sflag:$0x1] =	stream.strided.gather [hbm4b:s14+s29], $0x3E80, s30, s29, $0x38;
	[tilespmem:$0x17180] =	vst v63  }
0x68b: {  	s9 =	simm.s32 $0x0  }
0x68c: {  	[tilespmem:s22], [sflag:$0x2] =	stream.strided.gather [hbm4b:s21+s29], $0x3E80, s31, s29, $0x38;
	[tilespmem:$0x17180] =	vst v63  }
0x68d: {  	v2 =	vld [tilespmem:s9+$0xBD00]  }
0x68e: {  	v3 =	vld [tilespmem:s9+$0xBB80]  }
0x68f: {  	v4 =	vld [tilespmem:s9+$0xBC00]  }
0x690: {  	v5 =	vld [tilespmem:s9+$0x4000]  }
0x691: {  	v6 =	vld [tilespmem:s9+$0xBC80]  }
0x692: {  	v7 =	vld [tilespmem:s9+$0x3E80];
	_ =	sdelay $0x1  }
0x693: {  	v8 =	vld [tilespmem:s9+$0x3F00]  }
0x694: {  	v9 =	vld [tilespmem:s9+$0x3F80]  }
0x695: {  	[tilespmem:v2+s4+$0x0] =	vst.idx.add.f32.msk $0xffff, v5  }
0x696: {  	[tilespmem:v3+s4+$0x0] =	vst.idx.add.f32.msk $0xffff, v7  }
0x697: {  	v2 =	vld [tilespmem:s9+$0xBD10]  }
0x698: {  	[tilespmem:v4+s4+$0x0] =	vst.idx.add.f32.msk $0xffff, v8  }
0x699: {  	[tilespmem:v6+s4+$0x0] =	vst.idx.add.f32.msk $0xffff, v9  }
0x69a: {  	v3 =	vld [tilespmem:s9+$0x4010]  }
0x69b: {  	v5 =	vld [tilespmem:s9+$0xBC10]  }
0x69c: {  	v6 =	vld [tilespmem:s9+$0xBC90]  }
0x69d: {  	v7 =	vld [tilespmem:s9+$0x3F10]  }
0x69e: {  	v9 =	vld [tilespmem:s9+$0x3F90]  }
0x69f: {  	[tilespmem:v2+s4+$0x0] =	vst.idx.add.f32.msk $0xffff, v3  }
0x6a0: {  	v2 =	vld [tilespmem:s9+$0xBD20]  }
0x6a1: {  	v4 =	vld [tilespmem:s9+$0xBB90]  }
0x6a2: {  	v3 =	vld [tilespmem:s9+$0x3E90]  }
0x6a3: {  	v60 =	vld [tilespmem:s9+$0x4020]  }
0x6a4: {  	[tilespmem:v5+s4+$0x0] =	vst.idx.add.f32.msk $0xffff, v7  }
0x6a5: {  	[tilespmem:v6+s4+$0x0] =	vst.idx.add.f32.msk $0xffff, v9  }
0x6a6: {  	v5 =	vld [tilespmem:s9+$0xBC20]  }
0x6a7: {  	v61 =	vld [tilespmem:s9+$0x3F20]  }
0x6a8: {  	[tilespmem:v2+s4+$0x0] =	vst.idx.add.f32.msk $0xffff, v60  }
0x6a9: {  	v2 =	vld [tilespmem:s9+$0xBD30]  }
0x6aa: {  	[tilespmem:v4+s4+$0x0] =	vst.idx.add.f32.msk $0xffff, v3  }
0x6ab: {  	v3 =	vld [tilespmem:s9+$0xBBA0]  }
0x6ac: {  	v4 =	vld [tilespmem:s9+$0x4030]  }
0x6ad: {  	v6 =	vld [tilespmem:s9+$0xBCA0]  }
0x6ae: {  	v7 =	vld [tilespmem:s9+$0x3EA0]  }
0x6af: {  	[tilespmem:v5+s4+$0x0] =	vst.idx.add.f32.msk $0xffff, v61  }
0x6b0: {  	v8 =	vld [tilespmem:s9+$0x3F30]  }
0x6b1: {  	[tilespmem:v2+s4+$0x0] =	vst.idx.add.f32.msk $0xffff, v4  }
0x6b2: {  	v4 =	vld [tilespmem:s9+$0x3FA0]  }
0x6b3: {  	v2 =	vld [tilespmem:s9+$0xBD40]  }
0x6b4: {  	[tilespmem:v3+s4+$0x0] =	vst.idx.add.f32.msk $0xffff, v7  }
0x6b5: {  	v5 =	vld [tilespmem:s9+$0xBBB0]  }
0x6b6: {  	v3 =	vld [tilespmem:s9+$0x4040]  }
0x6b7: {  	[tilespmem:v6+s4+$0x0] =	vst.idx.add.f32.msk $0xffff, v4  }
0x6b8: {  	v4 =	vld [tilespmem:s9+$0xBC30]  }
0x6b9: {  	v6 =	vld [tilespmem:s9+$0x3EB0]  }
0x6ba: {  	v9 =	vld [tilespmem:s9+$0x3FB0]  }
0x6bb: {  	[tilespmem:v2+s4+$0x0] =	vst.idx.add.f32.msk $0xffff, v3  }
0x6bc: {  	v3 =	vld [tilespmem:s9+$0xBCB0]  }
0x6bd: {  	v2 =	vld [tilespmem:s9+$0xBD50]  }
0x6be: {  	v7 =	vld [tilespmem:s9+$0x4050]  }
0x6bf: {  	[tilespmem:v5+s4+$0x0] =	vst.idx.add.f32.msk $0xffff, v6  }
0x6c0: {  	[tilespmem:v4+s4+$0x0] =	vst.idx.add.f32.msk $0xffff, v8  }
0x6c1: {  	v4 =	vld [tilespmem:s9+$0xBBC0]  }
0x6c2: {  	v5 =	vld [tilespmem:s9+$0xBC40]  }
0x6c3: {  	v8 =	vld [tilespmem:s9+$0x3F40]  }
0x6c4: {  	[tilespmem:v3+s4+$0x0] =	vst.idx.add.f32.msk $0xffff, v9  }
0x6c5: {  	[tilespmem:v2+s4+$0x0] =	vst.idx.add.f32.msk $0xffff, v7  }
0x6c6: {  	v6 =	vld [tilespmem:s9+$0xBCC0]  }
0x6c7: {  	v2 =	vld [tilespmem:s9+$0xBD60]  }
0x6c8: {  	v7 =	vld [tilespmem:s9+$0x3EC0]  }
0x6c9: {  	v9 =	vld [tilespmem:s9+$0x3FC0]  }
0x6ca: {  	v3 =	vld [tilespmem:s9+$0x4060];
	_ =	sdelay $0x1  }
0x6cb: {  	[tilespmem:v5+s4+$0x0] =	vst.idx.add.f32.msk $0xffff, v8  }
0x6cc: {  	[tilespmem:v4+s4+$0x0] =	vst.idx.add.f32.msk $0xffff, v7  }
0x6cd: {  	[tilespmem:v6+s4+$0x0] =	vst.idx.add.f32.msk $0xffff, v9  }
0x6ce: {  	[tilespmem:v2+s4+$0x0] =	vst.idx.add.f32.msk $0xffff, v3  }
0x6cf: {  	v2 =	vld [tilespmem:s9+$0xBBD0]  }
0x6d0: {  	v3 =	vld [tilespmem:s9+$0xBC50]  }
0x6d1: {  	v4 =	vld [tilespmem:s9+$0xBCD0]  }
0x6d2: {  	v5 =	vld [tilespmem:s9+$0x3ED0]  }
0x6d3: {  	v6 =	vld [tilespmem:s9+$0x3F50]  }
0x6d4: {  	v7 =	vld [tilespmem:s9+$0x3FD0]  }
0x6d5: {  	v62 =	vld [tilespmem:s9+$0xBD70]  }
0x6d6: {  	v63 =	vld [tilespmem:s9+$0x4070]  }
0x6d7: {  	[tilespmem:v2+s4+$0x0] =	vst.idx.add.f32.msk $0xffff, v5  }
0x6d8: {  	[tilespmem:v3+s4+$0x0] =	vst.idx.add.f32.msk $0xffff, v6  }
0x6d9: {  	[tilespmem:v4+s4+$0x0] =	vst.idx.add.f32.msk $0xffff, v7  }
0x6da: {  	v2 =	vld [tilespmem:s9+$0xBBE0]  }
0x6db: {  	v3 =	vld [tilespmem:s9+$0xBC60]  }
0x6dc: {  	v4 =	vld [tilespmem:s9+$0xBCE0]  }
0x6dd: {  	v5 =	vld [tilespmem:s9+$0x3EE0]  }
0x6de: {  	v6 =	vld [tilespmem:s9+$0x3F60]  }
0x6df: {  	v7 =	vld [tilespmem:s9+$0x3FE0];
	_ =	sdelay $0x1  }
0x6e0: {  	[tilespmem:v62+s4+$0x0] =	vst.idx.add.f32.msk $0xffff, v63  }
0x6e1: {  	[tilespmem:v2+s4+$0x0] =	vst.idx.add.f32.msk $0xffff, v5  }
0x6e2: {  	[tilespmem:v3+s4+$0x0] =	vst.idx.add.f32.msk $0xffff, v6  }
0x6e3: {  	[tilespmem:v4+s4+$0x0] =	vst.idx.add.f32.msk $0xffff, v7  }
0x6e4: {  	v4 =	vld [tilespmem:s9+$0xBBF0]  }
0x6e5: {  	s10 =	simm.s32 $0x0;
	s12 =	simm.s32 $0x800;
	v2 =	vld [tilespmem:s9+$0xBC70]  }
.LBB2_18:
0x6e6: {  	s13 =	sshra.s32 s12, $0x2;
	s10 =	sadd.s32 $0x4, s10;
	v3 =	vld [tilespmem:s9+$0xBCF0]  }
0x6e7: {  	v5 =	vld [tilespmem:s13+$0xBD00];
	p1 =	slt.u32 s10, $0x78  }
0x6e8: {  	v6 =	vld [tilespmem:s13+$0xBB80]  }
0x6e9: {  	v7 =	vld [tilespmem:s13+$0xBC00]  }
0x6ea: {  	v8 =	vld [tilespmem:s13+$0x4000]  }
0x6eb: {  	v9 =	vld [tilespmem:s13+$0xBC80]  }
0x6ec: {  	v10 =	vld [tilespmem:s13+$0x3E80]  }
0x6ed: {  	v11 =	vld [tilespmem:s13+$0x3F00]  }
0x6ee: {  	v12 =	vld [tilespmem:s13+$0x3F80]  }
0x6ef: {  	[tilespmem:v5+s4+$0x0] =	vst.idx.add.f32.msk $0xffff, v8  }
0x6f0: {  	v5 =	vld [tilespmem:s13+$0xBD10]  }
0x6f1: {  	[tilespmem:v6+s4+$0x0] =	vst.idx.add.f32.msk $0xffff, v10  }
0x6f2: {  	[tilespmem:v7+s4+$0x0] =	vst.idx.add.f32.msk $0xffff, v11  }
0x6f3: {  	v6 =	vld [tilespmem:s13+$0x4010]  }
0x6f4: {  	[tilespmem:v9+s4+$0x0] =	vst.idx.add.f32.msk $0xffff, v12  }
0x6f5: {  	v7 =	vld [tilespmem:s13+$0xBB90]  }
0x6f6: {  	v8 =	vld [tilespmem:s13+$0xBC10]  }
0x6f7: {  	v9 =	vld [tilespmem:s13+$0xBC90]  }
0x6f8: {  	[tilespmem:v5+s4+$0x0] =	vst.idx.add.f32.msk $0xffff, v6  }
0x6f9: {  	v5 =	vld [tilespmem:s13+$0xBD20]  }
0x6fa: {  	v6 =	vld [tilespmem:s13+$0x3E90]  }
0x6fb: {  	v10 =	vld [tilespmem:s13+$0x3F10]  }
0x6fc: {  	v11 =	vld [tilespmem:s13+$0x4020]  }
0x6fd: {  	v12 =	vld [tilespmem:s13+$0x3F90]  }
0x6fe: {  	v13 =	vld [tilespmem:s9+$0x3EF0]  }
0x6ff: {  	[tilespmem:v7+s4+$0x0] =	vst.idx.add.f32.msk $0xffff, v6  }
0x700: {  	[tilespmem:v8+s4+$0x0] =	vst.idx.add.f32.msk $0xffff, v10  }
0x701: {  	[tilespmem:v5+s4+$0x0] =	vst.idx.add.f32.msk $0xffff, v11  }
0x702: {  	v5 =	vld [tilespmem:s13+$0xBD30]  }
0x703: {  	[tilespmem:v9+s4+$0x0] =	vst.idx.add.f32.msk $0xffff, v12  }
0x704: {  	v6 =	vld [tilespmem:s13+$0xBBA0]  }
0x705: {  	v7 =	vld [tilespmem:s13+$0x4030]  }
0x706: {  	v8 =	vld [tilespmem:s13+$0xBC20]  }
0x707: {  	v9 =	vld [tilespmem:s13+$0xBCA0]  }
0x708: {  	v10 =	vld [tilespmem:s13+$0x3EA0]  }
0x709: {  	v11 =	vld [tilespmem:s13+$0x3F20]  }
0x70a: {  	[tilespmem:v5+s4+$0x0] =	vst.idx.add.f32.msk $0xffff, v7  }
0x70b: {  	v5 =	vld [tilespmem:s13+$0xBD40]  }
0x70c: {  	v7 =	vld [tilespmem:s13+$0x3FA0]  }
0x70d: {  	[tilespmem:v6+s4+$0x0] =	vst.idx.add.f32.msk $0xffff, v10  }
0x70e: {  	v6 =	vld [tilespmem:s13+$0x4040]  }
0x70f: {  	[tilespmem:v8+s4+$0x0] =	vst.idx.add.f32.msk $0xffff, v11  }
0x710: {  	v8 =	vld [tilespmem:s13+$0xBBB0]  }
0x711: {  	[tilespmem:v9+s4+$0x0] =	vst.idx.add.f32.msk $0xffff, v7  }
0x712: {  	v7 =	vld [tilespmem:s13+$0xBC30]  }
0x713: {  	[tilespmem:v5+s4+$0x0] =	vst.idx.add.f32.msk $0xffff, v6  }
0x714: {  	v5 =	vld [tilespmem:s13+$0xBD50]  }
0x715: {  	v6 =	vld [tilespmem:s13+$0xBCB0]  }
0x716: {  	v9 =	vld [tilespmem:s13+$0x3EB0]  }
0x717: {  	v10 =	vld [tilespmem:s13+$0x4050]  }
0x718: {  	v11 =	vld [tilespmem:s13+$0x3F30]  }
0x719: {  	v12 =	vld [tilespmem:s13+$0x3FB0]  }
0x71a: {  	v14 =	vld [tilespmem:s9+$0x3F70]  }
0x71b: {  	[tilespmem:v8+s4+$0x0] =	vst.idx.add.f32.msk $0xffff, v9  }
0x71c: {  	[tilespmem:v5+s4+$0x0] =	vst.idx.add.f32.msk $0xffff, v10  }
0x71d: {  	v5 =	vld [tilespmem:s13+$0xBD60]  }
0x71e: {  	[tilespmem:v7+s4+$0x0] =	vst.idx.add.f32.msk $0xffff, v11  }
0x71f: {  	[tilespmem:v6+s4+$0x0] =	vst.idx.add.f32.msk $0xffff, v12  }
0x720: {  	v6 =	vld [tilespmem:s13+$0x4060]  }
0x721: {  	v7 =	vld [tilespmem:s13+$0xBBC0]  }
0x722: {  	v8 =	vld [tilespmem:s13+$0xBC40]  }
0x723: {  	v9 =	vld [tilespmem:s13+$0xBCC0]  }
0x724: {  	v10 =	vld [tilespmem:s13+$0x3EC0]  }
0x725: {  	[tilespmem:v5+s4+$0x0] =	vst.idx.add.f32.msk $0xffff, v6  }
0x726: {  	v5 =	vld [tilespmem:s13+$0xBD70]  }
0x727: {  	v6 =	vld [tilespmem:s13+$0x3F40]  }
0x728: {  	v11 =	vld [tilespmem:s13+$0x3FC0]  }
0x729: {  	v12 =	vld [tilespmem:s13+$0x4070]  }
0x72a: {  	[tilespmem:v7+s4+$0x0] =	vst.idx.add.f32.msk $0xffff, v10  }
0x72b: {  	v7 =	vld [tilespmem:s13+$0xBBD0]  }
0x72c: {  	[tilespmem:v8+s4+$0x0] =	vst.idx.add.f32.msk $0xffff, v6  }
0x72d: {  	[tilespmem:v9+s4+$0x0] =	vst.idx.add.f32.msk $0xffff, v11  }
0x72e: {  	[tilespmem:v5+s4+$0x0] =	vst.idx.add.f32.msk $0xffff, v12  }
0x72f: {  	v5 =	vld [tilespmem:s13+$0xBC50]  }
0x730: {  	v6 =	vld [tilespmem:s13+$0xBCD0]  }
0x731: {  	v8 =	vld [tilespmem:s13+$0x3ED0]  }
0x732: {  	v9 =	vld [tilespmem:s13+$0x3F50]  }
0x733: {  	v10 =	vld [tilespmem:s13+$0x3FD0]  }
0x734: {  	v11 =	vld [tilespmem:s9+$0x3FF0];
	s9 =	smov.u32 s13  }
0x735: {  	[tilespmem:v4+s4+$0x0] =	vst.idx.add.f32.msk $0xffff, v13  }
0x736: {  	[tilespmem:v7+s4+$0x0] =	vst.idx.add.f32.msk $0xffff, v8  }
0x737: {  	[tilespmem:v5+s4+$0x0] =	vst.idx.add.f32.msk $0xffff, v9  }
0x738: {  	[tilespmem:v6+s4+$0x0] =	vst.idx.add.f32.msk $0xffff, v10  }
0x739: {  	v4 =	vld [tilespmem:s9+$0xBBE0]  }
0x73a: {  	v5 =	vld [tilespmem:s9+$0xBC60]  }
0x73b: {  	v6 =	vld [tilespmem:s9+$0xBCE0]  }
0x73c: {  	v7 =	vld [tilespmem:s9+$0x3EE0]  }
0x73d: {  	v8 =	vld [tilespmem:s9+$0x3F60]  }
0x73e: {  	v9 =	vld [tilespmem:s9+$0x3FE0]  }
0x73f: {  	[tilespmem:v2+s4+$0x0] =	vst.idx.add.f32.msk $0xffff, v14  }
0x740: {  	[tilespmem:v3+s4+$0x0] =	vst.idx.add.f32.msk $0xffff, v11  }
.Ltmp8:
0x741: {  	[tilespmem:v4+s4+$0x0] =	vst.idx.add.f32.msk $0xffff, v7;
	(pc) =	sbr.rel @p1 .LBB2_18-.Ltmp8, $4  }
0x742: {  	[tilespmem:v5+s4+$0x0] =	vst.idx.add.f32.msk $0xffff, v8  }
0x743: {  	[tilespmem:v6+s4+$0x0] =	vst.idx.add.f32.msk $0xffff, v9  }
0x744: {  	v4 =	vld [tilespmem:s9+$0xBBF0]  }
0x745: {  	s12 =	sadd.s32 $0x800, s12;
	v2 =	vld [tilespmem:s9+$0xBC70]  }
0x746: {  	_ = 	snop  }
0x747: {  	v3 =	vld [tilespmem:s9+$0xBCF0]  }
0x748: {  	v5 =	vld [tilespmem:s9+$0x3EF0]  }
0x749: {  	v6 =	vld [tilespmem:s9+$0x3F70]  }
0x74a: {  	v7 =	vld [tilespmem:s9+$0x3FF0];
	_ =	sdelay $0x2  }
0x74b: {  	[tilespmem:v4+s4+$0x0] =	vst.idx.add.f32.msk $0xffff, v5  }
0x74c: {  	[tilespmem:v2+s4+$0x0] =	vst.idx.add.f32.msk $0xffff, v6  }
0x74d: {  	[tilespmem:v3+s4+$0x0] =	vst.idx.add.f32.msk $0xffff, v7  }
0x74e: {  	v2 =	vld [tilespmem:$0xF980];
	_ =	sdelay $0x2  }
0x74f: {  	v3 =	vld [tilespmem:$0x7C80];
	_ =	sdelay $0x4  }
0x750: {  	[tilespmem:v2+s4+$0x0] =	vst.idx.add.f32.msk $0xffff, v3  }
0x751: {  	v2 =	vld [tilespmem:$0xF990];
	_ =	sdelay $0x2  }
0x752: {  	v3 =	vld [tilespmem:$0x7C90];
	_ =	sdelay $0x4  }
0x753: {  	[tilespmem:v2+s4+$0x0] =	vst.idx.add.f32.msk $0xffff, v3  }
0x754: {  	v2 =	vld [tilespmem:$0xF9A0];
	_ =	sdelay $0x2  }
0x755: {  	v3 =	vld [tilespmem:$0x7CA0];
	_ =	sdelay $0x4  }
0x756: {  	[tilespmem:v2+s4+$0x0] =	vst.idx.add.f32.msk $0xffff, v3  }
0x757: {  	v2 =	vld [tilespmem:$0xF9B0];
	_ =	sdelay $0x2  }
0x758: {  	v3 =	vld [tilespmem:$0x7CB0];
	_ =	sdelay $0x4  }
0x759: {  	[tilespmem:v2+s4+$0x0] =	vst.idx.add.f32.msk $0xffff, v3  }
0x75a: {  	v2 =	vld [tilespmem:$0xF9C0];
	_ =	sdelay $0x2  }
0x75b: {  	v3 =	vld [tilespmem:$0x7CC0];
	_ =	sdelay $0x4  }
0x75c: {  	[tilespmem:v2+s4+$0x0] =	vst.idx.add.f32.msk $0xffff, v3  }
0x75d: {  	v2 =	vld [tilespmem:$0xF9D0];
	_ =	sdelay $0x2  }
0x75e: {  	v3 =	vld [tilespmem:$0x7CD0];
	_ =	sdelay $0x4  }
0x75f: {  	[tilespmem:v2+s4+$0x0] =	vst.idx.add.f32.msk $0xffff, v3  }
0x760: {  	v2 =	vld [tilespmem:$0xF9E0];
	_ =	sdelay $0x2  }
0x761: {  	v3 =	vld [tilespmem:$0x7CE0];
	_ =	sdelay $0x4  }
0x762: {  	[tilespmem:v2+s4+$0x0] =	vst.idx.add.f32.msk $0xffff, v3  }
0x763: {  	v2 =	vld [tilespmem:$0xF9F0];
	_ =	sdelay $0x2  }
0x764: {  	v3 =	vld [tilespmem:$0x7CF0];
	_ =	sdelay $0x4  }
0x765: {  	[tilespmem:v2+s4+$0x0] =	vst.idx.add.f32.msk $0xffff, v3  }
0x766: {  	_ =	swait.ge [sflag:s0], $0x3E80  }
0x767: {  	[sflag:s0] =	ssyncset.done $0x0  }
0x768: {  	[sflag:s0] =	ssyncadd.s32 $0xFFFFC180  }
0x769: {  	_ =	swait.ge [sflag:s1], $0x3E80  }
0x76a: {  	[sflag:s1] =	ssyncset.done $0x0  }
0x76b: {  	s14 =	rddreg [dreg:$0xe];
	[sflag:s1] =	ssyncadd.s32 $0xFFFFC180  }
0x76c: {  	[tilespmem:s2], [sflag:$0x1] =	stream.strided.gather [hbm4b:s14+s29], $0x3E80, s30, s29, $0x38;
	[tilespmem:$0x17180] =	vst v63  }
0x76d: {  	s9 =	simm.s32 $0x100;
	s10 =	simm.s32 $0x7E00  }
0x76e: {  	[tilespmem:s3], [sflag:$0x2] =	stream.strided.gather [hbm4b:s23+s29], $0x3E80, s9, s29, $0x38;
	[tilespmem:$0x17180] =	vst v63  }
0x76f: {  	v2 =	vld [tilespmem:s10+$0x80];
	_ =	sdelay $0x1  }
0x770: {  	v3 =	vld [tilespmem:s9+$0x80]  }
0x771: {  	v39 =	vld [tilespmem:s10+$0xFFFFFF80]  }
0x772: {  	v40 =	vld [tilespmem:s10+$0x0]  }
0x773: {  	v41 =	vld [tilespmem:s10+$0xFFFFFF00]  }
0x774: {  	v42 =	vld [tilespmem:s9+$0xFFFFFF80]  }
0x775: {  	v8 =	vld [tilespmem:s9+$0x0]  }
0x776: {  	[tilespmem:v2+s4+$0x0] =	vst.idx.add.f32.msk $0xffff, v3  }
0x777: {  	v3 =	vld [tilespmem:s9+$0xFFFFFF00]  }
0x778: {  	v2 =	vld [tilespmem:s10+$0x90]  }
0x779: {  	[tilespmem:v39+s4+$0x0] =	vst.idx.add.f32.msk $0xffff, v42  }
0x77a: {  	[tilespmem:v40+s4+$0x0] =	vst.idx.add.f32.msk $0xffff, v8  }
0x77b: {  	v9 =	vld [tilespmem:s9+$0x90]  }
0x77c: {  	v4 =	vld [tilespmem:s10+$0xFFFFFF90]  }
0x77d: {  	v46 =	vld [tilespmem:s9+$0xFFFFFF90]  }
0x77e: {  	[tilespmem:v41+s4+$0x0] =	vst.idx.add.f32.msk $0xffff, v3  }
0x77f: {  	v3 =	vld [tilespmem:s10+$0xFFFFFF10]  }
0x780: {  	[tilespmem:v2+s4+$0x0] =	vst.idx.add.f32.msk $0xffff, v9  }
0x781: {  	v2 =	vld [tilespmem:s10+$0xA0]  }
0x782: {  	v45 =	vld [tilespmem:s9+$0xFFFFFF10]  }
0x783: {  	v44 =	vld [tilespmem:s10+$0x10]  }
0x784: {  	v43 =	vld [tilespmem:s9+$0xA0]  }
0x785: {  	v47 =	vld [tilespmem:s9+$0x10]  }
0x786: {  	[tilespmem:v4+s4+$0x0] =	vst.idx.add.f32.msk $0xffff, v46  }
0x787: {  	[tilespmem:v3+s4+$0x0] =	vst.idx.add.f32.msk $0xffff, v45  }
0x788: {  	v48 =	vld [tilespmem:s10+$0xFFFFFF20]  }
0x789: {  	[tilespmem:v2+s4+$0x0] =	vst.idx.add.f32.msk $0xffff, v43  }
0x78a: {  	v2 =	vld [tilespmem:s10+$0xB0]  }
0x78b: {  	v50 =	vld [tilespmem:s9+$0xFFFFFF20]  }
0x78c: {  	[tilespmem:v44+s4+$0x0] =	vst.idx.add.f32.msk $0xffff, v47  }
0x78d: {  	v3 =	vld [tilespmem:s9+$0xB0]  }
0x78e: {  	v49 =	vld [tilespmem:s10+$0xFFFFFFA0]  }
0x78f: {  	v51 =	vld [tilespmem:s9+$0xFFFFFFA0]  }
0x790: {  	[tilespmem:v48+s4+$0x0] =	vst.idx.add.f32.msk $0xffff, v50  }
0x791: {  	v4 =	vld [tilespmem:s10+$0xFFFFFF30]  }
0x792: {  	[tilespmem:v2+s4+$0x0] =	vst.idx.add.f32.msk $0xffff, v3  }
0x793: {  	v3 =	vld [tilespmem:s10+$0x20]  }
0x794: {  	v9 =	vld [tilespmem:s9+$0x20]  }
0x795: {  	v55 =	vld [tilespmem:s9+$0xFFFFFF30]  }
0x796: {  	v2 =	vld [tilespmem:s10+$0xC0]  }
0x797: {  	[tilespmem:v49+s4+$0x0] =	vst.idx.add.f32.msk $0xffff, v51  }
0x798: {  	v56 =	vld [tilespmem:s9+$0xFFFFFFB0]  }
0x799: {  	v52 =	vld [tilespmem:s9+$0xC0]  }
0x79a: {  	[tilespmem:v4+s4+$0x0] =	vst.idx.add.f32.msk $0xffff, v55  }
0x79b: {  	[tilespmem:v3+s4+$0x0] =	vst.idx.add.f32.msk $0xffff, v9  }
0x79c: {  	v3 =	vld [tilespmem:s10+$0xFFFFFFB0]  }
0x79d: {  	v54 =	vld [tilespmem:s10+$0x30]  }
0x79e: {  	[tilespmem:v2+s4+$0x0] =	vst.idx.add.f32.msk $0xffff, v52  }
0x79f: {  	v2 =	vld [tilespmem:s10+$0xD0]  }
0x7a0: {  	v9 =	vld [tilespmem:s9+$0x30]  }
0x7a1: {  	v4 =	vld [tilespmem:s10+$0xFFFFFF40]  }
0x7a2: {  	v53 =	vld [tilespmem:s9+$0xD0]  }
0x7a3: {  	v7 =	vld [tilespmem:s9+$0xFFFFFF40]  }
0x7a4: {  	[tilespmem:v3+s4+$0x0] =	vst.idx.add.f32.msk $0xffff, v56  }
0x7a5: {  	[tilespmem:v54+s4+$0x0] =	vst.idx.add.f32.msk $0xffff, v9  }
0x7a6: {  	v57 =	vld [tilespmem:s10+$0xFFFFFFC0]  }
0x7a7: {  	[tilespmem:v2+s4+$0x0] =	vst.idx.add.f32.msk $0xffff, v53  }
0x7a8: {  	v6 =	vld [tilespmem:s10+$0x40]  }
0x7a9: {  	v2 =	vld [tilespmem:s10+$0xE0]  }
0x7aa: {  	v8 =	vld [tilespmem:s9+$0xFFFFFFC0]  }
0x7ab: {  	v9 =	vld [tilespmem:s9+$0x40]  }
0x7ac: {  	v3 =	vld [tilespmem:s9+$0xE0];
	_ =	sdelay $0x1  }
0x7ad: {  	[tilespmem:v4+s4+$0x0] =	vst.idx.add.f32.msk $0xffff, v7  }
0x7ae: {  	[tilespmem:v57+s4+$0x0] =	vst.idx.add.f32.msk $0xffff, v8  }
0x7af: {  	[tilespmem:v6+s4+$0x0] =	vst.idx.add.f32.msk $0xffff, v9  }
0x7b0: {  	[tilespmem:v2+s4+$0x0] =	vst.idx.add.f32.msk $0xffff, v3  }
0x7b1: {  	v2 =	vld [tilespmem:s10+$0xFFFFFF50]  }
0x7b2: {  	v3 =	vld [tilespmem:s10+$0xFFFFFFD0]  }
0x7b3: {  	v58 =	vld [tilespmem:s10+$0x50]  }
0x7b4: {  	v59 =	vld [tilespmem:s9+$0xFFFFFF50]  }
0x7b5: {  	v60 =	vld [tilespmem:s9+$0xFFFFFFD0]  }
0x7b6: {  	v61 =	vld [tilespmem:s9+$0x50]  }
0x7b7: {  	v62 =	vld [tilespmem:s10+$0xF0]  }
0x7b8: {  	v63 =	vld [tilespmem:s9+$0xF0]  }
0x7b9: {  	[tilespmem:v2+s4+$0x0] =	vst.idx.add.f32.msk $0xffff, v59  }
0x7ba: {  	[tilespmem:v3+s4+$0x0] =	vst.idx.add.f32.msk $0xffff, v60  }
0x7bb: {  	[tilespmem:v58+s4+$0x0] =	vst.idx.add.f32.msk $0xffff, v61  }
0x7bc: {  	v2 =	vld [tilespmem:s10+$0xFFFFFF60]  }
0x7bd: {  	v3 =	vld [tilespmem:s10+$0xFFFFFFE0]  }
0x7be: {  	v4 =	vld [tilespmem:s10+$0x60]  }
0x7bf: {  	v5 =	vld [tilespmem:s9+$0xFFFFFF60]  }
0x7c0: {  	v6 =	vld [tilespmem:s9+$0xFFFFFFE0]  }
0x7c1: {  	v7 =	vld [tilespmem:s9+$0x60];
	_ =	sdelay $0x1  }
0x7c2: {  	[tilespmem:v62+s4+$0x0] =	vst.idx.add.f32.msk $0xffff, v63  }
0x7c3: {  	[tilespmem:v2+s4+$0x0] =	vst.idx.add.f32.msk $0xffff, v5  }
0x7c4: {  	[tilespmem:v3+s4+$0x0] =	vst.idx.add.f32.msk $0xffff, v6  }
0x7c5: {  	[tilespmem:v4+s4+$0x0] =	vst.idx.add.f32.msk $0xffff, v7  }
0x7c6: {  	s13 =	simm.s32 $0x0;
	s12 =	simm.s32 $0x100;
	s14 =	simm.s32 $0x8000;
	v2 =	vld [tilespmem:s10+$0xFFFFFF70]  }
.LBB2_20:
0x7c7: {  	v3 =	vld [tilespmem:s14+$0x80];
	s13 =	sadd.s32 $0x4, s13  }
0x7c8: {  	v4 =	vld [tilespmem:s14+$0xFFFFFF80];
	p1 =	slt.u32 s13, $0x78  }
0x7c9: {  	s9 =	sadd.s32 $0x200, s9;
	v5 =	vld [tilespmem:s14+$0x0]  }
0x7ca: {  	v6 =	vld [tilespmem:s9+$0x80]  }
0x7cb: {  	v7 =	vld [tilespmem:s14+$0xFFFFFF00]  }
0x7cc: {  	v8 =	vld [tilespmem:s9+$0xFFFFFF00]  }
0x7cd: {  	v9 =	vld [tilespmem:s9+$0xFFFFFF80]  }
0x7ce: {  	v10 =	vld [tilespmem:s9+$0x0]  }
0x7cf: {  	[tilespmem:v3+s4+$0x0] =	vst.idx.add.f32.msk $0xffff, v6  }
0x7d0: {  	v6 =	vld [tilespmem:s14+$0x90]  }
0x7d1: {  	v3 =	vld [tilespmem:s10+$0xFFFFFFF0]  }
0x7d2: {  	[tilespmem:v4+s4+$0x0] =	vst.idx.add.f32.msk $0xffff, v9  }
0x7d3: {  	v4 =	vld [tilespmem:s9+$0x90]  }
0x7d4: {  	[tilespmem:v7+s4+$0x0] =	vst.idx.add.f32.msk $0xffff, v8  }
0x7d5: {  	[tilespmem:v5+s4+$0x0] =	vst.idx.add.f32.msk $0xffff, v10  }
0x7d6: {  	v5 =	vld [tilespmem:s14+$0xFFFFFF10]  }
0x7d7: {  	v7 =	vld [tilespmem:s14+$0xFFFFFF90]  }
0x7d8: {  	[tilespmem:v6+s4+$0x0] =	vst.idx.add.f32.msk $0xffff, v4  }
0x7d9: {  	v6 =	vld [tilespmem:s14+$0xA0]  }
0x7da: {  	v8 =	vld [tilespmem:s14+$0x10]  }
0x7db: {  	v9 =	vld [tilespmem:s9+$0xFFFFFF10]  }
0x7dc: {  	v10 =	vld [tilespmem:s9+$0xA0]  }
0x7dd: {  	v11 =	vld [tilespmem:s9+$0xFFFFFF90]  }
0x7de: {  	v12 =	vld [tilespmem:s9+$0x10]  }
0x7df: {  	v4 =	vld [tilespmem:s10+$0x70];
	s10 =	smov.u32 s14  }
0x7e0: {  	[tilespmem:v5+s4+$0x0] =	vst.idx.add.f32.msk $0xffff, v9  }
0x7e1: {  	[tilespmem:v6+s4+$0x0] =	vst.idx.add.f32.msk $0xffff, v10  }
0x7e2: {  	v5 =	vld [tilespmem:s14+$0xB0]  }
0x7e3: {  	[tilespmem:v7+s4+$0x0] =	vst.idx.add.f32.msk $0xffff, v11  }
0x7e4: {  	[tilespmem:v8+s4+$0x0] =	vst.idx.add.f32.msk $0xffff, v12  }
0x7e5: {  	v6 =	vld [tilespmem:s9+$0xB0]  }
0x7e6: {  	v7 =	vld [tilespmem:s14+$0xFFFFFF20]  }
0x7e7: {  	v8 =	vld [tilespmem:s14+$0xFFFFFFA0]  }
0x7e8: {  	v9 =	vld [tilespmem:s14+$0x20]  }
0x7e9: {  	v10 =	vld [tilespmem:s9+$0xFFFFFF20]  }
0x7ea: {  	[tilespmem:v5+s4+$0x0] =	vst.idx.add.f32.msk $0xffff, v6  }
0x7eb: {  	v5 =	vld [tilespmem:s14+$0xC0]  }
0x7ec: {  	v6 =	vld [tilespmem:s9+$0xFFFFFFA0]  }
0x7ed: {  	v11 =	vld [tilespmem:s9+$0x20]  }
0x7ee: {  	v12 =	vld [tilespmem:s9+$0xC0]  }
0x7ef: {  	[tilespmem:v7+s4+$0x0] =	vst.idx.add.f32.msk $0xffff, v10  }
0x7f0: {  	v7 =	vld [tilespmem:s14+$0xFFFFFF30]  }
0x7f1: {  	[tilespmem:v8+s4+$0x0] =	vst.idx.add.f32.msk $0xffff, v6  }
0x7f2: {  	[tilespmem:v9+s4+$0x0] =	vst.idx.add.f32.msk $0xffff, v11  }
0x7f3: {  	[tilespmem:v5+s4+$0x0] =	vst.idx.add.f32.msk $0xffff, v12  }
0x7f4: {  	v5 =	vld [tilespmem:s14+$0xD0]  }
0x7f5: {  	v6 =	vld [tilespmem:s14+$0xFFFFFFB0]  }
0x7f6: {  	v8 =	vld [tilespmem:s14+$0x30]  }
0x7f7: {  	v9 =	vld [tilespmem:s9+$0xD0]  }
0x7f8: {  	v10 =	vld [tilespmem:s9+$0xFFFFFF30]  }
0x7f9: {  	v11 =	vld [tilespmem:s9+$0xFFFFFFB0]  }
0x7fa: {  	v12 =	vld [tilespmem:s9+$0x30]  }
0x7fb: {  	v13 =	vld [tilespmem:s12+$0xFFFFFF70]  }
0x7fc: {  	[tilespmem:v5+s4+$0x0] =	vst.idx.add.f32.msk $0xffff, v9  }
0x7fd: {  	v5 =	vld [tilespmem:s14+$0xE0]  }
0x7fe: {  	[tilespmem:v7+s4+$0x0] =	vst.idx.add.f32.msk $0xffff, v10  }
0x7ff: {  	[tilespmem:v6+s4+$0x0] =	vst.idx.add.f32.msk $0xffff, v11  }
0x800: {  	v6 =	vld [tilespmem:s9+$0xE0]  }
0x801: {  	[tilespmem:v8+s4+$0x0] =	vst.idx.add.f32.msk $0xffff, v12  }
0x802: {  	v7 =	vld [tilespmem:s14+$0xFFFFFF40]  }
0x803: {  	v8 =	vld [tilespmem:s14+$0xFFFFFFC0]  }
0x804: {  	v9 =	vld [tilespmem:s14+$0x40]  }
0x805: {  	[tilespmem:v5+s4+$0x0] =	vst.idx.add.f32.msk $0xffff, v6  }
0x806: {  	v5 =	vld [tilespmem:s14+$0xF0]  }
0x807: {  	v6 =	vld [tilespmem:s9+$0xFFFFFF40]  }
0x808: {  	v10 =	vld [tilespmem:s9+$0xFFFFFFC0]  }
0x809: {  	v11 =	vld [tilespmem:s9+$0xF0]  }
0x80a: {  	v12 =	vld [tilespmem:s9+$0x40]  }
0x80b: {  	v14 =	vld [tilespmem:s12+$0xFFFFFFF0]  }
0x80c: {  	[tilespmem:v7+s4+$0x0] =	vst.idx.add.f32.msk $0xffff, v6  }
0x80d: {  	[tilespmem:v8+s4+$0x0] =	vst.idx.add.f32.msk $0xffff, v10  }
0x80e: {  	[tilespmem:v5+s4+$0x0] =	vst.idx.add.f32.msk $0xffff, v11  }
0x80f: {  	[tilespmem:v9+s4+$0x0] =	vst.idx.add.f32.msk $0xffff, v12  }
0x810: {  	v5 =	vld [tilespmem:s14+$0xFFFFFF50]  }
0x811: {  	v6 =	vld [tilespmem:s14+$0xFFFFFFD0]  }
0x812: {  	v7 =	vld [tilespmem:s14+$0x50]  }
0x813: {  	v8 =	vld [tilespmem:s9+$0xFFFFFF50]  }
0x814: {  	v9 =	vld [tilespmem:s9+$0xFFFFFFD0]  }
0x815: {  	v10 =	vld [tilespmem:s9+$0x50]  }
0x816: {  	v11 =	vld [tilespmem:s12+$0x70];
	s12 =	smov.u32 s9  }
0x817: {  	[tilespmem:v2+s4+$0x0] =	vst.idx.add.f32.msk $0xffff, v13  }
0x818: {  	[tilespmem:v5+s4+$0x0] =	vst.idx.add.f32.msk $0xffff, v8  }
0x819: {  	[tilespmem:v6+s4+$0x0] =	vst.idx.add.f32.msk $0xffff, v9  }
0x81a: {  	[tilespmem:v7+s4+$0x0] =	vst.idx.add.f32.msk $0xffff, v10  }
0x81b: {  	v2 =	vld [tilespmem:s14+$0xFFFFFF60]  }
0x81c: {  	v5 =	vld [tilespmem:s14+$0xFFFFFFE0]  }
0x81d: {  	v6 =	vld [tilespmem:s14+$0x60]  }
0x81e: {  	v7 =	vld [tilespmem:s9+$0xFFFFFF60]  }
0x81f: {  	v8 =	vld [tilespmem:s9+$0xFFFFFFE0]  }
0x820: {  	v9 =	vld [tilespmem:s9+$0x60]  }
0x821: {  	[tilespmem:v3+s4+$0x0] =	vst.idx.add.f32.msk $0xffff, v14  }
.Ltmp9:
0x822: {  	[tilespmem:v4+s4+$0x0] =	vst.idx.add.f32.msk $0xffff, v11;
	(pc) =	sbr.rel @p1 .LBB2_20-.Ltmp9, $4  }
0x823: {  	[tilespmem:v2+s4+$0x0] =	vst.idx.add.f32.msk $0xffff, v7  }
0x824: {  	[tilespmem:v5+s4+$0x0] =	vst.idx.add.f32.msk $0xffff, v8  }
0x825: {  	[tilespmem:v6+s4+$0x0] =	vst.idx.add.f32.msk $0xffff, v9  }
0x826: {  	s14 =	sadd.s32 $0x200, s14;
	v2 =	vld [tilespmem:s10+$0xFFFFFF70]  }
0x827: {  	_ = 	snop  }
0x828: {  	v3 =	vld [tilespmem:s10+$0xFFFFFFF0]  }
0x829: {  	v4 =	vld [tilespmem:s10+$0x70]  }
0x82a: {  	v5 =	vld [tilespmem:s12+$0xFFFFFF70]  }
0x82b: {  	v6 =	vld [tilespmem:s12+$0xFFFFFFF0]  }
0x82c: {  	v7 =	vld [tilespmem:s12+$0x70];
	_ =	sdelay $0x2  }
0x82d: {  	[tilespmem:v2+s4+$0x0] =	vst.idx.add.f32.msk $0xffff, v5  }
0x82e: {  	[tilespmem:v3+s4+$0x0] =	vst.idx.add.f32.msk $0xffff, v6  }
0x82f: {  	[tilespmem:v4+s4+$0x0] =	vst.idx.add.f32.msk $0xffff, v7  }
0x830: {  	v2 =	vld [tilespmem:$0xBB00];
	_ =	sdelay $0x2  }
0x831: {  	v3 =	vld [tilespmem:$0x3E00];
	_ =	sdelay $0x4  }
0x832: {  	[tilespmem:v2+s4+$0x0] =	vst.idx.add.f32.msk $0xffff, v3  }
0x833: {  	v2 =	vld [tilespmem:$0xBB10];
	_ =	sdelay $0x2  }
0x834: {  	v3 =	vld [tilespmem:$0x3E10];
	_ =	sdelay $0x4  }
0x835: {  	[tilespmem:v2+s4+$0x0] =	vst.idx.add.f32.msk $0xffff, v3  }
0x836: {  	v2 =	vld [tilespmem:$0xBB20];
	_ =	sdelay $0x2  }
0x837: {  	v3 =	vld [tilespmem:$0x3E20];
	_ =	sdelay $0x4  }
0x838: {  	[tilespmem:v2+s4+$0x0] =	vst.idx.add.f32.msk $0xffff, v3  }
0x839: {  	v2 =	vld [tilespmem:$0xBB30];
	_ =	sdelay $0x2  }
0x83a: {  	v3 =	vld [tilespmem:$0x3E30];
	_ =	sdelay $0x4  }
0x83b: {  	[tilespmem:v2+s4+$0x0] =	vst.idx.add.f32.msk $0xffff, v3  }
0x83c: {  	v2 =	vld [tilespmem:$0xBB40];
	_ =	sdelay $0x2  }
0x83d: {  	v3 =	vld [tilespmem:$0x3E40];
	_ =	sdelay $0x4  }
0x83e: {  	[tilespmem:v2+s4+$0x0] =	vst.idx.add.f32.msk $0xffff, v3  }
0x83f: {  	v2 =	vld [tilespmem:$0xBB50];
	_ =	sdelay $0x2  }
0x840: {  	v3 =	vld [tilespmem:$0x3E50];
	_ =	sdelay $0x4  }
0x841: {  	[tilespmem:v2+s4+$0x0] =	vst.idx.add.f32.msk $0xffff, v3  }
0x842: {  	v2 =	vld [tilespmem:$0xBB60];
	_ =	sdelay $0x2  }
0x843: {  	v3 =	vld [tilespmem:$0x3E60];
	_ =	sdelay $0x4  }
0x844: {  	[tilespmem:v2+s4+$0x0] =	vst.idx.add.f32.msk $0xffff, v3  }
0x845: {  	v2 =	vld [tilespmem:$0xBB70];
	_ =	sdelay $0x2  }
0x846: {  	v3 =	vld [tilespmem:$0x3E70];
	_ =	sdelay $0x4  }
0x847: {  	[tilespmem:v2+s4+$0x0] =	vst.idx.add.f32.msk $0xffff, v3  }
0x848: {  	_ =	swait.ge [sflag:s0], $0x3E80  }
0x849: {  	[sflag:s0] =	ssyncset.done $0x0  }
0x84a: {  	[sflag:s0] =	ssyncadd.s32 $0xFFFFC180  }
0x84b: {  	_ =	swait.ge [sflag:s1], $0x3E80  }
0x84c: {  	[sflag:s1] =	ssyncset.done $0x0  }
0x84d: {  	s9 =	simm.s32 $0x0;
	[sflag:s1] =	ssyncadd.s32 $0xFFFFC180  }
0x84e: {  	v2 =	vld [tilespmem:s9+$0xBD00]  }
0x84f: {  	v3 =	vld [tilespmem:s9+$0xBB80]  }
0x850: {  	v4 =	vld [tilespmem:s9+$0xBC00]  }
0x851: {  	v5 =	vld [tilespmem:s9+$0x4000]  }
0x852: {  	v6 =	vld [tilespmem:s9+$0xBC80]  }
0x853: {  	v7 =	vld [tilespmem:s9+$0x3E80];
	_ =	sdelay $0x1  }
0x854: {  	v8 =	vld [tilespmem:s9+$0x3F00]  }
0x855: {  	v9 =	vld [tilespmem:s9+$0x3F80]  }
0x856: {  	[tilespmem:v2+s4+$0x0] =	vst.idx.add.f32.msk $0xffff, v5  }
0x857: {  	[tilespmem:v3+s4+$0x0] =	vst.idx.add.f32.msk $0xffff, v7  }
0x858: {  	v2 =	vld [tilespmem:s9+$0xBD10]  }
0x859: {  	[tilespmem:v4+s4+$0x0] =	vst.idx.add.f32.msk $0xffff, v8  }
0x85a: {  	[tilespmem:v6+s4+$0x0] =	vst.idx.add.f32.msk $0xffff, v9  }
0x85b: {  	v3 =	vld [tilespmem:s9+$0x4010]  }
0x85c: {  	v5 =	vld [tilespmem:s9+$0xBC10]  }
0x85d: {  	v6 =	vld [tilespmem:s9+$0xBC90]  }
0x85e: {  	v7 =	vld [tilespmem:s9+$0x3F10]  }
0x85f: {  	v9 =	vld [tilespmem:s9+$0x3F90]  }
0x860: {  	[tilespmem:v2+s4+$0x0] =	vst.idx.add.f32.msk $0xffff, v3  }
0x861: {  	v2 =	vld [tilespmem:s9+$0xBD20]  }
0x862: {  	v4 =	vld [tilespmem:s9+$0xBB90]  }
0x863: {  	v3 =	vld [tilespmem:s9+$0x3E90]  }
0x864: {  	v60 =	vld [tilespmem:s9+$0x4020]  }
0x865: {  	[tilespmem:v5+s4+$0x0] =	vst.idx.add.f32.msk $0xffff, v7  }
0x866: {  	[tilespmem:v6+s4+$0x0] =	vst.idx.add.f32.msk $0xffff, v9  }
0x867: {  	v5 =	vld [tilespmem:s9+$0xBC20]  }
0x868: {  	v61 =	vld [tilespmem:s9+$0x3F20]  }
0x869: {  	[tilespmem:v2+s4+$0x0] =	vst.idx.add.f32.msk $0xffff, v60  }
0x86a: {  	v2 =	vld [tilespmem:s9+$0xBD30]  }
0x86b: {  	[tilespmem:v4+s4+$0x0] =	vst.idx.add.f32.msk $0xffff, v3  }
0x86c: {  	v3 =	vld [tilespmem:s9+$0xBBA0]  }
0x86d: {  	v4 =	vld [tilespmem:s9+$0x4030]  }
0x86e: {  	v6 =	vld [tilespmem:s9+$0xBCA0]  }
0x86f: {  	v7 =	vld [tilespmem:s9+$0x3EA0]  }
0x870: {  	[tilespmem:v5+s4+$0x0] =	vst.idx.add.f32.msk $0xffff, v61  }
0x871: {  	v8 =	vld [tilespmem:s9+$0x3F30]  }
0x872: {  	[tilespmem:v2+s4+$0x0] =	vst.idx.add.f32.msk $0xffff, v4  }
0x873: {  	v4 =	vld [tilespmem:s9+$0x3FA0]  }
0x874: {  	v2 =	vld [tilespmem:s9+$0xBD40]  }
0x875: {  	[tilespmem:v3+s4+$0x0] =	vst.idx.add.f32.msk $0xffff, v7  }
0x876: {  	v5 =	vld [tilespmem:s9+$0xBBB0]  }
0x877: {  	v3 =	vld [tilespmem:s9+$0x4040]  }
0x878: {  	[tilespmem:v6+s4+$0x0] =	vst.idx.add.f32.msk $0xffff, v4  }
0x879: {  	v4 =	vld [tilespmem:s9+$0xBC30]  }
0x87a: {  	v6 =	vld [tilespmem:s9+$0x3EB0]  }
0x87b: {  	v9 =	vld [tilespmem:s9+$0x3FB0]  }
0x87c: {  	[tilespmem:v2+s4+$0x0] =	vst.idx.add.f32.msk $0xffff, v3  }
0x87d: {  	v3 =	vld [tilespmem:s9+$0xBCB0]  }
0x87e: {  	v2 =	vld [tilespmem:s9+$0xBD50]  }
0x87f: {  	v7 =	vld [tilespmem:s9+$0x4050]  }
0x880: {  	[tilespmem:v5+s4+$0x0] =	vst.idx.add.f32.msk $0xffff, v6  }
0x881: {  	[tilespmem:v4+s4+$0x0] =	vst.idx.add.f32.msk $0xffff, v8  }
0x882: {  	v4 =	vld [tilespmem:s9+$0xBBC0]  }
0x883: {  	v5 =	vld [tilespmem:s9+$0xBC40]  }
0x884: {  	v8 =	vld [tilespmem:s9+$0x3F40]  }
0x885: {  	[tilespmem:v3+s4+$0x0] =	vst.idx.add.f32.msk $0xffff, v9  }
0x886: {  	[tilespmem:v2+s4+$0x0] =	vst.idx.add.f32.msk $0xffff, v7  }
0x887: {  	v6 =	vld [tilespmem:s9+$0xBCC0]  }
0x888: {  	v2 =	vld [tilespmem:s9+$0xBD60]  }
0x889: {  	v7 =	vld [tilespmem:s9+$0x3EC0]  }
0x88a: {  	v9 =	vld [tilespmem:s9+$0x3FC0]  }
0x88b: {  	v3 =	vld [tilespmem:s9+$0x4060];
	_ =	sdelay $0x1  }
0x88c: {  	[tilespmem:v5+s4+$0x0] =	vst.idx.add.f32.msk $0xffff, v8  }
0x88d: {  	[tilespmem:v4+s4+$0x0] =	vst.idx.add.f32.msk $0xffff, v7  }
0x88e: {  	[tilespmem:v6+s4+$0x0] =	vst.idx.add.f32.msk $0xffff, v9  }
0x88f: {  	[tilespmem:v2+s4+$0x0] =	vst.idx.add.f32.msk $0xffff, v3  }
0x890: {  	v2 =	vld [tilespmem:s9+$0xBBD0]  }
0x891: {  	v3 =	vld [tilespmem:s9+$0xBC50]  }
0x892: {  	v4 =	vld [tilespmem:s9+$0xBCD0]  }
0x893: {  	v5 =	vld [tilespmem:s9+$0x3ED0]  }
0x894: {  	v6 =	vld [tilespmem:s9+$0x3F50]  }
0x895: {  	v7 =	vld [tilespmem:s9+$0x3FD0]  }
0x896: {  	v62 =	vld [tilespmem:s9+$0xBD70]  }
0x897: {  	v63 =	vld [tilespmem:s9+$0x4070]  }
0x898: {  	[tilespmem:v2+s4+$0x0] =	vst.idx.add.f32.msk $0xffff, v5  }
0x899: {  	[tilespmem:v3+s4+$0x0] =	vst.idx.add.f32.msk $0xffff, v6  }
0x89a: {  	[tilespmem:v4+s4+$0x0] =	vst.idx.add.f32.msk $0xffff, v7  }
0x89b: {  	v2 =	vld [tilespmem:s9+$0xBBE0]  }
0x89c: {  	v3 =	vld [tilespmem:s9+$0xBC60]  }
0x89d: {  	v4 =	vld [tilespmem:s9+$0xBCE0]  }
0x89e: {  	v5 =	vld [tilespmem:s9+$0x3EE0]  }
0x89f: {  	v6 =	vld [tilespmem:s9+$0x3F60]  }
0x8a0: {  	v7 =	vld [tilespmem:s9+$0x3FE0];
	_ =	sdelay $0x1  }
0x8a1: {  	[tilespmem:v62+s4+$0x0] =	vst.idx.add.f32.msk $0xffff, v63  }
0x8a2: {  	[tilespmem:v2+s4+$0x0] =	vst.idx.add.f32.msk $0xffff, v5  }
0x8a3: {  	[tilespmem:v3+s4+$0x0] =	vst.idx.add.f32.msk $0xffff, v6  }
0x8a4: {  	[tilespmem:v4+s4+$0x0] =	vst.idx.add.f32.msk $0xffff, v7  }
0x8a5: {  	v4 =	vld [tilespmem:s9+$0xBBF0]  }
0x8a6: {  	s10 =	simm.s32 $0x0;
	s12 =	simm.s32 $0x800;
	v2 =	vld [tilespmem:s9+$0xBC70]  }
.LBB2_22:
0x8a7: {  	s13 =	sshra.s32 s12, $0x2;
	s10 =	sadd.s32 $0x4, s10;
	v3 =	vld [tilespmem:s9+$0xBCF0]  }
0x8a8: {  	v5 =	vld [tilespmem:s13+$0xBD00];
	p1 =	slt.u32 s10, $0x78  }
0x8a9: {  	v6 =	vld [tilespmem:s13+$0xBB80]  }
0x8aa: {  	v7 =	vld [tilespmem:s13+$0xBC00]  }
0x8ab: {  	v8 =	vld [tilespmem:s13+$0x4000]  }
0x8ac: {  	v9 =	vld [tilespmem:s13+$0xBC80]  }
0x8ad: {  	v10 =	vld [tilespmem:s13+$0x3E80]  }
0x8ae: {  	v11 =	vld [tilespmem:s13+$0x3F00]  }
0x8af: {  	v12 =	vld [tilespmem:s13+$0x3F80]  }
0x8b0: {  	[tilespmem:v5+s4+$0x0] =	vst.idx.add.f32.msk $0xffff, v8  }
0x8b1: {  	v5 =	vld [tilespmem:s13+$0xBD10]  }
0x8b2: {  	[tilespmem:v6+s4+$0x0] =	vst.idx.add.f32.msk $0xffff, v10  }
0x8b3: {  	[tilespmem:v7+s4+$0x0] =	vst.idx.add.f32.msk $0xffff, v11  }
0x8b4: {  	v6 =	vld [tilespmem:s13+$0x4010]  }
0x8b5: {  	[tilespmem:v9+s4+$0x0] =	vst.idx.add.f32.msk $0xffff, v12  }
0x8b6: {  	v7 =	vld [tilespmem:s13+$0xBB90]  }
0x8b7: {  	v8 =	vld [tilespmem:s13+$0xBC10]  }
0x8b8: {  	v9 =	vld [tilespmem:s13+$0xBC90]  }
0x8b9: {  	[tilespmem:v5+s4+$0x0] =	vst.idx.add.f32.msk $0xffff, v6  }
0x8ba: {  	v5 =	vld [tilespmem:s13+$0xBD20]  }
0x8bb: {  	v6 =	vld [tilespmem:s13+$0x3E90]  }
0x8bc: {  	v10 =	vld [tilespmem:s13+$0x3F10]  }
0x8bd: {  	v11 =	vld [tilespmem:s13+$0x4020]  }
0x8be: {  	v12 =	vld [tilespmem:s13+$0x3F90]  }
0x8bf: {  	v13 =	vld [tilespmem:s9+$0x3EF0]  }
0x8c0: {  	[tilespmem:v7+s4+$0x0] =	vst.idx.add.f32.msk $0xffff, v6  }
0x8c1: {  	[tilespmem:v8+s4+$0x0] =	vst.idx.add.f32.msk $0xffff, v10  }
0x8c2: {  	[tilespmem:v5+s4+$0x0] =	vst.idx.add.f32.msk $0xffff, v11  }
0x8c3: {  	v5 =	vld [tilespmem:s13+$0xBD30]  }
0x8c4: {  	[tilespmem:v9+s4+$0x0] =	vst.idx.add.f32.msk $0xffff, v12  }
0x8c5: {  	v6 =	vld [tilespmem:s13+$0xBBA0]  }
0x8c6: {  	v7 =	vld [tilespmem:s13+$0x4030]  }
0x8c7: {  	v8 =	vld [tilespmem:s13+$0xBC20]  }
0x8c8: {  	v9 =	vld [tilespmem:s13+$0xBCA0]  }
0x8c9: {  	v10 =	vld [tilespmem:s13+$0x3EA0]  }
0x8ca: {  	v11 =	vld [tilespmem:s13+$0x3F20]  }
0x8cb: {  	[tilespmem:v5+s4+$0x0] =	vst.idx.add.f32.msk $0xffff, v7  }
0x8cc: {  	v5 =	vld [tilespmem:s13+$0xBD40]  }
0x8cd: {  	v7 =	vld [tilespmem:s13+$0x3FA0]  }
0x8ce: {  	[tilespmem:v6+s4+$0x0] =	vst.idx.add.f32.msk $0xffff, v10  }
0x8cf: {  	v6 =	vld [tilespmem:s13+$0x4040]  }
0x8d0: {  	[tilespmem:v8+s4+$0x0] =	vst.idx.add.f32.msk $0xffff, v11  }
0x8d1: {  	v8 =	vld [tilespmem:s13+$0xBBB0]  }
0x8d2: {  	[tilespmem:v9+s4+$0x0] =	vst.idx.add.f32.msk $0xffff, v7  }
0x8d3: {  	v7 =	vld [tilespmem:s13+$0xBC30]  }
0x8d4: {  	[tilespmem:v5+s4+$0x0] =	vst.idx.add.f32.msk $0xffff, v6  }
0x8d5: {  	v5 =	vld [tilespmem:s13+$0xBD50]  }
0x8d6: {  	v6 =	vld [tilespmem:s13+$0xBCB0]  }
0x8d7: {  	v9 =	vld [tilespmem:s13+$0x3EB0]  }
0x8d8: {  	v10 =	vld [tilespmem:s13+$0x4050]  }
0x8d9: {  	v11 =	vld [tilespmem:s13+$0x3F30]  }
0x8da: {  	v12 =	vld [tilespmem:s13+$0x3FB0]  }
0x8db: {  	v14 =	vld [tilespmem:s9+$0x3F70]  }
0x8dc: {  	[tilespmem:v8+s4+$0x0] =	vst.idx.add.f32.msk $0xffff, v9  }
0x8dd: {  	[tilespmem:v5+s4+$0x0] =	vst.idx.add.f32.msk $0xffff, v10  }
0x8de: {  	v5 =	vld [tilespmem:s13+$0xBD60]  }
0x8df: {  	[tilespmem:v7+s4+$0x0] =	vst.idx.add.f32.msk $0xffff, v11  }
0x8e0: {  	[tilespmem:v6+s4+$0x0] =	vst.idx.add.f32.msk $0xffff, v12  }
0x8e1: {  	v6 =	vld [tilespmem:s13+$0x4060]  }
0x8e2: {  	v7 =	vld [tilespmem:s13+$0xBBC0]  }
0x8e3: {  	v8 =	vld [tilespmem:s13+$0xBC40]  }
0x8e4: {  	v9 =	vld [tilespmem:s13+$0xBCC0]  }
0x8e5: {  	v10 =	vld [tilespmem:s13+$0x3EC0]  }
0x8e6: {  	[tilespmem:v5+s4+$0x0] =	vst.idx.add.f32.msk $0xffff, v6  }
0x8e7: {  	v5 =	vld [tilespmem:s13+$0xBD70]  }
0x8e8: {  	v6 =	vld [tilespmem:s13+$0x3F40]  }
0x8e9: {  	v11 =	vld [tilespmem:s13+$0x3FC0]  }
0x8ea: {  	v12 =	vld [tilespmem:s13+$0x4070]  }
0x8eb: {  	[tilespmem:v7+s4+$0x0] =	vst.idx.add.f32.msk $0xffff, v10  }
0x8ec: {  	v7 =	vld [tilespmem:s13+$0xBBD0]  }
0x8ed: {  	[tilespmem:v8+s4+$0x0] =	vst.idx.add.f32.msk $0xffff, v6  }
0x8ee: {  	[tilespmem:v9+s4+$0x0] =	vst.idx.add.f32.msk $0xffff, v11  }
0x8ef: {  	[tilespmem:v5+s4+$0x0] =	vst.idx.add.f32.msk $0xffff, v12  }
0x8f0: {  	v5 =	vld [tilespmem:s13+$0xBC50]  }
0x8f1: {  	v6 =	vld [tilespmem:s13+$0xBCD0]  }
0x8f2: {  	v8 =	vld [tilespmem:s13+$0x3ED0]  }
0x8f3: {  	v9 =	vld [tilespmem:s13+$0x3F50]  }
0x8f4: {  	v10 =	vld [tilespmem:s13+$0x3FD0]  }
0x8f5: {  	v11 =	vld [tilespmem:s9+$0x3FF0];
	s9 =	smov.u32 s13  }
0x8f6: {  	[tilespmem:v4+s4+$0x0] =	vst.idx.add.f32.msk $0xffff, v13  }
0x8f7: {  	[tilespmem:v7+s4+$0x0] =	vst.idx.add.f32.msk $0xffff, v8  }
0x8f8: {  	[tilespmem:v5+s4+$0x0] =	vst.idx.add.f32.msk $0xffff, v9  }
0x8f9: {  	[tilespmem:v6+s4+$0x0] =	vst.idx.add.f32.msk $0xffff, v10  }
0x8fa: {  	v4 =	vld [tilespmem:s9+$0xBBE0]  }
0x8fb: {  	v5 =	vld [tilespmem:s9+$0xBC60]  }
0x8fc: {  	v6 =	vld [tilespmem:s9+$0xBCE0]  }
0x8fd: {  	v7 =	vld [tilespmem:s9+$0x3EE0]  }
0x8fe: {  	v8 =	vld [tilespmem:s9+$0x3F60]  }
0x8ff: {  	v9 =	vld [tilespmem:s9+$0x3FE0]  }
0x900: {  	[tilespmem:v2+s4+$0x0] =	vst.idx.add.f32.msk $0xffff, v14  }
0x901: {  	[tilespmem:v3+s4+$0x0] =	vst.idx.add.f32.msk $0xffff, v11  }
.Ltmp10:
0x902: {  	[tilespmem:v4+s4+$0x0] =	vst.idx.add.f32.msk $0xffff, v7;
	(pc) =	sbr.rel @p1 .LBB2_22-.Ltmp10, $4  }
0x903: {  	[tilespmem:v5+s4+$0x0] =	vst.idx.add.f32.msk $0xffff, v8  }
0x904: {  	[tilespmem:v6+s4+$0x0] =	vst.idx.add.f32.msk $0xffff, v9  }
0x905: {  	v4 =	vld [tilespmem:s9+$0xBBF0]  }
0x906: {  	s12 =	sadd.s32 $0x800, s12;
	v2 =	vld [tilespmem:s9+$0xBC70]  }
0x907: {  	_ = 	snop  }
0x908: {  	v3 =	vld [tilespmem:s9+$0xBCF0]  }
0x909: {  	v5 =	vld [tilespmem:s9+$0x3EF0]  }
0x90a: {  	v6 =	vld [tilespmem:s9+$0x3F70]  }
0x90b: {  	v7 =	vld [tilespmem:s9+$0x3FF0];
	_ =	sdelay $0x2  }
0x90c: {  	[tilespmem:v4+s4+$0x0] =	vst.idx.add.f32.msk $0xffff, v5  }
0x90d: {  	[tilespmem:v2+s4+$0x0] =	vst.idx.add.f32.msk $0xffff, v6  }
0x90e: {  	[tilespmem:v3+s4+$0x0] =	vst.idx.add.f32.msk $0xffff, v7  }
0x90f: {  	v2 =	vld [tilespmem:$0xF980];
	_ =	sdelay $0x2  }
0x910: {  	v3 =	vld [tilespmem:$0x7C80];
	_ =	sdelay $0x4  }
0x911: {  	[tilespmem:v2+s4+$0x0] =	vst.idx.add.f32.msk $0xffff, v3  }
0x912: {  	v2 =	vld [tilespmem:$0xF990];
	_ =	sdelay $0x2  }
0x913: {  	v3 =	vld [tilespmem:$0x7C90];
	_ =	sdelay $0x4  }
0x914: {  	[tilespmem:v2+s4+$0x0] =	vst.idx.add.f32.msk $0xffff, v3  }
0x915: {  	v2 =	vld [tilespmem:$0xF9A0];
	_ =	sdelay $0x2  }
0x916: {  	v3 =	vld [tilespmem:$0x7CA0];
	_ =	sdelay $0x4  }
0x917: {  	[tilespmem:v2+s4+$0x0] =	vst.idx.add.f32.msk $0xffff, v3  }
0x918: {  	v2 =	vld [tilespmem:$0xF9B0];
	_ =	sdelay $0x2  }
0x919: {  	v3 =	vld [tilespmem:$0x7CB0];
	_ =	sdelay $0x4  }
0x91a: {  	[tilespmem:v2+s4+$0x0] =	vst.idx.add.f32.msk $0xffff, v3  }
0x91b: {  	v2 =	vld [tilespmem:$0xF9C0];
	_ =	sdelay $0x2  }
0x91c: {  	v3 =	vld [tilespmem:$0x7CC0];
	_ =	sdelay $0x4  }
0x91d: {  	[tilespmem:v2+s4+$0x0] =	vst.idx.add.f32.msk $0xffff, v3  }
0x91e: {  	v2 =	vld [tilespmem:$0xF9D0];
	_ =	sdelay $0x2  }
0x91f: {  	v3 =	vld [tilespmem:$0x7CD0];
	_ =	sdelay $0x4  }
0x920: {  	[tilespmem:v2+s4+$0x0] =	vst.idx.add.f32.msk $0xffff, v3  }
0x921: {  	v2 =	vld [tilespmem:$0xF9E0];
	_ =	sdelay $0x2  }
0x922: {  	v3 =	vld [tilespmem:$0x7CE0];
	_ =	sdelay $0x4  }
0x923: {  	[tilespmem:v2+s4+$0x0] =	vst.idx.add.f32.msk $0xffff, v3  }
0x924: {  	v2 =	vld [tilespmem:$0xF9F0];
	_ =	sdelay $0x2  }
0x925: {  	v3 =	vld [tilespmem:$0x7CF0];
	_ =	sdelay $0x4  }
0x926: {  	[tilespmem:v2+s4+$0x0] =	vst.idx.add.f32.msk $0xffff, v3  }
0x927: {  	_ =	swait.ge [sflag:s5], $0x2700  }
0x928: {  	[sflag:s5] =	ssyncset.done $0x0  }
0x929: {  	s9 =	simm.s32 $0xFA80;
	[sflag:s5] =	ssyncadd.s32 $0xFFFFD900  }
0x92a: {  	v2 =	vld [tilespmem:s9+$0x0];
	_ =	sdelay $0x3  }
0x92b: {  	v3 =	vld [tilespmem:s9+$0xFFFFFF80];
	_ =	sdelay $0x3  }
0x92c: {  	[tilespmem:v2+s6+$0x0] =	vst.idx.add.f32.msk $0xffff, v1  }
0x92d: {  	v2 =	vld [tilespmem:s9+$0x10];
	_ =	sdelay $0x2  }
0x92e: {  	[tilespmem:v3+s6+$0x0] =	vst.idx.add.f32.msk $0xffff, v1  }
0x92f: {  	v3 =	vld [tilespmem:s9+$0xFFFFFF90];
	_ =	sdelay $0x3  }
0x930: {  	[tilespmem:v2+s6+$0x0] =	vst.idx.add.f32.msk $0xffff, v1  }
0x931: {  	v2 =	vld [tilespmem:s9+$0x20];
	_ =	sdelay $0x2  }
0x932: {  	[tilespmem:v3+s6+$0x0] =	vst.idx.add.f32.msk $0xffff, v1  }
0x933: {  	v3 =	vld [tilespmem:s9+$0xFFFFFFA0];
	_ =	sdelay $0x3  }
0x934: {  	[tilespmem:v2+s6+$0x0] =	vst.idx.add.f32.msk $0xffff, v1  }
0x935: {  	v2 =	vld [tilespmem:s9+$0x30]  }
0x936: {  	s10 =	simm.s32 $0xFB80  }
0x937: {  	v4 =	vld [tilespmem:s10+$0x0]  }
0x938: {  	[tilespmem:v3+s6+$0x0] =	vst.idx.add.f32.msk $0xffff, v1  }
0x939: {  	v3 =	vld [tilespmem:s9+$0xFFFFFFB0];
	_ =	sdelay $0x2  }
0x93a: {  	v5 =	vld [tilespmem:s10+$0xFFFFFF80]  }
0x93b: {  	[tilespmem:v2+s6+$0x0] =	vst.idx.add.f32.msk $0xffff, v1  }
0x93c: {  	v2 =	vld [tilespmem:s9+$0x40]  }
0x93d: {  	[tilespmem:v4+s6+$0x0] =	vst.idx.add.f32.msk $0xffff, v1  }
0x93e: {  	v4 =	vld [tilespmem:s10+$0x10]  }
0x93f: {  	[tilespmem:v3+s6+$0x0] =	vst.idx.add.f32.msk $0xffff, v1  }
0x940: {  	v3 =	vld [tilespmem:s9+$0xFFFFFFC0];
	_ =	sdelay $0x1  }
0x941: {  	[tilespmem:v5+s6+$0x0] =	vst.idx.add.f32.msk $0xffff, v1  }
0x942: {  	v5 =	vld [tilespmem:s10+$0xFFFFFF90]  }
0x943: {  	[tilespmem:v2+s6+$0x0] =	vst.idx.add.f32.msk $0xffff, v1  }
0x944: {  	v2 =	vld [tilespmem:s9+$0x50]  }
0x945: {  	[tilespmem:v4+s6+$0x0] =	vst.idx.add.f32.msk $0xffff, v1  }
0x946: {  	v4 =	vld [tilespmem:s10+$0x20]  }
0x947: {  	[tilespmem:v3+s6+$0x0] =	vst.idx.add.f32.msk $0xffff, v1  }
0x948: {  	v3 =	vld [tilespmem:s9+$0xFFFFFFD0];
	_ =	sdelay $0x1  }
0x949: {  	[tilespmem:v5+s6+$0x0] =	vst.idx.add.f32.msk $0xffff, v1  }
0x94a: {  	v5 =	vld [tilespmem:s10+$0xFFFFFFA0]  }
0x94b: {  	[tilespmem:v2+s6+$0x0] =	vst.idx.add.f32.msk $0xffff, v1  }
0x94c: {  	v6 =	vld [tilespmem:s9+$0x60];
	_ =	sdelay $0x1  }
0x94d: {  	[tilespmem:v4+s6+$0x0] =	vst.idx.add.f32.msk $0xffff, v1  }
0x94e: {  	[tilespmem:v3+s6+$0x0] =	vst.idx.add.f32.msk $0xffff, v1  }
0x94f: {  	v2 =	vld [tilespmem:s9+$0xFFFFFFE0]  }
0x950: {  	v4 =	vld [tilespmem:s10+$0x30]  }
0x951: {  	[tilespmem:v5+s6+$0x0] =	vst.idx.add.f32.msk $0xffff, v1  }
0x952: {  	v5 =	vld [tilespmem:s10+$0xFFFFFFB0]  }
0x953: {  	[tilespmem:v6+s6+$0x0] =	vst.idx.add.f32.msk $0xffff, v1  }
0x954: {  	s12 =	simm.s32 $0x2;
	s13 =	simm.s32 $0xFC80;
	v3 =	vld [tilespmem:s9+$0x70]  }
.LBB2_24:
0x955: {  	v6 =	vld [tilespmem:s13+$0x0];
	s12 =	sadd.s32 $0x2, s12  }
0x956: {  	v7 =	vld [tilespmem:s13+$0xFFFFFF80];
	p1 =	slt.u32 s12, $0x4C  }
0x957: {  	[tilespmem:v2+s6+$0x0] =	vst.idx.add.f32.msk $0xffff, v1  }
0x958: {  	[tilespmem:v4+s6+$0x0] =	vst.idx.add.f32.msk $0xffff, v1  }
0x959: {  	v2 =	vld [tilespmem:s10+$0x40]  }
0x95a: {  	[tilespmem:v5+s6+$0x0] =	vst.idx.add.f32.msk $0xffff, v1  }
0x95b: {  	v4 =	vld [tilespmem:s10+$0xFFFFFFC0]  }
0x95c: {  	[tilespmem:v3+s6+$0x0] =	vst.idx.add.f32.msk $0xffff, v1  }
0x95d: {  	[tilespmem:v6+s6+$0x0] =	vst.idx.add.f32.msk $0xffff, v1  }
0x95e: {  	v3 =	vld [tilespmem:s13+$0x10]  }
0x95f: {  	[tilespmem:v7+s6+$0x0] =	vst.idx.add.f32.msk $0xffff, v1  }
0x960: {  	v5 =	vld [tilespmem:s13+$0xFFFFFF90]  }
0x961: {  	[tilespmem:v2+s6+$0x0] =	vst.idx.add.f32.msk $0xffff, v1  }
0x962: {  	v2 =	vld [tilespmem:s10+$0x50]  }
0x963: {  	[tilespmem:v4+s6+$0x0] =	vst.idx.add.f32.msk $0xffff, v1  }
0x964: {  	v4 =	vld [tilespmem:s10+$0xFFFFFFD0]  }
0x965: {  	v6 =	vld [tilespmem:s9+$0xFFFFFFF0];
	s9 =	smov.u32 s10;
	s10 =	smov.u32 s13  }
0x966: {  	[tilespmem:v3+s6+$0x0] =	vst.idx.add.f32.msk $0xffff, v1  }
0x967: {  	v3 =	vld [tilespmem:s13+$0x20]  }
0x968: {  	[tilespmem:v5+s6+$0x0] =	vst.idx.add.f32.msk $0xffff, v1  }
0x969: {  	v5 =	vld [tilespmem:s13+$0xFFFFFFA0]  }
0x96a: {  	[tilespmem:v2+s6+$0x0] =	vst.idx.add.f32.msk $0xffff, v1  }
0x96b: {  	v7 =	vld [tilespmem:s9+$0x60]  }
0x96c: {  	[tilespmem:v4+s6+$0x0] =	vst.idx.add.f32.msk $0xffff, v1  }
0x96d: {  	v2 =	vld [tilespmem:s9+$0xFFFFFFE0]  }
0x96e: {  	[tilespmem:v6+s6+$0x0] =	vst.idx.add.f32.msk $0xffff, v1  }
0x96f: {  	[tilespmem:v3+s6+$0x0] =	vst.idx.add.f32.msk $0xffff, v1  }
.Ltmp11:
0x970: {  	v4 =	vld [tilespmem:s13+$0x30];
	(pc) =	sbr.rel @p1 .LBB2_24-.Ltmp11, $4  }
0x971: {  	[tilespmem:v5+s6+$0x0] =	vst.idx.add.f32.msk $0xffff, v1  }
0x972: {  	v5 =	vld [tilespmem:s13+$0xFFFFFFB0]  }
0x973: {  	[tilespmem:v7+s6+$0x0] =	vst.idx.add.f32.msk $0xffff, v1  }
0x974: {  	s13 =	sadd.s32 $0x100, s13;
	v3 =	vld [tilespmem:s9+$0x70]  }
0x975: {  	_ =	sdelay $0x3  }
0x976: {  	[tilespmem:v4+s6+$0x0] =	vst.idx.add.f32.msk $0xffff, v1  }
0x977: {  	v4 =	vld [tilespmem:s10+$0x40]  }
0x978: {  	[tilespmem:v5+s6+$0x0] =	vst.idx.add.f32.msk $0xffff, v1  }
0x979: {  	v5 =	vld [tilespmem:s10+$0xFFFFFFC0];
	_ =	sdelay $0x5  }
0x97a: {  	[tilespmem:v4+s6+$0x0] =	vst.idx.add.f32.msk $0xffff, v1  }
0x97b: {  	v4 =	vld [tilespmem:s10+$0x50]  }
0x97c: {  	[tilespmem:v5+s6+$0x0] =	vst.idx.add.f32.msk $0xffff, v1  }
0x97d: {  	v5 =	vld [tilespmem:s10+$0xFFFFFFD0];
	_ =	sdelay $0x5  }
0x97e: {  	[tilespmem:v4+s6+$0x0] =	vst.idx.add.f32.msk $0xffff, v1  }
0x97f: {  	v4 =	vld [tilespmem:s10+$0x60]  }
0x980: {  	[tilespmem:v5+s6+$0x0] =	vst.idx.add.f32.msk $0xffff, v1  }
0x981: {  	v5 =	vld [tilespmem:s10+$0xFFFFFFE0];
	_ =	sdelay $0x3  }
0x982: {  	[tilespmem:v2+s6+$0x0] =	vst.idx.add.f32.msk $0xffff, v1  }
0x983: {  	v2 =	vld [tilespmem:s9+$0xFFFFFFF0]  }
0x984: {  	[tilespmem:v4+s6+$0x0] =	vst.idx.add.f32.msk $0xffff, v1  }
0x985: {  	v4 =	vld [tilespmem:s10+$0x70]  }
0x986: {  	[tilespmem:v5+s6+$0x0] =	vst.idx.add.f32.msk $0xffff, v1  }
0x987: {  	v5 =	vld [tilespmem:s10+$0xFFFFFFF0];
	_ =	sdelay $0x4  }
0x988: {  	[tilespmem:v3+s6+$0x0] =	vst.idx.add.f32.msk $0xffff, v1  }
0x989: {  	[tilespmem:v2+s6+$0x0] =	vst.idx.add.f32.msk $0xffff, v1  }
0x98a: {  	[tilespmem:v4+s6+$0x0] =	vst.idx.add.f32.msk $0xffff, v1  }
0x98b: {  	s9 =	simm.s32 @!p0 $0x0;
	s10 =	simm.s32 @!p0 $0x12100;
	[tilespmem:v5+s6+$0x0] =	vst.idx.add.f32.msk $0xffff, v1  }
0x98c: {  	[tilespmem:s10], [sflag:$0x4] =	stream.linear.gather @!p0 [hbm4b:s25+s9], $0x80, $0x38;
	[tilespmem:$0x17180] =	vst v63  }
0x98d: {  	s9 =	simm.s32 @!p0 $0x4  }
0x98e: {  	_ =	swait.ge @!p0 [sflag:s9], $0x80  }
0x98f: {  	[sflag:s9] =	ssyncset.done @!p0 $0x0  }
0x990: {  	[sflag:s9] =	ssyncadd.s32 @!p0 $0xFFFFFF80  }
0x991: {  	v2 =	vld @!p0 [tilespmem:$0x12100];
	_ =	sdelay $0x6  }
0x992: {  	v3 =	vimm.f32 @!p0 $1.000000000e+00;
	s9 =	simm.s32 @!p0 $0x14980  }
0x993: {  	[tilespmem:v2+s9+$0x0] =	vst.idx.add.f32.msk @!p0 $0xffff, v3  }
0x994: {  	v2 =	vld @!p0 [tilespmem:$0x12110];
	_ =	sdelay $0x7  }
0x995: {  	[tilespmem:v2+s9+$0x0] =	vst.idx.add.f32.msk @!p0 $0xffff, v3  }
0x996: {  	v2 =	vld @!p0 [tilespmem:$0x12120];
	_ =	sdelay $0x7  }
0x997: {  	[tilespmem:v2+s9+$0x0] =	vst.idx.add.f32.msk @!p0 $0xffff, v3  }
0x998: {  	v2 =	vld @!p0 [tilespmem:$0x12130];
	_ =	sdelay $0x7  }
0x999: {  	[tilespmem:v2+s9+$0x0] =	vst.idx.add.f32.msk @!p0 $0xffff, v3  }
0x99a: {  	v2 =	vld @!p0 [tilespmem:$0x12140];
	_ =	sdelay $0x7  }
0x99b: {  	[tilespmem:v2+s9+$0x0] =	vst.idx.add.f32.msk @!p0 $0xffff, v3  }
0x99c: {  	v2 =	vld @!p0 [tilespmem:$0x12150];
	_ =	sdelay $0x7  }
0x99d: {  	[tilespmem:v2+s9+$0x0] =	vst.idx.add.f32.msk @!p0 $0xffff, v3  }
0x99e: {  	v2 =	vld @!p0 [tilespmem:$0x12160];
	_ =	sdelay $0x7  }
0x99f: {  	[tilespmem:v2+s9+$0x0] =	vst.idx.add.f32.msk @!p0 $0xffff, v3  }
0x9a0: {  	v2 =	vld @!p0 [tilespmem:$0x12170];
	_ =	sdelay $0x7  }
0x9a1: {  	[tilespmem:v2+s9+$0x0] =	vst.idx.add.f32.msk @!p0 $0xffff, v3  }
0x9a2: {  	[hbm4b:s24+s11] =	stream.linear.scatter [tilespmem:s4], [sflag:$0x4], $0x2800, $0x38;
	[tilespmem:$0x17180] =	vst v63  }
0x9a3: {  	s8 =	sadd.s32 $0x1, s8;
	_ =	swait.ge [sflag:s7], $0x2800  }
0x9a4: {  	p1 =	sne.s32 s8, s28;
	[sflag:s7] =	ssyncset.done $0x0  }
.Ltmp12:
0x9a5: {  	[sflag:s7] =	ssyncadd.s32 $0xFFFFD800;
	(pc) =	sbr.rel @p1 .LBB2_1-.Ltmp12, $4  }
0x9a6: {  	[hbm4b:s26+s11] =	stream.linear.scatter [tilespmem:s6], [sflag:$0x4], $0x2800, $0x38;
	[tilespmem:$0x17180] =	vst v63  }
0x9a7: {  	_ =	swait.ge [sflag:s7], $0x2800  }
0x9a8: {  	[sflag:s7] =	ssyncset.done $0x0  }
0x9a9: {  	[sflag:s7] =	ssyncadd.s32 $0xFFFFD800  }
0x9aa: {  	_ =	sfence.sel $0x180000  }
0x9ab: {  	[bflag:$0x0] =	sbarrier.arrive $0xFFFF  }
0x9ac: {  	_ =	strace $0x90000047  }
0x9ad: {  	s0 =	stileid.u32;
	[bflag:$0x2] =	sbarrier.arrive $0xFFFF  }
0x9ae: {  	p0 =	sne.s32 s0, $0x0;
	s0 =	rddreg [dreg:$0x4]  }
0x9af: {  	s0 =	sadd.s32 @!p0 $0x100000, s0  }
0x9b0: {  	[sflag:s0] =	ssyncadd.tile.s32 @!p0 $0x1;
	_ =	shalt  }
.Lfunc_end2:
_tile_overlayer_lowered:
.L_overlay_start_2:
0x9b1: {  	(tag) =	ssettag $0x2  }
0x9b2: {  	s0 =	rddreg [dreg:$0x0];
	s2 =	stileid.u32  }
0x9b3: {  	s1 =	rddreg [dreg:$0x1];
	p0 =	sne.s32 s2, $0x0  }
0x9b4: {  	s3 =	rddreg [dreg:$0x2];
	[bflag:$0x3] =	sbarrier.arrive $0xFFFF;
	s2 =	simm.s32 @!p0 $0x1C04  }
0x9b5: {  	[timem:s3], [sflag:s2] =	dma.local @!p0 [hbm:s0], s1  }
0x9b6: {  	s0 =	simm.s32 @!p0 $0x4  }
0x9b7: {  	_ =	swait.ge @!p0 [sflag:s0], s1  }
0x9b8: {  	s1 =	ssub.s32 @!p0 $0x0, s1;
	[sflag:s0] =	ssyncset.done @!p0 $0x0  }
0x9b9: {  	[sflag:s0] =	ssyncadd.s32 @!p0 s1  }
0x9ba: {  	[bflag:$0x3] =	sbarrier.arrive $0xFFFF  }
0x9bb: {  	_ =	shalt  }

</sc_bundles>
